<compile_context>
chip_gen: v7x
topology: tpu7x:2x2x1
jax: 0.10.2.dev20260603
libtpu: 0.0.44.dev20260713+nightly
codegen_flags: <defaults>
</compile_context>

<pallas_src>
import functools
import jax
import jax.numpy as jnp
from jax import lax
from jax.experimental import pallas as pl
from jax.experimental.pallas import tpu as pltpu
from jax.experimental.pallas import tpu_sc as plsc

_INP = 128
_OUT = 128
_DEG = 32
_N = 10000
_L = 16

_NC = 2
_NS = 16
_NW = _NC * _NS
_C = 8
_NCHUNK = _N // _C
_ITERS = (_NCHUNK + _NW - 1) // _NW
_EXTRA = _NCHUNK - _NW * (_ITERS - 1)

_mesh = plsc.VectorSubcoreMesh(
    core_axis_name="c", subcore_axis_name="s", num_cores=_NC, num_subcores=_NS)


@functools.partial(
    pl.kernel,
    out_type=jax.ShapeDtypeStruct((_N, _INP), jnp.float32),
    mesh=_mesh,
    scratch_types=[
        pltpu.VMEM((2, _C, _DEG, _INP), jnp.float32),
        pltpu.VMEM((2, _C, _INP), jnp.float32),
        pltpu.SemaphoreType.DMA((2,)),
    ],
)
def _sc_min(mb_hbm, out_hbm, buf, obuf, isems):
    wid = lax.axis_index("s") * _NC + lax.axis_index("c")
    nmine = (_ITERS - 1) + (wid < _EXTRA).astype(jnp.int32)

    def chunk_of(i):
        return jnp.where(i < nmine, wid + _NW * i, wid)

    def in_cp(g, slot):
        return pltpu.make_async_copy(
            mb_hbm.at[pl.ds(g * _C, _C)], buf.at[slot], isems.at[slot])

    in_cp(chunk_of(0), 0).start()

    def outer(k, carry):
        for b in range(2):
            i = 2 * k + b
            g = chunk_of(i)
            in_cp(g, b).wait()

            @pl.when(i + 1 < _ITERS)
            def _():
                in_cp(chunk_of(i + 1), 1 - b).start()

            def node_body(n, c2):
                for cc in range(_INP // _L):
                    sl = pl.ds(cc * _L, _L)
                    acc = buf[b, n, 0, sl]
                    for r in range(1, _DEG):
                        acc = jnp.minimum(acc, buf[b, n, r, sl])
                    obuf[b, n, sl] = acc
                return c2

            lax.fori_loop(0, _C, node_body, 0, unroll=False)
            pltpu.sync_copy(obuf.at[b], out_hbm.at[pl.ds(g * _C, _C)])
        return carry

    lax.fori_loop(0, _ITERS // 2, outer, 0, unroll=False)


def _lin_body(hm_ref, nf_ref, w1_ref, w2_ref, b_ref, out_ref):
    acc = jnp.dot(hm_ref[...], w1_ref[...], preferred_element_type=jnp.float32)
    acc = acc + jnp.dot(nf_ref[...], w2_ref[...], preferred_element_type=jnp.float32)
    out_ref[...] = acc + b_ref[...]


_BN = 2000


def kernel(mailbox_h, node_feat, W, b):
    W1T = W[:, :_INP].T
    W2T = W[:, _INP:].T
    b2 = b.reshape(1, _OUT)
    h_min = _sc_min(mailbox_h)
    return pl.pallas_call(
        _lin_body,
        grid=(_N // _BN,),
        in_specs=[
            pl.BlockSpec((_BN, _INP), lambda i: (i, 0)),
            pl.BlockSpec((_BN, _INP), lambda i: (i, 0)),
            pl.BlockSpec((_INP, _OUT), lambda i: (0, 0)),
            pl.BlockSpec((_INP, _OUT), lambda i: (0, 0)),
            pl.BlockSpec((1, _OUT), lambda i: (0, 0)),
        ],
        out_specs=pl.BlockSpec((_BN, _OUT), lambda i: (i, 0)),
        out_shape=jax.ShapeDtypeStruct((_N, _OUT), jnp.float32),
    )(h_min, node_feat, W1T, W2T, b2)

# --- scband reference (transcript-rebuilt; emitter-appended) ---
"""Pipeline reference for scband-min-aggregator-9509057593726 (READ-ONLY COPY).

The authoritative reference and input builder live on the scoring server;
editing this copy changes nothing except your own understanding.
"""

import jax, jax.numpy as jnp
import numpy as np

INP_DIM = 128
OUT_DIM = 128
N_NODES = 10000
DEG = 32


def setup_inputs(seed: int = 0) -> dict:
    key = jax.random.key(seed)
    k1, k2, k3, k4 = jax.random.split(key, 4)
    mailbox_h = jax.random.normal(k1, (N_NODES, DEG, INP_DIM), dtype=jnp.float32)
    node_feat = jax.random.normal(k2, (N_NODES, INP_DIM), dtype=jnp.float32)
    # nn.Linear(2*inp_dim, out_dim): weight [out, 2*inp], bias [out]
    bound = 1.0 / np.sqrt(2 * INP_DIM)
    W = jax.random.uniform(k3, (OUT_DIM, 2 * INP_DIM), minval=-bound, maxval=bound, dtype=jnp.float32)
    b = jax.random.uniform(k4, (OUT_DIM,), minval=-bound, maxval=bound, dtype=jnp.float32)
    return {"mailbox_h": mailbox_h, "node_feat": node_feat, "W": W, "b": b}


def reference(mailbox_h, node_feat, W, b):
    # h = min over mailbox (neighbor) dimension
    h = jnp.min(mailbox_h, axis=1)
    # concat with existing node features
    h = jnp.concatenate([h, node_feat], axis=1)
    # linear projection
    out = h @ W.T + b
    return out

if __name__ == "__main__":
    import jax
    _d = setup_inputs()
    print(jax.jit(kernel)(*tuple(_d.values())))

</pallas_src>

<mosaic_0001>
#map = affine_map<(d0, d1) -> (0, 0, 0)>
#map1 = affine_map<(d0, d1) -> (0, 0)>
module attributes {stable_mosaic.version = 14 : i64} {
  func.func @_sc_min(%arg0: i32, %arg1: i32, %arg2: memref<10000x32x128xf32, #tpu.memory_space<hbm>>, %arg3: memref<10000x128xf32, #tpu.memory_space<hbm>>, %arg4: memref<2x8x32x128xf32, #tpu.memory_space<vmem>>, %arg5: memref<2x8x128xf32, #tpu.memory_space<vmem>>, %arg6: memref<2x!tpu.dma_semaphore, #tpu.memory_space<semaphore_mem>>) attributes {dimension_semantics = [#tpu.dimension_semantics<core_parallel>, #tpu.dimension_semantics<subcore_parallel>], iteration_bounds = array<i64: 2, 16>, scalar_prefetch = 0 : i64, scratch_operands = 3 : i64, tpu.core_type = #tpu.core_type<sc_vector_subcore>, window_params = [{transform_indices = #map}, {transform_indices = #map1}]} {
    %mul3A = arith.constant 2 : i32
    %mul3A_0 = arith.muli %arg1, %mul3A : i32
    %add3A = arith.addi %mul3A_0, %arg0 : i32
    %lt3A = arith.constant 2 : i32
    %lt3A_1 = arith.cmpi slt, %add3A, %lt3A : i32
    %convert_element_type3A = arith.extui %lt3A_1 : i1 to i32
    %add3A_2 = arith.constant 39 : i32
    %add3A_3 = arith.addi %add3A_2, %convert_element_type3A : i32
    %gt3A = arith.constant 0 : i32
    %gt3A_4 = arith.cmpi sgt, %add3A_3, %gt3A : i32
    %add3A_5 = arith.constant 0 : i32
    %add3A_6 = arith.addi %add3A, %add3A_5 : i32
    %select_n3A = arith.select %gt3A_4, %add3A_6, %add3A : i32
    %mul3A_7 = arith.constant 8 : i32
    %mul3A_8 = arith.muli %select_n3A, %mul3A_7 : i32
    %dma_start3A = arith.constant 0 : i32
    %dma_start3A_9 = arith.constant 0 : i32
    %dma_start3A_10 = arith.constant 0 : i32
    %dma_start3A_11 = arith.constant 0 : i32
    %dma_start3A_12 = arith.constant 0 : i32
    %dma_start3A_13 = tpu.memref_slice %arg4[%dma_start3A, %dma_start3A_10, %dma_start3A_11, %dma_start3A_12] : memref<2x8x32x128xf32, #tpu.memory_space<vmem>> -> memref<1x8x32x128xf32, #tpu.memory_space<vmem>>
    %dma_start3A_14 = tpu.memref_squeeze %dma_start3A_13 : memref<1x8x32x128xf32, #tpu.memory_space<vmem>> -> memref<8x32x128xf32, #tpu.memory_space<vmem>>
    %dma_start3A_15 = arith.constant 0 : i32
    %dma_start3A_16 = arith.constant 0 : i32
    %dma_start3A_17 = tpu.memref_slice %arg2[%mul3A_8, %dma_start3A_15, %dma_start3A_16] : memref<10000x32x128xf32, #tpu.memory_space<hbm>> -> memref<8x32x128xf32, #tpu.memory_space<hbm>>
    %dma_start3A_18 = tpu.memref_slice %arg6[%dma_start3A_9] : memref<2x!tpu.dma_semaphore, #tpu.memory_space<semaphore_mem>> -> memref<1x!tpu.dma_semaphore, #tpu.memory_space<semaphore_mem>>
    %dma_start3A_19 = tpu.memref_squeeze %dma_start3A_18 : memref<1x!tpu.dma_semaphore, #tpu.memory_space<semaphore_mem>> -> memref<!tpu.dma_semaphore, #tpu.memory_space<semaphore_mem>>
    %dma_start3A_20 = arith.constant 0 : i32
    %dma_start3A_21 = arith.constant 0 : i32
    %dma_start3A_22 = arith.constant 0 : i32
    %dma_start3A_23 = tpu.memref_slice %arg4[%dma_start3A, %dma_start3A_20, %dma_start3A_21, %dma_start3A_22] : memref<2x8x32x128xf32, #tpu.memory_space<vmem>> -> memref<1x8x32x128xf32, #tpu.memory_space<vmem>>
    %dma_start3A_24 = tpu.memref_squeeze %dma_start3A_23 : memref<1x8x32x128xf32, #tpu.memory_space<vmem>> -> memref<8x32x128xf32, #tpu.memory_space<vmem>>
    %dma_start3A_25 = arith.constant 0 : i32
    %dma_start3A_26 = arith.constant 0 : i32
    %dma_start3A_27 = tpu.memref_slice %arg2[%mul3A_8, %dma_start3A_25, %dma_start3A_26] : memref<10000x32x128xf32, #tpu.memory_space<hbm>> -> memref<8x32x128xf32, #tpu.memory_space<hbm>>
    tpu.enqueue_dma source(%dma_start3A_27 : memref<8x32x128xf32, #tpu.memory_space<hbm>>) target(%dma_start3A_24 : memref<8x32x128xf32, #tpu.memory_space<vmem>>) target_semaphore(%dma_start3A_19 : memref<!tpu.dma_semaphore, #tpu.memory_space<semaphore_mem>>)
    %scan3A = arith.constant 0 : i32
    %scan3A_28 = arith.constant 0 : i32
    %scan3A_29 = arith.constant 20 : i32
    %scan3A_30 = arith.addi %scan3A_28, %scan3A_29 : i32
    %scan3A_31 = arith.constant 1 : i32
    scf.for %scan3A_33 = %scan3A_28 to %scan3A_30 step %scan3A_31  : i32 {
      %mul3A_34 = arith.constant 2 : i32
      %mul3A_35 = arith.muli %mul3A_34, %scan3A_33 : i32
      %add3A_36 = arith.constant 0 : i32
      %add3A_37 = arith.addi %mul3A_35, %add3A_36 : i32
      %lt3A_38 = arith.cmpi slt, %add3A_37, %add3A_3 : i32
      %mul3A_39 = arith.constant 32 : i32
      %mul3A_40 = arith.muli %mul3A_39, %add3A_37 : i32
      %add3A_41 = arith.addi %add3A, %mul3A_40 : i32
      %select_n3A_42 = arith.select %lt3A_38, %add3A_41, %add3A : i32
      %mul3A_43 = arith.constant 8 : i32
      %mul3A_44 = arith.muli %select_n3A_42, %mul3A_43 : i32
      %dma_wait3A = arith.constant 0 : i32
      %dma_wait3A_45 = arith.constant 0 : i32
      %dma_wait3A_46 = arith.constant 0 : i32
      %dma_wait3A_47 = arith.constant 0 : i32
      %dma_wait3A_48 = arith.constant 0 : i32
      %dma_wait3A_49 = tpu.memref_slice %arg4[%dma_wait3A, %dma_wait3A_46, %dma_wait3A_47, %dma_wait3A_48] : memref<2x8x32x128xf32, #tpu.memory_space<vmem>> -> memref<1x8x32x128xf32, #tpu.memory_space<vmem>>
      %dma_wait3A_50 = tpu.memref_squeeze %dma_wait3A_49 : memref<1x8x32x128xf32, #tpu.memory_space<vmem>> -> memref<8x32x128xf32, #tpu.memory_space<vmem>>
      %dma_wait3A_51 = arith.constant 0 : i32
      %dma_wait3A_52 = arith.constant 0 : i32
      %dma_wait3A_53 = tpu.memref_slice %arg2[%mul3A_44, %dma_wait3A_51, %dma_wait3A_52] : memref<10000x32x128xf32, #tpu.memory_space<hbm>> -> memref<8x32x128xf32, #tpu.memory_space<hbm>>
      %dma_wait3A_54 = tpu.memref_slice %arg6[%dma_wait3A_45] : memref<2x!tpu.dma_semaphore, #tpu.memory_space<semaphore_mem>> -> memref<1x!tpu.dma_semaphore, #tpu.memory_space<semaphore_mem>>
      %dma_wait3A_55 = tpu.memref_squeeze %dma_wait3A_54 : memref<1x!tpu.dma_semaphore, #tpu.memory_space<semaphore_mem>> -> memref<!tpu.dma_semaphore, #tpu.memory_space<semaphore_mem>>
      %dma_wait3A_56 = arith.constant 0 : i32
      %dma_wait3A_57 = arith.constant 0 : i32
      %dma_wait3A_58 = arith.constant 0 : i32
      %dma_wait3A_59 = tpu.memref_slice %arg4[%dma_wait3A, %dma_wait3A_56, %dma_wait3A_57, %dma_wait3A_58] : memref<2x8x32x128xf32, #tpu.memory_space<vmem>> -> memref<1x8x32x128xf32, #tpu.memory_space<vmem>>
      %dma_wait3A_60 = tpu.memref_squeeze %dma_wait3A_59 : memref<1x8x32x128xf32, #tpu.memory_space<vmem>> -> memref<8x32x128xf32, #tpu.memory_space<vmem>>
      %dma_wait3A_61 = arith.constant 0 : i32
      %dma_wait3A_62 = arith.constant 0 : i32
      %dma_wait3A_63 = tpu.memref_slice %arg2[%mul3A_44, %dma_wait3A_61, %dma_wait3A_62] : memref<10000x32x128xf32, #tpu.memory_space<hbm>> -> memref<8x32x128xf32, #tpu.memory_space<hbm>>
      tpu.wait_dma2 semaphore(%dma_wait3A_55 : memref<!tpu.dma_semaphore, #tpu.memory_space<semaphore_mem>>) src(%dma_wait3A_63 : memref<8x32x128xf32, #tpu.memory_space<hbm>>) dst(%dma_wait3A_60 : memref<8x32x128xf32, #tpu.memory_space<vmem>>)
      %add3A_64 = arith.constant 1 : i32
      %add3A_65 = arith.addi %add3A_37, %add3A_64 : i32
      %lt3A_66 = arith.constant 40 : i32
      %lt3A_67 = arith.cmpi slt, %add3A_65, %lt3A_66 : i32
      %convert_element_type3A_68 = arith.extui %lt3A_67 : i1 to i32
      %cond3A = arith.constant 0 : i32
      %cond3A_69 = arith.cmpi ne, %convert_element_type3A_68, %cond3A : i32
      scf.if %cond3A_69 {
        %add3A_125 = arith.constant 1 : i32
        %add3A_126 = arith.addi %add3A_37, %add3A_125 : i32
        %lt3A_127 = arith.cmpi slt, %add3A_126, %add3A_3 : i32
        %mul3A_128 = arith.constant 32 : i32
        %mul3A_129 = arith.muli %mul3A_128, %add3A_126 : i32
        %add3A_130 = arith.addi %add3A, %mul3A_129 : i32
        %select_n3A_131 = arith.select %lt3A_127, %add3A_130, %add3A : i32
        %mul3A_132 = arith.constant 8 : i32
        %mul3A_133 = arith.muli %select_n3A_131, %mul3A_132 : i32
        %dma_start3A_134 = arith.constant 1 : i32
        %dma_start3A_135 = arith.constant 1 : i32
        %dma_start3A_136 = arith.constant 0 : i32
        %dma_start3A_137 = arith.constant 0 : i32
        %dma_start3A_138 = arith.constant 0 : i32
        %dma_start3A_139 = tpu.memref_slice %arg4[%dma_start3A_134, %dma_start3A_136, %dma_start3A_137, %dma_start3A_138] : memref<2x8x32x128xf32, #tpu.memory_space<vmem>> -> memref<1x8x32x128xf32, #tpu.memory_space<vmem>>
        %dma_start3A_140 = tpu.memref_squeeze %dma_start3A_139 : memref<1x8x32x128xf32, #tpu.memory_space<vmem>> -> memref<8x32x128xf32, #tpu.memory_space<vmem>>
        %dma_start3A_141 = arith.constant 0 : i32
        %dma_start3A_142 = arith.constant 0 : i32
        %dma_start3A_143 = tpu.memref_slice %arg2[%mul3A_133, %dma_start3A_141, %dma_start3A_142] : memref<10000x32x128xf32, #tpu.memory_space<hbm>> -> memref<8x32x128xf32, #tpu.memory_space<hbm>>
        %dma_start3A_144 = tpu.memref_slice %arg6[%dma_start3A_135] : memref<2x!tpu.dma_semaphore, #tpu.memory_space<semaphore_mem>> -> memref<1x!tpu.dma_semaphore, #tpu.memory_space<semaphore_mem>>
        %dma_start3A_145 = tpu.memref_squeeze %dma_start3A_144 : memref<1x!tpu.dma_semaphore, #tpu.memory_space<semaphore_mem>> -> memref<!tpu.dma_semaphore, #tpu.memory_space<semaphore_mem>>
        %dma_start3A_146 = arith.constant 0 : i32
        %dma_start3A_147 = arith.constant 0 : i32
        %dma_start3A_148 = arith.constant 0 : i32
        %dma_start3A_149 = tpu.memref_slice %arg4[%dma_start3A_134, %dma_start3A_146, %dma_start3A_147, %dma_start3A_148] : memref<2x8x32x128xf32, #tpu.memory_space<vmem>> -> memref<1x8x32x128xf32, #tpu.memory_space<vmem>>
        %dma_start3A_150 = tpu.memref_squeeze %dma_start3A_149 : memref<1x8x32x128xf32, #tpu.memory_space<vmem>> -> memref<8x32x128xf32, #tpu.memory_space<vmem>>
        %dma_start3A_151 = arith.constant 0 : i32
        %dma_start3A_152 = arith.constant 0 : i32
        %dma_start3A_153 = tpu.memref_slice %arg2[%mul3A_133, %dma_start3A_151, %dma_start3A_152] : memref<10000x32x128xf32, #tpu.memory_space<hbm>> -> memref<8x32x128xf32, #tpu.memory_space<hbm>>
        tpu.enqueue_dma source(%dma_start3A_153 : memref<8x32x128xf32, #tpu.memory_space<hbm>>) target(%dma_start3A_150 : memref<8x32x128xf32, #tpu.memory_space<vmem>>) target_semaphore(%dma_start3A_145 : memref<!tpu.dma_semaphore, #tpu.memory_space<semaphore_mem>>)
      } else {
      }
      %scan3A_70 = arith.constant 0 : i32
      %scan3A_71 = arith.constant 0 : i32
      %scan3A_72 = arith.constant 8 : i32
      %scan3A_73 = arith.addi %scan3A_71, %scan3A_72 : i32
      %scan3A_74 = arith.constant 1 : i32
      scf.for %scan3A_125 = %scan3A_71 to %scan3A_73 step %scan3A_74  : i32 {
        %get3A = arith.constant 0 : i32
        %get3A_126 = arith.constant 0 : i32
        %get3A_127 = arith.index_cast %get3A : i32 to index
        %get3A_128 = arith.index_cast %scan3A_125 : i32 to index
        %get3A_129 = arith.index_cast %get3A_126 : i32 to index
        %get3A_130 = arith.constant 0 : index
        %get3A_131 = tpu.vector_load %arg4[%get3A_127, %get3A_128, %get3A_129, %get3A_130] {strides = array<i32>} : memref<2x8x32x128xf32, #tpu.memory_space<vmem>>, vector<1x1x1x16xf32>,
        %get3A_132 = vector.shape_cast %get3A_131 : vector<1x1x1x16xf32> to vector<16xf32>
        %get3A_133 = arith.constant 0 : i32
        %get3A_134 = arith.constant 1 : i32
        %get3A_135 = arith.index_cast %get3A_133 : i32 to index
        %get3A_136 = arith.index_cast %scan3A_125 : i32 to index
        %get3A_137 = arith.index_cast %get3A_134 : i32 to index
        %get3A_138 = arith.constant 0 : index
        %get3A_139 = tpu.vector_load %arg4[%get3A_135, %get3A_136, %get3A_137, %get3A_138] {strides = array<i32>} : memref<2x8x32x128xf32, #tpu.memory_space<vmem>>, vector<1x1x1x16xf32>,
        %get3A_140 = vector.shape_cast %get3A_139 : vector<1x1x1x16xf32> to vector<16xf32>
        %min3A = arith.minimumf %get3A_132, %get3A_140 : vector<16xf32>
        %get3A_141 = arith.constant 0 : i32
        %get3A_142 = arith.constant 2 : i32
        %get3A_143 = arith.index_cast %get3A_141 : i32 to index
        %get3A_144 = arith.index_cast %scan3A_125 : i32 to index
        %get3A_145 = arith.index_cast %get3A_142 : i32 to index
        %get3A_146 = arith.constant 0 : index
        %get3A_147 = tpu.vector_load %arg4[%get3A_143, %get3A_144, %get3A_145, %get3A_146] {strides = array<i32>} : memref<2x8x32x128xf32, #tpu.memory_space<vmem>>, vector<1x1x1x16xf32>,
        %get3A_148 = vector.shape_cast %get3A_147 : vector<1x1x1x16xf32> to vector<16xf32>
        %min3A_149 = arith.minimumf %min3A, %get3A_148 : vector<16xf32>
        %get3A_150 = arith.constant 0 : i32
        %get3A_151 = arith.constant 3 : i32
        %get3A_152 = arith.index_cast %get3A_150 : i32 to index
        %get3A_153 = arith.index_cast %scan3A_125 : i32 to index
        %get3A_154 = arith.index_cast %get3A_151 : i32 to index
        %get3A_155 = arith.constant 0 : index
        %get3A_156 = tpu.vector_load %arg4[%get3A_152, %get3A_153, %get3A_154, %get3A_155] {strides = array<i32>} : memref<2x8x32x128xf32, #tpu.memory_space<vmem>>, vector<1x1x1x16xf32>,
        %get3A_157 = vector.shape_cast %get3A_156 : vector<1x1x1x16xf32> to vector<16xf32>
        %min3A_158 = arith.minimumf %min3A_149, %get3A_157 : vector<16xf32>
        %get3A_159 = arith.constant 0 : i32
        %get3A_160 = arith.constant 4 : i32
        %get3A_161 = arith.index_cast %get3A_159 : i32 to index
        %get3A_162 = arith.index_cast %scan3A_125 : i32 to index
        %get3A_163 = arith.index_cast %get3A_160 : i32 to index
        %get3A_164 = arith.constant 0 : index
        %get3A_165 = tpu.vector_load %arg4[%get3A_161, %get3A_162, %get3A_163, %get3A_164] {strides = array<i32>} : memref<2x8x32x128xf32, #tpu.memory_space<vmem>>, vector<1x1x1x16xf32>,
        %get3A_166 = vector.shape_cast %get3A_165 : vector<1x1x1x16xf32> to vector<16xf32>
        %min3A_167 = arith.minimumf %min3A_158, %get3A_166 : vector<16xf32>
        %get3A_168 = arith.constant 0 : i32
        %get3A_169 = arith.constant 5 : i32
        %get3A_170 = arith.index_cast %get3A_168 : i32 to index
        %get3A_171 = arith.index_cast %scan3A_125 : i32 to index
        %get3A_172 = arith.index_cast %get3A_169 : i32 to index
        %get3A_173 = arith.constant 0 : index
        %get3A_174 = tpu.vector_load %arg4[%get3A_170, %get3A_171, %get3A_172, %get3A_173] {strides = array<i32>} : memref<2x8x32x128xf32, #tpu.memory_space<vmem>>, vector<1x1x1x16xf32>,
        %get3A_175 = vector.shape_cast %get3A_174 : vector<1x1x1x16xf32> to vector<16xf32>
        %min3A_176 = arith.minimumf %min3A_167, %get3A_175 : vector<16xf32>
        %get3A_177 = arith.constant 0 : i32
        %get3A_178 = arith.constant 6 : i32
        %get3A_179 = arith.index_cast %get3A_177 : i32 to index
        %get3A_180 = arith.index_cast %scan3A_125 : i32 to index
        %get3A_181 = arith.index_cast %get3A_178 : i32 to index
        %get3A_182 = arith.constant 0 : index
        %get3A_183 = tpu.vector_load %arg4[%get3A_179, %get3A_180, %get3A_181, %get3A_182] {strides = array<i32>} : memref<2x8x32x128xf32, #tpu.memory_space<vmem>>, vector<1x1x1x16xf32>,
        %get3A_184 = vector.shape_cast %get3A_183 : vector<1x1x1x16xf32> to vector<16xf32>
        %min3A_185 = arith.minimumf %min3A_176, %get3A_184 : vector<16xf32>
        %get3A_186 = arith.constant 0 : i32
        %get3A_187 = arith.constant 7 : i32
        %get3A_188 = arith.index_cast %get3A_186 : i32 to index
        %get3A_189 = arith.index_cast %scan3A_125 : i32 to index
        %get3A_190 = arith.index_cast %get3A_187 : i32 to index
        %get3A_191 = arith.constant 0 : index
        %get3A_192 = tpu.vector_load %arg4[%get3A_188, %get3A_189, %get3A_190, %get3A_191] {strides = array<i32>} : memref<2x8x32x128xf32, #tpu.memory_space<vmem>>, vector<1x1x1x16xf32>,
        %get3A_193 = vector.shape_cast %get3A_192 : vector<1x1x1x16xf32> to vector<16xf32>
        %min3A_194 = arith.minimumf %min3A_185, %get3A_193 : vector<16xf32>
        %get3A_195 = arith.constant 0 : i32
        %get3A_196 = arith.constant 8 : i32
        %get3A_197 = arith.index_cast %get3A_195 : i32 to index
        %get3A_198 = arith.index_cast %scan3A_125 : i32 to index
        %get3A_199 = arith.index_cast %get3A_196 : i32 to index
        %get3A_200 = arith.constant 0 : index
        %get3A_201 = tpu.vector_load %arg4[%get3A_197, %get3A_198, %get3A_199, %get3A_200] {strides = array<i32>} : memref<2x8x32x128xf32, #tpu.memory_space<vmem>>, vector<1x1x1x16xf32>,
        %get3A_202 = vector.shape_cast %get3A_201 : vector<1x1x1x16xf32> to vector<16xf32>
        %min3A_203 = arith.minimumf %min3A_194, %get3A_202 : vector<16xf32>
        %get3A_204 = arith.constant 0 : i32
        %get3A_205 = arith.constant 9 : i32
        %get3A_206 = arith.index_cast %get3A_204 : i32 to index
        %get3A_207 = arith.index_cast %scan3A_125 : i32 to index
        %get3A_208 = arith.index_cast %get3A_205 : i32 to index
        %get3A_209 = arith.constant 0 : index
        %get3A_210 = tpu.vector_load %arg4[%get3A_206, %get3A_207, %get3A_208, %get3A_209] {strides = array<i32>} : memref<2x8x32x128xf32, #tpu.memory_space<vmem>>, vector<1x1x1x16xf32>,
        %get3A_211 = vector.shape_cast %get3A_210 : vector<1x1x1x16xf32> to vector<16xf32>
        %min3A_212 = arith.minimumf %min3A_203, %get3A_211 : vector<16xf32>
        %get3A_213 = arith.constant 0 : i32
        %get3A_214 = arith.constant 10 : i32
        %get3A_215 = arith.index_cast %get3A_213 : i32 to index
        %get3A_216 = arith.index_cast %scan3A_125 : i32 to index
        %get3A_217 = arith.index_cast %get3A_214 : i32 to index
        %get3A_218 = arith.constant 0 : index
        %get3A_219 = tpu.vector_load %arg4[%get3A_215, %get3A_216, %get3A_217, %get3A_218] {strides = array<i32>} : memref<2x8x32x128xf32, #tpu.memory_space<vmem>>, vector<1x1x1x16xf32>,
        %get3A_220 = vector.shape_cast %get3A_219 : vector<1x1x1x16xf32> to vector<16xf32>
        %min3A_221 = arith.minimumf %min3A_212, %get3A_220 : vector<16xf32>
        %get3A_222 = arith.constant 0 : i32
        %get3A_223 = arith.constant 11 : i32
        %get3A_224 = arith.index_cast %get3A_222 : i32 to index
        %get3A_225 = arith.index_cast %scan3A_125 : i32 to index
        %get3A_226 = arith.index_cast %get3A_223 : i32 to index
        %get3A_227 = arith.constant 0 : index
        %get3A_228 = tpu.vector_load %arg4[%get3A_224, %get3A_225, %get3A_226, %get3A_227] {strides = array<i32>} : memref<2x8x32x128xf32, #tpu.memory_space<vmem>>, vector<1x1x1x16xf32>,
        %get3A_229 = vector.shape_cast %get3A_228 : vector<1x1x1x16xf32> to vector<16xf32>
        %min3A_230 = arith.minimumf %min3A_221, %get3A_229 : vector<16xf32>
        %get3A_231 = arith.constant 0 : i32
        %get3A_232 = arith.constant 12 : i32
        %get3A_233 = arith.index_cast %get3A_231 : i32 to index
        %get3A_234 = arith.index_cast %scan3A_125 : i32 to index
        %get3A_235 = arith.index_cast %get3A_232 : i32 to index
        %get3A_236 = arith.constant 0 : index
        %get3A_237 = tpu.vector_load %arg4[%get3A_233, %get3A_234, %get3A_235, %get3A_236] {strides = array<i32>} : memref<2x8x32x128xf32, #tpu.memory_space<vmem>>, vector<1x1x1x16xf32>,
        %get3A_238 = vector.shape_cast %get3A_237 : vector<1x1x1x16xf32> to vector<16xf32>
        %min3A_239 = arith.minimumf %min3A_230, %get3A_238 : vector<16xf32>
        %get3A_240 = arith.constant 0 : i32
        %get3A_241 = arith.constant 13 : i32
        %get3A_242 = arith.index_cast %get3A_240 : i32 to index
        %get3A_243 = arith.index_cast %scan3A_125 : i32 to index
        %get3A_244 = arith.index_cast %get3A_241 : i32 to index
        %get3A_245 = arith.constant 0 : index
        %get3A_246 = tpu.vector_load %arg4[%get3A_242, %get3A_243, %get3A_244, %get3A_245] {strides = array<i32>} : memref<2x8x32x128xf32, #tpu.memory_space<vmem>>, vector<1x1x1x16xf32>,
        %get3A_247 = vector.shape_cast %get3A_246 : vector<1x1x1x16xf32> to vector<16xf32>
        %min3A_248 = arith.minimumf %min3A_239, %get3A_247 : vector<16xf32>
        %get3A_249 = arith.constant 0 : i32
        %get3A_250 = arith.constant 14 : i32
        %get3A_251 = arith.index_cast %get3A_249 : i32 to index
        %get3A_252 = arith.index_cast %scan3A_125 : i32 to index
        %get3A_253 = arith.index_cast %get3A_250 : i32 to index
        %get3A_254 = arith.constant 0 : index
        %get3A_255 = tpu.vector_load %arg4[%get3A_251, %get3A_252, %get3A_253, %get3A_254] {strides = array<i32>} : memref<2x8x32x128xf32, #tpu.memory_space<vmem>>, vector<1x1x1x16xf32>,
        %get3A_256 = vector.shape_cast %get3A_255 : vector<1x1x1x16xf32> to vector<16xf32>
        %min3A_257 = arith.minimumf %min3A_248, %get3A_256 : vector<16xf32>
        %get3A_258 = arith.constant 0 : i32
        %get3A_259 = arith.constant 15 : i32
        %get3A_260 = arith.index_cast %get3A_258 : i32 to index
        %get3A_261 = arith.index_cast %scan3A_125 : i32 to index
        %get3A_262 = arith.index_cast %get3A_259 : i32 to index
        %get3A_263 = arith.constant 0 : index
        %get3A_264 = tpu.vector_load %arg4[%get3A_260, %get3A_261, %get3A_262, %get3A_263] {strides = array<i32>} : memref<2x8x32x128xf32, #tpu.memory_space<vmem>>, vector<1x1x1x16xf32>,
        %get3A_265 = vector.shape_cast %get3A_264 : vector<1x1x1x16xf32> to vector<16xf32>
        %min3A_266 = arith.minimumf %min3A_257, %get3A_265 : vector<16xf32>
        %get3A_267 = arith.constant 0 : i32
        %get3A_268 = arith.constant 16 : i32
        %get3A_269 = arith.index_cast %get3A_267 : i32 to index
        %get3A_270 = arith.index_cast %scan3A_125 : i32 to index
        %get3A_271 = arith.index_cast %get3A_268 : i32 to index
        %get3A_272 = arith.constant 0 : index
        %get3A_273 = tpu.vector_load %arg4[%get3A_269, %get3A_270, %get3A_271, %get3A_272] {strides = array<i32>} : memref<2x8x32x128xf32, #tpu.memory_space<vmem>>, vector<1x1x1x16xf32>,
        %get3A_274 = vector.shape_cast %get3A_273 : vector<1x1x1x16xf32> to vector<16xf32>
        %min3A_275 = arith.minimumf %min3A_266, %get3A_274 : vector<16xf32>
        %get3A_276 = arith.constant 0 : i32
        %get3A_277 = arith.constant 17 : i32
        %get3A_278 = arith.index_cast %get3A_276 : i32 to index
        %get3A_279 = arith.index_cast %scan3A_125 : i32 to index
        %get3A_280 = arith.index_cast %get3A_277 : i32 to index
        %get3A_281 = arith.constant 0 : index
        %get3A_282 = tpu.vector_load %arg4[%get3A_278, %get3A_279, %get3A_280, %get3A_281] {strides = array<i32>} : memref<2x8x32x128xf32, #tpu.memory_space<vmem>>, vector<1x1x1x16xf32>,
        %get3A_283 = vector.shape_cast %get3A_282 : vector<1x1x1x16xf32> to vector<16xf32>
        %min3A_284 = arith.minimumf %min3A_275, %get3A_283 : vector<16xf32>
        %get3A_285 = arith.constant 0 : i32
        %get3A_286 = arith.constant 18 : i32
        %get3A_287 = arith.index_cast %get3A_285 : i32 to index
        %get3A_288 = arith.index_cast %scan3A_125 : i32 to index
        %get3A_289 = arith.index_cast %get3A_286 : i32 to index
        %get3A_290 = arith.constant 0 : index
        %get3A_291 = tpu.vector_load %arg4[%get3A_287, %get3A_288, %get3A_289, %get3A_290] {strides = array<i32>} : memref<2x8x32x128xf32, #tpu.memory_space<vmem>>, vector<1x1x1x16xf32>,
        %get3A_292 = vector.shape_cast %get3A_291 : vector<1x1x1x16xf32> to vector<16xf32>
        %min3A_293 = arith.minimumf %min3A_284, %get3A_292 : vector<16xf32>
        %get3A_294 = arith.constant 0 : i32
        %get3A_295 = arith.constant 19 : i32
        %get3A_296 = arith.index_cast %get3A_294 : i32 to index
        %get3A_297 = arith.index_cast %scan3A_125 : i32 to index
        %get3A_298 = arith.index_cast %get3A_295 : i32 to index
        %get3A_299 = arith.constant 0 : index
        %get3A_300 = tpu.vector_load %arg4[%get3A_296, %get3A_297, %get3A_298, %get3A_299] {strides = array<i32>} : memref<2x8x32x128xf32, #tpu.memory_space<vmem>>, vector<1x1x1x16xf32>,
        %get3A_301 = vector.shape_cast %get3A_300 : vector<1x1x1x16xf32> to vector<16xf32>
        %min3A_302 = arith.minimumf %min3A_293, %get3A_301 : vector<16xf32>
        %get3A_303 = arith.constant 0 : i32
        %get3A_304 = arith.constant 20 : i32
        %get3A_305 = arith.index_cast %get3A_303 : i32 to index
        %get3A_306 = arith.index_cast %scan3A_125 : i32 to index
        %get3A_307 = arith.index_cast %get3A_304 : i32 to index
        %get3A_308 = arith.constant 0 : index
        %get3A_309 = tpu.vector_load %arg4[%get3A_305, %get3A_306, %get3A_307, %get3A_308] {strides = array<i32>} : memref<2x8x32x128xf32, #tpu.memory_space<vmem>>, vector<1x1x1x16xf32>,
        %get3A_310 = vector.shape_cast %get3A_309 : vector<1x1x1x16xf32> to vector<16xf32>
        %min3A_311 = arith.minimumf %min3A_302, %get3A_310 : vector<16xf32>
        %get3A_312 = arith.constant 0 : i32
        %get3A_313 = arith.constant 21 : i32
        %get3A_314 = arith.index_cast %get3A_312 : i32 to index
        %get3A_315 = arith.index_cast %scan3A_125 : i32 to index
        %get3A_316 = arith.index_cast %get3A_313 : i32 to index
        %get3A_317 = arith.constant 0 : index
        %get3A_318 = tpu.vector_load %arg4[%get3A_314, %get3A_315, %get3A_316, %get3A_317] {strides = array<i32>} : memref<2x8x32x128xf32, #tpu.memory_space<vmem>>, vector<1x1x1x16xf32>,
        %get3A_319 = vector.shape_cast %get3A_318 : vector<1x1x1x16xf32> to vector<16xf32>
        %min3A_320 = arith.minimumf %min3A_311, %get3A_319 : vector<16xf32>
        %get3A_321 = arith.constant 0 : i32
        %get3A_322 = arith.constant 22 : i32
        %get3A_323 = arith.index_cast %get3A_321 : i32 to index
        %get3A_324 = arith.index_cast %scan3A_125 : i32 to index
        %get3A_325 = arith.index_cast %get3A_322 : i32 to index
        %get3A_326 = arith.constant 0 : index
        %get3A_327 = tpu.vector_load %arg4[%get3A_323, %get3A_324, %get3A_325, %get3A_326] {strides = array<i32>} : memref<2x8x32x128xf32, #tpu.memory_space<vmem>>, vector<1x1x1x16xf32>,
        %get3A_328 = vector.shape_cast %get3A_327 : vector<1x1x1x16xf32> to vector<16xf32>
        %min3A_329 = arith.minimumf %min3A_320, %get3A_328 : vector<16xf32>
        %get3A_330 = arith.constant 0 : i32
        %get3A_331 = arith.constant 23 : i32
        %get3A_332 = arith.index_cast %get3A_330 : i32 to index
        %get3A_333 = arith.index_cast %scan3A_125 : i32 to index
        %get3A_334 = arith.index_cast %get3A_331 : i32 to index
        %get3A_335 = arith.constant 0 : index
        %get3A_336 = tpu.vector_load %arg4[%get3A_332, %get3A_333, %get3A_334, %get3A_335] {strides = array<i32>} : memref<2x8x32x128xf32, #tpu.memory_space<vmem>>, vector<1x1x1x16xf32>,
        %get3A_337 = vector.shape_cast %get3A_336 : vector<1x1x1x16xf32> to vector<16xf32>
        %min3A_338 = arith.minimumf %min3A_329, %get3A_337 : vector<16xf32>
        %get3A_339 = arith.constant 0 : i32
        %get3A_340 = arith.constant 24 : i32
        %get3A_341 = arith.index_cast %get3A_339 : i32 to index
        %get3A_342 = arith.index_cast %scan3A_125 : i32 to index
        %get3A_343 = arith.index_cast %get3A_340 : i32 to index
        %get3A_344 = arith.constant 0 : index
        %get3A_345 = tpu.vector_load %arg4[%get3A_341, %get3A_342, %get3A_343, %get3A_344] {strides = array<i32>} : memref<2x8x32x128xf32, #tpu.memory_space<vmem>>, vector<1x1x1x16xf32>,
        %get3A_346 = vector.shape_cast %get3A_345 : vector<1x1x1x16xf32> to vector<16xf32>
        %min3A_347 = arith.minimumf %min3A_338, %get3A_346 : vector<16xf32>
        %get3A_348 = arith.constant 0 : i32
        %get3A_349 = arith.constant 25 : i32
        %get3A_350 = arith.index_cast %get3A_348 : i32 to index
        %get3A_351 = arith.index_cast %scan3A_125 : i32 to index
        %get3A_352 = arith.index_cast %get3A_349 : i32 to index
        %get3A_353 = arith.constant 0 : index
        %get3A_354 = tpu.vector_load %arg4[%get3A_350, %get3A_351, %get3A_352, %get3A_353] {strides = array<i32>} : memref<2x8x32x128xf32, #tpu.memory_space<vmem>>, vector<1x1x1x16xf32>,
        %get3A_355 = vector.shape_cast %get3A_354 : vector<1x1x1x16xf32> to vector<16xf32>
        %min3A_356 = arith.minimumf %min3A_347, %get3A_355 : vector<16xf32>
        %get3A_357 = arith.constant 0 : i32
        %get3A_358 = arith.constant 26 : i32
        %get3A_359 = arith.index_cast %get3A_357 : i32 to index
        %get3A_360 = arith.index_cast %scan3A_125 : i32 to index
        %get3A_361 = arith.index_cast %get3A_358 : i32 to index
        %get3A_362 = arith.constant 0 : index
        %get3A_363 = tpu.vector_load %arg4[%get3A_359, %get3A_360, %get3A_361, %get3A_362] {strides = array<i32>} : memref<2x8x32x128xf32, #tpu.memory_space<vmem>>, vector<1x1x1x16xf32>,
        %get3A_364 = vector.shape_cast %get3A_363 : vector<1x1x1x16xf32> to vector<16xf32>
        %min3A_365 = arith.minimumf %min3A_356, %get3A_364 : vector<16xf32>
        %get3A_366 = arith.constant 0 : i32
        %get3A_367 = arith.constant 27 : i32
        %get3A_368 = arith.index_cast %get3A_366 : i32 to index
        %get3A_369 = arith.index_cast %scan3A_125 : i32 to index
        %get3A_370 = arith.index_cast %get3A_367 : i32 to index
        %get3A_371 = arith.constant 0 : index
        %get3A_372 = tpu.vector_load %arg4[%get3A_368, %get3A_369, %get3A_370, %get3A_371] {strides = array<i32>} : memref<2x8x32x128xf32, #tpu.memory_space<vmem>>, vector<1x1x1x16xf32>,
        %get3A_373 = vector.shape_cast %get3A_372 : vector<1x1x1x16xf32> to vector<16xf32>
        %min3A_374 = arith.minimumf %min3A_365, %get3A_373 : vector<16xf32>
        %get3A_375 = arith.constant 0 : i32
        %get3A_376 = arith.constant 28 : i32
        %get3A_377 = arith.index_cast %get3A_375 : i32 to index
        %get3A_378 = arith.index_cast %scan3A_125 : i32 to index
        %get3A_379 = arith.index_cast %get3A_376 : i32 to index
        %get3A_380 = arith.constant 0 : index
        %get3A_381 = tpu.vector_load %arg4[%get3A_377, %get3A_378, %get3A_379, %get3A_380] {strides = array<i32>} : memref<2x8x32x128xf32, #tpu.memory_space<vmem>>, vector<1x1x1x16xf32>,
        %get3A_382 = vector.shape_cast %get3A_381 : vector<1x1x1x16xf32> to vector<16xf32>
        %min3A_383 = arith.minimumf %min3A_374, %get3A_382 : vector<16xf32>
        %get3A_384 = arith.constant 0 : i32
        %get3A_385 = arith.constant 29 : i32
        %get3A_386 = arith.index_cast %get3A_384 : i32 to index
        %get3A_387 = arith.index_cast %scan3A_125 : i32 to index
        %get3A_388 = arith.index_cast %get3A_385 : i32 to index
        %get3A_389 = arith.constant 0 : index
        %get3A_390 = tpu.vector_load %arg4[%get3A_386, %get3A_387, %get3A_388, %get3A_389] {strides = array<i32>} : memref<2x8x32x128xf32, #tpu.memory_space<vmem>>, vector<1x1x1x16xf32>,
        %get3A_391 = vector.shape_cast %get3A_390 : vector<1x1x1x16xf32> to vector<16xf32>
        %min3A_392 = arith.minimumf %min3A_383, %get3A_391 : vector<16xf32>
        %get3A_393 = arith.constant 0 : i32
        %get3A_394 = arith.constant 30 : i32
        %get3A_395 = arith.index_cast %get3A_393 : i32 to index
        %get3A_396 = arith.index_cast %scan3A_125 : i32 to index
        %get3A_397 = arith.index_cast %get3A_394 : i32 to index
        %get3A_398 = arith.constant 0 : index
        %get3A_399 = tpu.vector_load %arg4[%get3A_395, %get3A_396, %get3A_397, %get3A_398] {strides = array<i32>} : memref<2x8x32x128xf32, #tpu.memory_space<vmem>>, vector<1x1x1x16xf32>,
        %get3A_400 = vector.shape_cast %get3A_399 : vector<1x1x1x16xf32> to vector<16xf32>
        %min3A_401 = arith.minimumf %min3A_392, %get3A_400 : vector<16xf32>
        %get3A_402 = arith.constant 0 : i32
        %get3A_403 = arith.constant 31 : i32
        %get3A_404 = arith.index_cast %get3A_402 : i32 to index
        %get3A_405 = arith.index_cast %scan3A_125 : i32 to index
        %get3A_406 = arith.index_cast %get3A_403 : i32 to index
        %get3A_407 = arith.constant 0 : index
        %get3A_408 = tpu.vector_load %arg4[%get3A_404, %get3A_405, %get3A_406, %get3A_407] {strides = array<i32>} : memref<2x8x32x128xf32, #tpu.memory_space<vmem>>, vector<1x1x1x16xf32>,
        %get3A_409 = vector.shape_cast %get3A_408 : vector<1x1x1x16xf32> to vector<16xf32>
        %min3A_410 = arith.minimumf %min3A_401, %get3A_409 : vector<16xf32>
        %swap3A = arith.constant 0 : i32
        %swap3A_411 = arith.index_cast %swap3A : i32 to index
        %swap3A_412 = arith.index_cast %scan3A_125 : i32 to index
        %swap3A_413 = arith.constant 0 : index
        %swap3A_414 = tpu.vector_load %arg5[%swap3A_411, %swap3A_412, %swap3A_413] {strides = array<i32>} : memref<2x8x128xf32, #tpu.memory_space<vmem>>, vector<1x1x16xf32>,
        %swap3A_415 = vector.shape_cast %swap3A_414 : vector<1x1x16xf32> to vector<16xf32>
        %swap3A_416 = vector.shape_cast %min3A_410 : vector<16xf32> to vector<1x1x16xf32>
        tpu.vector_store %arg5[%swap3A_411, %swap3A_412, %swap3A_413], %swap3A_416 {strides = array<i32>} : memref<2x8x128xf32, #tpu.memory_space<vmem>>, vector<1x1x16xf32>,
        %get3A_417 = arith.constant 0 : i32
        %get3A_418 = arith.constant 0 : i32
        %get3A_419 = arith.index_cast %get3A_417 : i32 to index
        %get3A_420 = arith.index_cast %scan3A_125 : i32 to index
        %get3A_421 = arith.index_cast %get3A_418 : i32 to index
        %get3A_422 = arith.constant 16 : index
        %get3A_423 = tpu.vector_load %arg4[%get3A_419, %get3A_420, %get3A_421, %get3A_422] {strides = array<i32>} : memref<2x8x32x128xf32, #tpu.memory_space<vmem>>, vector<1x1x1x16xf32>,
        %get3A_424 = vector.shape_cast %get3A_423 : vector<1x1x1x16xf32> to vector<16xf32>
        %get3A_425 = arith.constant 0 : i32
        %get3A_426 = arith.constant 1 : i32
        %get3A_427 = arith.index_cast %get3A_425 : i32 to index
        %get3A_428 = arith.index_cast %scan3A_125 : i32 to index
        %get3A_429 = arith.index_cast %get3A_426 : i32 to index
        %get3A_430 = arith.constant 16 : index
        %get3A_431 = tpu.vector_load %arg4[%get3A_427, %get3A_428, %get3A_429, %get3A_430] {strides = array<i32>} : memref<2x8x32x128xf32, #tpu.memory_space<vmem>>, vector<1x1x1x16xf32>,
        %get3A_432 = vector.shape_cast %get3A_431 : vector<1x1x1x16xf32> to vector<16xf32>
        %min3A_433 = arith.minimumf %get3A_424, %get3A_432 : vector<16xf32>
        %get3A_434 = arith.constant 0 : i32
        %get3A_435 = arith.constant 2 : i32
        %get3A_436 = arith.index_cast %get3A_434 : i32 to index
        %get3A_437 = arith.index_cast %scan3A_125 : i32 to index
        %get3A_438 = arith.index_cast %get3A_435 : i32 to index
        %get3A_439 = arith.constant 16 : index
        %get3A_440 = tpu.vector_load %arg4[%get3A_436, %get3A_437, %get3A_438, %get3A_439] {strides = array<i32>} : memref<2x8x32x128xf32, #tpu.memory_space<vmem>>, vector<1x1x1x16xf32>,
        %get3A_441 = vector.shape_cast %get3A_440 : vector<1x1x1x16xf32> to vector<16xf32>
        %min3A_442 = arith.minimumf %min3A_433, %get3A_441 : vector<16xf32>
        %get3A_443 = arith.constant 0 : i32
        %get3A_444 = arith.constant 3 : i32
        %get3A_445 = arith.index_cast %get3A_443 : i32 to index
        %get3A_446 = arith.index_cast %scan3A_125 : i32 to index
        %get3A_447 = arith.index_cast %get3A_444 : i32 to index
        %get3A_448 = arith.constant 16 : index
        %get3A_449 = tpu.vector_load %arg4[%get3A_445, %get3A_446, %get3A_447, %get3A_448] {strides = array<i32>} : memref<2x8x32x128xf32, #tpu.memory_space<vmem>>, vector<1x1x1x16xf32>,
        %get3A_450 = vector.shape_cast %get3A_449 : vector<1x1x1x16xf32> to vector<16xf32>
        %min3A_451 = arith.minimumf %min3A_442, %get3A_450 : vector<16xf32>
        %get3A_452 = arith.constant 0 : i32
        %get3A_453 = arith.constant 4 : i32
        %get3A_454 = arith.index_cast %get3A_452 : i32 to index
        %get3A_455 = arith.index_cast %scan3A_125 : i32 to index
        %get3A_456 = arith.index_cast %get3A_453 : i32 to index
        %get3A_457 = arith.constant 16 : index
        %get3A_458 = tpu.vector_load %arg4[%get3A_454, %get3A_455, %get3A_456, %get3A_457] {strides = array<i32>} : memref<2x8x32x128xf32, #tpu.memory_space<vmem>>, vector<1x1x1x16xf32>,
        %get3A_459 = vector.shape_cast %get3A_458 : vector<1x1x1x16xf32> to vector<16xf32>
        %min3A_460 = arith.minimumf %min3A_451, %get3A_459 : vector<16xf32>
        %get3A_461 = arith.constant 0 : i32
        %get3A_462 = arith.constant 5 : i32
        %get3A_463 = arith.index_cast %get3A_461 : i32 to index
        %get3A_464 = arith.index_cast %scan3A_125 : i32 to index
        %get3A_465 = arith.index_cast %get3A_462 : i32 to index
        %get3A_466 = arith.constant 16 : index
        %get3A_467 = tpu.vector_load %arg4[%get3A_463, %get3A_464, %get3A_465, %get3A_466] {strides = array<i32>} : memref<2x8x32x128xf32, #tpu.memory_space<vmem>>, vector<1x1x1x16xf32>,
        %get3A_468 = vector.shape_cast %get3A_467 : vector<1x1x1x16xf32> to vector<16xf32>
        %min3A_469 = arith.minimumf %min3A_460, %get3A_468 : vector<16xf32>
        %get3A_470 = arith.constant 0 : i32
        %get3A_471 = arith.constant 6 : i32
        %get3A_472 = arith.index_cast %get3A_470 : i32 to index
        %get3A_473 = arith.index_cast %scan3A_125 : i32 to index
        %get3A_474 = arith.index_cast %get3A_471 : i32 to index
        %get3A_475 = arith.constant 16 : index
        %get3A_476 = tpu.vector_load %arg4[%get3A_472, %get3A_473, %get3A_474, %get3A_475] {strides = array<i32>} : memref<2x8x32x128xf32, #tpu.memory_space<vmem>>, vector<1x1x1x16xf32>,
        %get3A_477 = vector.shape_cast %get3A_476 : vector<1x1x1x16xf32> to vector<16xf32>
        %min3A_478 = arith.minimumf %min3A_469, %get3A_477 : vector<16xf32>
        %get3A_479 = arith.constant 0 : i32
        %get3A_480 = arith.constant 7 : i32
        %get3A_481 = arith.index_cast %get3A_479 : i32 to index
        %get3A_482 = arith.index_cast %scan3A_125 : i32 to index
        %get3A_483 = arith.index_cast %get3A_480 : i32 to index
        %get3A_484 = arith.constant 16 : index
        %get3A_485 = tpu.vector_load %arg4[%get3A_481, %get3A_482, %get3A_483, %get3A_484] {strides = array<i32>} : memref<2x8x32x128xf32, #tpu.memory_space<vmem>>, vector<1x1x1x16xf32>,
        %get3A_486 = vector.shape_cast %get3A_485 : vector<1x1x1x16xf32> to vector<16xf32>
        %min3A_487 = arith.minimumf %min3A_478, %get3A_486 : vector<16xf32>
        %get3A_488 = arith.constant 0 : i32
        %get3A_489 = arith.constant 8 : i32
        %get3A_490 = arith.index_cast %get3A_488 : i32 to index
        %get3A_491 = arith.index_cast %scan3A_125 : i32 to index
        %get3A_492 = arith.index_cast %get3A_489 : i32 to index
        %get3A_493 = arith.constant 16 : index
        %get3A_494 = tpu.vector_load %arg4[%get3A_490, %get3A_491, %get3A_492, %get3A_493] {strides = array<i32>} : memref<2x8x32x128xf32, #tpu.memory_space<vmem>>, vector<1x1x1x16xf32>,
        %get3A_495 = vector.shape_cast %get3A_494 : vector<1x1x1x16xf32> to vector<16xf32>
        %min3A_496 = arith.minimumf %min3A_487, %get3A_495 : vector<16xf32>
        %get3A_497 = arith.constant 0 : i32
        %get3A_498 = arith.constant 9 : i32
        %get3A_499 = arith.index_cast %get3A_497 : i32 to index
        %get3A_500 = arith.index_cast %scan3A_125 : i32 to index
        %get3A_501 = arith.index_cast %get3A_498 : i32 to index
        %get3A_502 = arith.constant 16 : index
        %get3A_503 = tpu.vector_load %arg4[%get3A_499, %get3A_500, %get3A_501, %get3A_502] {strides = array<i32>} : memref<2x8x32x128xf32, #tpu.memory_space<vmem>>, vector<1x1x1x16xf32>,
        %get3A_504 = vector.shape_cast %get3A_503 : vector<1x1x1x16xf32> to vector<16xf32>
        %min3A_505 = arith.minimumf %min3A_496, %get3A_504 : vector<16xf32>
        %get3A_506 = arith.constant 0 : i32
        %get3A_507 = arith.constant 10 : i32
        %get3A_508 = arith.index_cast %get3A_506 : i32 to index
        %get3A_509 = arith.index_cast %scan3A_125 : i32 to index
        %get3A_510 = arith.index_cast %get3A_507 : i32 to index
        %get3A_511 = arith.constant 16 : index
        %get3A_512 = tpu.vector_load %arg4[%get3A_508, %get3A_509, %get3A_510, %get3A_511] {strides = array<i32>} : memref<2x8x32x128xf32, #tpu.memory_space<vmem>>, vector<1x1x1x16xf32>,
        %get3A_513 = vector.shape_cast %get3A_512 : vector<1x1x1x16xf32> to vector<16xf32>
        %min3A_514 = arith.minimumf %min3A_505, %get3A_513 : vector<16xf32>
        %get3A_515 = arith.constant 0 : i32
        %get3A_516 = arith.constant 11 : i32
        %get3A_517 = arith.index_cast %get3A_515 : i32 to index
        %get3A_518 = arith.index_cast %scan3A_125 : i32 to index
        %get3A_519 = arith.index_cast %get3A_516 : i32 to index
        %get3A_520 = arith.constant 16 : index
        %get3A_521 = tpu.vector_load %arg4[%get3A_517, %get3A_518, %get3A_519, %get3A_520] {strides = array<i32>} : memref<2x8x32x128xf32, #tpu.memory_space<vmem>>, vector<1x1x1x16xf32>,
        %get3A_522 = vector.shape_cast %get3A_521 : vector<1x1x1x16xf32> to vector<16xf32>
        %min3A_523 = arith.minimumf %min3A_514, %get3A_522 : vector<16xf32>
        %get3A_524 = arith.constant 0 : i32
        %get3A_525 = arith.constant 12 : i32
        %get3A_526 = arith.index_cast %get3A_524 : i32 to index
        %get3A_527 = arith.index_cast %scan3A_125 : i32 to index
        %get3A_528 = arith.index_cast %get3A_525 : i32 to index
        %get3A_529 = arith.constant 16 : index
        %get3A_530 = tpu.vector_load %arg4[%get3A_526, %get3A_527, %get3A_528, %get3A_529] {strides = array<i32>} : memref<2x8x32x128xf32, #tpu.memory_space<vmem>>, vector<1x1x1x16xf32>,
        %get3A_531 = vector.shape_cast %get3A_530 : vector<1x1x1x16xf32> to vector<16xf32>
        %min3A_532 = arith.minimumf %min3A_523, %get3A_531 : vector<16xf32>
        %get3A_533 = arith.constant 0 : i32
        %get3A_534 = arith.constant 13 : i32
        %get3A_535 = arith.index_cast %get3A_533 : i32 to index
        %get3A_536 = arith.index_cast %scan3A_125 : i32 to index
        %get3A_537 = arith.index_cast %get3A_534 : i32 to index
        %get3A_538 = arith.constant 16 : index
        %get3A_539 = tpu.vector_load %arg4[%get3A_535, %get3A_536, %get3A_537, %get3A_538] {strides = array<i32>} : memref<2x8x32x128xf32, #tpu.memory_space<vmem>>, vector<1x1x1x16xf32>,
        %get3A_540 = vector.shape_cast %get3A_539 : vector<1x1x1x16xf32> to vector<16xf32>
        %min3A_541 = arith.minimumf %min3A_532, %get3A_540 : vector<16xf32>
        %get3A_542 = arith.constant 0 : i32
        %get3A_543 = arith.constant 14 : i32
        %get3A_544 = arith.index_cast %get3A_542 : i32 to index
        %get3A_545 = arith.index_cast %scan3A_125 : i32 to index
        %get3A_546 = arith.index_cast %get3A_543 : i32 to index
        %get3A_547 = arith.constant 16 : index
        %get3A_548 = tpu.vector_load %arg4[%get3A_544, %get3A_545, %get3A_546, %get3A_547] {strides = array<i32>} : memref<2x8x32x128xf32, #tpu.memory_space<vmem>>, vector<1x1x1x16xf32>,
        %get3A_549 = vector.shape_cast %get3A_548 : vector<1x1x1x16xf32> to vector<16xf32>
        %min3A_550 = arith.minimumf %min3A_541, %get3A_549 : vector<16xf32>
        %get3A_551 = arith.constant 0 : i32
        %get3A_552 = arith.constant 15 : i32
        %get3A_553 = arith.index_cast %get3A_551 : i32 to index
        %get3A_554 = arith.index_cast %scan3A_125 : i32 to index
        %get3A_555 = arith.index_cast %get3A_552 : i32 to index
        %get3A_556 = arith.constant 16 : index
        %get3A_557 = tpu.vector_load %arg4[%get3A_553, %get3A_554, %get3A_555, %get3A_556] {strides = array<i32>} : memref<2x8x32x128xf32, #tpu.memory_space<vmem>>, vector<1x1x1x16xf32>,
        %get3A_558 = vector.shape_cast %get3A_557 : vector<1x1x1x16xf32> to vector<16xf32>
        %min3A_559 = arith.minimumf %min3A_550, %get3A_558 : vector<16xf32>
        %get3A_560 = arith.constant 0 : i32
        %get3A_561 = arith.constant 16 : i32
        %get3A_562 = arith.index_cast %get3A_560 : i32 to index
        %get3A_563 = arith.index_cast %scan3A_125 : i32 to index
        %get3A_564 = arith.index_cast %get3A_561 : i32 to index
        %get3A_565 = arith.constant 16 : index
        %get3A_566 = tpu.vector_load %arg4[%get3A_562, %get3A_563, %get3A_564, %get3A_565] {strides = array<i32>} : memref<2x8x32x128xf32, #tpu.memory_space<vmem>>, vector<1x1x1x16xf32>,
        %get3A_567 = vector.shape_cast %get3A_566 : vector<1x1x1x16xf32> to vector<16xf32>
        %min3A_568 = arith.minimumf %min3A_559, %get3A_567 : vector<16xf32>
        %get3A_569 = arith.constant 0 : i32
        %get3A_570 = arith.constant 17 : i32
        %get3A_571 = arith.index_cast %get3A_569 : i32 to index
        %get3A_572 = arith.index_cast %scan3A_125 : i32 to index
        %get3A_573 = arith.index_cast %get3A_570 : i32 to index
        %get3A_574 = arith.constant 16 : index
        %get3A_575 = tpu.vector_load %arg4[%get3A_571, %get3A_572, %get3A_573, %get3A_574] {strides = array<i32>} : memref<2x8x32x128xf32, #tpu.memory_space<vmem>>, vector<1x1x1x16xf32>,
        %get3A_576 = vector.shape_cast %get3A_575 : vector<1x1x1x16xf32> to vector<16xf32>
        %min3A_577 = arith.minimumf %min3A_568, %get3A_576 : vector<16xf32>
        %get3A_578 = arith.constant 0 : i32
        %get3A_579 = arith.constant 18 : i32
        %get3A_580 = arith.index_cast %get3A_578 : i32 to index
        %get3A_581 = arith.index_cast %scan3A_125 : i32 to index
        %get3A_582 = arith.index_cast %get3A_579 : i32 to index
        %get3A_583 = arith.constant 16 : index
        %get3A_584 = tpu.vector_load %arg4[%get3A_580, %get3A_581, %get3A_582, %get3A_583] {strides = array<i32>} : memref<2x8x32x128xf32, #tpu.memory_space<vmem>>, vector<1x1x1x16xf32>,
        %get3A_585 = vector.shape_cast %get3A_584 : vector<1x1x1x16xf32> to vector<16xf32>
        %min3A_586 = arith.minimumf %min3A_577, %get3A_585 : vector<16xf32>
        %get3A_587 = arith.constant 0 : i32
        %get3A_588 = arith.constant 19 : i32
        %get3A_589 = arith.index_cast %get3A_587 : i32 to index
        %get3A_590 = arith.index_cast %scan3A_125 : i32 to index
        %get3A_591 = arith.index_cast %get3A_588 : i32 to index
        %get3A_592 = arith.constant 16 : index
        %get3A_593 = tpu.vector_load %arg4[%get3A_589, %get3A_590, %get3A_591, %get3A_592] {strides = array<i32>} : memref<2x8x32x128xf32, #tpu.memory_space<vmem>>, vector<1x1x1x16xf32>,
        %get3A_594 = vector.shape_cast %get3A_593 : vector<1x1x1x16xf32> to vector<16xf32>
        %min3A_595 = arith.minimumf %min3A_586, %get3A_594 : vector<16xf32>
        %get3A_596 = arith.constant 0 : i32
        %get3A_597 = arith.constant 20 : i32
        %get3A_598 = arith.index_cast %get3A_596 : i32 to index
        %get3A_599 = arith.index_cast %scan3A_125 : i32 to index
        %get3A_600 = arith.index_cast %get3A_597 : i32 to index
        %get3A_601 = arith.constant 16 : index
        %get3A_602 = tpu.vector_load %arg4[%get3A_598, %get3A_599, %get3A_600, %get3A_601] {strides = array<i32>} : memref<2x8x32x128xf32, #tpu.memory_space<vmem>>, vector<1x1x1x16xf32>,
        %get3A_603 = vector.shape_cast %get3A_602 : vector<1x1x1x16xf32> to vector<16xf32>
        %min3A_604 = arith.minimumf %min3A_595, %get3A_603 : vector<16xf32>
        %get3A_605 = arith.constant 0 : i32
        %get3A_606 = arith.constant 21 : i32
        %get3A_607 = arith.index_cast %get3A_605 : i32 to index
        %get3A_608 = arith.index_cast %scan3A_125 : i32 to index
        %get3A_609 = arith.index_cast %get3A_606 : i32 to index
        %get3A_610 = arith.constant 16 : index
        %get3A_611 = tpu.vector_load %arg4[%get3A_607, %get3A_608, %get3A_609, %get3A_610] {strides = array<i32>} : memref<2x8x32x128xf32, #tpu.memory_space<vmem>>, vector<1x1x1x16xf32>,
        %get3A_612 = vector.shape_cast %get3A_611 : vector<1x1x1x16xf32> to vector<16xf32>
        %min3A_613 = arith.minimumf %min3A_604, %get3A_612 : vector<16xf32>
        %get3A_614 = arith.constant 0 : i32
        %get3A_615 = arith.constant 22 : i32
        %get3A_616 = arith.index_cast %get3A_614 : i32 to index
        %get3A_617 = arith.index_cast %scan3A_125 : i32 to index
        %get3A_618 = arith.index_cast %get3A_615 : i32 to index
        %get3A_619 = arith.constant 16 : index
        %get3A_620 = tpu.vector_load %arg4[%get3A_616, %get3A_617, %get3A_618, %get3A_619] {strides = array<i32>} : memref<2x8x32x128xf32, #tpu.memory_space<vmem>>, vector<1x1x1x16xf32>,
        %get3A_621 = vector.shape_cast %get3A_620 : vector<1x1x1x16xf32> to vector<16xf32>
        %min3A_622 = arith.minimumf %min3A_613, %get3A_621 : vector<16xf32>
        %get3A_623 = arith.constant 0 : i32
        %get3A_624 = arith.constant 23 : i32
        %get3A_625 = arith.index_cast %get3A_623 : i32 to index
        %get3A_626 = arith.index_cast %scan3A_125 : i32 to index
        %get3A_627 = arith.index_cast %get3A_624 : i32 to index
        %get3A_628 = arith.constant 16 : index
        %get3A_629 = tpu.vector_load %arg4[%get3A_625, %get3A_626, %get3A_627, %get3A_628] {strides = array<i32>} : memref<2x8x32x128xf32, #tpu.memory_space<vmem>>, vector<1x1x1x16xf32>,
        %get3A_630 = vector.shape_cast %get3A_629 : vector<1x1x1x16xf32> to vector<16xf32>
        %min3A_631 = arith.minimumf %min3A_622, %get3A_630 : vector<16xf32>
        %get3A_632 = arith.constant 0 : i32
        %get3A_633 = arith.constant 24 : i32
        %get3A_634 = arith.index_cast %get3A_632 : i32 to index
        %get3A_635 = arith.index_cast %scan3A_125 : i32 to index
        %get3A_636 = arith.index_cast %get3A_633 : i32 to index
        %get3A_637 = arith.constant 16 : index
        %get3A_638 = tpu.vector_load %arg4[%get3A_634, %get3A_635, %get3A_636, %get3A_637] {strides = array<i32>} : memref<2x8x32x128xf32, #tpu.memory_space<vmem>>, vector<1x1x1x16xf32>,
        %get3A_639 = vector.shape_cast %get3A_638 : vector<1x1x1x16xf32> to vector<16xf32>
        %min3A_640 = arith.minimumf %min3A_631, %get3A_639 : vector<16xf32>
        %get3A_641 = arith.constant 0 : i32
        %get3A_642 = arith.constant 25 : i32
        %get3A_643 = arith.index_cast %get3A_641 : i32 to index
        %get3A_644 = arith.index_cast %scan3A_125 : i32 to index
        %get3A_645 = arith.index_cast %get3A_642 : i32 to index
        %get3A_646 = arith.constant 16 : index
        %get3A_647 = tpu.vector_load %arg4[%get3A_643, %get3A_644, %get3A_645, %get3A_646] {strides = array<i32>} : memref<2x8x32x128xf32, #tpu.memory_space<vmem>>, vector<1x1x1x16xf32>,
        %get3A_648 = vector.shape_cast %get3A_647 : vector<1x1x1x16xf32> to vector<16xf32>
        %min3A_649 = arith.minimumf %min3A_640, %get3A_648 : vector<16xf32>
        %get3A_650 = arith.constant 0 : i32
        %get3A_651 = arith.constant 26 : i32
        %get3A_652 = arith.index_cast %get3A_650 : i32 to index
        %get3A_653 = arith.index_cast %scan3A_125 : i32 to index
        %get3A_654 = arith.index_cast %get3A_651 : i32 to index
        %get3A_655 = arith.constant 16 : index
        %get3A_656 = tpu.vector_load %arg4[%get3A_652, %get3A_653, %get3A_654, %get3A_655] {strides = array<i32>} : memref<2x8x32x128xf32, #tpu.memory_space<vmem>>, vector<1x1x1x16xf32>,
        %get3A_657 = vector.shape_cast %get3A_656 : vector<1x1x1x16xf32> to vector<16xf32>
        %min3A_658 = arith.minimumf %min3A_649, %get3A_657 : vector<16xf32>
        %get3A_659 = arith.constant 0 : i32
        %get3A_660 = arith.constant 27 : i32
        %get3A_661 = arith.index_cast %get3A_659 : i32 to index
        %get3A_662 = arith.index_cast %scan3A_125 : i32 to index
        %get3A_663 = arith.index_cast %get3A_660 : i32 to index
        %get3A_664 = arith.constant 16 : index
        %get3A_665 = tpu.vector_load %arg4[%get3A_661, %get3A_662, %get3A_663, %get3A_664] {strides = array<i32>} : memref<2x8x32x128xf32, #tpu.memory_space<vmem>>, vector<1x1x1x16xf32>,
        %get3A_666 = vector.shape_cast %get3A_665 : vector<1x1x1x16xf32> to vector<16xf32>
        %min3A_667 = arith.minimumf %min3A_658, %get3A_666 : vector<16xf32>
        %get3A_668 = arith.constant 0 : i32
        %get3A_669 = arith.constant 28 : i32
        %get3A_670 = arith.index_cast %get3A_668 : i32 to index
        %get3A_671 = arith.index_cast %scan3A_125 : i32 to index
        %get3A_672 = arith.index_cast %get3A_669 : i32 to index
        %get3A_673 = arith.constant 16 : index
        %get3A_674 = tpu.vector_load %arg4[%get3A_670, %get3A_671, %get3A_672, %get3A_673] {strides = array<i32>} : memref<2x8x32x128xf32, #tpu.memory_space<vmem>>, vector<1x1x1x16xf32>,
        %get3A_675 = vector.shape_cast %get3A_674 : vector<1x1x1x16xf32> to vector<16xf32>
        %min3A_676 = arith.minimumf %min3A_667, %get3A_675 : vector<16xf32>
        %get3A_677 = arith.constant 0 : i32
        %get3A_678 = arith.constant 29 : i32
        %get3A_679 = arith.index_cast %get3A_677 : i32 to index
        %get3A_680 = arith.index_cast %scan3A_125 : i32 to index
        %get3A_681 = arith.index_cast %get3A_678 : i32 to index
        %get3A_682 = arith.constant 16 : index
        %get3A_683 = tpu.vector_load %arg4[%get3A_679, %get3A_680, %get3A_681, %get3A_682] {strides = array<i32>} : memref<2x8x32x128xf32, #tpu.memory_space<vmem>>, vector<1x1x1x16xf32>,
        %get3A_684 = vector.shape_cast %get3A_683 : vector<1x1x1x16xf32> to vector<16xf32>
        %min3A_685 = arith.minimumf %min3A_676, %get3A_684 : vector<16xf32>
        %get3A_686 = arith.constant 0 : i32
        %get3A_687 = arith.constant 30 : i32
        %get3A_688 = arith.index_cast %get3A_686 : i32 to index
        %get3A_689 = arith.index_cast %scan3A_125 : i32 to index
        %get3A_690 = arith.index_cast %get3A_687 : i32 to index
        %get3A_691 = arith.constant 16 : index
        %get3A_692 = tpu.vector_load %arg4[%get3A_688, %get3A_689, %get3A_690, %get3A_691] {strides = array<i32>} : memref<2x8x32x128xf32, #tpu.memory_space<vmem>>, vector<1x1x1x16xf32>,
        %get3A_693 = vector.shape_cast %get3A_692 : vector<1x1x1x16xf32> to vector<16xf32>
        %min3A_694 = arith.minimumf %min3A_685, %get3A_693 : vector<16xf32>
        %get3A_695 = arith.constant 0 : i32
        %get3A_696 = arith.constant 31 : i32
        %get3A_697 = arith.index_cast %get3A_695 : i32 to index
        %get3A_698 = arith.index_cast %scan3A_125 : i32 to index
        %get3A_699 = arith.index_cast %get3A_696 : i32 to index
        %get3A_700 = arith.constant 16 : index
        %get3A_701 = tpu.vector_load %arg4[%get3A_697, %get3A_698, %get3A_699, %get3A_700] {strides = array<i32>} : memref<2x8x32x128xf32, #tpu.memory_space<vmem>>, vector<1x1x1x16xf32>,
        %get3A_702 = vector.shape_cast %get3A_701 : vector<1x1x1x16xf32> to vector<16xf32>
        %min3A_703 = arith.minimumf %min3A_694, %get3A_702 : vector<16xf32>
        %swap3A_704 = arith.constant 0 : i32
        %swap3A_705 = arith.index_cast %swap3A_704 : i32 to index
        %swap3A_706 = arith.index_cast %scan3A_125 : i32 to index
        %swap3A_707 = arith.constant 16 : index
        %swap3A_708 = tpu.vector_load %arg5[%swap3A_705, %swap3A_706, %swap3A_707] {strides = array<i32>} : memref<2x8x128xf32, #tpu.memory_space<vmem>>, vector<1x1x16xf32>,
        %swap3A_709 = vector.shape_cast %swap3A_708 : vector<1x1x16xf32> to vector<16xf32>
        %swap3A_710 = vector.shape_cast %min3A_703 : vector<16xf32> to vector<1x1x16xf32>
        tpu.vector_store %arg5[%swap3A_705, %swap3A_706, %swap3A_707], %swap3A_710 {strides = array<i32>} : memref<2x8x128xf32, #tpu.memory_space<vmem>>, vector<1x1x16xf32>,
        %get3A_711 = arith.constant 0 : i32
        %get3A_712 = arith.constant 0 : i32
        %get3A_713 = arith.index_cast %get3A_711 : i32 to index
        %get3A_714 = arith.index_cast %scan3A_125 : i32 to index
        %get3A_715 = arith.index_cast %get3A_712 : i32 to index
        %get3A_716 = arith.constant 32 : index
        %get3A_717 = tpu.vector_load %arg4[%get3A_713, %get3A_714, %get3A_715, %get3A_716] {strides = array<i32>} : memref<2x8x32x128xf32, #tpu.memory_space<vmem>>, vector<1x1x1x16xf32>,
        %get3A_718 = vector.shape_cast %get3A_717 : vector<1x1x1x16xf32> to vector<16xf32>
        %get3A_719 = arith.constant 0 : i32
        %get3A_720 = arith.constant 1 : i32
        %get3A_721 = arith.index_cast %get3A_719 : i32 to index
        %get3A_722 = arith.index_cast %scan3A_125 : i32 to index
        %get3A_723 = arith.index_cast %get3A_720 : i32 to index
        %get3A_724 = arith.constant 32 : index
        %get3A_725 = tpu.vector_load %arg4[%get3A_721, %get3A_722, %get3A_723, %get3A_724] {strides = array<i32>} : memref<2x8x32x128xf32, #tpu.memory_space<vmem>>, vector<1x1x1x16xf32>,
        %get3A_726 = vector.shape_cast %get3A_725 : vector<1x1x1x16xf32> to vector<16xf32>
        %min3A_727 = arith.minimumf %get3A_718, %get3A_726 : vector<16xf32>
        %get3A_728 = arith.constant 0 : i32
        %get3A_729 = arith.constant 2 : i32
        %get3A_730 = arith.index_cast %get3A_728 : i32 to index
        %get3A_731 = arith.index_cast %scan3A_125 : i32 to index
        %get3A_732 = arith.index_cast %get3A_729 : i32 to index
        %get3A_733 = arith.constant 32 : index
        %get3A_734 = tpu.vector_load %arg4[%get3A_730, %get3A_731, %get3A_732, %get3A_733] {strides = array<i32>} : memref<2x8x32x128xf32, #tpu.memory_space<vmem>>, vector<1x1x1x16xf32>,
        %get3A_735 = vector.shape_cast %get3A_734 : vector<1x1x1x16xf32> to vector<16xf32>
        %min3A_736 = arith.minimumf %min3A_727, %get3A_735 : vector<16xf32>
        %get3A_737 = arith.constant 0 : i32
        %get3A_738 = arith.constant 3 : i32
        %get3A_739 = arith.index_cast %get3A_737 : i32 to index
        %get3A_740 = arith.index_cast %scan3A_125 : i32 to index
        %get3A_741 = arith.index_cast %get3A_738 : i32 to index
        %get3A_742 = arith.constant 32 : index
        %get3A_743 = tpu.vector_load %arg4[%get3A_739, %get3A_740, %get3A_741, %get3A_742] {strides = array<i32>} : memref<2x8x32x128xf32, #tpu.memory_space<vmem>>, vector<1x1x1x16xf32>,
        %get3A_744 = vector.shape_cast %get3A_743 : vector<1x1x1x16xf32> to vector<16xf32>
        %min3A_745 = arith.minimumf %min3A_736, %get3A_744 : vector<16xf32>
        %get3A_746 = arith.constant 0 : i32
        %get3A_747 = arith.constant 4 : i32
        %get3A_748 = arith.index_cast %get3A_746 : i32 to index
        %get3A_749 = arith.index_cast %scan3A_125 : i32 to index
        %get3A_750 = arith.index_cast %get3A_747 : i32 to index
        %get3A_751 = arith.constant 32 : index
        %get3A_752 = tpu.vector_load %arg4[%get3A_748, %get3A_749, %get3A_750, %get3A_751] {strides = array<i32>} : memref<2x8x32x128xf32, #tpu.memory_space<vmem>>, vector<1x1x1x16xf32>,
        %get3A_753 = vector.shape_cast %get3A_752 : vector<1x1x1x16xf32> to vector<16xf32>
        %min3A_754 = arith.minimumf %min3A_745, %get3A_753 : vector<16xf32>
        %get3A_755 = arith.constant 0 : i32
        %get3A_756 = arith.constant 5 : i32
        %get3A_757 = arith.index_cast %get3A_755 : i32 to index
        %get3A_758 = arith.index_cast %scan3A_125 : i32 to index
        %get3A_759 = arith.index_cast %get3A_756 : i32 to index
        %get3A_760 = arith.constant 32 : index
        %get3A_761 = tpu.vector_load %arg4[%get3A_757, %get3A_758, %get3A_759, %get3A_760] {strides = array<i32>} : memref<2x8x32x128xf32, #tpu.memory_space<vmem>>, vector<1x1x1x16xf32>,
        %get3A_762 = vector.shape_cast %get3A_761 : vector<1x1x1x16xf32> to vector<16xf32>
        %min3A_763 = arith.minimumf %min3A_754, %get3A_762 : vector<16xf32>
        %get3A_764 = arith.constant 0 : i32
        %get3A_765 = arith.constant 6 : i32
        %get3A_766 = arith.index_cast %get3A_764 : i32 to index
        %get3A_767 = arith.index_cast %scan3A_125 : i32 to index
        %get3A_768 = arith.index_cast %get3A_765 : i32 to index
        %get3A_769 = arith.constant 32 : index
        %get3A_770 = tpu.vector_load %arg4[%get3A_766, %get3A_767, %get3A_768, %get3A_769] {strides = array<i32>} : memref<2x8x32x128xf32, #tpu.memory_space<vmem>>, vector<1x1x1x16xf32>,
        %get3A_771 = vector.shape_cast %get3A_770 : vector<1x1x1x16xf32> to vector<16xf32>
        %min3A_772 = arith.minimumf %min3A_763, %get3A_771 : vector<16xf32>
        %get3A_773 = arith.constant 0 : i32
        %get3A_774 = arith.constant 7 : i32
        %get3A_775 = arith.index_cast %get3A_773 : i32 to index
        %get3A_776 = arith.index_cast %scan3A_125 : i32 to index
        %get3A_777 = arith.index_cast %get3A_774 : i32 to index
        %get3A_778 = arith.constant 32 : index
        %get3A_779 = tpu.vector_load %arg4[%get3A_775, %get3A_776, %get3A_777, %get3A_778] {strides = array<i32>} : memref<2x8x32x128xf32, #tpu.memory_space<vmem>>, vector<1x1x1x16xf32>,
        %get3A_780 = vector.shape_cast %get3A_779 : vector<1x1x1x16xf32> to vector<16xf32>
        %min3A_781 = arith.minimumf %min3A_772, %get3A_780 : vector<16xf32>
        %get3A_782 = arith.constant 0 : i32
        %get3A_783 = arith.constant 8 : i32
        %get3A_784 = arith.index_cast %get3A_782 : i32 to index
        %get3A_785 = arith.index_cast %scan3A_125 : i32 to index
        %get3A_786 = arith.index_cast %get3A_783 : i32 to index
        %get3A_787 = arith.constant 32 : index
        %get3A_788 = tpu.vector_load %arg4[%get3A_784, %get3A_785, %get3A_786, %get3A_787] {strides = array<i32>} : memref<2x8x32x128xf32, #tpu.memory_space<vmem>>, vector<1x1x1x16xf32>,
        %get3A_789 = vector.shape_cast %get3A_788 : vector<1x1x1x16xf32> to vector<16xf32>
        %min3A_790 = arith.minimumf %min3A_781, %get3A_789 : vector<16xf32>
        %get3A_791 = arith.constant 0 : i32
        %get3A_792 = arith.constant 9 : i32
        %get3A_793 = arith.index_cast %get3A_791 : i32 to index
        %get3A_794 = arith.index_cast %scan3A_125 : i32 to index
        %get3A_795 = arith.index_cast %get3A_792 : i32 to index
        %get3A_796 = arith.constant 32 : index
        %get3A_797 = tpu.vector_load %arg4[%get3A_793, %get3A_794, %get3A_795, %get3A_796] {strides = array<i32>} : memref<2x8x32x128xf32, #tpu.memory_space<vmem>>, vector<1x1x1x16xf32>,
        %get3A_798 = vector.shape_cast %get3A_797 : vector<1x1x1x16xf32> to vector<16xf32>
        %min3A_799 = arith.minimumf %min3A_790, %get3A_798 : vector<16xf32>
        %get3A_800 = arith.constant 0 : i32
        %get3A_801 = arith.constant 10 : i32
        %get3A_802 = arith.index_cast %get3A_800 : i32 to index
        %get3A_803 = arith.index_cast %scan3A_125 : i32 to index
        %get3A_804 = arith.index_cast %get3A_801 : i32 to index
        %get3A_805 = arith.constant 32 : index
        %get3A_806 = tpu.vector_load %arg4[%get3A_802, %get3A_803, %get3A_804, %get3A_805] {strides = array<i32>} : memref<2x8x32x128xf32, #tpu.memory_space<vmem>>, vector<1x1x1x16xf32>,
        %get3A_807 = vector.shape_cast %get3A_806 : vector<1x1x1x16xf32> to vector<16xf32>
        %min3A_808 = arith.minimumf %min3A_799, %get3A_807 : vector<16xf32>
        %get3A_809 = arith.constant 0 : i32
        %get3A_810 = arith.constant 11 : i32
        %get3A_811 = arith.index_cast %get3A_809 : i32 to index
        %get3A_812 = arith.index_cast %scan3A_125 : i32 to index
        %get3A_813 = arith.index_cast %get3A_810 : i32 to index
        %get3A_814 = arith.constant 32 : index
        %get3A_815 = tpu.vector_load %arg4[%get3A_811, %get3A_812, %get3A_813, %get3A_814] {strides = array<i32>} : memref<2x8x32x128xf32, #tpu.memory_space<vmem>>, vector<1x1x1x16xf32>,
        %get3A_816 = vector.shape_cast %get3A_815 : vector<1x1x1x16xf32> to vector<16xf32>
        %min3A_817 = arith.minimumf %min3A_808, %get3A_816 : vector<16xf32>
        %get3A_818 = arith.constant 0 : i32
        %get3A_819 = arith.constant 12 : i32
        %get3A_820 = arith.index_cast %get3A_818 : i32 to index
        %get3A_821 = arith.index_cast %scan3A_125 : i32 to index
        %get3A_822 = arith.index_cast %get3A_819 : i32 to index
        %get3A_823 = arith.constant 32 : index
        %get3A_824 = tpu.vector_load %arg4[%get3A_820, %get3A_821, %get3A_822, %get3A_823] {strides = array<i32>} : memref<2x8x32x128xf32, #tpu.memory_space<vmem>>, vector<1x1x1x16xf32>,
        %get3A_825 = vector.shape_cast %get3A_824 : vector<1x1x1x16xf32> to vector<16xf32>
        %min3A_826 = arith.minimumf %min3A_817, %get3A_825 : vector<16xf32>
        %get3A_827 = arith.constant 0 : i32
        %get3A_828 = arith.constant 13 : i32
        %get3A_829 = arith.index_cast %get3A_827 : i32 to index
        %get3A_830 = arith.index_cast %scan3A_125 : i32 to index
        %get3A_831 = arith.index_cast %get3A_828 : i32 to index
        %get3A_832 = arith.constant 32 : index
        %get3A_833 = tpu.vector_load %arg4[%get3A_829, %get3A_830, %get3A_831, %get3A_832] {strides = array<i32>} : memref<2x8x32x128xf32, #tpu.memory_space<vmem>>, vector<1x1x1x16xf32>,
        %get3A_834 = vector.shape_cast %get3A_833 : vector<1x1x1x16xf32> to vector<16xf32>
        %min3A_835 = arith.minimumf %min3A_826, %get3A_834 : vector<16xf32>
        %get3A_836 = arith.constant 0 : i32
        %get3A_837 = arith.constant 14 : i32
        %get3A_838 = arith.index_cast %get3A_836 : i32 to index
        %get3A_839 = arith.index_cast %scan3A_125 : i32 to index
        %get3A_840 = arith.index_cast %get3A_837 : i32 to index
        %get3A_841 = arith.constant 32 : index
        %get3A_842 = tpu.vector_load %arg4[%get3A_838, %get3A_839, %get3A_840, %get3A_841] {strides = array<i32>} : memref<2x8x32x128xf32, #tpu.memory_space<vmem>>, vector<1x1x1x16xf32>,
        %get3A_843 = vector.shape_cast %get3A_842 : vector<1x1x1x16xf32> to vector<16xf32>
        %min3A_844 = arith.minimumf %min3A_835, %get3A_843 : vector<16xf32>
        %get3A_845 = arith.constant 0 : i32
        %get3A_846 = arith.constant 15 : i32
        %get3A_847 = arith.index_cast %get3A_845 : i32 to index
        %get3A_848 = arith.index_cast %scan3A_125 : i32 to index
        %get3A_849 = arith.index_cast %get3A_846 : i32 to index
        %get3A_850 = arith.constant 32 : index
        %get3A_851 = tpu.vector_load %arg4[%get3A_847, %get3A_848, %get3A_849, %get3A_850] {strides = array<i32>} : memref<2x8x32x128xf32, #tpu.memory_space<vmem>>, vector<1x1x1x16xf32>,
        %get3A_852 = vector.shape_cast %get3A_851 : vector<1x1x1x16xf32> to vector<16xf32>
        %min3A_853 = arith.minimumf %min3A_844, %get3A_852 : vector<16xf32>
        %get3A_854 = arith.constant 0 : i32
        %get3A_855 = arith.constant 16 : i32
        %get3A_856 = arith.index_cast %get3A_854 : i32 to index
        %get3A_857 = arith.index_cast %scan3A_125 : i32 to index
        %get3A_858 = arith.index_cast %get3A_855 : i32 to index
        %get3A_859 = arith.constant 32 : index
        %get3A_860 = tpu.vector_load %arg4[%get3A_856, %get3A_857, %get3A_858, %get3A_859] {strides = array<i32>} : memref<2x8x32x128xf32, #tpu.memory_space<vmem>>, vector<1x1x1x16xf32>,
        %get3A_861 = vector.shape_cast %get3A_860 : vector<1x1x1x16xf32> to vector<16xf32>
        %min3A_862 = arith.minimumf %min3A_853, %get3A_861 : vector<16xf32>
        %get3A_863 = arith.constant 0 : i32
        %get3A_864 = arith.constant 17 : i32
        %get3A_865 = arith.index_cast %get3A_863 : i32 to index
        %get3A_866 = arith.index_cast %scan3A_125 : i32 to index
        %get3A_867 = arith.index_cast %get3A_864 : i32 to index
        %get3A_868 = arith.constant 32 : index
        %get3A_869 = tpu.vector_load %arg4[%get3A_865, %get3A_866, %get3A_867, %get3A_868] {strides = array<i32>} : memref<2x8x32x128xf32, #tpu.memory_space<vmem>>, vector<1x1x1x16xf32>,
        %get3A_870 = vector.shape_cast %get3A_869 : vector<1x1x1x16xf32> to vector<16xf32>
        %min3A_871 = arith.minimumf %min3A_862, %get3A_870 : vector<16xf32>
        %get3A_872 = arith.constant 0 : i32
        %get3A_873 = arith.constant 18 : i32
        %get3A_874 = arith.index_cast %get3A_872 : i32 to index
        %get3A_875 = arith.index_cast %scan3A_125 : i32 to index
        %get3A_876 = arith.index_cast %get3A_873 : i32 to index
        %get3A_877 = arith.constant 32 : index
        %get3A_878 = tpu.vector_load %arg4[%get3A_874, %get3A_875, %get3A_876, %get3A_877] {strides = array<i32>} : memref<2x8x32x128xf32, #tpu.memory_space<vmem>>, vector<1x1x1x16xf32>,
        %get3A_879 = vector.shape_cast %get3A_878 : vector<1x1x1x16xf32> to vector<16xf32>
        %min3A_880 = arith.minimumf %min3A_871, %get3A_879 : vector<16xf32>
        %get3A_881 = arith.constant 0 : i32
        %get3A_882 = arith.constant 19 : i32
        %get3A_883 = arith.index_cast %get3A_881 : i32 to index
        %get3A_884 = arith.index_cast %scan3A_125 : i32 to index
        %get3A_885 = arith.index_cast %get3A_882 : i32 to index
        %get3A_886 = arith.constant 32 : index
        %get3A_887 = tpu.vector_load %arg4[%get3A_883, %get3A_884, %get3A_885, %get3A_886] {strides = array<i32>} : memref<2x8x32x128xf32, #tpu.memory_space<vmem>>, vector<1x1x1x16xf32>,
        %get3A_888 = vector.shape_cast %get3A_887 : vector<1x1x1x16xf32> to vector<16xf32>
        %min3A_889 = arith.minimumf %min3A_880, %get3A_888 : vector<16xf32>
        %get3A_890 = arith.constant 0 : i32
        %get3A_891 = arith.constant 20 : i32
        %get3A_892 = arith.index_cast %get3A_890 : i32 to index
        %get3A_893 = arith.index_cast %scan3A_125 : i32 to index
        %get3A_894 = arith.index_cast %get3A_891 : i32 to index
        %get3A_895 = arith.constant 32 : index
        %get3A_896 = tpu.vector_load %arg4[%get3A_892, %get3A_893, %get3A_894, %get3A_895] {strides = array<i32>} : memref<2x8x32x128xf32, #tpu.memory_space<vmem>>, vector<1x1x1x16xf32>,
        %get3A_897 = vector.shape_cast %get3A_896 : vector<1x1x1x16xf32> to vector<16xf32>
        %min3A_898 = arith.minimumf %min3A_889, %get3A_897 : vector<16xf32>
        %get3A_899 = arith.constant 0 : i32
        %get3A_900 = arith.constant 21 : i32
        %get3A_901 = arith.index_cast %get3A_899 : i32 to index
        %get3A_902 = arith.index_cast %scan3A_125 : i32 to index
        %get3A_903 = arith.index_cast %get3A_900 : i32 to index
        %get3A_904 = arith.constant 32 : index
        %get3A_905 = tpu.vector_load %arg4[%get3A_901, %get3A_902, %get3A_903, %get3A_904] {strides = array<i32>} : memref<2x8x32x128xf32, #tpu.memory_space<vmem>>, vector<1x1x1x16xf32>,
        %get3A_906 = vector.shape_cast %get3A_905 : vector<1x1x1x16xf32> to vector<16xf32>
        %min3A_907 = arith.minimumf %min3A_898, %get3A_906 : vector<16xf32>
        %get3A_908 = arith.constant 0 : i32
        %get3A_909 = arith.constant 22 : i32
        %get3A_910 = arith.index_cast %get3A_908 : i32 to index
        %get3A_911 = arith.index_cast %scan3A_125 : i32 to index
        %get3A_912 = arith.index_cast %get3A_909 : i32 to index
        %get3A_913 = arith.constant 32 : index
        %get3A_914 = tpu.vector_load %arg4[%get3A_910, %get3A_911, %get3A_912, %get3A_913] {strides = array<i32>} : memref<2x8x32x128xf32, #tpu.memory_space<vmem>>, vector<1x1x1x16xf32>,
        %get3A_915 = vector.shape_cast %get3A_914 : vector<1x1x1x16xf32> to vector<16xf32>
        %min3A_916 = arith.minimumf %min3A_907, %get3A_915 : vector<16xf32>
        %get3A_917 = arith.constant 0 : i32
        %get3A_918 = arith.constant 23 : i32
        %get3A_919 = arith.index_cast %get3A_917 : i32 to index
        %get3A_920 = arith.index_cast %scan3A_125 : i32 to index
        %get3A_921 = arith.index_cast %get3A_918 : i32 to index
        %get3A_922 = arith.constant 32 : index
        %get3A_923 = tpu.vector_load %arg4[%get3A_919, %get3A_920, %get3A_921, %get3A_922] {strides = array<i32>} : memref<2x8x32x128xf32, #tpu.memory_space<vmem>>, vector<1x1x1x16xf32>,
        %get3A_924 = vector.shape_cast %get3A_923 : vector<1x1x1x16xf32> to vector<16xf32>
        %min3A_925 = arith.minimumf %min3A_916, %get3A_924 : vector<16xf32>
        %get3A_926 = arith.constant 0 : i32
        %get3A_927 = arith.constant 24 : i32
        %get3A_928 = arith.index_cast %get3A_926 : i32 to index
        %get3A_929 = arith.index_cast %scan3A_125 : i32 to index
        %get3A_930 = arith.index_cast %get3A_927 : i32 to index
        %get3A_931 = arith.constant 32 : index
        %get3A_932 = tpu.vector_load %arg4[%get3A_928, %get3A_929, %get3A_930, %get3A_931] {strides = array<i32>} : memref<2x8x32x128xf32, #tpu.memory_space<vmem>>, vector<1x1x1x16xf32>,
        %get3A_933 = vector.shape_cast %get3A_932 : vector<1x1x1x16xf32> to vector<16xf32>
        %min3A_934 = arith.minimumf %min3A_925, %get3A_933 : vector<16xf32>
        %get3A_935 = arith.constant 0 : i32
        %get3A_936 = arith.constant 25 : i32
        %get3A_937 = arith.index_cast %get3A_935 : i32 to index
        %get3A_938 = arith.index_cast %scan3A_125 : i32 to index
        %get3A_939 = arith.index_cast %get3A_936 : i32 to index
        %get3A_940 = arith.constant 32 : index
        %get3A_941 = tpu.vector_load %arg4[%get3A_937, %get3A_938, %get3A_939, %get3A_940] {strides = array<i32>} : memref<2x8x32x128xf32, #tpu.memory_space<vmem>>, vector<1x1x1x16xf32>,
        %get3A_942 = vector.shape_cast %get3A_941 : vector<1x1x1x16xf32> to vector<16xf32>
        %min3A_943 = arith.minimumf %min3A_934, %get3A_942 : vector<16xf32>
        %get3A_944 = arith.constant 0 : i32
        %get3A_945 = arith.constant 26 : i32
        %get3A_946 = arith.index_cast %get3A_944 : i32 to index
        %get3A_947 = arith.index_cast %scan3A_125 : i32 to index
        %get3A_948 = arith.index_cast %get3A_945 : i32 to index
        %get3A_949 = arith.constant 32 : index
        %get3A_950 = tpu.vector_load %arg4[%get3A_946, %get3A_947, %get3A_948, %get3A_949] {strides = array<i32>} : memref<2x8x32x128xf32, #tpu.memory_space<vmem>>, vector<1x1x1x16xf32>,
        %get3A_951 = vector.shape_cast %get3A_950 : vector<1x1x1x16xf32> to vector<16xf32>
        %min3A_952 = arith.minimumf %min3A_943, %get3A_951 : vector<16xf32>
        %get3A_953 = arith.constant 0 : i32
        %get3A_954 = arith.constant 27 : i32
        %get3A_955 = arith.index_cast %get3A_953 : i32 to index
        %get3A_956 = arith.index_cast %scan3A_125 : i32 to index
        %get3A_957 = arith.index_cast %get3A_954 : i32 to index
        %get3A_958 = arith.constant 32 : index
        %get3A_959 = tpu.vector_load %arg4[%get3A_955, %get3A_956, %get3A_957, %get3A_958] {strides = array<i32>} : memref<2x8x32x128xf32, #tpu.memory_space<vmem>>, vector<1x1x1x16xf32>,
        %get3A_960 = vector.shape_cast %get3A_959 : vector<1x1x1x16xf32> to vector<16xf32>
        %min3A_961 = arith.minimumf %min3A_952, %get3A_960 : vector<16xf32>
        %get3A_962 = arith.constant 0 : i32
        %get3A_963 = arith.constant 28 : i32
        %get3A_964 = arith.index_cast %get3A_962 : i32 to index
        %get3A_965 = arith.index_cast %scan3A_125 : i32 to index
        %get3A_966 = arith.index_cast %get3A_963 : i32 to index
        %get3A_967 = arith.constant 32 : index
        %get3A_968 = tpu.vector_load %arg4[%get3A_964, %get3A_965, %get3A_966, %get3A_967] {strides = array<i32>} : memref<2x8x32x128xf32, #tpu.memory_space<vmem>>, vector<1x1x1x16xf32>,
        %get3A_969 = vector.shape_cast %get3A_968 : vector<1x1x1x16xf32> to vector<16xf32>
        %min3A_970 = arith.minimumf %min3A_961, %get3A_969 : vector<16xf32>
        %get3A_971 = arith.constant 0 : i32
        %get3A_972 = arith.constant 29 : i32
        %get3A_973 = arith.index_cast %get3A_971 : i32 to index
        %get3A_974 = arith.index_cast %scan3A_125 : i32 to index
        %get3A_975 = arith.index_cast %get3A_972 : i32 to index
        %get3A_976 = arith.constant 32 : index
        %get3A_977 = tpu.vector_load %arg4[%get3A_973, %get3A_974, %get3A_975, %get3A_976] {strides = array<i32>} : memref<2x8x32x128xf32, #tpu.memory_space<vmem>>, vector<1x1x1x16xf32>,
        %get3A_978 = vector.shape_cast %get3A_977 : vector<1x1x1x16xf32> to vector<16xf32>
        %min3A_979 = arith.minimumf %min3A_970, %get3A_978 : vector<16xf32>
        %get3A_980 = arith.constant 0 : i32
        %get3A_981 = arith.constant 30 : i32
        %get3A_982 = arith.index_cast %get3A_980 : i32 to index
        %get3A_983 = arith.index_cast %scan3A_125 : i32 to index
        %get3A_984 = arith.index_cast %get3A_981 : i32 to index
        %get3A_985 = arith.constant 32 : index
        %get3A_986 = tpu.vector_load %arg4[%get3A_982, %get3A_983, %get3A_984, %get3A_985] {strides = array<i32>} : memref<2x8x32x128xf32, #tpu.memory_space<vmem>>, vector<1x1x1x16xf32>,
        %get3A_987 = vector.shape_cast %get3A_986 : vector<1x1x1x16xf32> to vector<16xf32>
        %min3A_988 = arith.minimumf %min3A_979, %get3A_987 : vector<16xf32>
        %get3A_989 = arith.constant 0 : i32
        %get3A_990 = arith.constant 31 : i32
        %get3A_991 = arith.index_cast %get3A_989 : i32 to index
        %get3A_992 = arith.index_cast %scan3A_125 : i32 to index
        %get3A_993 = arith.index_cast %get3A_990 : i32 to index
        %get3A_994 = arith.constant 32 : index
        %get3A_995 = tpu.vector_load %arg4[%get3A_991, %get3A_992, %get3A_993, %get3A_994] {strides = array<i32>} : memref<2x8x32x128xf32, #tpu.memory_space<vmem>>, vector<1x1x1x16xf32>,
        %get3A_996 = vector.shape_cast %get3A_995 : vector<1x1x1x16xf32> to vector<16xf32>
        %min3A_997 = arith.minimumf %min3A_988, %get3A_996 : vector<16xf32>
        %swap3A_998 = arith.constant 0 : i32
        %swap3A_999 = arith.index_cast %swap3A_998 : i32 to index
        %swap3A_1000 = arith.index_cast %scan3A_125 : i32 to index
        %swap3A_1001 = arith.constant 32 : index
        %swap3A_1002 = tpu.vector_load %arg5[%swap3A_999, %swap3A_1000, %swap3A_1001] {strides = array<i32>} : memref<2x8x128xf32, #tpu.memory_space<vmem>>, vector<1x1x16xf32>,
        %swap3A_1003 = vector.shape_cast %swap3A_1002 : vector<1x1x16xf32> to vector<16xf32>
        %swap3A_1004 = vector.shape_cast %min3A_997 : vector<16xf32> to vector<1x1x16xf32>
        tpu.vector_store %arg5[%swap3A_999, %swap3A_1000, %swap3A_1001], %swap3A_1004 {strides = array<i32>} : memref<2x8x128xf32, #tpu.memory_space<vmem>>, vector<1x1x16xf32>,
        %get3A_1005 = arith.constant 0 : i32
        %get3A_1006 = arith.constant 0 : i32
        %get3A_1007 = arith.index_cast %get3A_1005 : i32 to index
        %get3A_1008 = arith.index_cast %scan3A_125 : i32 to index
        %get3A_1009 = arith.index_cast %get3A_1006 : i32 to index
        %get3A_1010 = arith.constant 48 : index
        %get3A_1011 = tpu.vector_load %arg4[%get3A_1007, %get3A_1008, %get3A_1009, %get3A_1010] {strides = array<i32>} : memref<2x8x32x128xf32, #tpu.memory_space<vmem>>, vector<1x1x1x16xf32>,
        %get3A_1012 = vector.shape_cast %get3A_1011 : vector<1x1x1x16xf32> to vector<16xf32>
        %get3A_1013 = arith.constant 0 : i32
        %get3A_1014 = arith.constant 1 : i32
        %get3A_1015 = arith.index_cast %get3A_1013 : i32 to index
        %get3A_1016 = arith.index_cast %scan3A_125 : i32 to index
        %get3A_1017 = arith.index_cast %get3A_1014 : i32 to index
        %get3A_1018 = arith.constant 48 : index
        %get3A_1019 = tpu.vector_load %arg4[%get3A_1015, %get3A_1016, %get3A_1017, %get3A_1018] {strides = array<i32>} : memref<2x8x32x128xf32, #tpu.memory_space<vmem>>, vector<1x1x1x16xf32>,
        %get3A_1020 = vector.shape_cast %get3A_1019 : vector<1x1x1x16xf32> to vector<16xf32>
        %min3A_1021 = arith.minimumf %get3A_1012, %get3A_1020 : vector<16xf32>
        %get3A_1022 = arith.constant 0 : i32
        %get3A_1023 = arith.constant 2 : i32
        %get3A_1024 = arith.index_cast %get3A_1022 : i32 to index
        %get3A_1025 = arith.index_cast %scan3A_125 : i32 to index
        %get3A_1026 = arith.index_cast %get3A_1023 : i32 to index
        %get3A_1027 = arith.constant 48 : index
        %get3A_1028 = tpu.vector_load %arg4[%get3A_1024, %get3A_1025, %get3A_1026, %get3A_1027] {strides = array<i32>} : memref<2x8x32x128xf32, #tpu.memory_space<vmem>>, vector<1x1x1x16xf32>,
        %get3A_1029 = vector.shape_cast %get3A_1028 : vector<1x1x1x16xf32> to vector<16xf32>
        %min3A_1030 = arith.minimumf %min3A_1021, %get3A_1029 : vector<16xf32>
        %get3A_1031 = arith.constant 0 : i32
        %get3A_1032 = arith.constant 3 : i32
        %get3A_1033 = arith.index_cast %get3A_1031 : i32 to index
        %get3A_1034 = arith.index_cast %scan3A_125 : i32 to index
        %get3A_1035 = arith.index_cast %get3A_1032 : i32 to index
        %get3A_1036 = arith.constant 48 : index
        %get3A_1037 = tpu.vector_load %arg4[%get3A_1033, %get3A_1034, %get3A_1035, %get3A_1036] {strides = array<i32>} : memref<2x8x32x128xf32, #tpu.memory_space<vmem>>, vector<1x1x1x16xf32>,
        %get3A_1038 = vector.shape_cast %get3A_1037 : vector<1x1x1x16xf32> to vector<16xf32>
        %min3A_1039 = arith.minimumf %min3A_1030, %get3A_1038 : vector<16xf32>
        %get3A_1040 = arith.constant 0 : i32
        %get3A_1041 = arith.constant 4 : i32
        %get3A_1042 = arith.index_cast %get3A_1040 : i32 to index
        %get3A_1043 = arith.index_cast %scan3A_125 : i32 to index
        %get3A_1044 = arith.index_cast %get3A_1041 : i32 to index
        %get3A_1045 = arith.constant 48 : index
        %get3A_1046 = tpu.vector_load %arg4[%get3A_1042, %get3A_1043, %get3A_1044, %get3A_1045] {strides = array<i32>} : memref<2x8x32x128xf32, #tpu.memory_space<vmem>>, vector<1x1x1x16xf32>,
        %get3A_1047 = vector.shape_cast %get3A_1046 : vector<1x1x1x16xf32> to vector<16xf32>
        %min3A_1048 = arith.minimumf %min3A_1039, %get3A_1047 : vector<16xf32>
        %get3A_1049 = arith.constant 0 : i32
        %get3A_1050 = arith.constant 5 : i32
        %get3A_1051 = arith.index_cast %get3A_1049 : i32 to index
        %get3A_1052 = arith.index_cast %scan3A_125 : i32 to index
        %get3A_1053 = arith.index_cast %get3A_1050 : i32 to index
        %get3A_1054 = arith.constant 48 : index
        %get3A_1055 = tpu.vector_load %arg4[%get3A_1051, %get3A_1052, %get3A_1053, %get3A_1054] {strides = array<i32>} : memref<2x8x32x128xf32, #tpu.memory_space<vmem>>, vector<1x1x1x16xf32>,
        %get3A_1056 = vector.shape_cast %get3A_1055 : vector<1x1x1x16xf32> to vector<16xf32>
        %min3A_1057 = arith.minimumf %min3A_1048, %get3A_1056 : vector<16xf32>
        %get3A_1058 = arith.constant 0 : i32
        %get3A_1059 = arith.constant 6 : i32
        %get3A_1060 = arith.index_cast %get3A_1058 : i32 to index
        %get3A_1061 = arith.index_cast %scan3A_125 : i32 to index
        %get3A_1062 = arith.index_cast %get3A_1059 : i32 to index
        %get3A_1063 = arith.constant 48 : index
        %get3A_1064 = tpu.vector_load %arg4[%get3A_1060, %get3A_1061, %get3A_1062, %get3A_1063] {strides = array<i32>} : memref<2x8x32x128xf32, #tpu.memory_space<vmem>>, vector<1x1x1x16xf32>,
        %get3A_1065 = vector.shape_cast %get3A_1064 : vector<1x1x1x16xf32> to vector<16xf32>
        %min3A_1066 = arith.minimumf %min3A_1057, %get3A_1065 : vector<16xf32>
        %get3A_1067 = arith.constant 0 : i32
        %get3A_1068 = arith.constant 7 : i32
        %get3A_1069 = arith.index_cast %get3A_1067 : i32 to index
        %get3A_1070 = arith.index_cast %scan3A_125 : i32 to index
        %get3A_1071 = arith.index_cast %get3A_1068 : i32 to index
        %get3A_1072 = arith.constant 48 : index
        %get3A_1073 = tpu.vector_load %arg4[%get3A_1069, %get3A_1070, %get3A_1071, %get3A_1072] {strides = array<i32>} : memref<2x8x32x128xf32, #tpu.memory_space<vmem>>, vector<1x1x1x16xf32>,
        %get3A_1074 = vector.shape_cast %get3A_1073 : vector<1x1x1x16xf32> to vector<16xf32>
        %min3A_1075 = arith.minimumf %min3A_1066, %get3A_1074 : vector<16xf32>
        %get3A_1076 = arith.constant 0 : i32
        %get3A_1077 = arith.constant 8 : i32
        %get3A_1078 = arith.index_cast %get3A_1076 : i32 to index
        %get3A_1079 = arith.index_cast %scan3A_125 : i32 to index
        %get3A_1080 = arith.index_cast %get3A_1077 : i32 to index
        %get3A_1081 = arith.constant 48 : index
        %get3A_1082 = tpu.vector_load %arg4[%get3A_1078, %get3A_1079, %get3A_1080, %get3A_1081] {strides = array<i32>} : memref<2x8x32x128xf32, #tpu.memory_space<vmem>>, vector<1x1x1x16xf32>,
        %get3A_1083 = vector.shape_cast %get3A_1082 : vector<1x1x1x16xf32> to vector<16xf32>
        %min3A_1084 = arith.minimumf %min3A_1075, %get3A_1083 : vector<16xf32>
        %get3A_1085 = arith.constant 0 : i32
        %get3A_1086 = arith.constant 9 : i32
        %get3A_1087 = arith.index_cast %get3A_1085 : i32 to index
        %get3A_1088 = arith.index_cast %scan3A_125 : i32 to index
        %get3A_1089 = arith.index_cast %get3A_1086 : i32 to index
        %get3A_1090 = arith.constant 48 : index
        %get3A_1091 = tpu.vector_load %arg4[%get3A_1087, %get3A_1088, %get3A_1089, %get3A_1090] {strides = array<i32>} : memref<2x8x32x128xf32, #tpu.memory_space<vmem>>, vector<1x1x1x16xf32>,
        %get3A_1092 = vector.shape_cast %get3A_1091 : vector<1x1x1x16xf32> to vector<16xf32>
        %min3A_1093 = arith.minimumf %min3A_1084, %get3A_1092 : vector<16xf32>
        %get3A_1094 = arith.constant 0 : i32
        %get3A_1095 = arith.constant 10 : i32
        %get3A_1096 = arith.index_cast %get3A_1094 : i32 to index
        %get3A_1097 = arith.index_cast %scan3A_125 : i32 to index
        %get3A_1098 = arith.index_cast %get3A_1095 : i32 to index
        %get3A_1099 = arith.constant 48 : index
        %get3A_1100 = tpu.vector_load %arg4[%get3A_1096, %get3A_1097, %get3A_1098, %get3A_1099] {strides = array<i32>} : memref<2x8x32x128xf32, #tpu.memory_space<vmem>>, vector<1x1x1x16xf32>,
        %get3A_1101 = vector.shape_cast %get3A_1100 : vector<1x1x1x16xf32> to vector<16xf32>
        %min3A_1102 = arith.minimumf %min3A_1093, %get3A_1101 : vector<16xf32>
        %get3A_1103 = arith.constant 0 : i32
        %get3A_1104 = arith.constant 11 : i32
        %get3A_1105 = arith.index_cast %get3A_1103 : i32 to index
        %get3A_1106 = arith.index_cast %scan3A_125 : i32 to index
        %get3A_1107 = arith.index_cast %get3A_1104 : i32 to index
        %get3A_1108 = arith.constant 48 : index
        %get3A_1109 = tpu.vector_load %arg4[%get3A_1105, %get3A_1106, %get3A_1107, %get3A_1108] {strides = array<i32>} : memref<2x8x32x128xf32, #tpu.memory_space<vmem>>, vector<1x1x1x16xf32>,
        %get3A_1110 = vector.shape_cast %get3A_1109 : vector<1x1x1x16xf32> to vector<16xf32>
        %min3A_1111 = arith.minimumf %min3A_1102, %get3A_1110 : vector<16xf32>
        %get3A_1112 = arith.constant 0 : i32
        %get3A_1113 = arith.constant 12 : i32
        %get3A_1114 = arith.index_cast %get3A_1112 : i32 to index
        %get3A_1115 = arith.index_cast %scan3A_125 : i32 to index
        %get3A_1116 = arith.index_cast %get3A_1113 : i32 to index
        %get3A_1117 = arith.constant 48 : index
        %get3A_1118 = tpu.vector_load %arg4[%get3A_1114, %get3A_1115, %get3A_1116, %get3A_1117] {strides = array<i32>} : memref<2x8x32x128xf32, #tpu.memory_space<vmem>>, vector<1x1x1x16xf32>,
        %get3A_1119 = vector.shape_cast %get3A_1118 : vector<1x1x1x16xf32> to vector<16xf32>
        %min3A_1120 = arith.minimumf %min3A_1111, %get3A_1119 : vector<16xf32>
        %get3A_1121 = arith.constant 0 : i32
        %get3A_1122 = arith.constant 13 : i32
        %get3A_1123 = arith.index_cast %get3A_1121 : i32 to index
        %get3A_1124 = arith.index_cast %scan3A_125 : i32 to index
        %get3A_1125 = arith.index_cast %get3A_1122 : i32 to index
        %get3A_1126 = arith.constant 48 : index
        %get3A_1127 = tpu.vector_load %arg4[%get3A_1123, %get3A_1124, %get3A_1125, %get3A_1126] {strides = array<i32>} : memref<2x8x32x128xf32, #tpu.memory_space<vmem>>, vector<1x1x1x16xf32>,
        %get3A_1128 = vector.shape_cast %get3A_1127 : vector<1x1x1x16xf32> to vector<16xf32>
        %min3A_1129 = arith.minimumf %min3A_1120, %get3A_1128 : vector<16xf32>
        %get3A_1130 = arith.constant 0 : i32
        %get3A_1131 = arith.constant 14 : i32
        %get3A_1132 = arith.index_cast %get3A_1130 : i32 to index
        %get3A_1133 = arith.index_cast %scan3A_125 : i32 to index
        %get3A_1134 = arith.index_cast %get3A_1131 : i32 to index
        %get3A_1135 = arith.constant 48 : index
        %get3A_1136 = tpu.vector_load %arg4[%get3A_1132, %get3A_1133, %get3A_1134, %get3A_1135] {strides = array<i32>} : memref<2x8x32x128xf32, #tpu.memory_space<vmem>>, vector<1x1x1x16xf32>,
        %get3A_1137 = vector.shape_cast %get3A_1136 : vector<1x1x1x16xf32> to vector<16xf32>
        %min3A_1138 = arith.minimumf %min3A_1129, %get3A_1137 : vector<16xf32>
        %get3A_1139 = arith.constant 0 : i32
        %get3A_1140 = arith.constant 15 : i32
        %get3A_1141 = arith.index_cast %get3A_1139 : i32 to index
        %get3A_1142 = arith.index_cast %scan3A_125 : i32 to index
        %get3A_1143 = arith.index_cast %get3A_1140 : i32 to index
        %get3A_1144 = arith.constant 48 : index
        %get3A_1145 = tpu.vector_load %arg4[%get3A_1141, %get3A_1142, %get3A_1143, %get3A_1144] {strides = array<i32>} : memref<2x8x32x128xf32, #tpu.memory_space<vmem>>, vector<1x1x1x16xf32>,
        %get3A_1146 = vector.shape_cast %get3A_1145 : vector<1x1x1x16xf32> to vector<16xf32>
        %min3A_1147 = arith.minimumf %min3A_1138, %get3A_1146 : vector<16xf32>
        %get3A_1148 = arith.constant 0 : i32
        %get3A_1149 = arith.constant 16 : i32
        %get3A_1150 = arith.index_cast %get3A_1148 : i32 to index
        %get3A_1151 = arith.index_cast %scan3A_125 : i32 to index
        %get3A_1152 = arith.index_cast %get3A_1149 : i32 to index
        %get3A_1153 = arith.constant 48 : index
        %get3A_1154 = tpu.vector_load %arg4[%get3A_1150, %get3A_1151, %get3A_1152, %get3A_1153] {strides = array<i32>} : memref<2x8x32x128xf32, #tpu.memory_space<vmem>>, vector<1x1x1x16xf32>,
        %get3A_1155 = vector.shape_cast %get3A_1154 : vector<1x1x1x16xf32> to vector<16xf32>
        %min3A_1156 = arith.minimumf %min3A_1147, %get3A_1155 : vector<16xf32>
        %get3A_1157 = arith.constant 0 : i32
        %get3A_1158 = arith.constant 17 : i32
        %get3A_1159 = arith.index_cast %get3A_1157 : i32 to index
        %get3A_1160 = arith.index_cast %scan3A_125 : i32 to index
        %get3A_1161 = arith.index_cast %get3A_1158 : i32 to index
        %get3A_1162 = arith.constant 48 : index
        %get3A_1163 = tpu.vector_load %arg4[%get3A_1159, %get3A_1160, %get3A_1161, %get3A_1162] {strides = array<i32>} : memref<2x8x32x128xf32, #tpu.memory_space<vmem>>, vector<1x1x1x16xf32>,
        %get3A_1164 = vector.shape_cast %get3A_1163 : vector<1x1x1x16xf32> to vector<16xf32>
        %min3A_1165 = arith.minimumf %min3A_1156, %get3A_1164 : vector<16xf32>
        %get3A_1166 = arith.constant 0 : i32
        %get3A_1167 = arith.constant 18 : i32
        %get3A_1168 = arith.index_cast %get3A_1166 : i32 to index
        %get3A_1169 = arith.index_cast %scan3A_125 : i32 to index
        %get3A_1170 = arith.index_cast %get3A_1167 : i32 to index
        %get3A_1171 = arith.constant 48 : index
        %get3A_1172 = tpu.vector_load %arg4[%get3A_1168, %get3A_1169, %get3A_1170, %get3A_1171] {strides = array<i32>} : memref<2x8x32x128xf32, #tpu.memory_space<vmem>>, vector<1x1x1x16xf32>,
        %get3A_1173 = vector.shape_cast %get3A_1172 : vector<1x1x1x16xf32> to vector<16xf32>
        %min3A_1174 = arith.minimumf %min3A_1165, %get3A_1173 : vector<16xf32>
        %get3A_1175 = arith.constant 0 : i32
        %get3A_1176 = arith.constant 19 : i32
        %get3A_1177 = arith.index_cast %get3A_1175 : i32 to index
        %get3A_1178 = arith.index_cast %scan3A_125 : i32 to index
        %get3A_1179 = arith.index_cast %get3A_1176 : i32 to index
        %get3A_1180 = arith.constant 48 : index
        %get3A_1181 = tpu.vector_load %arg4[%get3A_1177, %get3A_1178, %get3A_1179, %get3A_1180] {strides = array<i32>} : memref<2x8x32x128xf32, #tpu.memory_space<vmem>>, vector<1x1x1x16xf32>,
        %get3A_1182 = vector.shape_cast %get3A_1181 : vector<1x1x1x16xf32> to vector<16xf32>
        %min3A_1183 = arith.minimumf %min3A_1174, %get3A_1182 : vector<16xf32>
        %get3A_1184 = arith.constant 0 : i32
        %get3A_1185 = arith.constant 20 : i32
        %get3A_1186 = arith.index_cast %get3A_1184 : i32 to index
        %get3A_1187 = arith.index_cast %scan3A_125 : i32 to index
        %get3A_1188 = arith.index_cast %get3A_1185 : i32 to index
        %get3A_1189 = arith.constant 48 : index
        %get3A_1190 = tpu.vector_load %arg4[%get3A_1186, %get3A_1187, %get3A_1188, %get3A_1189] {strides = array<i32>} : memref<2x8x32x128xf32, #tpu.memory_space<vmem>>, vector<1x1x1x16xf32>,
        %get3A_1191 = vector.shape_cast %get3A_1190 : vector<1x1x1x16xf32> to vector<16xf32>
        %min3A_1192 = arith.minimumf %min3A_1183, %get3A_1191 : vector<16xf32>
        %get3A_1193 = arith.constant 0 : i32
        %get3A_1194 = arith.constant 21 : i32
        %get3A_1195 = arith.index_cast %get3A_1193 : i32 to index
        %get3A_1196 = arith.index_cast %scan3A_125 : i32 to index
        %get3A_1197 = arith.index_cast %get3A_1194 : i32 to index
        %get3A_1198 = arith.constant 48 : index
        %get3A_1199 = tpu.vector_load %arg4[%get3A_1195, %get3A_1196, %get3A_1197, %get3A_1198] {strides = array<i32>} : memref<2x8x32x128xf32, #tpu.memory_space<vmem>>, vector<1x1x1x16xf32>,
        %get3A_1200 = vector.shape_cast %get3A_1199 : vector<1x1x1x16xf32> to vector<16xf32>
        %min3A_1201 = arith.minimumf %min3A_1192, %get3A_1200 : vector<16xf32>
        %get3A_1202 = arith.constant 0 : i32
        %get3A_1203 = arith.constant 22 : i32
        %get3A_1204 = arith.index_cast %get3A_1202 : i32 to index
        %get3A_1205 = arith.index_cast %scan3A_125 : i32 to index
        %get3A_1206 = arith.index_cast %get3A_1203 : i32 to index
        %get3A_1207 = arith.constant 48 : index
        %get3A_1208 = tpu.vector_load %arg4[%get3A_1204, %get3A_1205, %get3A_1206, %get3A_1207] {strides = array<i32>} : memref<2x8x32x128xf32, #tpu.memory_space<vmem>>, vector<1x1x1x16xf32>,
        %get3A_1209 = vector.shape_cast %get3A_1208 : vector<1x1x1x16xf32> to vector<16xf32>
        %min3A_1210 = arith.minimumf %min3A_1201, %get3A_1209 : vector<16xf32>
        %get3A_1211 = arith.constant 0 : i32
        %get3A_1212 = arith.constant 23 : i32
        %get3A_1213 = arith.index_cast %get3A_1211 : i32 to index
        %get3A_1214 = arith.index_cast %scan3A_125 : i32 to index
        %get3A_1215 = arith.index_cast %get3A_1212 : i32 to index
        %get3A_1216 = arith.constant 48 : index
        %get3A_1217 = tpu.vector_load %arg4[%get3A_1213, %get3A_1214, %get3A_1215, %get3A_1216] {strides = array<i32>} : memref<2x8x32x128xf32, #tpu.memory_space<vmem>>, vector<1x1x1x16xf32>,
        %get3A_1218 = vector.shape_cast %get3A_1217 : vector<1x1x1x16xf32> to vector<16xf32>
        %min3A_1219 = arith.minimumf %min3A_1210, %get3A_1218 : vector<16xf32>
        %get3A_1220 = arith.constant 0 : i32
        %get3A_1221 = arith.constant 24 : i32
        %get3A_1222 = arith.index_cast %get3A_1220 : i32 to index
        %get3A_1223 = arith.index_cast %scan3A_125 : i32 to index
        %get3A_1224 = arith.index_cast %get3A_1221 : i32 to index
        %get3A_1225 = arith.constant 48 : index
        %get3A_1226 = tpu.vector_load %arg4[%get3A_1222, %get3A_1223, %get3A_1224, %get3A_1225] {strides = array<i32>} : memref<2x8x32x128xf32, #tpu.memory_space<vmem>>, vector<1x1x1x16xf32>,
        %get3A_1227 = vector.shape_cast %get3A_1226 : vector<1x1x1x16xf32> to vector<16xf32>
        %min3A_1228 = arith.minimumf %min3A_1219, %get3A_1227 : vector<16xf32>
        %get3A_1229 = arith.constant 0 : i32
        %get3A_1230 = arith.constant 25 : i32
        %get3A_1231 = arith.index_cast %get3A_1229 : i32 to index
        %get3A_1232 = arith.index_cast %scan3A_125 : i32 to index
        %get3A_1233 = arith.index_cast %get3A_1230 : i32 to index
        %get3A_1234 = arith.constant 48 : index
        %get3A_1235 = tpu.vector_load %arg4[%get3A_1231, %get3A_1232, %get3A_1233, %get3A_1234] {strides = array<i32>} : memref<2x8x32x128xf32, #tpu.memory_space<vmem>>, vector<1x1x1x16xf32>,
        %get3A_1236 = vector.shape_cast %get3A_1235 : vector<1x1x1x16xf32> to vector<16xf32>
        %min3A_1237 = arith.minimumf %min3A_1228, %get3A_1236 : vector<16xf32>
        %get3A_1238 = arith.constant 0 : i32
        %get3A_1239 = arith.constant 26 : i32
        %get3A_1240 = arith.index_cast %get3A_1238 : i32 to index
        %get3A_1241 = arith.index_cast %scan3A_125 : i32 to index
        %get3A_1242 = arith.index_cast %get3A_1239 : i32 to index
        %get3A_1243 = arith.constant 48 : index
        %get3A_1244 = tpu.vector_load %arg4[%get3A_1240, %get3A_1241, %get3A_1242, %get3A_1243] {strides = array<i32>} : memref<2x8x32x128xf32, #tpu.memory_space<vmem>>, vector<1x1x1x16xf32>,
        %get3A_1245 = vector.shape_cast %get3A_1244 : vector<1x1x1x16xf32> to vector<16xf32>
        %min3A_1246 = arith.minimumf %min3A_1237, %get3A_1245 : vector<16xf32>
        %get3A_1247 = arith.constant 0 : i32
        %get3A_1248 = arith.constant 27 : i32
        %get3A_1249 = arith.index_cast %get3A_1247 : i32 to index
        %get3A_1250 = arith.index_cast %scan3A_125 : i32 to index
        %get3A_1251 = arith.index_cast %get3A_1248 : i32 to index
        %get3A_1252 = arith.constant 48 : index
        %get3A_1253 = tpu.vector_load %arg4[%get3A_1249, %get3A_1250, %get3A_1251, %get3A_1252] {strides = array<i32>} : memref<2x8x32x128xf32, #tpu.memory_space<vmem>>, vector<1x1x1x16xf32>,
        %get3A_1254 = vector.shape_cast %get3A_1253 : vector<1x1x1x16xf32> to vector<16xf32>
        %min3A_1255 = arith.minimumf %min3A_1246, %get3A_1254 : vector<16xf32>
        %get3A_1256 = arith.constant 0 : i32
        %get3A_1257 = arith.constant 28 : i32
        %get3A_1258 = arith.index_cast %get3A_1256 : i32 to index
        %get3A_1259 = arith.index_cast %scan3A_125 : i32 to index
        %get3A_1260 = arith.index_cast %get3A_1257 : i32 to index
        %get3A_1261 = arith.constant 48 : index
        %get3A_1262 = tpu.vector_load %arg4[%get3A_1258, %get3A_1259, %get3A_1260, %get3A_1261] {strides = array<i32>} : memref<2x8x32x128xf32, #tpu.memory_space<vmem>>, vector<1x1x1x16xf32>,
        %get3A_1263 = vector.shape_cast %get3A_1262 : vector<1x1x1x16xf32> to vector<16xf32>
        %min3A_1264 = arith.minimumf %min3A_1255, %get3A_1263 : vector<16xf32>
        %get3A_1265 = arith.constant 0 : i32
        %get3A_1266 = arith.constant 29 : i32
        %get3A_1267 = arith.index_cast %get3A_1265 : i32 to index
        %get3A_1268 = arith.index_cast %scan3A_125 : i32 to index
        %get3A_1269 = arith.index_cast %get3A_1266 : i32 to index
        %get3A_1270 = arith.constant 48 : index
        %get3A_1271 = tpu.vector_load %arg4[%get3A_1267, %get3A_1268, %get3A_1269, %get3A_1270] {strides = array<i32>} : memref<2x8x32x128xf32, #tpu.memory_space<vmem>>, vector<1x1x1x16xf32>,
        %get3A_1272 = vector.shape_cast %get3A_1271 : vector<1x1x1x16xf32> to vector<16xf32>
        %min3A_1273 = arith.minimumf %min3A_1264, %get3A_1272 : vector<16xf32>
        %get3A_1274 = arith.constant 0 : i32
        %get3A_1275 = arith.constant 30 : i32
        %get3A_1276 = arith.index_cast %get3A_1274 : i32 to index
        %get3A_1277 = arith.index_cast %scan3A_125 : i32 to index
        %get3A_1278 = arith.index_cast %get3A_1275 : i32 to index
        %get3A_1279 = arith.constant 48 : index
        %get3A_1280 = tpu.vector_load %arg4[%get3A_1276, %get3A_1277, %get3A_1278, %get3A_1279] {strides = array<i32>} : memref<2x8x32x128xf32, #tpu.memory_space<vmem>>, vector<1x1x1x16xf32>,
        %get3A_1281 = vector.shape_cast %get3A_1280 : vector<1x1x1x16xf32> to vector<16xf32>
        %min3A_1282 = arith.minimumf %min3A_1273, %get3A_1281 : vector<16xf32>
        %get3A_1283 = arith.constant 0 : i32
        %get3A_1284 = arith.constant 31 : i32
        %get3A_1285 = arith.index_cast %get3A_1283 : i32 to index
        %get3A_1286 = arith.index_cast %scan3A_125 : i32 to index
        %get3A_1287 = arith.index_cast %get3A_1284 : i32 to index
        %get3A_1288 = arith.constant 48 : index
        %get3A_1289 = tpu.vector_load %arg4[%get3A_1285, %get3A_1286, %get3A_1287, %get3A_1288] {strides = array<i32>} : memref<2x8x32x128xf32, #tpu.memory_space<vmem>>, vector<1x1x1x16xf32>,
        %get3A_1290 = vector.shape_cast %get3A_1289 : vector<1x1x1x16xf32> to vector<16xf32>
        %min3A_1291 = arith.minimumf %min3A_1282, %get3A_1290 : vector<16xf32>
        %swap3A_1292 = arith.constant 0 : i32
        %swap3A_1293 = arith.index_cast %swap3A_1292 : i32 to index
        %swap3A_1294 = arith.index_cast %scan3A_125 : i32 to index
        %swap3A_1295 = arith.constant 48 : index
        %swap3A_1296 = tpu.vector_load %arg5[%swap3A_1293, %swap3A_1294, %swap3A_1295] {strides = array<i32>} : memref<2x8x128xf32, #tpu.memory_space<vmem>>, vector<1x1x16xf32>,
        %swap3A_1297 = vector.shape_cast %swap3A_1296 : vector<1x1x16xf32> to vector<16xf32>
        %swap3A_1298 = vector.shape_cast %min3A_1291 : vector<16xf32> to vector<1x1x16xf32>
        tpu.vector_store %arg5[%swap3A_1293, %swap3A_1294, %swap3A_1295], %swap3A_1298 {strides = array<i32>} : memref<2x8x128xf32, #tpu.memory_space<vmem>>, vector<1x1x16xf32>,
        %get3A_1299 = arith.constant 0 : i32
        %get3A_1300 = arith.constant 0 : i32
        %get3A_1301 = arith.index_cast %get3A_1299 : i32 to index
        %get3A_1302 = arith.index_cast %scan3A_125 : i32 to index
        %get3A_1303 = arith.index_cast %get3A_1300 : i32 to index
        %get3A_1304 = arith.constant 64 : index
        %get3A_1305 = tpu.vector_load %arg4[%get3A_1301, %get3A_1302, %get3A_1303, %get3A_1304] {strides = array<i32>} : memref<2x8x32x128xf32, #tpu.memory_space<vmem>>, vector<1x1x1x16xf32>,
        %get3A_1306 = vector.shape_cast %get3A_1305 : vector<1x1x1x16xf32> to vector<16xf32>
        %get3A_1307 = arith.constant 0 : i32
        %get3A_1308 = arith.constant 1 : i32
        %get3A_1309 = arith.index_cast %get3A_1307 : i32 to index
        %get3A_1310 = arith.index_cast %scan3A_125 : i32 to index
        %get3A_1311 = arith.index_cast %get3A_1308 : i32 to index
        %get3A_1312 = arith.constant 64 : index
        %get3A_1313 = tpu.vector_load %arg4[%get3A_1309, %get3A_1310, %get3A_1311, %get3A_1312] {strides = array<i32>} : memref<2x8x32x128xf32, #tpu.memory_space<vmem>>, vector<1x1x1x16xf32>,
        %get3A_1314 = vector.shape_cast %get3A_1313 : vector<1x1x1x16xf32> to vector<16xf32>
        %min3A_1315 = arith.minimumf %get3A_1306, %get3A_1314 : vector<16xf32>
        %get3A_1316 = arith.constant 0 : i32
        %get3A_1317 = arith.constant 2 : i32
        %get3A_1318 = arith.index_cast %get3A_1316 : i32 to index
        %get3A_1319 = arith.index_cast %scan3A_125 : i32 to index
        %get3A_1320 = arith.index_cast %get3A_1317 : i32 to index
        %get3A_1321 = arith.constant 64 : index
        %get3A_1322 = tpu.vector_load %arg4[%get3A_1318, %get3A_1319, %get3A_1320, %get3A_1321] {strides = array<i32>} : memref<2x8x32x128xf32, #tpu.memory_space<vmem>>, vector<1x1x1x16xf32>,
        %get3A_1323 = vector.shape_cast %get3A_1322 : vector<1x1x1x16xf32> to vector<16xf32>
        %min3A_1324 = arith.minimumf %min3A_1315, %get3A_1323 : vector<16xf32>
        %get3A_1325 = arith.constant 0 : i32
        %get3A_1326 = arith.constant 3 : i32
        %get3A_1327 = arith.index_cast %get3A_1325 : i32 to index
        %get3A_1328 = arith.index_cast %scan3A_125 : i32 to index
        %get3A_1329 = arith.index_cast %get3A_1326 : i32 to index
        %get3A_1330 = arith.constant 64 : index
        %get3A_1331 = tpu.vector_load %arg4[%get3A_1327, %get3A_1328, %get3A_1329, %get3A_1330] {strides = array<i32>} : memref<2x8x32x128xf32, #tpu.memory_space<vmem>>, vector<1x1x1x16xf32>,
        %get3A_1332 = vector.shape_cast %get3A_1331 : vector<1x1x1x16xf32> to vector<16xf32>
        %min3A_1333 = arith.minimumf %min3A_1324, %get3A_1332 : vector<16xf32>
        %get3A_1334 = arith.constant 0 : i32
        %get3A_1335 = arith.constant 4 : i32
        %get3A_1336 = arith.index_cast %get3A_1334 : i32 to index
        %get3A_1337 = arith.index_cast %scan3A_125 : i32 to index
        %get3A_1338 = arith.index_cast %get3A_1335 : i32 to index
        %get3A_1339 = arith.constant 64 : index
        %get3A_1340 = tpu.vector_load %arg4[%get3A_1336, %get3A_1337, %get3A_1338, %get3A_1339] {strides = array<i32>} : memref<2x8x32x128xf32, #tpu.memory_space<vmem>>, vector<1x1x1x16xf32>,
        %get3A_1341 = vector.shape_cast %get3A_1340 : vector<1x1x1x16xf32> to vector<16xf32>
        %min3A_1342 = arith.minimumf %min3A_1333, %get3A_1341 : vector<16xf32>
        %get3A_1343 = arith.constant 0 : i32
        %get3A_1344 = arith.constant 5 : i32
        %get3A_1345 = arith.index_cast %get3A_1343 : i32 to index
        %get3A_1346 = arith.index_cast %scan3A_125 : i32 to index
        %get3A_1347 = arith.index_cast %get3A_1344 : i32 to index
        %get3A_1348 = arith.constant 64 : index
        %get3A_1349 = tpu.vector_load %arg4[%get3A_1345, %get3A_1346, %get3A_1347, %get3A_1348] {strides = array<i32>} : memref<2x8x32x128xf32, #tpu.memory_space<vmem>>, vector<1x1x1x16xf32>,
        %get3A_1350 = vector.shape_cast %get3A_1349 : vector<1x1x1x16xf32> to vector<16xf32>
        %min3A_1351 = arith.minimumf %min3A_1342, %get3A_1350 : vector<16xf32>
        %get3A_1352 = arith.constant 0 : i32
        %get3A_1353 = arith.constant 6 : i32
        %get3A_1354 = arith.index_cast %get3A_1352 : i32 to index
        %get3A_1355 = arith.index_cast %scan3A_125 : i32 to index
        %get3A_1356 = arith.index_cast %get3A_1353 : i32 to index
        %get3A_1357 = arith.constant 64 : index
        %get3A_1358 = tpu.vector_load %arg4[%get3A_1354, %get3A_1355, %get3A_1356, %get3A_1357] {strides = array<i32>} : memref<2x8x32x128xf32, #tpu.memory_space<vmem>>, vector<1x1x1x16xf32>,
        %get3A_1359 = vector.shape_cast %get3A_1358 : vector<1x1x1x16xf32> to vector<16xf32>
        %min3A_1360 = arith.minimumf %min3A_1351, %get3A_1359 : vector<16xf32>
        %get3A_1361 = arith.constant 0 : i32
        %get3A_1362 = arith.constant 7 : i32
        %get3A_1363 = arith.index_cast %get3A_1361 : i32 to index
        %get3A_1364 = arith.index_cast %scan3A_125 : i32 to index
        %get3A_1365 = arith.index_cast %get3A_1362 : i32 to index
        %get3A_1366 = arith.constant 64 : index
        %get3A_1367 = tpu.vector_load %arg4[%get3A_1363, %get3A_1364, %get3A_1365, %get3A_1366] {strides = array<i32>} : memref<2x8x32x128xf32, #tpu.memory_space<vmem>>, vector<1x1x1x16xf32>,
        %get3A_1368 = vector.shape_cast %get3A_1367 : vector<1x1x1x16xf32> to vector<16xf32>
        %min3A_1369 = arith.minimumf %min3A_1360, %get3A_1368 : vector<16xf32>
        %get3A_1370 = arith.constant 0 : i32
        %get3A_1371 = arith.constant 8 : i32
        %get3A_1372 = arith.index_cast %get3A_1370 : i32 to index
        %get3A_1373 = arith.index_cast %scan3A_125 : i32 to index
        %get3A_1374 = arith.index_cast %get3A_1371 : i32 to index
        %get3A_1375 = arith.constant 64 : index
        %get3A_1376 = tpu.vector_load %arg4[%get3A_1372, %get3A_1373, %get3A_1374, %get3A_1375] {strides = array<i32>} : memref<2x8x32x128xf32, #tpu.memory_space<vmem>>, vector<1x1x1x16xf32>,
        %get3A_1377 = vector.shape_cast %get3A_1376 : vector<1x1x1x16xf32> to vector<16xf32>
        %min3A_1378 = arith.minimumf %min3A_1369, %get3A_1377 : vector<16xf32>
        %get3A_1379 = arith.constant 0 : i32
        %get3A_1380 = arith.constant 9 : i32
        %get3A_1381 = arith.index_cast %get3A_1379 : i32 to index
        %get3A_1382 = arith.index_cast %scan3A_125 : i32 to index
        %get3A_1383 = arith.index_cast %get3A_1380 : i32 to index
        %get3A_1384 = arith.constant 64 : index
        %get3A_1385 = tpu.vector_load %arg4[%get3A_1381, %get3A_1382, %get3A_1383, %get3A_1384] {strides = array<i32>} : memref<2x8x32x128xf32, #tpu.memory_space<vmem>>, vector<1x1x1x16xf32>,
        %get3A_1386 = vector.shape_cast %get3A_1385 : vector<1x1x1x16xf32> to vector<16xf32>
        %min3A_1387 = arith.minimumf %min3A_1378, %get3A_1386 : vector<16xf32>
        %get3A_1388 = arith.constant 0 : i32
        %get3A_1389 = arith.constant 10 : i32
        %get3A_1390 = arith.index_cast %get3A_1388 : i32 to index
        %get3A_1391 = arith.index_cast %scan3A_125 : i32 to index
        %get3A_1392 = arith.index_cast %get3A_1389 : i32 to index
        %get3A_1393 = arith.constant 64 : index
        %get3A_1394 = tpu.vector_load %arg4[%get3A_1390, %get3A_1391, %get3A_1392, %get3A_1393] {strides = array<i32>} : memref<2x8x32x128xf32, #tpu.memory_space<vmem>>, vector<1x1x1x16xf32>,
        %get3A_1395 = vector.shape_cast %get3A_1394 : vector<1x1x1x16xf32> to vector<16xf32>
        %min3A_1396 = arith.minimumf %min3A_1387, %get3A_1395 : vector<16xf32>
        %get3A_1397 = arith.constant 0 : i32
        %get3A_1398 = arith.constant 11 : i32
        %get3A_1399 = arith.index_cast %get3A_1397 : i32 to index
        %get3A_1400 = arith.index_cast %scan3A_125 : i32 to index
        %get3A_1401 = arith.index_cast %get3A_1398 : i32 to index
        %get3A_1402 = arith.constant 64 : index
        %get3A_1403 = tpu.vector_load %arg4[%get3A_1399, %get3A_1400, %get3A_1401, %get3A_1402] {strides = array<i32>} : memref<2x8x32x128xf32, #tpu.memory_space<vmem>>, vector<1x1x1x16xf32>,
        %get3A_1404 = vector.shape_cast %get3A_1403 : vector<1x1x1x16xf32> to vector<16xf32>
        %min3A_1405 = arith.minimumf %min3A_1396, %get3A_1404 : vector<16xf32>
        %get3A_1406 = arith.constant 0 : i32
        %get3A_1407 = arith.constant 12 : i32
        %get3A_1408 = arith.index_cast %get3A_1406 : i32 to index
        %get3A_1409 = arith.index_cast %scan3A_125 : i32 to index
        %get3A_1410 = arith.index_cast %get3A_1407 : i32 to index
        %get3A_1411 = arith.constant 64 : index
        %get3A_1412 = tpu.vector_load %arg4[%get3A_1408, %get3A_1409, %get3A_1410, %get3A_1411] {strides = array<i32>} : memref<2x8x32x128xf32, #tpu.memory_space<vmem>>, vector<1x1x1x16xf32>,
        %get3A_1413 = vector.shape_cast %get3A_1412 : vector<1x1x1x16xf32> to vector<16xf32>
        %min3A_1414 = arith.minimumf %min3A_1405, %get3A_1413 : vector<16xf32>
        %get3A_1415 = arith.constant 0 : i32
        %get3A_1416 = arith.constant 13 : i32
        %get3A_1417 = arith.index_cast %get3A_1415 : i32 to index
        %get3A_1418 = arith.index_cast %scan3A_125 : i32 to index
        %get3A_1419 = arith.index_cast %get3A_1416 : i32 to index
        %get3A_1420 = arith.constant 64 : index
        %get3A_1421 = tpu.vector_load %arg4[%get3A_1417, %get3A_1418, %get3A_1419, %get3A_1420] {strides = array<i32>} : memref<2x8x32x128xf32, #tpu.memory_space<vmem>>, vector<1x1x1x16xf32>,
        %get3A_1422 = vector.shape_cast %get3A_1421 : vector<1x1x1x16xf32> to vector<16xf32>
        %min3A_1423 = arith.minimumf %min3A_1414, %get3A_1422 : vector<16xf32>
        %get3A_1424 = arith.constant 0 : i32
        %get3A_1425 = arith.constant 14 : i32
        %get3A_1426 = arith.index_cast %get3A_1424 : i32 to index
        %get3A_1427 = arith.index_cast %scan3A_125 : i32 to index
        %get3A_1428 = arith.index_cast %get3A_1425 : i32 to index
        %get3A_1429 = arith.constant 64 : index
        %get3A_1430 = tpu.vector_load %arg4[%get3A_1426, %get3A_1427, %get3A_1428, %get3A_1429] {strides = array<i32>} : memref<2x8x32x128xf32, #tpu.memory_space<vmem>>, vector<1x1x1x16xf32>,
        %get3A_1431 = vector.shape_cast %get3A_1430 : vector<1x1x1x16xf32> to vector<16xf32>
        %min3A_1432 = arith.minimumf %min3A_1423, %get3A_1431 : vector<16xf32>
        %get3A_1433 = arith.constant 0 : i32
        %get3A_1434 = arith.constant 15 : i32
        %get3A_1435 = arith.index_cast %get3A_1433 : i32 to index
        %get3A_1436 = arith.index_cast %scan3A_125 : i32 to index
        %get3A_1437 = arith.index_cast %get3A_1434 : i32 to index
        %get3A_1438 = arith.constant 64 : index
        %get3A_1439 = tpu.vector_load %arg4[%get3A_1435, %get3A_1436, %get3A_1437, %get3A_1438] {strides = array<i32>} : memref<2x8x32x128xf32, #tpu.memory_space<vmem>>, vector<1x1x1x16xf32>,
        %get3A_1440 = vector.shape_cast %get3A_1439 : vector<1x1x1x16xf32> to vector<16xf32>
        %min3A_1441 = arith.minimumf %min3A_1432, %get3A_1440 : vector<16xf32>
        %get3A_1442 = arith.constant 0 : i32
        %get3A_1443 = arith.constant 16 : i32
        %get3A_1444 = arith.index_cast %get3A_1442 : i32 to index
        %get3A_1445 = arith.index_cast %scan3A_125 : i32 to index
        %get3A_1446 = arith.index_cast %get3A_1443 : i32 to index
        %get3A_1447 = arith.constant 64 : index
        %get3A_1448 = tpu.vector_load %arg4[%get3A_1444, %get3A_1445, %get3A_1446, %get3A_1447] {strides = array<i32>} : memref<2x8x32x128xf32, #tpu.memory_space<vmem>>, vector<1x1x1x16xf32>,
        %get3A_1449 = vector.shape_cast %get3A_1448 : vector<1x1x1x16xf32> to vector<16xf32>
        %min3A_1450 = arith.minimumf %min3A_1441, %get3A_1449 : vector<16xf32>
        %get3A_1451 = arith.constant 0 : i32
        %get3A_1452 = arith.constant 17 : i32
        %get3A_1453 = arith.index_cast %get3A_1451 : i32 to index
        %get3A_1454 = arith.index_cast %scan3A_125 : i32 to index
        %get3A_1455 = arith.index_cast %get3A_1452 : i32 to index
        %get3A_1456 = arith.constant 64 : index
        %get3A_1457 = tpu.vector_load %arg4[%get3A_1453, %get3A_1454, %get3A_1455, %get3A_1456] {strides = array<i32>} : memref<2x8x32x128xf32, #tpu.memory_space<vmem>>, vector<1x1x1x16xf32>,
        %get3A_1458 = vector.shape_cast %get3A_1457 : vector<1x1x1x16xf32> to vector<16xf32>
        %min3A_1459 = arith.minimumf %min3A_1450, %get3A_1458 : vector<16xf32>
        %get3A_1460 = arith.constant 0 : i32
        %get3A_1461 = arith.constant 18 : i32
        %get3A_1462 = arith.index_cast %get3A_1460 : i32 to index
        %get3A_1463 = arith.index_cast %scan3A_125 : i32 to index
        %get3A_1464 = arith.index_cast %get3A_1461 : i32 to index
        %get3A_1465 = arith.constant 64 : index
        %get3A_1466 = tpu.vector_load %arg4[%get3A_1462, %get3A_1463, %get3A_1464, %get3A_1465] {strides = array<i32>} : memref<2x8x32x128xf32, #tpu.memory_space<vmem>>, vector<1x1x1x16xf32>,
        %get3A_1467 = vector.shape_cast %get3A_1466 : vector<1x1x1x16xf32> to vector<16xf32>
        %min3A_1468 = arith.minimumf %min3A_1459, %get3A_1467 : vector<16xf32>
        %get3A_1469 = arith.constant 0 : i32
        %get3A_1470 = arith.constant 19 : i32
        %get3A_1471 = arith.index_cast %get3A_1469 : i32 to index
        %get3A_1472 = arith.index_cast %scan3A_125 : i32 to index
        %get3A_1473 = arith.index_cast %get3A_1470 : i32 to index
        %get3A_1474 = arith.constant 64 : index
        %get3A_1475 = tpu.vector_load %arg4[%get3A_1471, %get3A_1472, %get3A_1473, %get3A_1474] {strides = array<i32>} : memref<2x8x32x128xf32, #tpu.memory_space<vmem>>, vector<1x1x1x16xf32>,
        %get3A_1476 = vector.shape_cast %get3A_1475 : vector<1x1x1x16xf32> to vector<16xf32>
        %min3A_1477 = arith.minimumf %min3A_1468, %get3A_1476 : vector<16xf32>
        %get3A_1478 = arith.constant 0 : i32
        %get3A_1479 = arith.constant 20 : i32
        %get3A_1480 = arith.index_cast %get3A_1478 : i32 to index
        %get3A_1481 = arith.index_cast %scan3A_125 : i32 to index
        %get3A_1482 = arith.index_cast %get3A_1479 : i32 to index
        %get3A_1483 = arith.constant 64 : index
        %get3A_1484 = tpu.vector_load %arg4[%get3A_1480, %get3A_1481, %get3A_1482, %get3A_1483] {strides = array<i32>} : memref<2x8x32x128xf32, #tpu.memory_space<vmem>>, vector<1x1x1x16xf32>,
        %get3A_1485 = vector.shape_cast %get3A_1484 : vector<1x1x1x16xf32> to vector<16xf32>
        %min3A_1486 = arith.minimumf %min3A_1477, %get3A_1485 : vector<16xf32>
        %get3A_1487 = arith.constant 0 : i32
        %get3A_1488 = arith.constant 21 : i32
        %get3A_1489 = arith.index_cast %get3A_1487 : i32 to index
        %get3A_1490 = arith.index_cast %scan3A_125 : i32 to index
        %get3A_1491 = arith.index_cast %get3A_1488 : i32 to index
        %get3A_1492 = arith.constant 64 : index
        %get3A_1493 = tpu.vector_load %arg4[%get3A_1489, %get3A_1490, %get3A_1491, %get3A_1492] {strides = array<i32>} : memref<2x8x32x128xf32, #tpu.memory_space<vmem>>, vector<1x1x1x16xf32>,
        %get3A_1494 = vector.shape_cast %get3A_1493 : vector<1x1x1x16xf32> to vector<16xf32>
        %min3A_1495 = arith.minimumf %min3A_1486, %get3A_1494 : vector<16xf32>
        %get3A_1496 = arith.constant 0 : i32
        %get3A_1497 = arith.constant 22 : i32
        %get3A_1498 = arith.index_cast %get3A_1496 : i32 to index
        %get3A_1499 = arith.index_cast %scan3A_125 : i32 to index
        %get3A_1500 = arith.index_cast %get3A_1497 : i32 to index
        %get3A_1501 = arith.constant 64 : index
        %get3A_1502 = tpu.vector_load %arg4[%get3A_1498, %get3A_1499, %get3A_1500, %get3A_1501] {strides = array<i32>} : memref<2x8x32x128xf32, #tpu.memory_space<vmem>>, vector<1x1x1x16xf32>,
        %get3A_1503 = vector.shape_cast %get3A_1502 : vector<1x1x1x16xf32> to vector<16xf32>
        %min3A_1504 = arith.minimumf %min3A_1495, %get3A_1503 : vector<16xf32>
        %get3A_1505 = arith.constant 0 : i32
        %get3A_1506 = arith.constant 23 : i32
        %get3A_1507 = arith.index_cast %get3A_1505 : i32 to index
        %get3A_1508 = arith.index_cast %scan3A_125 : i32 to index
        %get3A_1509 = arith.index_cast %get3A_1506 : i32 to index
        %get3A_1510 = arith.constant 64 : index
        %get3A_1511 = tpu.vector_load %arg4[%get3A_1507, %get3A_1508, %get3A_1509, %get3A_1510] {strides = array<i32>} : memref<2x8x32x128xf32, #tpu.memory_space<vmem>>, vector<1x1x1x16xf32>,
        %get3A_1512 = vector.shape_cast %get3A_1511 : vector<1x1x1x16xf32> to vector<16xf32>
        %min3A_1513 = arith.minimumf %min3A_1504, %get3A_1512 : vector<16xf32>
        %get3A_1514 = arith.constant 0 : i32
        %get3A_1515 = arith.constant 24 : i32
        %get3A_1516 = arith.index_cast %get3A_1514 : i32 to index
        %get3A_1517 = arith.index_cast %scan3A_125 : i32 to index
        %get3A_1518 = arith.index_cast %get3A_1515 : i32 to index
        %get3A_1519 = arith.constant 64 : index
        %get3A_1520 = tpu.vector_load %arg4[%get3A_1516, %get3A_1517, %get3A_1518, %get3A_1519] {strides = array<i32>} : memref<2x8x32x128xf32, #tpu.memory_space<vmem>>, vector<1x1x1x16xf32>,
        %get3A_1521 = vector.shape_cast %get3A_1520 : vector<1x1x1x16xf32> to vector<16xf32>
        %min3A_1522 = arith.minimumf %min3A_1513, %get3A_1521 : vector<16xf32>
        %get3A_1523 = arith.constant 0 : i32
        %get3A_1524 = arith.constant 25 : i32
        %get3A_1525 = arith.index_cast %get3A_1523 : i32 to index
        %get3A_1526 = arith.index_cast %scan3A_125 : i32 to index
        %get3A_1527 = arith.index_cast %get3A_1524 : i32 to index
        %get3A_1528 = arith.constant 64 : index
        %get3A_1529 = tpu.vector_load %arg4[%get3A_1525, %get3A_1526, %get3A_1527, %get3A_1528] {strides = array<i32>} : memref<2x8x32x128xf32, #tpu.memory_space<vmem>>, vector<1x1x1x16xf32>,
        %get3A_1530 = vector.shape_cast %get3A_1529 : vector<1x1x1x16xf32> to vector<16xf32>
        %min3A_1531 = arith.minimumf %min3A_1522, %get3A_1530 : vector<16xf32>
        %get3A_1532 = arith.constant 0 : i32
        %get3A_1533 = arith.constant 26 : i32
        %get3A_1534 = arith.index_cast %get3A_1532 : i32 to index
        %get3A_1535 = arith.index_cast %scan3A_125 : i32 to index
        %get3A_1536 = arith.index_cast %get3A_1533 : i32 to index
        %get3A_1537 = arith.constant 64 : index
        %get3A_1538 = tpu.vector_load %arg4[%get3A_1534, %get3A_1535, %get3A_1536, %get3A_1537] {strides = array<i32>} : memref<2x8x32x128xf32, #tpu.memory_space<vmem>>, vector<1x1x1x16xf32>,
        %get3A_1539 = vector.shape_cast %get3A_1538 : vector<1x1x1x16xf32> to vector<16xf32>
        %min3A_1540 = arith.minimumf %min3A_1531, %get3A_1539 : vector<16xf32>
        %get3A_1541 = arith.constant 0 : i32
        %get3A_1542 = arith.constant 27 : i32
        %get3A_1543 = arith.index_cast %get3A_1541 : i32 to index
        %get3A_1544 = arith.index_cast %scan3A_125 : i32 to index
        %get3A_1545 = arith.index_cast %get3A_1542 : i32 to index
        %get3A_1546 = arith.constant 64 : index
        %get3A_1547 = tpu.vector_load %arg4[%get3A_1543, %get3A_1544, %get3A_1545, %get3A_1546] {strides = array<i32>} : memref<2x8x32x128xf32, #tpu.memory_space<vmem>>, vector<1x1x1x16xf32>,
        %get3A_1548 = vector.shape_cast %get3A_1547 : vector<1x1x1x16xf32> to vector<16xf32>
        %min3A_1549 = arith.minimumf %min3A_1540, %get3A_1548 : vector<16xf32>
        %get3A_1550 = arith.constant 0 : i32
        %get3A_1551 = arith.constant 28 : i32
        %get3A_1552 = arith.index_cast %get3A_1550 : i32 to index
        %get3A_1553 = arith.index_cast %scan3A_125 : i32 to index
        %get3A_1554 = arith.index_cast %get3A_1551 : i32 to index
        %get3A_1555 = arith.constant 64 : index
        %get3A_1556 = tpu.vector_load %arg4[%get3A_1552, %get3A_1553, %get3A_1554, %get3A_1555] {strides = array<i32>} : memref<2x8x32x128xf32, #tpu.memory_space<vmem>>, vector<1x1x1x16xf32>,
        %get3A_1557 = vector.shape_cast %get3A_1556 : vector<1x1x1x16xf32> to vector<16xf32>
        %min3A_1558 = arith.minimumf %min3A_1549, %get3A_1557 : vector<16xf32>
        %get3A_1559 = arith.constant 0 : i32
        %get3A_1560 = arith.constant 29 : i32
        %get3A_1561 = arith.index_cast %get3A_1559 : i32 to index
        %get3A_1562 = arith.index_cast %scan3A_125 : i32 to index
        %get3A_1563 = arith.index_cast %get3A_1560 : i32 to index
        %get3A_1564 = arith.constant 64 : index
        %get3A_1565 = tpu.vector_load %arg4[%get3A_1561, %get3A_1562, %get3A_1563, %get3A_1564] {strides = array<i32>} : memref<2x8x32x128xf32, #tpu.memory_space<vmem>>, vector<1x1x1x16xf32>,
        %get3A_1566 = vector.shape_cast %get3A_1565 : vector<1x1x1x16xf32> to vector<16xf32>
        %min3A_1567 = arith.minimumf %min3A_1558, %get3A_1566 : vector<16xf32>
        %get3A_1568 = arith.constant 0 : i32
        %get3A_1569 = arith.constant 30 : i32
        %get3A_1570 = arith.index_cast %get3A_1568 : i32 to index
        %get3A_1571 = arith.index_cast %scan3A_125 : i32 to index
        %get3A_1572 = arith.index_cast %get3A_1569 : i32 to index
        %get3A_1573 = arith.constant 64 : index
        %get3A_1574 = tpu.vector_load %arg4[%get3A_1570, %get3A_1571, %get3A_1572, %get3A_1573] {strides = array<i32>} : memref<2x8x32x128xf32, #tpu.memory_space<vmem>>, vector<1x1x1x16xf32>,
        %get3A_1575 = vector.shape_cast %get3A_1574 : vector<1x1x1x16xf32> to vector<16xf32>
        %min3A_1576 = arith.minimumf %min3A_1567, %get3A_1575 : vector<16xf32>
        %get3A_1577 = arith.constant 0 : i32
        %get3A_1578 = arith.constant 31 : i32
        %get3A_1579 = arith.index_cast %get3A_1577 : i32 to index
        %get3A_1580 = arith.index_cast %scan3A_125 : i32 to index
        %get3A_1581 = arith.index_cast %get3A_1578 : i32 to index
        %get3A_1582 = arith.constant 64 : index
        %get3A_1583 = tpu.vector_load %arg4[%get3A_1579, %get3A_1580, %get3A_1581, %get3A_1582] {strides = array<i32>} : memref<2x8x32x128xf32, #tpu.memory_space<vmem>>, vector<1x1x1x16xf32>,
        %get3A_1584 = vector.shape_cast %get3A_1583 : vector<1x1x1x16xf32> to vector<16xf32>
        %min3A_1585 = arith.minimumf %min3A_1576, %get3A_1584 : vector<16xf32>
        %swap3A_1586 = arith.constant 0 : i32
        %swap3A_1587 = arith.index_cast %swap3A_1586 : i32 to index
        %swap3A_1588 = arith.index_cast %scan3A_125 : i32 to index
        %swap3A_1589 = arith.constant 64 : index
        %swap3A_1590 = tpu.vector_load %arg5[%swap3A_1587, %swap3A_1588, %swap3A_1589] {strides = array<i32>} : memref<2x8x128xf32, #tpu.memory_space<vmem>>, vector<1x1x16xf32>,
        %swap3A_1591 = vector.shape_cast %swap3A_1590 : vector<1x1x16xf32> to vector<16xf32>
        %swap3A_1592 = vector.shape_cast %min3A_1585 : vector<16xf32> to vector<1x1x16xf32>
        tpu.vector_store %arg5[%swap3A_1587, %swap3A_1588, %swap3A_1589], %swap3A_1592 {strides = array<i32>} : memref<2x8x128xf32, #tpu.memory_space<vmem>>, vector<1x1x16xf32>,
        %get3A_1593 = arith.constant 0 : i32
        %get3A_1594 = arith.constant 0 : i32
        %get3A_1595 = arith.index_cast %get3A_1593 : i32 to index
        %get3A_1596 = arith.index_cast %scan3A_125 : i32 to index
        %get3A_1597 = arith.index_cast %get3A_1594 : i32 to index
        %get3A_1598 = arith.constant 80 : index
        %get3A_1599 = tpu.vector_load %arg4[%get3A_1595, %get3A_1596, %get3A_1597, %get3A_1598] {strides = array<i32>} : memref<2x8x32x128xf32, #tpu.memory_space<vmem>>, vector<1x1x1x16xf32>,
        %get3A_1600 = vector.shape_cast %get3A_1599 : vector<1x1x1x16xf32> to vector<16xf32>
        %get3A_1601 = arith.constant 0 : i32
        %get3A_1602 = arith.constant 1 : i32
        %get3A_1603 = arith.index_cast %get3A_1601 : i32 to index
        %get3A_1604 = arith.index_cast %scan3A_125 : i32 to index
        %get3A_1605 = arith.index_cast %get3A_1602 : i32 to index
        %get3A_1606 = arith.constant 80 : index
        %get3A_1607 = tpu.vector_load %arg4[%get3A_1603, %get3A_1604, %get3A_1605, %get3A_1606] {strides = array<i32>} : memref<2x8x32x128xf32, #tpu.memory_space<vmem>>, vector<1x1x1x16xf32>,
        %get3A_1608 = vector.shape_cast %get3A_1607 : vector<1x1x1x16xf32> to vector<16xf32>
        %min3A_1609 = arith.minimumf %get3A_1600, %get3A_1608 : vector<16xf32>
        %get3A_1610 = arith.constant 0 : i32
        %get3A_1611 = arith.constant 2 : i32
        %get3A_1612 = arith.index_cast %get3A_1610 : i32 to index
        %get3A_1613 = arith.index_cast %scan3A_125 : i32 to index
        %get3A_1614 = arith.index_cast %get3A_1611 : i32 to index
        %get3A_1615 = arith.constant 80 : index
        %get3A_1616 = tpu.vector_load %arg4[%get3A_1612, %get3A_1613, %get3A_1614, %get3A_1615] {strides = array<i32>} : memref<2x8x32x128xf32, #tpu.memory_space<vmem>>, vector<1x1x1x16xf32>,
        %get3A_1617 = vector.shape_cast %get3A_1616 : vector<1x1x1x16xf32> to vector<16xf32>
        %min3A_1618 = arith.minimumf %min3A_1609, %get3A_1617 : vector<16xf32>
        %get3A_1619 = arith.constant 0 : i32
        %get3A_1620 = arith.constant 3 : i32
        %get3A_1621 = arith.index_cast %get3A_1619 : i32 to index
        %get3A_1622 = arith.index_cast %scan3A_125 : i32 to index
        %get3A_1623 = arith.index_cast %get3A_1620 : i32 to index
        %get3A_1624 = arith.constant 80 : index
        %get3A_1625 = tpu.vector_load %arg4[%get3A_1621, %get3A_1622, %get3A_1623, %get3A_1624] {strides = array<i32>} : memref<2x8x32x128xf32, #tpu.memory_space<vmem>>, vector<1x1x1x16xf32>,
        %get3A_1626 = vector.shape_cast %get3A_1625 : vector<1x1x1x16xf32> to vector<16xf32>
        %min3A_1627 = arith.minimumf %min3A_1618, %get3A_1626 : vector<16xf32>
        %get3A_1628 = arith.constant 0 : i32
        %get3A_1629 = arith.constant 4 : i32
        %get3A_1630 = arith.index_cast %get3A_1628 : i32 to index
        %get3A_1631 = arith.index_cast %scan3A_125 : i32 to index
        %get3A_1632 = arith.index_cast %get3A_1629 : i32 to index
        %get3A_1633 = arith.constant 80 : index
        %get3A_1634 = tpu.vector_load %arg4[%get3A_1630, %get3A_1631, %get3A_1632, %get3A_1633] {strides = array<i32>} : memref<2x8x32x128xf32, #tpu.memory_space<vmem>>, vector<1x1x1x16xf32>,
        %get3A_1635 = vector.shape_cast %get3A_1634 : vector<1x1x1x16xf32> to vector<16xf32>
        %min3A_1636 = arith.minimumf %min3A_1627, %get3A_1635 : vector<16xf32>
        %get3A_1637 = arith.constant 0 : i32
        %get3A_1638 = arith.constant 5 : i32
        %get3A_1639 = arith.index_cast %get3A_1637 : i32 to index
        %get3A_1640 = arith.index_cast %scan3A_125 : i32 to index
        %get3A_1641 = arith.index_cast %get3A_1638 : i32 to index
        %get3A_1642 = arith.constant 80 : index
        %get3A_1643 = tpu.vector_load %arg4[%get3A_1639, %get3A_1640, %get3A_1641, %get3A_1642] {strides = array<i32>} : memref<2x8x32x128xf32, #tpu.memory_space<vmem>>, vector<1x1x1x16xf32>,
        %get3A_1644 = vector.shape_cast %get3A_1643 : vector<1x1x1x16xf32> to vector<16xf32>
        %min3A_1645 = arith.minimumf %min3A_1636, %get3A_1644 : vector<16xf32>
        %get3A_1646 = arith.constant 0 : i32
        %get3A_1647 = arith.constant 6 : i32
        %get3A_1648 = arith.index_cast %get3A_1646 : i32 to index
        %get3A_1649 = arith.index_cast %scan3A_125 : i32 to index
        %get3A_1650 = arith.index_cast %get3A_1647 : i32 to index
        %get3A_1651 = arith.constant 80 : index
        %get3A_1652 = tpu.vector_load %arg4[%get3A_1648, %get3A_1649, %get3A_1650, %get3A_1651] {strides = array<i32>} : memref<2x8x32x128xf32, #tpu.memory_space<vmem>>, vector<1x1x1x16xf32>,
        %get3A_1653 = vector.shape_cast %get3A_1652 : vector<1x1x1x16xf32> to vector<16xf32>
        %min3A_1654 = arith.minimumf %min3A_1645, %get3A_1653 : vector<16xf32>
        %get3A_1655 = arith.constant 0 : i32
        %get3A_1656 = arith.constant 7 : i32
        %get3A_1657 = arith.index_cast %get3A_1655 : i32 to index
        %get3A_1658 = arith.index_cast %scan3A_125 : i32 to index
        %get3A_1659 = arith.index_cast %get3A_1656 : i32 to index
        %get3A_1660 = arith.constant 80 : index
        %get3A_1661 = tpu.vector_load %arg4[%get3A_1657, %get3A_1658, %get3A_1659, %get3A_1660] {strides = array<i32>} : memref<2x8x32x128xf32, #tpu.memory_space<vmem>>, vector<1x1x1x16xf32>,
        %get3A_1662 = vector.shape_cast %get3A_1661 : vector<1x1x1x16xf32> to vector<16xf32>
        %min3A_1663 = arith.minimumf %min3A_1654, %get3A_1662 : vector<16xf32>
        %get3A_1664 = arith.constant 0 : i32
        %get3A_1665 = arith.constant 8 : i32
        %get3A_1666 = arith.index_cast %get3A_1664 : i32 to index
        %get3A_1667 = arith.index_cast %scan3A_125 : i32 to index
        %get3A_1668 = arith.index_cast %get3A_1665 : i32 to index
        %get3A_1669 = arith.constant 80 : index
        %get3A_1670 = tpu.vector_load %arg4[%get3A_1666, %get3A_1667, %get3A_1668, %get3A_1669] {strides = array<i32>} : memref<2x8x32x128xf32, #tpu.memory_space<vmem>>, vector<1x1x1x16xf32>,
        %get3A_1671 = vector.shape_cast %get3A_1670 : vector<1x1x1x16xf32> to vector<16xf32>
        %min3A_1672 = arith.minimumf %min3A_1663, %get3A_1671 : vector<16xf32>
        %get3A_1673 = arith.constant 0 : i32
        %get3A_1674 = arith.constant 9 : i32
        %get3A_1675 = arith.index_cast %get3A_1673 : i32 to index
        %get3A_1676 = arith.index_cast %scan3A_125 : i32 to index
        %get3A_1677 = arith.index_cast %get3A_1674 : i32 to index
        %get3A_1678 = arith.constant 80 : index
        %get3A_1679 = tpu.vector_load %arg4[%get3A_1675, %get3A_1676, %get3A_1677, %get3A_1678] {strides = array<i32>} : memref<2x8x32x128xf32, #tpu.memory_space<vmem>>, vector<1x1x1x16xf32>,
        %get3A_1680 = vector.shape_cast %get3A_1679 : vector<1x1x1x16xf32> to vector<16xf32>
        %min3A_1681 = arith.minimumf %min3A_1672, %get3A_1680 : vector<16xf32>
        %get3A_1682 = arith.constant 0 : i32
        %get3A_1683 = arith.constant 10 : i32
        %get3A_1684 = arith.index_cast %get3A_1682 : i32 to index
        %get3A_1685 = arith.index_cast %scan3A_125 : i32 to index
        %get3A_1686 = arith.index_cast %get3A_1683 : i32 to index
        %get3A_1687 = arith.constant 80 : index
        %get3A_1688 = tpu.vector_load %arg4[%get3A_1684, %get3A_1685, %get3A_1686, %get3A_1687] {strides = array<i32>} : memref<2x8x32x128xf32, #tpu.memory_space<vmem>>, vector<1x1x1x16xf32>,
        %get3A_1689 = vector.shape_cast %get3A_1688 : vector<1x1x1x16xf32> to vector<16xf32>
        %min3A_1690 = arith.minimumf %min3A_1681, %get3A_1689 : vector<16xf32>
        %get3A_1691 = arith.constant 0 : i32
        %get3A_1692 = arith.constant 11 : i32
        %get3A_1693 = arith.index_cast %get3A_1691 : i32 to index
        %get3A_1694 = arith.index_cast %scan3A_125 : i32 to index
        %get3A_1695 = arith.index_cast %get3A_1692 : i32 to index
        %get3A_1696 = arith.constant 80 : index
        %get3A_1697 = tpu.vector_load %arg4[%get3A_1693, %get3A_1694, %get3A_1695, %get3A_1696] {strides = array<i32>} : memref<2x8x32x128xf32, #tpu.memory_space<vmem>>, vector<1x1x1x16xf32>,
        %get3A_1698 = vector.shape_cast %get3A_1697 : vector<1x1x1x16xf32> to vector<16xf32>
        %min3A_1699 = arith.minimumf %min3A_1690, %get3A_1698 : vector<16xf32>
        %get3A_1700 = arith.constant 0 : i32
        %get3A_1701 = arith.constant 12 : i32
        %get3A_1702 = arith.index_cast %get3A_1700 : i32 to index
        %get3A_1703 = arith.index_cast %scan3A_125 : i32 to index
        %get3A_1704 = arith.index_cast %get3A_1701 : i32 to index
        %get3A_1705 = arith.constant 80 : index
        %get3A_1706 = tpu.vector_load %arg4[%get3A_1702, %get3A_1703, %get3A_1704, %get3A_1705] {strides = array<i32>} : memref<2x8x32x128xf32, #tpu.memory_space<vmem>>, vector<1x1x1x16xf32>,
        %get3A_1707 = vector.shape_cast %get3A_1706 : vector<1x1x1x16xf32> to vector<16xf32>
        %min3A_1708 = arith.minimumf %min3A_1699, %get3A_1707 : vector<16xf32>
        %get3A_1709 = arith.constant 0 : i32
        %get3A_1710 = arith.constant 13 : i32
        %get3A_1711 = arith.index_cast %get3A_1709 : i32 to index
        %get3A_1712 = arith.index_cast %scan3A_125 : i32 to index
        %get3A_1713 = arith.index_cast %get3A_1710 : i32 to index
        %get3A_1714 = arith.constant 80 : index
        %get3A_1715 = tpu.vector_load %arg4[%get3A_1711, %get3A_1712, %get3A_1713, %get3A_1714] {strides = array<i32>} : memref<2x8x32x128xf32, #tpu.memory_space<vmem>>, vector<1x1x1x16xf32>,
        %get3A_1716 = vector.shape_cast %get3A_1715 : vector<1x1x1x16xf32> to vector<16xf32>
        %min3A_1717 = arith.minimumf %min3A_1708, %get3A_1716 : vector<16xf32>
        %get3A_1718 = arith.constant 0 : i32
        %get3A_1719 = arith.constant 14 : i32
        %get3A_1720 = arith.index_cast %get3A_1718 : i32 to index
        %get3A_1721 = arith.index_cast %scan3A_125 : i32 to index
        %get3A_1722 = arith.index_cast %get3A_1719 : i32 to index
        %get3A_1723 = arith.constant 80 : index
        %get3A_1724 = tpu.vector_load %arg4[%get3A_1720, %get3A_1721, %get3A_1722, %get3A_1723] {strides = array<i32>} : memref<2x8x32x128xf32, #tpu.memory_space<vmem>>, vector<1x1x1x16xf32>,
        %get3A_1725 = vector.shape_cast %get3A_1724 : vector<1x1x1x16xf32> to vector<16xf32>
        %min3A_1726 = arith.minimumf %min3A_1717, %get3A_1725 : vector<16xf32>
        %get3A_1727 = arith.constant 0 : i32
        %get3A_1728 = arith.constant 15 : i32
        %get3A_1729 = arith.index_cast %get3A_1727 : i32 to index
        %get3A_1730 = arith.index_cast %scan3A_125 : i32 to index
        %get3A_1731 = arith.index_cast %get3A_1728 : i32 to index
        %get3A_1732 = arith.constant 80 : index
        %get3A_1733 = tpu.vector_load %arg4[%get3A_1729, %get3A_1730, %get3A_1731, %get3A_1732] {strides = array<i32>} : memref<2x8x32x128xf32, #tpu.memory_space<vmem>>, vector<1x1x1x16xf32>,
        %get3A_1734 = vector.shape_cast %get3A_1733 : vector<1x1x1x16xf32> to vector<16xf32>
        %min3A_1735 = arith.minimumf %min3A_1726, %get3A_1734 : vector<16xf32>
        %get3A_1736 = arith.constant 0 : i32
        %get3A_1737 = arith.constant 16 : i32
        %get3A_1738 = arith.index_cast %get3A_1736 : i32 to index
        %get3A_1739 = arith.index_cast %scan3A_125 : i32 to index
        %get3A_1740 = arith.index_cast %get3A_1737 : i32 to index
        %get3A_1741 = arith.constant 80 : index
        %get3A_1742 = tpu.vector_load %arg4[%get3A_1738, %get3A_1739, %get3A_1740, %get3A_1741] {strides = array<i32>} : memref<2x8x32x128xf32, #tpu.memory_space<vmem>>, vector<1x1x1x16xf32>,
        %get3A_1743 = vector.shape_cast %get3A_1742 : vector<1x1x1x16xf32> to vector<16xf32>
        %min3A_1744 = arith.minimumf %min3A_1735, %get3A_1743 : vector<16xf32>
        %get3A_1745 = arith.constant 0 : i32
        %get3A_1746 = arith.constant 17 : i32
        %get3A_1747 = arith.index_cast %get3A_1745 : i32 to index
        %get3A_1748 = arith.index_cast %scan3A_125 : i32 to index
        %get3A_1749 = arith.index_cast %get3A_1746 : i32 to index
        %get3A_1750 = arith.constant 80 : index
        %get3A_1751 = tpu.vector_load %arg4[%get3A_1747, %get3A_1748, %get3A_1749, %get3A_1750] {strides = array<i32>} : memref<2x8x32x128xf32, #tpu.memory_space<vmem>>, vector<1x1x1x16xf32>,
        %get3A_1752 = vector.shape_cast %get3A_1751 : vector<1x1x1x16xf32> to vector<16xf32>
        %min3A_1753 = arith.minimumf %min3A_1744, %get3A_1752 : vector<16xf32>
        %get3A_1754 = arith.constant 0 : i32
        %get3A_1755 = arith.constant 18 : i32
        %get3A_1756 = arith.index_cast %get3A_1754 : i32 to index
        %get3A_1757 = arith.index_cast %scan3A_125 : i32 to index
        %get3A_1758 = arith.index_cast %get3A_1755 : i32 to index
        %get3A_1759 = arith.constant 80 : index
        %get3A_1760 = tpu.vector_load %arg4[%get3A_1756, %get3A_1757, %get3A_1758, %get3A_1759] {strides = array<i32>} : memref<2x8x32x128xf32, #tpu.memory_space<vmem>>, vector<1x1x1x16xf32>,
        %get3A_1761 = vector.shape_cast %get3A_1760 : vector<1x1x1x16xf32> to vector<16xf32>
        %min3A_1762 = arith.minimumf %min3A_1753, %get3A_1761 : vector<16xf32>
        %get3A_1763 = arith.constant 0 : i32
        %get3A_1764 = arith.constant 19 : i32
        %get3A_1765 = arith.index_cast %get3A_1763 : i32 to index
        %get3A_1766 = arith.index_cast %scan3A_125 : i32 to index
        %get3A_1767 = arith.index_cast %get3A_1764 : i32 to index
        %get3A_1768 = arith.constant 80 : index
        %get3A_1769 = tpu.vector_load %arg4[%get3A_1765, %get3A_1766, %get3A_1767, %get3A_1768] {strides = array<i32>} : memref<2x8x32x128xf32, #tpu.memory_space<vmem>>, vector<1x1x1x16xf32>,
        %get3A_1770 = vector.shape_cast %get3A_1769 : vector<1x1x1x16xf32> to vector<16xf32>
        %min3A_1771 = arith.minimumf %min3A_1762, %get3A_1770 : vector<16xf32>
        %get3A_1772 = arith.constant 0 : i32
        %get3A_1773 = arith.constant 20 : i32
        %get3A_1774 = arith.index_cast %get3A_1772 : i32 to index
        %get3A_1775 = arith.index_cast %scan3A_125 : i32 to index
        %get3A_1776 = arith.index_cast %get3A_1773 : i32 to index
        %get3A_1777 = arith.constant 80 : index
        %get3A_1778 = tpu.vector_load %arg4[%get3A_1774, %get3A_1775, %get3A_1776, %get3A_1777] {strides = array<i32>} : memref<2x8x32x128xf32, #tpu.memory_space<vmem>>, vector<1x1x1x16xf32>,
        %get3A_1779 = vector.shape_cast %get3A_1778 : vector<1x1x1x16xf32> to vector<16xf32>
        %min3A_1780 = arith.minimumf %min3A_1771, %get3A_1779 : vector<16xf32>
        %get3A_1781 = arith.constant 0 : i32
        %get3A_1782 = arith.constant 21 : i32
        %get3A_1783 = arith.index_cast %get3A_1781 : i32 to index
        %get3A_1784 = arith.index_cast %scan3A_125 : i32 to index
        %get3A_1785 = arith.index_cast %get3A_1782 : i32 to index
        %get3A_1786 = arith.constant 80 : index
        %get3A_1787 = tpu.vector_load %arg4[%get3A_1783, %get3A_1784, %get3A_1785, %get3A_1786] {strides = array<i32>} : memref<2x8x32x128xf32, #tpu.memory_space<vmem>>, vector<1x1x1x16xf32>,
        %get3A_1788 = vector.shape_cast %get3A_1787 : vector<1x1x1x16xf32> to vector<16xf32>
        %min3A_1789 = arith.minimumf %min3A_1780, %get3A_1788 : vector<16xf32>
        %get3A_1790 = arith.constant 0 : i32
        %get3A_1791 = arith.constant 22 : i32
        %get3A_1792 = arith.index_cast %get3A_1790 : i32 to index
        %get3A_1793 = arith.index_cast %scan3A_125 : i32 to index
        %get3A_1794 = arith.index_cast %get3A_1791 : i32 to index
        %get3A_1795 = arith.constant 80 : index
        %get3A_1796 = tpu.vector_load %arg4[%get3A_1792, %get3A_1793, %get3A_1794, %get3A_1795] {strides = array<i32>} : memref<2x8x32x128xf32, #tpu.memory_space<vmem>>, vector<1x1x1x16xf32>,
        %get3A_1797 = vector.shape_cast %get3A_1796 : vector<1x1x1x16xf32> to vector<16xf32>
        %min3A_1798 = arith.minimumf %min3A_1789, %get3A_1797 : vector<16xf32>
        %get3A_1799 = arith.constant 0 : i32
        %get3A_1800 = arith.constant 23 : i32
        %get3A_1801 = arith.index_cast %get3A_1799 : i32 to index
        %get3A_1802 = arith.index_cast %scan3A_125 : i32 to index
        %get3A_1803 = arith.index_cast %get3A_1800 : i32 to index
        %get3A_1804 = arith.constant 80 : index
        %get3A_1805 = tpu.vector_load %arg4[%get3A_1801, %get3A_1802, %get3A_1803, %get3A_1804] {strides = array<i32>} : memref<2x8x32x128xf32, #tpu.memory_space<vmem>>, vector<1x1x1x16xf32>,
        %get3A_1806 = vector.shape_cast %get3A_1805 : vector<1x1x1x16xf32> to vector<16xf32>
        %min3A_1807 = arith.minimumf %min3A_1798, %get3A_1806 : vector<16xf32>
        %get3A_1808 = arith.constant 0 : i32
        %get3A_1809 = arith.constant 24 : i32
        %get3A_1810 = arith.index_cast %get3A_1808 : i32 to index
        %get3A_1811 = arith.index_cast %scan3A_125 : i32 to index
        %get3A_1812 = arith.index_cast %get3A_1809 : i32 to index
        %get3A_1813 = arith.constant 80 : index
        %get3A_1814 = tpu.vector_load %arg4[%get3A_1810, %get3A_1811, %get3A_1812, %get3A_1813] {strides = array<i32>} : memref<2x8x32x128xf32, #tpu.memory_space<vmem>>, vector<1x1x1x16xf32>,
        %get3A_1815 = vector.shape_cast %get3A_1814 : vector<1x1x1x16xf32> to vector<16xf32>
        %min3A_1816 = arith.minimumf %min3A_1807, %get3A_1815 : vector<16xf32>
        %get3A_1817 = arith.constant 0 : i32
        %get3A_1818 = arith.constant 25 : i32
        %get3A_1819 = arith.index_cast %get3A_1817 : i32 to index
        %get3A_1820 = arith.index_cast %scan3A_125 : i32 to index
        %get3A_1821 = arith.index_cast %get3A_1818 : i32 to index
        %get3A_1822 = arith.constant 80 : index
        %get3A_1823 = tpu.vector_load %arg4[%get3A_1819, %get3A_1820, %get3A_1821, %get3A_1822] {strides = array<i32>} : memref<2x8x32x128xf32, #tpu.memory_space<vmem>>, vector<1x1x1x16xf32>,
        %get3A_1824 = vector.shape_cast %get3A_1823 : vector<1x1x1x16xf32> to vector<16xf32>
        %min3A_1825 = arith.minimumf %min3A_1816, %get3A_1824 : vector<16xf32>
        %get3A_1826 = arith.constant 0 : i32
        %get3A_1827 = arith.constant 26 : i32
        %get3A_1828 = arith.index_cast %get3A_1826 : i32 to index
        %get3A_1829 = arith.index_cast %scan3A_125 : i32 to index
        %get3A_1830 = arith.index_cast %get3A_1827 : i32 to index
        %get3A_1831 = arith.constant 80 : index
        %get3A_1832 = tpu.vector_load %arg4[%get3A_1828, %get3A_1829, %get3A_1830, %get3A_1831] {strides = array<i32>} : memref<2x8x32x128xf32, #tpu.memory_space<vmem>>, vector<1x1x1x16xf32>,
        %get3A_1833 = vector.shape_cast %get3A_1832 : vector<1x1x1x16xf32> to vector<16xf32>
        %min3A_1834 = arith.minimumf %min3A_1825, %get3A_1833 : vector<16xf32>
        %get3A_1835 = arith.constant 0 : i32
        %get3A_1836 = arith.constant 27 : i32
        %get3A_1837 = arith.index_cast %get3A_1835 : i32 to index
        %get3A_1838 = arith.index_cast %scan3A_125 : i32 to index
        %get3A_1839 = arith.index_cast %get3A_1836 : i32 to index
        %get3A_1840 = arith.constant 80 : index
        %get3A_1841 = tpu.vector_load %arg4[%get3A_1837, %get3A_1838, %get3A_1839, %get3A_1840] {strides = array<i32>} : memref<2x8x32x128xf32, #tpu.memory_space<vmem>>, vector<1x1x1x16xf32>,
        %get3A_1842 = vector.shape_cast %get3A_1841 : vector<1x1x1x16xf32> to vector<16xf32>
        %min3A_1843 = arith.minimumf %min3A_1834, %get3A_1842 : vector<16xf32>
        %get3A_1844 = arith.constant 0 : i32
        %get3A_1845 = arith.constant 28 : i32
        %get3A_1846 = arith.index_cast %get3A_1844 : i32 to index
        %get3A_1847 = arith.index_cast %scan3A_125 : i32 to index
        %get3A_1848 = arith.index_cast %get3A_1845 : i32 to index
        %get3A_1849 = arith.constant 80 : index
        %get3A_1850 = tpu.vector_load %arg4[%get3A_1846, %get3A_1847, %get3A_1848, %get3A_1849] {strides = array<i32>} : memref<2x8x32x128xf32, #tpu.memory_space<vmem>>, vector<1x1x1x16xf32>,
        %get3A_1851 = vector.shape_cast %get3A_1850 : vector<1x1x1x16xf32> to vector<16xf32>
        %min3A_1852 = arith.minimumf %min3A_1843, %get3A_1851 : vector<16xf32>
        %get3A_1853 = arith.constant 0 : i32
        %get3A_1854 = arith.constant 29 : i32
        %get3A_1855 = arith.index_cast %get3A_1853 : i32 to index
        %get3A_1856 = arith.index_cast %scan3A_125 : i32 to index
        %get3A_1857 = arith.index_cast %get3A_1854 : i32 to index
        %get3A_1858 = arith.constant 80 : index
        %get3A_1859 = tpu.vector_load %arg4[%get3A_1855, %get3A_1856, %get3A_1857, %get3A_1858] {strides = array<i32>} : memref<2x8x32x128xf32, #tpu.memory_space<vmem>>, vector<1x1x1x16xf32>,
        %get3A_1860 = vector.shape_cast %get3A_1859 : vector<1x1x1x16xf32> to vector<16xf32>
        %min3A_1861 = arith.minimumf %min3A_1852, %get3A_1860 : vector<16xf32>
        %get3A_1862 = arith.constant 0 : i32
        %get3A_1863 = arith.constant 30 : i32
        %get3A_1864 = arith.index_cast %get3A_1862 : i32 to index
        %get3A_1865 = arith.index_cast %scan3A_125 : i32 to index
        %get3A_1866 = arith.index_cast %get3A_1863 : i32 to index
        %get3A_1867 = arith.constant 80 : index
        %get3A_1868 = tpu.vector_load %arg4[%get3A_1864, %get3A_1865, %get3A_1866, %get3A_1867] {strides = array<i32>} : memref<2x8x32x128xf32, #tpu.memory_space<vmem>>, vector<1x1x1x16xf32>,
        %get3A_1869 = vector.shape_cast %get3A_1868 : vector<1x1x1x16xf32> to vector<16xf32>
        %min3A_1870 = arith.minimumf %min3A_1861, %get3A_1869 : vector<16xf32>
        %get3A_1871 = arith.constant 0 : i32
        %get3A_1872 = arith.constant 31 : i32
        %get3A_1873 = arith.index_cast %get3A_1871 : i32 to index
        %get3A_1874 = arith.index_cast %scan3A_125 : i32 to index
        %get3A_1875 = arith.index_cast %get3A_1872 : i32 to index
        %get3A_1876 = arith.constant 80 : index
        %get3A_1877 = tpu.vector_load %arg4[%get3A_1873, %get3A_1874, %get3A_1875, %get3A_1876] {strides = array<i32>} : memref<2x8x32x128xf32, #tpu.memory_space<vmem>>, vector<1x1x1x16xf32>,
        %get3A_1878 = vector.shape_cast %get3A_1877 : vector<1x1x1x16xf32> to vector<16xf32>
        %min3A_1879 = arith.minimumf %min3A_1870, %get3A_1878 : vector<16xf32>
        %swap3A_1880 = arith.constant 0 : i32
        %swap3A_1881 = arith.index_cast %swap3A_1880 : i32 to index
        %swap3A_1882 = arith.index_cast %scan3A_125 : i32 to index
        %swap3A_1883 = arith.constant 80 : index
        %swap3A_1884 = tpu.vector_load %arg5[%swap3A_1881, %swap3A_1882, %swap3A_1883] {strides = array<i32>} : memref<2x8x128xf32, #tpu.memory_space<vmem>>, vector<1x1x16xf32>,
        %swap3A_1885 = vector.shape_cast %swap3A_1884 : vector<1x1x16xf32> to vector<16xf32>
        %swap3A_1886 = vector.shape_cast %min3A_1879 : vector<16xf32> to vector<1x1x16xf32>
        tpu.vector_store %arg5[%swap3A_1881, %swap3A_1882, %swap3A_1883], %swap3A_1886 {strides = array<i32>} : memref<2x8x128xf32, #tpu.memory_space<vmem>>, vector<1x1x16xf32>,
        %get3A_1887 = arith.constant 0 : i32
        %get3A_1888 = arith.constant 0 : i32
        %get3A_1889 = arith.index_cast %get3A_1887 : i32 to index
        %get3A_1890 = arith.index_cast %scan3A_125 : i32 to index
        %get3A_1891 = arith.index_cast %get3A_1888 : i32 to index
        %get3A_1892 = arith.constant 96 : index
        %get3A_1893 = tpu.vector_load %arg4[%get3A_1889, %get3A_1890, %get3A_1891, %get3A_1892] {strides = array<i32>} : memref<2x8x32x128xf32, #tpu.memory_space<vmem>>, vector<1x1x1x16xf32>,
        %get3A_1894 = vector.shape_cast %get3A_1893 : vector<1x1x1x16xf32> to vector<16xf32>
        %get3A_1895 = arith.constant 0 : i32
        %get3A_1896 = arith.constant 1 : i32
        %get3A_1897 = arith.index_cast %get3A_1895 : i32 to index
        %get3A_1898 = arith.index_cast %scan3A_125 : i32 to index
        %get3A_1899 = arith.index_cast %get3A_1896 : i32 to index
        %get3A_1900 = arith.constant 96 : index
        %get3A_1901 = tpu.vector_load %arg4[%get3A_1897, %get3A_1898, %get3A_1899, %get3A_1900] {strides = array<i32>} : memref<2x8x32x128xf32, #tpu.memory_space<vmem>>, vector<1x1x1x16xf32>,
        %get3A_1902 = vector.shape_cast %get3A_1901 : vector<1x1x1x16xf32> to vector<16xf32>
        %min3A_1903 = arith.minimumf %get3A_1894, %get3A_1902 : vector<16xf32>
        %get3A_1904 = arith.constant 0 : i32
        %get3A_1905 = arith.constant 2 : i32
        %get3A_1906 = arith.index_cast %get3A_1904 : i32 to index
        %get3A_1907 = arith.index_cast %scan3A_125 : i32 to index
        %get3A_1908 = arith.index_cast %get3A_1905 : i32 to index
        %get3A_1909 = arith.constant 96 : index
        %get3A_1910 = tpu.vector_load %arg4[%get3A_1906, %get3A_1907, %get3A_1908, %get3A_1909] {strides = array<i32>} : memref<2x8x32x128xf32, #tpu.memory_space<vmem>>, vector<1x1x1x16xf32>,
        %get3A_1911 = vector.shape_cast %get3A_1910 : vector<1x1x1x16xf32> to vector<16xf32>
        %min3A_1912 = arith.minimumf %min3A_1903, %get3A_1911 : vector<16xf32>
        %get3A_1913 = arith.constant 0 : i32
        %get3A_1914 = arith.constant 3 : i32
        %get3A_1915 = arith.index_cast %get3A_1913 : i32 to index
        %get3A_1916 = arith.index_cast %scan3A_125 : i32 to index
        %get3A_1917 = arith.index_cast %get3A_1914 : i32 to index
        %get3A_1918 = arith.constant 96 : index
        %get3A_1919 = tpu.vector_load %arg4[%get3A_1915, %get3A_1916, %get3A_1917, %get3A_1918] {strides = array<i32>} : memref<2x8x32x128xf32, #tpu.memory_space<vmem>>, vector<1x1x1x16xf32>,
        %get3A_1920 = vector.shape_cast %get3A_1919 : vector<1x1x1x16xf32> to vector<16xf32>
        %min3A_1921 = arith.minimumf %min3A_1912, %get3A_1920 : vector<16xf32>
        %get3A_1922 = arith.constant 0 : i32
        %get3A_1923 = arith.constant 4 : i32
        %get3A_1924 = arith.index_cast %get3A_1922 : i32 to index
        %get3A_1925 = arith.index_cast %scan3A_125 : i32 to index
        %get3A_1926 = arith.index_cast %get3A_1923 : i32 to index
        %get3A_1927 = arith.constant 96 : index
        %get3A_1928 = tpu.vector_load %arg4[%get3A_1924, %get3A_1925, %get3A_1926, %get3A_1927] {strides = array<i32>} : memref<2x8x32x128xf32, #tpu.memory_space<vmem>>, vector<1x1x1x16xf32>,
        %get3A_1929 = vector.shape_cast %get3A_1928 : vector<1x1x1x16xf32> to vector<16xf32>
        %min3A_1930 = arith.minimumf %min3A_1921, %get3A_1929 : vector<16xf32>
        %get3A_1931 = arith.constant 0 : i32
        %get3A_1932 = arith.constant 5 : i32
        %get3A_1933 = arith.index_cast %get3A_1931 : i32 to index
        %get3A_1934 = arith.index_cast %scan3A_125 : i32 to index
        %get3A_1935 = arith.index_cast %get3A_1932 : i32 to index
        %get3A_1936 = arith.constant 96 : index
        %get3A_1937 = tpu.vector_load %arg4[%get3A_1933, %get3A_1934, %get3A_1935, %get3A_1936] {strides = array<i32>} : memref<2x8x32x128xf32, #tpu.memory_space<vmem>>, vector<1x1x1x16xf32>,
        %get3A_1938 = vector.shape_cast %get3A_1937 : vector<1x1x1x16xf32> to vector<16xf32>
        %min3A_1939 = arith.minimumf %min3A_1930, %get3A_1938 : vector<16xf32>
        %get3A_1940 = arith.constant 0 : i32
        %get3A_1941 = arith.constant 6 : i32
        %get3A_1942 = arith.index_cast %get3A_1940 : i32 to index
        %get3A_1943 = arith.index_cast %scan3A_125 : i32 to index
        %get3A_1944 = arith.index_cast %get3A_1941 : i32 to index
        %get3A_1945 = arith.constant 96 : index
        %get3A_1946 = tpu.vector_load %arg4[%get3A_1942, %get3A_1943, %get3A_1944, %get3A_1945] {strides = array<i32>} : memref<2x8x32x128xf32, #tpu.memory_space<vmem>>, vector<1x1x1x16xf32>,
        %get3A_1947 = vector.shape_cast %get3A_1946 : vector<1x1x1x16xf32> to vector<16xf32>
        %min3A_1948 = arith.minimumf %min3A_1939, %get3A_1947 : vector<16xf32>
        %get3A_1949 = arith.constant 0 : i32
        %get3A_1950 = arith.constant 7 : i32
        %get3A_1951 = arith.index_cast %get3A_1949 : i32 to index
        %get3A_1952 = arith.index_cast %scan3A_125 : i32 to index
        %get3A_1953 = arith.index_cast %get3A_1950 : i32 to index
        %get3A_1954 = arith.constant 96 : index
        %get3A_1955 = tpu.vector_load %arg4[%get3A_1951, %get3A_1952, %get3A_1953, %get3A_1954] {strides = array<i32>} : memref<2x8x32x128xf32, #tpu.memory_space<vmem>>, vector<1x1x1x16xf32>,
        %get3A_1956 = vector.shape_cast %get3A_1955 : vector<1x1x1x16xf32> to vector<16xf32>
        %min3A_1957 = arith.minimumf %min3A_1948, %get3A_1956 : vector<16xf32>
        %get3A_1958 = arith.constant 0 : i32
        %get3A_1959 = arith.constant 8 : i32
        %get3A_1960 = arith.index_cast %get3A_1958 : i32 to index
        %get3A_1961 = arith.index_cast %scan3A_125 : i32 to index
        %get3A_1962 = arith.index_cast %get3A_1959 : i32 to index
        %get3A_1963 = arith.constant 96 : index
        %get3A_1964 = tpu.vector_load %arg4[%get3A_1960, %get3A_1961, %get3A_1962, %get3A_1963] {strides = array<i32>} : memref<2x8x32x128xf32, #tpu.memory_space<vmem>>, vector<1x1x1x16xf32>,
        %get3A_1965 = vector.shape_cast %get3A_1964 : vector<1x1x1x16xf32> to vector<16xf32>
        %min3A_1966 = arith.minimumf %min3A_1957, %get3A_1965 : vector<16xf32>
        %get3A_1967 = arith.constant 0 : i32
        %get3A_1968 = arith.constant 9 : i32
        %get3A_1969 = arith.index_cast %get3A_1967 : i32 to index
        %get3A_1970 = arith.index_cast %scan3A_125 : i32 to index
        %get3A_1971 = arith.index_cast %get3A_1968 : i32 to index
        %get3A_1972 = arith.constant 96 : index
        %get3A_1973 = tpu.vector_load %arg4[%get3A_1969, %get3A_1970, %get3A_1971, %get3A_1972] {strides = array<i32>} : memref<2x8x32x128xf32, #tpu.memory_space<vmem>>, vector<1x1x1x16xf32>,
        %get3A_1974 = vector.shape_cast %get3A_1973 : vector<1x1x1x16xf32> to vector<16xf32>
        %min3A_1975 = arith.minimumf %min3A_1966, %get3A_1974 : vector<16xf32>
        %get3A_1976 = arith.constant 0 : i32
        %get3A_1977 = arith.constant 10 : i32
        %get3A_1978 = arith.index_cast %get3A_1976 : i32 to index
        %get3A_1979 = arith.index_cast %scan3A_125 : i32 to index
        %get3A_1980 = arith.index_cast %get3A_1977 : i32 to index
        %get3A_1981 = arith.constant 96 : index
        %get3A_1982 = tpu.vector_load %arg4[%get3A_1978, %get3A_1979, %get3A_1980, %get3A_1981] {strides = array<i32>} : memref<2x8x32x128xf32, #tpu.memory_space<vmem>>, vector<1x1x1x16xf32>,
        %get3A_1983 = vector.shape_cast %get3A_1982 : vector<1x1x1x16xf32> to vector<16xf32>
        %min3A_1984 = arith.minimumf %min3A_1975, %get3A_1983 : vector<16xf32>
        %get3A_1985 = arith.constant 0 : i32
        %get3A_1986 = arith.constant 11 : i32
        %get3A_1987 = arith.index_cast %get3A_1985 : i32 to index
        %get3A_1988 = arith.index_cast %scan3A_125 : i32 to index
        %get3A_1989 = arith.index_cast %get3A_1986 : i32 to index
        %get3A_1990 = arith.constant 96 : index
        %get3A_1991 = tpu.vector_load %arg4[%get3A_1987, %get3A_1988, %get3A_1989, %get3A_1990] {strides = array<i32>} : memref<2x8x32x128xf32, #tpu.memory_space<vmem>>, vector<1x1x1x16xf32>,
        %get3A_1992 = vector.shape_cast %get3A_1991 : vector<1x1x1x16xf32> to vector<16xf32>
        %min3A_1993 = arith.minimumf %min3A_1984, %get3A_1992 : vector<16xf32>
        %get3A_1994 = arith.constant 0 : i32
        %get3A_1995 = arith.constant 12 : i32
        %get3A_1996 = arith.index_cast %get3A_1994 : i32 to index
        %get3A_1997 = arith.index_cast %scan3A_125 : i32 to index
        %get3A_1998 = arith.index_cast %get3A_1995 : i32 to index
        %get3A_1999 = arith.constant 96 : index
        %get3A_2000 = tpu.vector_load %arg4[%get3A_1996, %get3A_1997, %get3A_1998, %get3A_1999] {strides = array<i32>} : memref<2x8x32x128xf32, #tpu.memory_space<vmem>>, vector<1x1x1x16xf32>,
        %get3A_2001 = vector.shape_cast %get3A_2000 : vector<1x1x1x16xf32> to vector<16xf32>
        %min3A_2002 = arith.minimumf %min3A_1993, %get3A_2001 : vector<16xf32>
        %get3A_2003 = arith.constant 0 : i32
        %get3A_2004 = arith.constant 13 : i32
        %get3A_2005 = arith.index_cast %get3A_2003 : i32 to index
        %get3A_2006 = arith.index_cast %scan3A_125 : i32 to index
        %get3A_2007 = arith.index_cast %get3A_2004 : i32 to index
        %get3A_2008 = arith.constant 96 : index
        %get3A_2009 = tpu.vector_load %arg4[%get3A_2005, %get3A_2006, %get3A_2007, %get3A_2008] {strides = array<i32>} : memref<2x8x32x128xf32, #tpu.memory_space<vmem>>, vector<1x1x1x16xf32>,
        %get3A_2010 = vector.shape_cast %get3A_2009 : vector<1x1x1x16xf32> to vector<16xf32>
        %min3A_2011 = arith.minimumf %min3A_2002, %get3A_2010 : vector<16xf32>
        %get3A_2012 = arith.constant 0 : i32
        %get3A_2013 = arith.constant 14 : i32
        %get3A_2014 = arith.index_cast %get3A_2012 : i32 to index
        %get3A_2015 = arith.index_cast %scan3A_125 : i32 to index
        %get3A_2016 = arith.index_cast %get3A_2013 : i32 to index
        %get3A_2017 = arith.constant 96 : index
        %get3A_2018 = tpu.vector_load %arg4[%get3A_2014, %get3A_2015, %get3A_2016, %get3A_2017] {strides = array<i32>} : memref<2x8x32x128xf32, #tpu.memory_space<vmem>>, vector<1x1x1x16xf32>,
        %get3A_2019 = vector.shape_cast %get3A_2018 : vector<1x1x1x16xf32> to vector<16xf32>
        %min3A_2020 = arith.minimumf %min3A_2011, %get3A_2019 : vector<16xf32>
        %get3A_2021 = arith.constant 0 : i32
        %get3A_2022 = arith.constant 15 : i32
        %get3A_2023 = arith.index_cast %get3A_2021 : i32 to index
        %get3A_2024 = arith.index_cast %scan3A_125 : i32 to index
        %get3A_2025 = arith.index_cast %get3A_2022 : i32 to index
        %get3A_2026 = arith.constant 96 : index
        %get3A_2027 = tpu.vector_load %arg4[%get3A_2023, %get3A_2024, %get3A_2025, %get3A_2026] {strides = array<i32>} : memref<2x8x32x128xf32, #tpu.memory_space<vmem>>, vector<1x1x1x16xf32>,
        %get3A_2028 = vector.shape_cast %get3A_2027 : vector<1x1x1x16xf32> to vector<16xf32>
        %min3A_2029 = arith.minimumf %min3A_2020, %get3A_2028 : vector<16xf32>
        %get3A_2030 = arith.constant 0 : i32
        %get3A_2031 = arith.constant 16 : i32
        %get3A_2032 = arith.index_cast %get3A_2030 : i32 to index
        %get3A_2033 = arith.index_cast %scan3A_125 : i32 to index
        %get3A_2034 = arith.index_cast %get3A_2031 : i32 to index
        %get3A_2035 = arith.constant 96 : index
        %get3A_2036 = tpu.vector_load %arg4[%get3A_2032, %get3A_2033, %get3A_2034, %get3A_2035] {strides = array<i32>} : memref<2x8x32x128xf32, #tpu.memory_space<vmem>>, vector<1x1x1x16xf32>,
        %get3A_2037 = vector.shape_cast %get3A_2036 : vector<1x1x1x16xf32> to vector<16xf32>
        %min3A_2038 = arith.minimumf %min3A_2029, %get3A_2037 : vector<16xf32>
        %get3A_2039 = arith.constant 0 : i32
        %get3A_2040 = arith.constant 17 : i32
        %get3A_2041 = arith.index_cast %get3A_2039 : i32 to index
        %get3A_2042 = arith.index_cast %scan3A_125 : i32 to index
        %get3A_2043 = arith.index_cast %get3A_2040 : i32 to index
        %get3A_2044 = arith.constant 96 : index
        %get3A_2045 = tpu.vector_load %arg4[%get3A_2041, %get3A_2042, %get3A_2043, %get3A_2044] {strides = array<i32>} : memref<2x8x32x128xf32, #tpu.memory_space<vmem>>, vector<1x1x1x16xf32>,
        %get3A_2046 = vector.shape_cast %get3A_2045 : vector<1x1x1x16xf32> to vector<16xf32>
        %min3A_2047 = arith.minimumf %min3A_2038, %get3A_2046 : vector<16xf32>
        %get3A_2048 = arith.constant 0 : i32
        %get3A_2049 = arith.constant 18 : i32
        %get3A_2050 = arith.index_cast %get3A_2048 : i32 to index
        %get3A_2051 = arith.index_cast %scan3A_125 : i32 to index
        %get3A_2052 = arith.index_cast %get3A_2049 : i32 to index
        %get3A_2053 = arith.constant 96 : index
        %get3A_2054 = tpu.vector_load %arg4[%get3A_2050, %get3A_2051, %get3A_2052, %get3A_2053] {strides = array<i32>} : memref<2x8x32x128xf32, #tpu.memory_space<vmem>>, vector<1x1x1x16xf32>,
        %get3A_2055 = vector.shape_cast %get3A_2054 : vector<1x1x1x16xf32> to vector<16xf32>
        %min3A_2056 = arith.minimumf %min3A_2047, %get3A_2055 : vector<16xf32>
        %get3A_2057 = arith.constant 0 : i32
        %get3A_2058 = arith.constant 19 : i32
        %get3A_2059 = arith.index_cast %get3A_2057 : i32 to index
        %get3A_2060 = arith.index_cast %scan3A_125 : i32 to index
        %get3A_2061 = arith.index_cast %get3A_2058 : i32 to index
        %get3A_2062 = arith.constant 96 : index
        %get3A_2063 = tpu.vector_load %arg4[%get3A_2059, %get3A_2060, %get3A_2061, %get3A_2062] {strides = array<i32>} : memref<2x8x32x128xf32, #tpu.memory_space<vmem>>, vector<1x1x1x16xf32>,
        %get3A_2064 = vector.shape_cast %get3A_2063 : vector<1x1x1x16xf32> to vector<16xf32>
        %min3A_2065 = arith.minimumf %min3A_2056, %get3A_2064 : vector<16xf32>
        %get3A_2066 = arith.constant 0 : i32
        %get3A_2067 = arith.constant 20 : i32
        %get3A_2068 = arith.index_cast %get3A_2066 : i32 to index
        %get3A_2069 = arith.index_cast %scan3A_125 : i32 to index
        %get3A_2070 = arith.index_cast %get3A_2067 : i32 to index
        %get3A_2071 = arith.constant 96 : index
        %get3A_2072 = tpu.vector_load %arg4[%get3A_2068, %get3A_2069, %get3A_2070, %get3A_2071] {strides = array<i32>} : memref<2x8x32x128xf32, #tpu.memory_space<vmem>>, vector<1x1x1x16xf32>,
        %get3A_2073 = vector.shape_cast %get3A_2072 : vector<1x1x1x16xf32> to vector<16xf32>
        %min3A_2074 = arith.minimumf %min3A_2065, %get3A_2073 : vector<16xf32>
        %get3A_2075 = arith.constant 0 : i32
        %get3A_2076 = arith.constant 21 : i32
        %get3A_2077 = arith.index_cast %get3A_2075 : i32 to index
        %get3A_2078 = arith.index_cast %scan3A_125 : i32 to index
        %get3A_2079 = arith.index_cast %get3A_2076 : i32 to index
        %get3A_2080 = arith.constant 96 : index
        %get3A_2081 = tpu.vector_load %arg4[%get3A_2077, %get3A_2078, %get3A_2079, %get3A_2080] {strides = array<i32>} : memref<2x8x32x128xf32, #tpu.memory_space<vmem>>, vector<1x1x1x16xf32>,
        %get3A_2082 = vector.shape_cast %get3A_2081 : vector<1x1x1x16xf32> to vector<16xf32>
        %min3A_2083 = arith.minimumf %min3A_2074, %get3A_2082 : vector<16xf32>
        %get3A_2084 = arith.constant 0 : i32
        %get3A_2085 = arith.constant 22 : i32
        %get3A_2086 = arith.index_cast %get3A_2084 : i32 to index
        %get3A_2087 = arith.index_cast %scan3A_125 : i32 to index
        %get3A_2088 = arith.index_cast %get3A_2085 : i32 to index
        %get3A_2089 = arith.constant 96 : index
        %get3A_2090 = tpu.vector_load %arg4[%get3A_2086, %get3A_2087, %get3A_2088, %get3A_2089] {strides = array<i32>} : memref<2x8x32x128xf32, #tpu.memory_space<vmem>>, vector<1x1x1x16xf32>,
        %get3A_2091 = vector.shape_cast %get3A_2090 : vector<1x1x1x16xf32> to vector<16xf32>
        %min3A_2092 = arith.minimumf %min3A_2083, %get3A_2091 : vector<16xf32>
        %get3A_2093 = arith.constant 0 : i32
        %get3A_2094 = arith.constant 23 : i32
        %get3A_2095 = arith.index_cast %get3A_2093 : i32 to index
        %get3A_2096 = arith.index_cast %scan3A_125 : i32 to index
        %get3A_2097 = arith.index_cast %get3A_2094 : i32 to index
        %get3A_2098 = arith.constant 96 : index
        %get3A_2099 = tpu.vector_load %arg4[%get3A_2095, %get3A_2096, %get3A_2097, %get3A_2098] {strides = array<i32>} : memref<2x8x32x128xf32, #tpu.memory_space<vmem>>, vector<1x1x1x16xf32>,
        %get3A_2100 = vector.shape_cast %get3A_2099 : vector<1x1x1x16xf32> to vector<16xf32>
        %min3A_2101 = arith.minimumf %min3A_2092, %get3A_2100 : vector<16xf32>
        %get3A_2102 = arith.constant 0 : i32
        %get3A_2103 = arith.constant 24 : i32
        %get3A_2104 = arith.index_cast %get3A_2102 : i32 to index
        %get3A_2105 = arith.index_cast %scan3A_125 : i32 to index
        %get3A_2106 = arith.index_cast %get3A_2103 : i32 to index
        %get3A_2107 = arith.constant 96 : index
        %get3A_2108 = tpu.vector_load %arg4[%get3A_2104, %get3A_2105, %get3A_2106, %get3A_2107] {strides = array<i32>} : memref<2x8x32x128xf32, #tpu.memory_space<vmem>>, vector<1x1x1x16xf32>,
        %get3A_2109 = vector.shape_cast %get3A_2108 : vector<1x1x1x16xf32> to vector<16xf32>
        %min3A_2110 = arith.minimumf %min3A_2101, %get3A_2109 : vector<16xf32>
        %get3A_2111 = arith.constant 0 : i32
        %get3A_2112 = arith.constant 25 : i32
        %get3A_2113 = arith.index_cast %get3A_2111 : i32 to index
        %get3A_2114 = arith.index_cast %scan3A_125 : i32 to index
        %get3A_2115 = arith.index_cast %get3A_2112 : i32 to index
        %get3A_2116 = arith.constant 96 : index
        %get3A_2117 = tpu.vector_load %arg4[%get3A_2113, %get3A_2114, %get3A_2115, %get3A_2116] {strides = array<i32>} : memref<2x8x32x128xf32, #tpu.memory_space<vmem>>, vector<1x1x1x16xf32>,
        %get3A_2118 = vector.shape_cast %get3A_2117 : vector<1x1x1x16xf32> to vector<16xf32>
        %min3A_2119 = arith.minimumf %min3A_2110, %get3A_2118 : vector<16xf32>
        %get3A_2120 = arith.constant 0 : i32
        %get3A_2121 = arith.constant 26 : i32
        %get3A_2122 = arith.index_cast %get3A_2120 : i32 to index
        %get3A_2123 = arith.index_cast %scan3A_125 : i32 to index
        %get3A_2124 = arith.index_cast %get3A_2121 : i32 to index
        %get3A_2125 = arith.constant 96 : index
        %get3A_2126 = tpu.vector_load %arg4[%get3A_2122, %get3A_2123, %get3A_2124, %get3A_2125] {strides = array<i32>} : memref<2x8x32x128xf32, #tpu.memory_space<vmem>>, vector<1x1x1x16xf32>,
        %get3A_2127 = vector.shape_cast %get3A_2126 : vector<1x1x1x16xf32> to vector<16xf32>
        %min3A_2128 = arith.minimumf %min3A_2119, %get3A_2127 : vector<16xf32>
        %get3A_2129 = arith.constant 0 : i32
        %get3A_2130 = arith.constant 27 : i32
        %get3A_2131 = arith.index_cast %get3A_2129 : i32 to index
        %get3A_2132 = arith.index_cast %scan3A_125 : i32 to index
        %get3A_2133 = arith.index_cast %get3A_2130 : i32 to index
        %get3A_2134 = arith.constant 96 : index
        %get3A_2135 = tpu.vector_load %arg4[%get3A_2131, %get3A_2132, %get3A_2133, %get3A_2134] {strides = array<i32>} : memref<2x8x32x128xf32, #tpu.memory_space<vmem>>, vector<1x1x1x16xf32>,
        %get3A_2136 = vector.shape_cast %get3A_2135 : vector<1x1x1x16xf32> to vector<16xf32>
        %min3A_2137 = arith.minimumf %min3A_2128, %get3A_2136 : vector<16xf32>
        %get3A_2138 = arith.constant 0 : i32
        %get3A_2139 = arith.constant 28 : i32
        %get3A_2140 = arith.index_cast %get3A_2138 : i32 to index
        %get3A_2141 = arith.index_cast %scan3A_125 : i32 to index
        %get3A_2142 = arith.index_cast %get3A_2139 : i32 to index
        %get3A_2143 = arith.constant 96 : index
        %get3A_2144 = tpu.vector_load %arg4[%get3A_2140, %get3A_2141, %get3A_2142, %get3A_2143] {strides = array<i32>} : memref<2x8x32x128xf32, #tpu.memory_space<vmem>>, vector<1x1x1x16xf32>,
        %get3A_2145 = vector.shape_cast %get3A_2144 : vector<1x1x1x16xf32> to vector<16xf32>
        %min3A_2146 = arith.minimumf %min3A_2137, %get3A_2145 : vector<16xf32>
        %get3A_2147 = arith.constant 0 : i32
        %get3A_2148 = arith.constant 29 : i32
        %get3A_2149 = arith.index_cast %get3A_2147 : i32 to index
        %get3A_2150 = arith.index_cast %scan3A_125 : i32 to index
        %get3A_2151 = arith.index_cast %get3A_2148 : i32 to index
        %get3A_2152 = arith.constant 96 : index
        %get3A_2153 = tpu.vector_load %arg4[%get3A_2149, %get3A_2150, %get3A_2151, %get3A_2152] {strides = array<i32>} : memref<2x8x32x128xf32, #tpu.memory_space<vmem>>, vector<1x1x1x16xf32>,
        %get3A_2154 = vector.shape_cast %get3A_2153 : vector<1x1x1x16xf32> to vector<16xf32>
        %min3A_2155 = arith.minimumf %min3A_2146, %get3A_2154 : vector<16xf32>
        %get3A_2156 = arith.constant 0 : i32
        %get3A_2157 = arith.constant 30 : i32
        %get3A_2158 = arith.index_cast %get3A_2156 : i32 to index
        %get3A_2159 = arith.index_cast %scan3A_125 : i32 to index
        %get3A_2160 = arith.index_cast %get3A_2157 : i32 to index
        %get3A_2161 = arith.constant 96 : index
        %get3A_2162 = tpu.vector_load %arg4[%get3A_2158, %get3A_2159, %get3A_2160, %get3A_2161] {strides = array<i32>} : memref<2x8x32x128xf32, #tpu.memory_space<vmem>>, vector<1x1x1x16xf32>,
        %get3A_2163 = vector.shape_cast %get3A_2162 : vector<1x1x1x16xf32> to vector<16xf32>
        %min3A_2164 = arith.minimumf %min3A_2155, %get3A_2163 : vector<16xf32>
        %get3A_2165 = arith.constant 0 : i32
        %get3A_2166 = arith.constant 31 : i32
        %get3A_2167 = arith.index_cast %get3A_2165 : i32 to index
        %get3A_2168 = arith.index_cast %scan3A_125 : i32 to index
        %get3A_2169 = arith.index_cast %get3A_2166 : i32 to index
        %get3A_2170 = arith.constant 96 : index
        %get3A_2171 = tpu.vector_load %arg4[%get3A_2167, %get3A_2168, %get3A_2169, %get3A_2170] {strides = array<i32>} : memref<2x8x32x128xf32, #tpu.memory_space<vmem>>, vector<1x1x1x16xf32>,
        %get3A_2172 = vector.shape_cast %get3A_2171 : vector<1x1x1x16xf32> to vector<16xf32>
        %min3A_2173 = arith.minimumf %min3A_2164, %get3A_2172 : vector<16xf32>
        %swap3A_2174 = arith.constant 0 : i32
        %swap3A_2175 = arith.index_cast %swap3A_2174 : i32 to index
        %swap3A_2176 = arith.index_cast %scan3A_125 : i32 to index
        %swap3A_2177 = arith.constant 96 : index
        %swap3A_2178 = tpu.vector_load %arg5[%swap3A_2175, %swap3A_2176, %swap3A_2177] {strides = array<i32>} : memref<2x8x128xf32, #tpu.memory_space<vmem>>, vector<1x1x16xf32>,
        %swap3A_2179 = vector.shape_cast %swap3A_2178 : vector<1x1x16xf32> to vector<16xf32>
        %swap3A_2180 = vector.shape_cast %min3A_2173 : vector<16xf32> to vector<1x1x16xf32>
        tpu.vector_store %arg5[%swap3A_2175, %swap3A_2176, %swap3A_2177], %swap3A_2180 {strides = array<i32>} : memref<2x8x128xf32, #tpu.memory_space<vmem>>, vector<1x1x16xf32>,
        %get3A_2181 = arith.constant 0 : i32
        %get3A_2182 = arith.constant 0 : i32
        %get3A_2183 = arith.index_cast %get3A_2181 : i32 to index
        %get3A_2184 = arith.index_cast %scan3A_125 : i32 to index
        %get3A_2185 = arith.index_cast %get3A_2182 : i32 to index
        %get3A_2186 = arith.constant 112 : index
        %get3A_2187 = tpu.vector_load %arg4[%get3A_2183, %get3A_2184, %get3A_2185, %get3A_2186] {strides = array<i32>} : memref<2x8x32x128xf32, #tpu.memory_space<vmem>>, vector<1x1x1x16xf32>,
        %get3A_2188 = vector.shape_cast %get3A_2187 : vector<1x1x1x16xf32> to vector<16xf32>
        %get3A_2189 = arith.constant 0 : i32
        %get3A_2190 = arith.constant 1 : i32
        %get3A_2191 = arith.index_cast %get3A_2189 : i32 to index
        %get3A_2192 = arith.index_cast %scan3A_125 : i32 to index
        %get3A_2193 = arith.index_cast %get3A_2190 : i32 to index
        %get3A_2194 = arith.constant 112 : index
        %get3A_2195 = tpu.vector_load %arg4[%get3A_2191, %get3A_2192, %get3A_2193, %get3A_2194] {strides = array<i32>} : memref<2x8x32x128xf32, #tpu.memory_space<vmem>>, vector<1x1x1x16xf32>,
        %get3A_2196 = vector.shape_cast %get3A_2195 : vector<1x1x1x16xf32> to vector<16xf32>
        %min3A_2197 = arith.minimumf %get3A_2188, %get3A_2196 : vector<16xf32>
        %get3A_2198 = arith.constant 0 : i32
        %get3A_2199 = arith.constant 2 : i32
        %get3A_2200 = arith.index_cast %get3A_2198 : i32 to index
        %get3A_2201 = arith.index_cast %scan3A_125 : i32 to index
        %get3A_2202 = arith.index_cast %get3A_2199 : i32 to index
        %get3A_2203 = arith.constant 112 : index
        %get3A_2204 = tpu.vector_load %arg4[%get3A_2200, %get3A_2201, %get3A_2202, %get3A_2203] {strides = array<i32>} : memref<2x8x32x128xf32, #tpu.memory_space<vmem>>, vector<1x1x1x16xf32>,
        %get3A_2205 = vector.shape_cast %get3A_2204 : vector<1x1x1x16xf32> to vector<16xf32>
        %min3A_2206 = arith.minimumf %min3A_2197, %get3A_2205 : vector<16xf32>
        %get3A_2207 = arith.constant 0 : i32
        %get3A_2208 = arith.constant 3 : i32
        %get3A_2209 = arith.index_cast %get3A_2207 : i32 to index
        %get3A_2210 = arith.index_cast %scan3A_125 : i32 to index
        %get3A_2211 = arith.index_cast %get3A_2208 : i32 to index
        %get3A_2212 = arith.constant 112 : index
        %get3A_2213 = tpu.vector_load %arg4[%get3A_2209, %get3A_2210, %get3A_2211, %get3A_2212] {strides = array<i32>} : memref<2x8x32x128xf32, #tpu.memory_space<vmem>>, vector<1x1x1x16xf32>,
        %get3A_2214 = vector.shape_cast %get3A_2213 : vector<1x1x1x16xf32> to vector<16xf32>
        %min3A_2215 = arith.minimumf %min3A_2206, %get3A_2214 : vector<16xf32>
        %get3A_2216 = arith.constant 0 : i32
        %get3A_2217 = arith.constant 4 : i32
        %get3A_2218 = arith.index_cast %get3A_2216 : i32 to index
        %get3A_2219 = arith.index_cast %scan3A_125 : i32 to index
        %get3A_2220 = arith.index_cast %get3A_2217 : i32 to index
        %get3A_2221 = arith.constant 112 : index
        %get3A_2222 = tpu.vector_load %arg4[%get3A_2218, %get3A_2219, %get3A_2220, %get3A_2221] {strides = array<i32>} : memref<2x8x32x128xf32, #tpu.memory_space<vmem>>, vector<1x1x1x16xf32>,
        %get3A_2223 = vector.shape_cast %get3A_2222 : vector<1x1x1x16xf32> to vector<16xf32>
        %min3A_2224 = arith.minimumf %min3A_2215, %get3A_2223 : vector<16xf32>
        %get3A_2225 = arith.constant 0 : i32
        %get3A_2226 = arith.constant 5 : i32
        %get3A_2227 = arith.index_cast %get3A_2225 : i32 to index
        %get3A_2228 = arith.index_cast %scan3A_125 : i32 to index
        %get3A_2229 = arith.index_cast %get3A_2226 : i32 to index
        %get3A_2230 = arith.constant 112 : index
        %get3A_2231 = tpu.vector_load %arg4[%get3A_2227, %get3A_2228, %get3A_2229, %get3A_2230] {strides = array<i32>} : memref<2x8x32x128xf32, #tpu.memory_space<vmem>>, vector<1x1x1x16xf32>,
        %get3A_2232 = vector.shape_cast %get3A_2231 : vector<1x1x1x16xf32> to vector<16xf32>
        %min3A_2233 = arith.minimumf %min3A_2224, %get3A_2232 : vector<16xf32>
        %get3A_2234 = arith.constant 0 : i32
        %get3A_2235 = arith.constant 6 : i32
        %get3A_2236 = arith.index_cast %get3A_2234 : i32 to index
        %get3A_2237 = arith.index_cast %scan3A_125 : i32 to index
        %get3A_2238 = arith.index_cast %get3A_2235 : i32 to index
        %get3A_2239 = arith.constant 112 : index
        %get3A_2240 = tpu.vector_load %arg4[%get3A_2236, %get3A_2237, %get3A_2238, %get3A_2239] {strides = array<i32>} : memref<2x8x32x128xf32, #tpu.memory_space<vmem>>, vector<1x1x1x16xf32>,
        %get3A_2241 = vector.shape_cast %get3A_2240 : vector<1x1x1x16xf32> to vector<16xf32>
        %min3A_2242 = arith.minimumf %min3A_2233, %get3A_2241 : vector<16xf32>
        %get3A_2243 = arith.constant 0 : i32
        %get3A_2244 = arith.constant 7 : i32
        %get3A_2245 = arith.index_cast %get3A_2243 : i32 to index
        %get3A_2246 = arith.index_cast %scan3A_125 : i32 to index
        %get3A_2247 = arith.index_cast %get3A_2244 : i32 to index
        %get3A_2248 = arith.constant 112 : index
        %get3A_2249 = tpu.vector_load %arg4[%get3A_2245, %get3A_2246, %get3A_2247, %get3A_2248] {strides = array<i32>} : memref<2x8x32x128xf32, #tpu.memory_space<vmem>>, vector<1x1x1x16xf32>,
        %get3A_2250 = vector.shape_cast %get3A_2249 : vector<1x1x1x16xf32> to vector<16xf32>
        %min3A_2251 = arith.minimumf %min3A_2242, %get3A_2250 : vector<16xf32>
        %get3A_2252 = arith.constant 0 : i32
        %get3A_2253 = arith.constant 8 : i32
        %get3A_2254 = arith.index_cast %get3A_2252 : i32 to index
        %get3A_2255 = arith.index_cast %scan3A_125 : i32 to index
        %get3A_2256 = arith.index_cast %get3A_2253 : i32 to index
        %get3A_2257 = arith.constant 112 : index
        %get3A_2258 = tpu.vector_load %arg4[%get3A_2254, %get3A_2255, %get3A_2256, %get3A_2257] {strides = array<i32>} : memref<2x8x32x128xf32, #tpu.memory_space<vmem>>, vector<1x1x1x16xf32>,
        %get3A_2259 = vector.shape_cast %get3A_2258 : vector<1x1x1x16xf32> to vector<16xf32>
        %min3A_2260 = arith.minimumf %min3A_2251, %get3A_2259 : vector<16xf32>
        %get3A_2261 = arith.constant 0 : i32
        %get3A_2262 = arith.constant 9 : i32
        %get3A_2263 = arith.index_cast %get3A_2261 : i32 to index
        %get3A_2264 = arith.index_cast %scan3A_125 : i32 to index
        %get3A_2265 = arith.index_cast %get3A_2262 : i32 to index
        %get3A_2266 = arith.constant 112 : index
        %get3A_2267 = tpu.vector_load %arg4[%get3A_2263, %get3A_2264, %get3A_2265, %get3A_2266] {strides = array<i32>} : memref<2x8x32x128xf32, #tpu.memory_space<vmem>>, vector<1x1x1x16xf32>,
        %get3A_2268 = vector.shape_cast %get3A_2267 : vector<1x1x1x16xf32> to vector<16xf32>
        %min3A_2269 = arith.minimumf %min3A_2260, %get3A_2268 : vector<16xf32>
        %get3A_2270 = arith.constant 0 : i32
        %get3A_2271 = arith.constant 10 : i32
        %get3A_2272 = arith.index_cast %get3A_2270 : i32 to index
        %get3A_2273 = arith.index_cast %scan3A_125 : i32 to index
        %get3A_2274 = arith.index_cast %get3A_2271 : i32 to index
        %get3A_2275 = arith.constant 112 : index
        %get3A_2276 = tpu.vector_load %arg4[%get3A_2272, %get3A_2273, %get3A_2274, %get3A_2275] {strides = array<i32>} : memref<2x8x32x128xf32, #tpu.memory_space<vmem>>, vector<1x1x1x16xf32>,
        %get3A_2277 = vector.shape_cast %get3A_2276 : vector<1x1x1x16xf32> to vector<16xf32>
        %min3A_2278 = arith.minimumf %min3A_2269, %get3A_2277 : vector<16xf32>
        %get3A_2279 = arith.constant 0 : i32
        %get3A_2280 = arith.constant 11 : i32
        %get3A_2281 = arith.index_cast %get3A_2279 : i32 to index
        %get3A_2282 = arith.index_cast %scan3A_125 : i32 to index
        %get3A_2283 = arith.index_cast %get3A_2280 : i32 to index
        %get3A_2284 = arith.constant 112 : index
        %get3A_2285 = tpu.vector_load %arg4[%get3A_2281, %get3A_2282, %get3A_2283, %get3A_2284] {strides = array<i32>} : memref<2x8x32x128xf32, #tpu.memory_space<vmem>>, vector<1x1x1x16xf32>,
        %get3A_2286 = vector.shape_cast %get3A_2285 : vector<1x1x1x16xf32> to vector<16xf32>
        %min3A_2287 = arith.minimumf %min3A_2278, %get3A_2286 : vector<16xf32>
        %get3A_2288 = arith.constant 0 : i32
        %get3A_2289 = arith.constant 12 : i32
        %get3A_2290 = arith.index_cast %get3A_2288 : i32 to index
        %get3A_2291 = arith.index_cast %scan3A_125 : i32 to index
        %get3A_2292 = arith.index_cast %get3A_2289 : i32 to index
        %get3A_2293 = arith.constant 112 : index
        %get3A_2294 = tpu.vector_load %arg4[%get3A_2290, %get3A_2291, %get3A_2292, %get3A_2293] {strides = array<i32>} : memref<2x8x32x128xf32, #tpu.memory_space<vmem>>, vector<1x1x1x16xf32>,
        %get3A_2295 = vector.shape_cast %get3A_2294 : vector<1x1x1x16xf32> to vector<16xf32>
        %min3A_2296 = arith.minimumf %min3A_2287, %get3A_2295 : vector<16xf32>
        %get3A_2297 = arith.constant 0 : i32
        %get3A_2298 = arith.constant 13 : i32
        %get3A_2299 = arith.index_cast %get3A_2297 : i32 to index
        %get3A_2300 = arith.index_cast %scan3A_125 : i32 to index
        %get3A_2301 = arith.index_cast %get3A_2298 : i32 to index
        %get3A_2302 = arith.constant 112 : index
        %get3A_2303 = tpu.vector_load %arg4[%get3A_2299, %get3A_2300, %get3A_2301, %get3A_2302] {strides = array<i32>} : memref<2x8x32x128xf32, #tpu.memory_space<vmem>>, vector<1x1x1x16xf32>,
        %get3A_2304 = vector.shape_cast %get3A_2303 : vector<1x1x1x16xf32> to vector<16xf32>
        %min3A_2305 = arith.minimumf %min3A_2296, %get3A_2304 : vector<16xf32>
        %get3A_2306 = arith.constant 0 : i32
        %get3A_2307 = arith.constant 14 : i32
        %get3A_2308 = arith.index_cast %get3A_2306 : i32 to index
        %get3A_2309 = arith.index_cast %scan3A_125 : i32 to index
        %get3A_2310 = arith.index_cast %get3A_2307 : i32 to index
        %get3A_2311 = arith.constant 112 : index
        %get3A_2312 = tpu.vector_load %arg4[%get3A_2308, %get3A_2309, %get3A_2310, %get3A_2311] {strides = array<i32>} : memref<2x8x32x128xf32, #tpu.memory_space<vmem>>, vector<1x1x1x16xf32>,
        %get3A_2313 = vector.shape_cast %get3A_2312 : vector<1x1x1x16xf32> to vector<16xf32>
        %min3A_2314 = arith.minimumf %min3A_2305, %get3A_2313 : vector<16xf32>
        %get3A_2315 = arith.constant 0 : i32
        %get3A_2316 = arith.constant 15 : i32
        %get3A_2317 = arith.index_cast %get3A_2315 : i32 to index
        %get3A_2318 = arith.index_cast %scan3A_125 : i32 to index
        %get3A_2319 = arith.index_cast %get3A_2316 : i32 to index
        %get3A_2320 = arith.constant 112 : index
        %get3A_2321 = tpu.vector_load %arg4[%get3A_2317, %get3A_2318, %get3A_2319, %get3A_2320] {strides = array<i32>} : memref<2x8x32x128xf32, #tpu.memory_space<vmem>>, vector<1x1x1x16xf32>,
        %get3A_2322 = vector.shape_cast %get3A_2321 : vector<1x1x1x16xf32> to vector<16xf32>
        %min3A_2323 = arith.minimumf %min3A_2314, %get3A_2322 : vector<16xf32>
        %get3A_2324 = arith.constant 0 : i32
        %get3A_2325 = arith.constant 16 : i32
        %get3A_2326 = arith.index_cast %get3A_2324 : i32 to index
        %get3A_2327 = arith.index_cast %scan3A_125 : i32 to index
        %get3A_2328 = arith.index_cast %get3A_2325 : i32 to index
        %get3A_2329 = arith.constant 112 : index
        %get3A_2330 = tpu.vector_load %arg4[%get3A_2326, %get3A_2327, %get3A_2328, %get3A_2329] {strides = array<i32>} : memref<2x8x32x128xf32, #tpu.memory_space<vmem>>, vector<1x1x1x16xf32>,
        %get3A_2331 = vector.shape_cast %get3A_2330 : vector<1x1x1x16xf32> to vector<16xf32>
        %min3A_2332 = arith.minimumf %min3A_2323, %get3A_2331 : vector<16xf32>
        %get3A_2333 = arith.constant 0 : i32
        %get3A_2334 = arith.constant 17 : i32
        %get3A_2335 = arith.index_cast %get3A_2333 : i32 to index
        %get3A_2336 = arith.index_cast %scan3A_125 : i32 to index
        %get3A_2337 = arith.index_cast %get3A_2334 : i32 to index
        %get3A_2338 = arith.constant 112 : index
        %get3A_2339 = tpu.vector_load %arg4[%get3A_2335, %get3A_2336, %get3A_2337, %get3A_2338] {strides = array<i32>} : memref<2x8x32x128xf32, #tpu.memory_space<vmem>>, vector<1x1x1x16xf32>,
        %get3A_2340 = vector.shape_cast %get3A_2339 : vector<1x1x1x16xf32> to vector<16xf32>
        %min3A_2341 = arith.minimumf %min3A_2332, %get3A_2340 : vector<16xf32>
        %get3A_2342 = arith.constant 0 : i32
        %get3A_2343 = arith.constant 18 : i32
        %get3A_2344 = arith.index_cast %get3A_2342 : i32 to index
        %get3A_2345 = arith.index_cast %scan3A_125 : i32 to index
        %get3A_2346 = arith.index_cast %get3A_2343 : i32 to index
        %get3A_2347 = arith.constant 112 : index
        %get3A_2348 = tpu.vector_load %arg4[%get3A_2344, %get3A_2345, %get3A_2346, %get3A_2347] {strides = array<i32>} : memref<2x8x32x128xf32, #tpu.memory_space<vmem>>, vector<1x1x1x16xf32>,
        %get3A_2349 = vector.shape_cast %get3A_2348 : vector<1x1x1x16xf32> to vector<16xf32>
        %min3A_2350 = arith.minimumf %min3A_2341, %get3A_2349 : vector<16xf32>
        %get3A_2351 = arith.constant 0 : i32
        %get3A_2352 = arith.constant 19 : i32
        %get3A_2353 = arith.index_cast %get3A_2351 : i32 to index
        %get3A_2354 = arith.index_cast %scan3A_125 : i32 to index
        %get3A_2355 = arith.index_cast %get3A_2352 : i32 to index
        %get3A_2356 = arith.constant 112 : index
        %get3A_2357 = tpu.vector_load %arg4[%get3A_2353, %get3A_2354, %get3A_2355, %get3A_2356] {strides = array<i32>} : memref<2x8x32x128xf32, #tpu.memory_space<vmem>>, vector<1x1x1x16xf32>,
        %get3A_2358 = vector.shape_cast %get3A_2357 : vector<1x1x1x16xf32> to vector<16xf32>
        %min3A_2359 = arith.minimumf %min3A_2350, %get3A_2358 : vector<16xf32>
        %get3A_2360 = arith.constant 0 : i32
        %get3A_2361 = arith.constant 20 : i32
        %get3A_2362 = arith.index_cast %get3A_2360 : i32 to index
        %get3A_2363 = arith.index_cast %scan3A_125 : i32 to index
        %get3A_2364 = arith.index_cast %get3A_2361 : i32 to index
        %get3A_2365 = arith.constant 112 : index
        %get3A_2366 = tpu.vector_load %arg4[%get3A_2362, %get3A_2363, %get3A_2364, %get3A_2365] {strides = array<i32>} : memref<2x8x32x128xf32, #tpu.memory_space<vmem>>, vector<1x1x1x16xf32>,
        %get3A_2367 = vector.shape_cast %get3A_2366 : vector<1x1x1x16xf32> to vector<16xf32>
        %min3A_2368 = arith.minimumf %min3A_2359, %get3A_2367 : vector<16xf32>
        %get3A_2369 = arith.constant 0 : i32
        %get3A_2370 = arith.constant 21 : i32
        %get3A_2371 = arith.index_cast %get3A_2369 : i32 to index
        %get3A_2372 = arith.index_cast %scan3A_125 : i32 to index
        %get3A_2373 = arith.index_cast %get3A_2370 : i32 to index
        %get3A_2374 = arith.constant 112 : index
        %get3A_2375 = tpu.vector_load %arg4[%get3A_2371, %get3A_2372, %get3A_2373, %get3A_2374] {strides = array<i32>} : memref<2x8x32x128xf32, #tpu.memory_space<vmem>>, vector<1x1x1x16xf32>,
        %get3A_2376 = vector.shape_cast %get3A_2375 : vector<1x1x1x16xf32> to vector<16xf32>
        %min3A_2377 = arith.minimumf %min3A_2368, %get3A_2376 : vector<16xf32>
        %get3A_2378 = arith.constant 0 : i32
        %get3A_2379 = arith.constant 22 : i32
        %get3A_2380 = arith.index_cast %get3A_2378 : i32 to index
        %get3A_2381 = arith.index_cast %scan3A_125 : i32 to index
        %get3A_2382 = arith.index_cast %get3A_2379 : i32 to index
        %get3A_2383 = arith.constant 112 : index
        %get3A_2384 = tpu.vector_load %arg4[%get3A_2380, %get3A_2381, %get3A_2382, %get3A_2383] {strides = array<i32>} : memref<2x8x32x128xf32, #tpu.memory_space<vmem>>, vector<1x1x1x16xf32>,
        %get3A_2385 = vector.shape_cast %get3A_2384 : vector<1x1x1x16xf32> to vector<16xf32>
        %min3A_2386 = arith.minimumf %min3A_2377, %get3A_2385 : vector<16xf32>
        %get3A_2387 = arith.constant 0 : i32
        %get3A_2388 = arith.constant 23 : i32
        %get3A_2389 = arith.index_cast %get3A_2387 : i32 to index
        %get3A_2390 = arith.index_cast %scan3A_125 : i32 to index
        %get3A_2391 = arith.index_cast %get3A_2388 : i32 to index
        %get3A_2392 = arith.constant 112 : index
        %get3A_2393 = tpu.vector_load %arg4[%get3A_2389, %get3A_2390, %get3A_2391, %get3A_2392] {strides = array<i32>} : memref<2x8x32x128xf32, #tpu.memory_space<vmem>>, vector<1x1x1x16xf32>,
        %get3A_2394 = vector.shape_cast %get3A_2393 : vector<1x1x1x16xf32> to vector<16xf32>
        %min3A_2395 = arith.minimumf %min3A_2386, %get3A_2394 : vector<16xf32>
        %get3A_2396 = arith.constant 0 : i32
        %get3A_2397 = arith.constant 24 : i32
        %get3A_2398 = arith.index_cast %get3A_2396 : i32 to index
        %get3A_2399 = arith.index_cast %scan3A_125 : i32 to index
        %get3A_2400 = arith.index_cast %get3A_2397 : i32 to index
        %get3A_2401 = arith.constant 112 : index
        %get3A_2402 = tpu.vector_load %arg4[%get3A_2398, %get3A_2399, %get3A_2400, %get3A_2401] {strides = array<i32>} : memref<2x8x32x128xf32, #tpu.memory_space<vmem>>, vector<1x1x1x16xf32>,
        %get3A_2403 = vector.shape_cast %get3A_2402 : vector<1x1x1x16xf32> to vector<16xf32>
        %min3A_2404 = arith.minimumf %min3A_2395, %get3A_2403 : vector<16xf32>
        %get3A_2405 = arith.constant 0 : i32
        %get3A_2406 = arith.constant 25 : i32
        %get3A_2407 = arith.index_cast %get3A_2405 : i32 to index
        %get3A_2408 = arith.index_cast %scan3A_125 : i32 to index
        %get3A_2409 = arith.index_cast %get3A_2406 : i32 to index
        %get3A_2410 = arith.constant 112 : index
        %get3A_2411 = tpu.vector_load %arg4[%get3A_2407, %get3A_2408, %get3A_2409, %get3A_2410] {strides = array<i32>} : memref<2x8x32x128xf32, #tpu.memory_space<vmem>>, vector<1x1x1x16xf32>,
        %get3A_2412 = vector.shape_cast %get3A_2411 : vector<1x1x1x16xf32> to vector<16xf32>
        %min3A_2413 = arith.minimumf %min3A_2404, %get3A_2412 : vector<16xf32>
        %get3A_2414 = arith.constant 0 : i32
        %get3A_2415 = arith.constant 26 : i32
        %get3A_2416 = arith.index_cast %get3A_2414 : i32 to index
        %get3A_2417 = arith.index_cast %scan3A_125 : i32 to index
        %get3A_2418 = arith.index_cast %get3A_2415 : i32 to index
        %get3A_2419 = arith.constant 112 : index
        %get3A_2420 = tpu.vector_load %arg4[%get3A_2416, %get3A_2417, %get3A_2418, %get3A_2419] {strides = array<i32>} : memref<2x8x32x128xf32, #tpu.memory_space<vmem>>, vector<1x1x1x16xf32>,
        %get3A_2421 = vector.shape_cast %get3A_2420 : vector<1x1x1x16xf32> to vector<16xf32>
        %min3A_2422 = arith.minimumf %min3A_2413, %get3A_2421 : vector<16xf32>
        %get3A_2423 = arith.constant 0 : i32
        %get3A_2424 = arith.constant 27 : i32
        %get3A_2425 = arith.index_cast %get3A_2423 : i32 to index
        %get3A_2426 = arith.index_cast %scan3A_125 : i32 to index
        %get3A_2427 = arith.index_cast %get3A_2424 : i32 to index
        %get3A_2428 = arith.constant 112 : index
        %get3A_2429 = tpu.vector_load %arg4[%get3A_2425, %get3A_2426, %get3A_2427, %get3A_2428] {strides = array<i32>} : memref<2x8x32x128xf32, #tpu.memory_space<vmem>>, vector<1x1x1x16xf32>,
        %get3A_2430 = vector.shape_cast %get3A_2429 : vector<1x1x1x16xf32> to vector<16xf32>
        %min3A_2431 = arith.minimumf %min3A_2422, %get3A_2430 : vector<16xf32>
        %get3A_2432 = arith.constant 0 : i32
        %get3A_2433 = arith.constant 28 : i32
        %get3A_2434 = arith.index_cast %get3A_2432 : i32 to index
        %get3A_2435 = arith.index_cast %scan3A_125 : i32 to index
        %get3A_2436 = arith.index_cast %get3A_2433 : i32 to index
        %get3A_2437 = arith.constant 112 : index
        %get3A_2438 = tpu.vector_load %arg4[%get3A_2434, %get3A_2435, %get3A_2436, %get3A_2437] {strides = array<i32>} : memref<2x8x32x128xf32, #tpu.memory_space<vmem>>, vector<1x1x1x16xf32>,
        %get3A_2439 = vector.shape_cast %get3A_2438 : vector<1x1x1x16xf32> to vector<16xf32>
        %min3A_2440 = arith.minimumf %min3A_2431, %get3A_2439 : vector<16xf32>
        %get3A_2441 = arith.constant 0 : i32
        %get3A_2442 = arith.constant 29 : i32
        %get3A_2443 = arith.index_cast %get3A_2441 : i32 to index
        %get3A_2444 = arith.index_cast %scan3A_125 : i32 to index
        %get3A_2445 = arith.index_cast %get3A_2442 : i32 to index
        %get3A_2446 = arith.constant 112 : index
        %get3A_2447 = tpu.vector_load %arg4[%get3A_2443, %get3A_2444, %get3A_2445, %get3A_2446] {strides = array<i32>} : memref<2x8x32x128xf32, #tpu.memory_space<vmem>>, vector<1x1x1x16xf32>,
        %get3A_2448 = vector.shape_cast %get3A_2447 : vector<1x1x1x16xf32> to vector<16xf32>
        %min3A_2449 = arith.minimumf %min3A_2440, %get3A_2448 : vector<16xf32>
        %get3A_2450 = arith.constant 0 : i32
        %get3A_2451 = arith.constant 30 : i32
        %get3A_2452 = arith.index_cast %get3A_2450 : i32 to index
        %get3A_2453 = arith.index_cast %scan3A_125 : i32 to index
        %get3A_2454 = arith.index_cast %get3A_2451 : i32 to index
        %get3A_2455 = arith.constant 112 : index
        %get3A_2456 = tpu.vector_load %arg4[%get3A_2452, %get3A_2453, %get3A_2454, %get3A_2455] {strides = array<i32>} : memref<2x8x32x128xf32, #tpu.memory_space<vmem>>, vector<1x1x1x16xf32>,
        %get3A_2457 = vector.shape_cast %get3A_2456 : vector<1x1x1x16xf32> to vector<16xf32>
        %min3A_2458 = arith.minimumf %min3A_2449, %get3A_2457 : vector<16xf32>
        %get3A_2459 = arith.constant 0 : i32
        %get3A_2460 = arith.constant 31 : i32
        %get3A_2461 = arith.index_cast %get3A_2459 : i32 to index
        %get3A_2462 = arith.index_cast %scan3A_125 : i32 to index
        %get3A_2463 = arith.index_cast %get3A_2460 : i32 to index
        %get3A_2464 = arith.constant 112 : index
        %get3A_2465 = tpu.vector_load %arg4[%get3A_2461, %get3A_2462, %get3A_2463, %get3A_2464] {strides = array<i32>} : memref<2x8x32x128xf32, #tpu.memory_space<vmem>>, vector<1x1x1x16xf32>,
        %get3A_2466 = vector.shape_cast %get3A_2465 : vector<1x1x1x16xf32> to vector<16xf32>
        %min3A_2467 = arith.minimumf %min3A_2458, %get3A_2466 : vector<16xf32>
        %swap3A_2468 = arith.constant 0 : i32
        %swap3A_2469 = arith.index_cast %swap3A_2468 : i32 to index
        %swap3A_2470 = arith.index_cast %scan3A_125 : i32 to index
        %swap3A_2471 = arith.constant 112 : index
        %swap3A_2472 = tpu.vector_load %arg5[%swap3A_2469, %swap3A_2470, %swap3A_2471] {strides = array<i32>} : memref<2x8x128xf32, #tpu.memory_space<vmem>>, vector<1x1x16xf32>,
        %swap3A_2473 = vector.shape_cast %swap3A_2472 : vector<1x1x16xf32> to vector<16xf32>
        %swap3A_2474 = vector.shape_cast %min3A_2467 : vector<16xf32> to vector<1x1x16xf32>
        tpu.vector_store %arg5[%swap3A_2469, %swap3A_2470, %swap3A_2471], %swap3A_2474 {strides = array<i32>} : memref<2x8x128xf32, #tpu.memory_space<vmem>>, vector<1x1x16xf32>,
      }
      %scan3A_75 = arith.constant 8 : i32
      %mul3A_76 = arith.constant 8 : i32
      %mul3A_77 = arith.muli %select_n3A_42, %mul3A_76 : i32
      %run_scoped3A = arith.constant 0 : i32
      "tpu.region"() ({
        %run_scoped3A_125 = tpu.sem_alloc : memref<!tpu.dma_semaphore, #tpu.memory_space<semaphore_mem>>
        %dma_start3A_126 = arith.constant 0 : i32
        %dma_start3A_127 = arith.constant 0 : i32
        %dma_start3A_128 = tpu.memref_slice %arg5[%run_scoped3A, %dma_start3A_126, %dma_start3A_127] : memref<2x8x128xf32, #tpu.memory_space<vmem>> -> memref<1x8x128xf32, #tpu.memory_space<vmem>>
        %dma_start3A_129 = tpu.memref_squeeze %dma_start3A_128 : memref<1x8x128xf32, #tpu.memory_space<vmem>> -> memref<8x128xf32, #tpu.memory_space<vmem>>
        %dma_start3A_130 = arith.constant 0 : i32
        %dma_start3A_131 = tpu.memref_slice %arg3[%mul3A_77, %dma_start3A_130] : memref<10000x128xf32, #tpu.memory_space<hbm>> -> memref<8x128xf32, #tpu.memory_space<hbm>>
        %dma_start3A_132 = arith.constant 0 : i32
        %dma_start3A_133 = tpu.memref_slice %arg3[%mul3A_77, %dma_start3A_132] : memref<10000x128xf32, #tpu.memory_space<hbm>> -> memref<8x128xf32, #tpu.memory_space<hbm>>
        %dma_start3A_134 = arith.constant 0 : i32
        %dma_start3A_135 = arith.constant 0 : i32
        %dma_start3A_136 = tpu.memref_slice %arg5[%run_scoped3A, %dma_start3A_134, %dma_start3A_135] : memref<2x8x128xf32, #tpu.memory_space<vmem>> -> memref<1x8x128xf32, #tpu.memory_space<vmem>>
        %dma_start3A_137 = tpu.memref_squeeze %dma_start3A_136 : memref<1x8x128xf32, #tpu.memory_space<vmem>> -> memref<8x128xf32, #tpu.memory_space<vmem>>
        tpu.enqueue_dma source(%dma_start3A_137 : memref<8x128xf32, #tpu.memory_space<vmem>>) target(%dma_start3A_133 : memref<8x128xf32, #tpu.memory_space<hbm>>) target_semaphore(%run_scoped3A_125 : memref<!tpu.dma_semaphore, #tpu.memory_space<semaphore_mem>>)
        %dma_wait3A_138 = arith.constant 0 : i32
        %dma_wait3A_139 = arith.constant 0 : i32
        %dma_wait3A_140 = tpu.memref_slice %arg5[%run_scoped3A, %dma_wait3A_138, %dma_wait3A_139] : memref<2x8x128xf32, #tpu.memory_space<vmem>> -> memref<1x8x128xf32, #tpu.memory_space<vmem>>
        %dma_wait3A_141 = tpu.memref_squeeze %dma_wait3A_140 : memref<1x8x128xf32, #tpu.memory_space<vmem>> -> memref<8x128xf32, #tpu.memory_space<vmem>>
        %dma_wait3A_142 = arith.constant 0 : i32
        %dma_wait3A_143 = tpu.memref_slice %arg3[%mul3A_77, %dma_wait3A_142] : memref<10000x128xf32, #tpu.memory_space<hbm>> -> memref<8x128xf32, #tpu.memory_space<hbm>>
        %dma_wait3A_144 = arith.constant 0 : i32
        %dma_wait3A_145 = tpu.memref_slice %arg3[%mul3A_77, %dma_wait3A_144] : memref<10000x128xf32, #tpu.memory_space<hbm>> -> memref<8x128xf32, #tpu.memory_space<hbm>>
        %dma_wait3A_146 = arith.constant 0 : i32
        %dma_wait3A_147 = arith.constant 0 : i32
        %dma_wait3A_148 = tpu.memref_slice %arg5[%run_scoped3A, %dma_wait3A_146, %dma_wait3A_147] : memref<2x8x128xf32, #tpu.memory_space<vmem>> -> memref<1x8x128xf32, #tpu.memory_space<vmem>>
        %dma_wait3A_149 = tpu.memref_squeeze %dma_wait3A_148 : memref<1x8x128xf32, #tpu.memory_space<vmem>> -> memref<8x128xf32, #tpu.memory_space<vmem>>
        tpu.wait_dma2 semaphore(%run_scoped3A_125 : memref<!tpu.dma_semaphore, #tpu.memory_space<semaphore_mem>>) src(%dma_wait3A_149 : memref<8x128xf32, #tpu.memory_space<vmem>>) dst(%dma_wait3A_145 : memref<8x128xf32, #tpu.memory_space<hbm>>)
        tpu.yield
      }) : () -> ()
      %mul3A_78 = arith.constant 2 : i32
      %mul3A_79 = arith.muli %mul3A_78, %scan3A_33 : i32
      %add3A_80 = arith.constant 1 : i32
      %add3A_81 = arith.addi %mul3A_79, %add3A_80 : i32
      %lt3A_82 = arith.cmpi slt, %add3A_81, %add3A_3 : i32
      %mul3A_83 = arith.constant 32 : i32
      %mul3A_84 = arith.muli %mul3A_83, %add3A_81 : i32
      %add3A_85 = arith.addi %add3A, %mul3A_84 : i32
      %select_n3A_86 = arith.select %lt3A_82, %add3A_85, %add3A : i32
      %mul3A_87 = arith.constant 8 : i32
      %mul3A_88 = arith.muli %select_n3A_86, %mul3A_87 : i32
      %dma_wait3A_89 = arith.constant 1 : i32
      %dma_wait3A_90 = arith.constant 1 : i32
      %dma_wait3A_91 = arith.constant 0 : i32
      %dma_wait3A_92 = arith.constant 0 : i32
      %dma_wait3A_93 = arith.constant 0 : i32
      %dma_wait3A_94 = tpu.memref_slice %arg4[%dma_wait3A_89, %dma_wait3A_91, %dma_wait3A_92, %dma_wait3A_93] : memref<2x8x32x128xf32, #tpu.memory_space<vmem>> -> memref<1x8x32x128xf32, #tpu.memory_space<vmem>>
      %dma_wait3A_95 = tpu.memref_squeeze %dma_wait3A_94 : memref<1x8x32x128xf32, #tpu.memory_space<vmem>> -> memref<8x32x128xf32, #tpu.memory_space<vmem>>
      %dma_wait3A_96 = arith.constant 0 : i32
      %dma_wait3A_97 = arith.constant 0 : i32
      %dma_wait3A_98 = tpu.memref_slice %arg2[%mul3A_88, %dma_wait3A_96, %dma_wait3A_97] : memref<10000x32x128xf32, #tpu.memory_space<hbm>> -> memref<8x32x128xf32, #tpu.memory_space<hbm>>
      %dma_wait3A_99 = tpu.memref_slice %arg6[%dma_wait3A_90] : memref<2x!tpu.dma_semaphore, #tpu.memory_space<semaphore_mem>> -> memref<1x!tpu.dma_semaphore, #tpu.memory_space<semaphore_mem>>
      %dma_wait3A_100 = tpu.memref_squeeze %dma_wait3A_99 : memref<1x!tpu.dma_semaphore, #tpu.memory_space<semaphore_mem>> -> memref<!tpu.dma_semaphore, #tpu.memory_space<semaphore_mem>>
      %dma_wait3A_101 = arith.constant 0 : i32
      %dma_wait3A_102 = arith.constant 0 : i32
      %dma_wait3A_103 = arith.constant 0 : i32
      %dma_wait3A_104 = tpu.memref_slice %arg4[%dma_wait3A_89, %dma_wait3A_101, %dma_wait3A_102, %dma_wait3A_103] : memref<2x8x32x128xf32, #tpu.memory_space<vmem>> -> memref<1x8x32x128xf32, #tpu.memory_space<vmem>>
      %dma_wait3A_105 = tpu.memref_squeeze %dma_wait3A_104 : memref<1x8x32x128xf32, #tpu.memory_space<vmem>> -> memref<8x32x128xf32, #tpu.memory_space<vmem>>
      %dma_wait3A_106 = arith.constant 0 : i32
      %dma_wait3A_107 = arith.constant 0 : i32
      %dma_wait3A_108 = tpu.memref_slice %arg2[%mul3A_88, %dma_wait3A_106, %dma_wait3A_107] : memref<10000x32x128xf32, #tpu.memory_space<hbm>> -> memref<8x32x128xf32, #tpu.memory_space<hbm>>
      tpu.wait_dma2 semaphore(%dma_wait3A_100 : memref<!tpu.dma_semaphore, #tpu.memory_space<semaphore_mem>>) src(%dma_wait3A_108 : memref<8x32x128xf32, #tpu.memory_space<hbm>>) dst(%dma_wait3A_105 : memref<8x32x128xf32, #tpu.memory_space<vmem>>)
      %add3A_109 = arith.constant 1 : i32
      %add3A_110 = arith.addi %add3A_81, %add3A_109 : i32
      %lt3A_111 = arith.constant 40 : i32
      %lt3A_112 = arith.cmpi slt, %add3A_110, %lt3A_111 : i32
      %convert_element_type3A_113 = arith.extui %lt3A_112 : i1 to i32
      %cond3A_114 = arith.constant 0 : i32
      %cond3A_115 = arith.cmpi ne, %convert_element_type3A_113, %cond3A_114 : i32
      scf.if %cond3A_115 {
        %add3A_125 = arith.constant 1 : i32
        %add3A_126 = arith.addi %add3A_81, %add3A_125 : i32
        %lt3A_127 = arith.cmpi slt, %add3A_126, %add3A_3 : i32
        %mul3A_128 = arith.constant 32 : i32
        %mul3A_129 = arith.muli %mul3A_128, %add3A_126 : i32
        %add3A_130 = arith.addi %add3A, %mul3A_129 : i32
        %select_n3A_131 = arith.select %lt3A_127, %add3A_130, %add3A : i32
        %mul3A_132 = arith.constant 8 : i32
        %mul3A_133 = arith.muli %select_n3A_131, %mul3A_132 : i32
        %dma_start3A_134 = arith.constant 0 : i32
        %dma_start3A_135 = arith.constant 0 : i32
        %dma_start3A_136 = arith.constant 0 : i32
        %dma_start3A_137 = arith.constant 0 : i32
        %dma_start3A_138 = arith.constant 0 : i32
        %dma_start3A_139 = tpu.memref_slice %arg4[%dma_start3A_134, %dma_start3A_136, %dma_start3A_137, %dma_start3A_138] : memref<2x8x32x128xf32, #tpu.memory_space<vmem>> -> memref<1x8x32x128xf32, #tpu.memory_space<vmem>>
        %dma_start3A_140 = tpu.memref_squeeze %dma_start3A_139 : memref<1x8x32x128xf32, #tpu.memory_space<vmem>> -> memref<8x32x128xf32, #tpu.memory_space<vmem>>
        %dma_start3A_141 = arith.constant 0 : i32
        %dma_start3A_142 = arith.constant 0 : i32
        %dma_start3A_143 = tpu.memref_slice %arg2[%mul3A_133, %dma_start3A_141, %dma_start3A_142] : memref<10000x32x128xf32, #tpu.memory_space<hbm>> -> memref<8x32x128xf32, #tpu.memory_space<hbm>>
        %dma_start3A_144 = tpu.memref_slice %arg6[%dma_start3A_135] : memref<2x!tpu.dma_semaphore, #tpu.memory_space<semaphore_mem>> -> memref<1x!tpu.dma_semaphore, #tpu.memory_space<semaphore_mem>>
        %dma_start3A_145 = tpu.memref_squeeze %dma_start3A_144 : memref<1x!tpu.dma_semaphore, #tpu.memory_space<semaphore_mem>> -> memref<!tpu.dma_semaphore, #tpu.memory_space<semaphore_mem>>
        %dma_start3A_146 = arith.constant 0 : i32
        %dma_start3A_147 = arith.constant 0 : i32
        %dma_start3A_148 = arith.constant 0 : i32
        %dma_start3A_149 = tpu.memref_slice %arg4[%dma_start3A_134, %dma_start3A_146, %dma_start3A_147, %dma_start3A_148] : memref<2x8x32x128xf32, #tpu.memory_space<vmem>> -> memref<1x8x32x128xf32, #tpu.memory_space<vmem>>
        %dma_start3A_150 = tpu.memref_squeeze %dma_start3A_149 : memref<1x8x32x128xf32, #tpu.memory_space<vmem>> -> memref<8x32x128xf32, #tpu.memory_space<vmem>>
        %dma_start3A_151 = arith.constant 0 : i32
        %dma_start3A_152 = arith.constant 0 : i32
        %dma_start3A_153 = tpu.memref_slice %arg2[%mul3A_133, %dma_start3A_151, %dma_start3A_152] : memref<10000x32x128xf32, #tpu.memory_space<hbm>> -> memref<8x32x128xf32, #tpu.memory_space<hbm>>
        tpu.enqueue_dma source(%dma_start3A_153 : memref<8x32x128xf32, #tpu.memory_space<hbm>>) target(%dma_start3A_150 : memref<8x32x128xf32, #tpu.memory_space<vmem>>) target_semaphore(%dma_start3A_145 : memref<!tpu.dma_semaphore, #tpu.memory_space<semaphore_mem>>)
      } else {
      }
      %scan3A_116 = arith.constant 0 : i32
      %scan3A_117 = arith.constant 0 : i32
      %scan3A_118 = arith.constant 8 : i32
      %scan3A_119 = arith.addi %scan3A_117, %scan3A_118 : i32
      %scan3A_120 = arith.constant 1 : i32
      scf.for %scan3A_125 = %scan3A_117 to %scan3A_119 step %scan3A_120  : i32 {
        %get3A = arith.constant 1 : i32
        %get3A_126 = arith.constant 0 : i32
        %get3A_127 = arith.index_cast %get3A : i32 to index
        %get3A_128 = arith.index_cast %scan3A_125 : i32 to index
        %get3A_129 = arith.index_cast %get3A_126 : i32 to index
        %get3A_130 = arith.constant 0 : index
        %get3A_131 = tpu.vector_load %arg4[%get3A_127, %get3A_128, %get3A_129, %get3A_130] {strides = array<i32>} : memref<2x8x32x128xf32, #tpu.memory_space<vmem>>, vector<1x1x1x16xf32>,
        %get3A_132 = vector.shape_cast %get3A_131 : vector<1x1x1x16xf32> to vector<16xf32>
        %get3A_133 = arith.constant 1 : i32
        %get3A_134 = arith.constant 1 : i32
        %get3A_135 = arith.index_cast %get3A_133 : i32 to index
        %get3A_136 = arith.index_cast %scan3A_125 : i32 to index
        %get3A_137 = arith.index_cast %get3A_134 : i32 to index
        %get3A_138 = arith.constant 0 : index
        %get3A_139 = tpu.vector_load %arg4[%get3A_135, %get3A_136, %get3A_137, %get3A_138] {strides = array<i32>} : memref<2x8x32x128xf32, #tpu.memory_space<vmem>>, vector<1x1x1x16xf32>,
        %get3A_140 = vector.shape_cast %get3A_139 : vector<1x1x1x16xf32> to vector<16xf32>
        %min3A = arith.minimumf %get3A_132, %get3A_140 : vector<16xf32>
        %get3A_141 = arith.constant 1 : i32
        %get3A_142 = arith.constant 2 : i32
        %get3A_143 = arith.index_cast %get3A_141 : i32 to index
        %get3A_144 = arith.index_cast %scan3A_125 : i32 to index
        %get3A_145 = arith.index_cast %get3A_142 : i32 to index
        %get3A_146 = arith.constant 0 : index
        %get3A_147 = tpu.vector_load %arg4[%get3A_143, %get3A_144, %get3A_145, %get3A_146] {strides = array<i32>} : memref<2x8x32x128xf32, #tpu.memory_space<vmem>>, vector<1x1x1x16xf32>,
        %get3A_148 = vector.shape_cast %get3A_147 : vector<1x1x1x16xf32> to vector<16xf32>
        %min3A_149 = arith.minimumf %min3A, %get3A_148 : vector<16xf32>
        %get3A_150 = arith.constant 1 : i32
        %get3A_151 = arith.constant 3 : i32
        %get3A_152 = arith.index_cast %get3A_150 : i32 to index
        %get3A_153 = arith.index_cast %scan3A_125 : i32 to index
        %get3A_154 = arith.index_cast %get3A_151 : i32 to index
        %get3A_155 = arith.constant 0 : index
        %get3A_156 = tpu.vector_load %arg4[%get3A_152, %get3A_153, %get3A_154, %get3A_155] {strides = array<i32>} : memref<2x8x32x128xf32, #tpu.memory_space<vmem>>, vector<1x1x1x16xf32>,
        %get3A_157 = vector.shape_cast %get3A_156 : vector<1x1x1x16xf32> to vector<16xf32>
        %min3A_158 = arith.minimumf %min3A_149, %get3A_157 : vector<16xf32>
        %get3A_159 = arith.constant 1 : i32
        %get3A_160 = arith.constant 4 : i32
        %get3A_161 = arith.index_cast %get3A_159 : i32 to index
        %get3A_162 = arith.index_cast %scan3A_125 : i32 to index
        %get3A_163 = arith.index_cast %get3A_160 : i32 to index
        %get3A_164 = arith.constant 0 : index
        %get3A_165 = tpu.vector_load %arg4[%get3A_161, %get3A_162, %get3A_163, %get3A_164] {strides = array<i32>} : memref<2x8x32x128xf32, #tpu.memory_space<vmem>>, vector<1x1x1x16xf32>,
        %get3A_166 = vector.shape_cast %get3A_165 : vector<1x1x1x16xf32> to vector<16xf32>
        %min3A_167 = arith.minimumf %min3A_158, %get3A_166 : vector<16xf32>
        %get3A_168 = arith.constant 1 : i32
        %get3A_169 = arith.constant 5 : i32
        %get3A_170 = arith.index_cast %get3A_168 : i32 to index
        %get3A_171 = arith.index_cast %scan3A_125 : i32 to index
        %get3A_172 = arith.index_cast %get3A_169 : i32 to index
        %get3A_173 = arith.constant 0 : index
        %get3A_174 = tpu.vector_load %arg4[%get3A_170, %get3A_171, %get3A_172, %get3A_173] {strides = array<i32>} : memref<2x8x32x128xf32, #tpu.memory_space<vmem>>, vector<1x1x1x16xf32>,
        %get3A_175 = vector.shape_cast %get3A_174 : vector<1x1x1x16xf32> to vector<16xf32>
        %min3A_176 = arith.minimumf %min3A_167, %get3A_175 : vector<16xf32>
        %get3A_177 = arith.constant 1 : i32
        %get3A_178 = arith.constant 6 : i32
        %get3A_179 = arith.index_cast %get3A_177 : i32 to index
        %get3A_180 = arith.index_cast %scan3A_125 : i32 to index
        %get3A_181 = arith.index_cast %get3A_178 : i32 to index
        %get3A_182 = arith.constant 0 : index
        %get3A_183 = tpu.vector_load %arg4[%get3A_179, %get3A_180, %get3A_181, %get3A_182] {strides = array<i32>} : memref<2x8x32x128xf32, #tpu.memory_space<vmem>>, vector<1x1x1x16xf32>,
        %get3A_184 = vector.shape_cast %get3A_183 : vector<1x1x1x16xf32> to vector<16xf32>
        %min3A_185 = arith.minimumf %min3A_176, %get3A_184 : vector<16xf32>
        %get3A_186 = arith.constant 1 : i32
        %get3A_187 = arith.constant 7 : i32
        %get3A_188 = arith.index_cast %get3A_186 : i32 to index
        %get3A_189 = arith.index_cast %scan3A_125 : i32 to index
        %get3A_190 = arith.index_cast %get3A_187 : i32 to index
        %get3A_191 = arith.constant 0 : index
        %get3A_192 = tpu.vector_load %arg4[%get3A_188, %get3A_189, %get3A_190, %get3A_191] {strides = array<i32>} : memref<2x8x32x128xf32, #tpu.memory_space<vmem>>, vector<1x1x1x16xf32>,
        %get3A_193 = vector.shape_cast %get3A_192 : vector<1x1x1x16xf32> to vector<16xf32>
        %min3A_194 = arith.minimumf %min3A_185, %get3A_193 : vector<16xf32>
        %get3A_195 = arith.constant 1 : i32
        %get3A_196 = arith.constant 8 : i32
        %get3A_197 = arith.index_cast %get3A_195 : i32 to index
        %get3A_198 = arith.index_cast %scan3A_125 : i32 to index
        %get3A_199 = arith.index_cast %get3A_196 : i32 to index
        %get3A_200 = arith.constant 0 : index
        %get3A_201 = tpu.vector_load %arg4[%get3A_197, %get3A_198, %get3A_199, %get3A_200] {strides = array<i32>} : memref<2x8x32x128xf32, #tpu.memory_space<vmem>>, vector<1x1x1x16xf32>,
        %get3A_202 = vector.shape_cast %get3A_201 : vector<1x1x1x16xf32> to vector<16xf32>
        %min3A_203 = arith.minimumf %min3A_194, %get3A_202 : vector<16xf32>
        %get3A_204 = arith.constant 1 : i32
        %get3A_205 = arith.constant 9 : i32
        %get3A_206 = arith.index_cast %get3A_204 : i32 to index
        %get3A_207 = arith.index_cast %scan3A_125 : i32 to index
        %get3A_208 = arith.index_cast %get3A_205 : i32 to index
        %get3A_209 = arith.constant 0 : index
        %get3A_210 = tpu.vector_load %arg4[%get3A_206, %get3A_207, %get3A_208, %get3A_209] {strides = array<i32>} : memref<2x8x32x128xf32, #tpu.memory_space<vmem>>, vector<1x1x1x16xf32>,
        %get3A_211 = vector.shape_cast %get3A_210 : vector<1x1x1x16xf32> to vector<16xf32>
        %min3A_212 = arith.minimumf %min3A_203, %get3A_211 : vector<16xf32>
        %get3A_213 = arith.constant 1 : i32
        %get3A_214 = arith.constant 10 : i32
        %get3A_215 = arith.index_cast %get3A_213 : i32 to index
        %get3A_216 = arith.index_cast %scan3A_125 : i32 to index
        %get3A_217 = arith.index_cast %get3A_214 : i32 to index
        %get3A_218 = arith.constant 0 : index
        %get3A_219 = tpu.vector_load %arg4[%get3A_215, %get3A_216, %get3A_217, %get3A_218] {strides = array<i32>} : memref<2x8x32x128xf32, #tpu.memory_space<vmem>>, vector<1x1x1x16xf32>,
        %get3A_220 = vector.shape_cast %get3A_219 : vector<1x1x1x16xf32> to vector<16xf32>
        %min3A_221 = arith.minimumf %min3A_212, %get3A_220 : vector<16xf32>
        %get3A_222 = arith.constant 1 : i32
        %get3A_223 = arith.constant 11 : i32
        %get3A_224 = arith.index_cast %get3A_222 : i32 to index
        %get3A_225 = arith.index_cast %scan3A_125 : i32 to index
        %get3A_226 = arith.index_cast %get3A_223 : i32 to index
        %get3A_227 = arith.constant 0 : index
        %get3A_228 = tpu.vector_load %arg4[%get3A_224, %get3A_225, %get3A_226, %get3A_227] {strides = array<i32>} : memref<2x8x32x128xf32, #tpu.memory_space<vmem>>, vector<1x1x1x16xf32>,
        %get3A_229 = vector.shape_cast %get3A_228 : vector<1x1x1x16xf32> to vector<16xf32>
        %min3A_230 = arith.minimumf %min3A_221, %get3A_229 : vector<16xf32>
        %get3A_231 = arith.constant 1 : i32
        %get3A_232 = arith.constant 12 : i32
        %get3A_233 = arith.index_cast %get3A_231 : i32 to index
        %get3A_234 = arith.index_cast %scan3A_125 : i32 to index
        %get3A_235 = arith.index_cast %get3A_232 : i32 to index
        %get3A_236 = arith.constant 0 : index
        %get3A_237 = tpu.vector_load %arg4[%get3A_233, %get3A_234, %get3A_235, %get3A_236] {strides = array<i32>} : memref<2x8x32x128xf32, #tpu.memory_space<vmem>>, vector<1x1x1x16xf32>,
        %get3A_238 = vector.shape_cast %get3A_237 : vector<1x1x1x16xf32> to vector<16xf32>
        %min3A_239 = arith.minimumf %min3A_230, %get3A_238 : vector<16xf32>
        %get3A_240 = arith.constant 1 : i32
        %get3A_241 = arith.constant 13 : i32
        %get3A_242 = arith.index_cast %get3A_240 : i32 to index
        %get3A_243 = arith.index_cast %scan3A_125 : i32 to index
        %get3A_244 = arith.index_cast %get3A_241 : i32 to index
        %get3A_245 = arith.constant 0 : index
        %get3A_246 = tpu.vector_load %arg4[%get3A_242, %get3A_243, %get3A_244, %get3A_245] {strides = array<i32>} : memref<2x8x32x128xf32, #tpu.memory_space<vmem>>, vector<1x1x1x16xf32>,
        %get3A_247 = vector.shape_cast %get3A_246 : vector<1x1x1x16xf32> to vector<16xf32>
        %min3A_248 = arith.minimumf %min3A_239, %get3A_247 : vector<16xf32>
        %get3A_249 = arith.constant 1 : i32
        %get3A_250 = arith.constant 14 : i32
        %get3A_251 = arith.index_cast %get3A_249 : i32 to index
        %get3A_252 = arith.index_cast %scan3A_125 : i32 to index
        %get3A_253 = arith.index_cast %get3A_250 : i32 to index
        %get3A_254 = arith.constant 0 : index
        %get3A_255 = tpu.vector_load %arg4[%get3A_251, %get3A_252, %get3A_253, %get3A_254] {strides = array<i32>} : memref<2x8x32x128xf32, #tpu.memory_space<vmem>>, vector<1x1x1x16xf32>,
        %get3A_256 = vector.shape_cast %get3A_255 : vector<1x1x1x16xf32> to vector<16xf32>
        %min3A_257 = arith.minimumf %min3A_248, %get3A_256 : vector<16xf32>
        %get3A_258 = arith.constant 1 : i32
        %get3A_259 = arith.constant 15 : i32
        %get3A_260 = arith.index_cast %get3A_258 : i32 to index
        %get3A_261 = arith.index_cast %scan3A_125 : i32 to index
        %get3A_262 = arith.index_cast %get3A_259 : i32 to index
        %get3A_263 = arith.constant 0 : index
        %get3A_264 = tpu.vector_load %arg4[%get3A_260, %get3A_261, %get3A_262, %get3A_263] {strides = array<i32>} : memref<2x8x32x128xf32, #tpu.memory_space<vmem>>, vector<1x1x1x16xf32>,
        %get3A_265 = vector.shape_cast %get3A_264 : vector<1x1x1x16xf32> to vector<16xf32>
        %min3A_266 = arith.minimumf %min3A_257, %get3A_265 : vector<16xf32>
        %get3A_267 = arith.constant 1 : i32
        %get3A_268 = arith.constant 16 : i32
        %get3A_269 = arith.index_cast %get3A_267 : i32 to index
        %get3A_270 = arith.index_cast %scan3A_125 : i32 to index
        %get3A_271 = arith.index_cast %get3A_268 : i32 to index
        %get3A_272 = arith.constant 0 : index
        %get3A_273 = tpu.vector_load %arg4[%get3A_269, %get3A_270, %get3A_271, %get3A_272] {strides = array<i32>} : memref<2x8x32x128xf32, #tpu.memory_space<vmem>>, vector<1x1x1x16xf32>,
        %get3A_274 = vector.shape_cast %get3A_273 : vector<1x1x1x16xf32> to vector<16xf32>
        %min3A_275 = arith.minimumf %min3A_266, %get3A_274 : vector<16xf32>
        %get3A_276 = arith.constant 1 : i32
        %get3A_277 = arith.constant 17 : i32
        %get3A_278 = arith.index_cast %get3A_276 : i32 to index
        %get3A_279 = arith.index_cast %scan3A_125 : i32 to index
        %get3A_280 = arith.index_cast %get3A_277 : i32 to index
        %get3A_281 = arith.constant 0 : index
        %get3A_282 = tpu.vector_load %arg4[%get3A_278, %get3A_279, %get3A_280, %get3A_281] {strides = array<i32>} : memref<2x8x32x128xf32, #tpu.memory_space<vmem>>, vector<1x1x1x16xf32>,
        %get3A_283 = vector.shape_cast %get3A_282 : vector<1x1x1x16xf32> to vector<16xf32>
        %min3A_284 = arith.minimumf %min3A_275, %get3A_283 : vector<16xf32>
        %get3A_285 = arith.constant 1 : i32
        %get3A_286 = arith.constant 18 : i32
        %get3A_287 = arith.index_cast %get3A_285 : i32 to index
        %get3A_288 = arith.index_cast %scan3A_125 : i32 to index
        %get3A_289 = arith.index_cast %get3A_286 : i32 to index
        %get3A_290 = arith.constant 0 : index
        %get3A_291 = tpu.vector_load %arg4[%get3A_287, %get3A_288, %get3A_289, %get3A_290] {strides = array<i32>} : memref<2x8x32x128xf32, #tpu.memory_space<vmem>>, vector<1x1x1x16xf32>,
        %get3A_292 = vector.shape_cast %get3A_291 : vector<1x1x1x16xf32> to vector<16xf32>
        %min3A_293 = arith.minimumf %min3A_284, %get3A_292 : vector<16xf32>
        %get3A_294 = arith.constant 1 : i32
        %get3A_295 = arith.constant 19 : i32
        %get3A_296 = arith.index_cast %get3A_294 : i32 to index
        %get3A_297 = arith.index_cast %scan3A_125 : i32 to index
        %get3A_298 = arith.index_cast %get3A_295 : i32 to index
        %get3A_299 = arith.constant 0 : index
        %get3A_300 = tpu.vector_load %arg4[%get3A_296, %get3A_297, %get3A_298, %get3A_299] {strides = array<i32>} : memref<2x8x32x128xf32, #tpu.memory_space<vmem>>, vector<1x1x1x16xf32>,
        %get3A_301 = vector.shape_cast %get3A_300 : vector<1x1x1x16xf32> to vector<16xf32>
        %min3A_302 = arith.minimumf %min3A_293, %get3A_301 : vector<16xf32>
        %get3A_303 = arith.constant 1 : i32
        %get3A_304 = arith.constant 20 : i32
        %get3A_305 = arith.index_cast %get3A_303 : i32 to index
        %get3A_306 = arith.index_cast %scan3A_125 : i32 to index
        %get3A_307 = arith.index_cast %get3A_304 : i32 to index
        %get3A_308 = arith.constant 0 : index
        %get3A_309 = tpu.vector_load %arg4[%get3A_305, %get3A_306, %get3A_307, %get3A_308] {strides = array<i32>} : memref<2x8x32x128xf32, #tpu.memory_space<vmem>>, vector<1x1x1x16xf32>,
        %get3A_310 = vector.shape_cast %get3A_309 : vector<1x1x1x16xf32> to vector<16xf32>
        %min3A_311 = arith.minimumf %min3A_302, %get3A_310 : vector<16xf32>
        %get3A_312 = arith.constant 1 : i32
        %get3A_313 = arith.constant 21 : i32
        %get3A_314 = arith.index_cast %get3A_312 : i32 to index
        %get3A_315 = arith.index_cast %scan3A_125 : i32 to index
        %get3A_316 = arith.index_cast %get3A_313 : i32 to index
        %get3A_317 = arith.constant 0 : index
        %get3A_318 = tpu.vector_load %arg4[%get3A_314, %get3A_315, %get3A_316, %get3A_317] {strides = array<i32>} : memref<2x8x32x128xf32, #tpu.memory_space<vmem>>, vector<1x1x1x16xf32>,
        %get3A_319 = vector.shape_cast %get3A_318 : vector<1x1x1x16xf32> to vector<16xf32>
        %min3A_320 = arith.minimumf %min3A_311, %get3A_319 : vector<16xf32>
        %get3A_321 = arith.constant 1 : i32
        %get3A_322 = arith.constant 22 : i32
        %get3A_323 = arith.index_cast %get3A_321 : i32 to index
        %get3A_324 = arith.index_cast %scan3A_125 : i32 to index
        %get3A_325 = arith.index_cast %get3A_322 : i32 to index
        %get3A_326 = arith.constant 0 : index
        %get3A_327 = tpu.vector_load %arg4[%get3A_323, %get3A_324, %get3A_325, %get3A_326] {strides = array<i32>} : memref<2x8x32x128xf32, #tpu.memory_space<vmem>>, vector<1x1x1x16xf32>,
        %get3A_328 = vector.shape_cast %get3A_327 : vector<1x1x1x16xf32> to vector<16xf32>
        %min3A_329 = arith.minimumf %min3A_320, %get3A_328 : vector<16xf32>
        %get3A_330 = arith.constant 1 : i32
        %get3A_331 = arith.constant 23 : i32
        %get3A_332 = arith.index_cast %get3A_330 : i32 to index
        %get3A_333 = arith.index_cast %scan3A_125 : i32 to index
        %get3A_334 = arith.index_cast %get3A_331 : i32 to index
        %get3A_335 = arith.constant 0 : index
        %get3A_336 = tpu.vector_load %arg4[%get3A_332, %get3A_333, %get3A_334, %get3A_335] {strides = array<i32>} : memref<2x8x32x128xf32, #tpu.memory_space<vmem>>, vector<1x1x1x16xf32>,
        %get3A_337 = vector.shape_cast %get3A_336 : vector<1x1x1x16xf32> to vector<16xf32>
        %min3A_338 = arith.minimumf %min3A_329, %get3A_337 : vector<16xf32>
        %get3A_339 = arith.constant 1 : i32
        %get3A_340 = arith.constant 24 : i32
        %get3A_341 = arith.index_cast %get3A_339 : i32 to index
        %get3A_342 = arith.index_cast %scan3A_125 : i32 to index
        %get3A_343 = arith.index_cast %get3A_340 : i32 to index
        %get3A_344 = arith.constant 0 : index
        %get3A_345 = tpu.vector_load %arg4[%get3A_341, %get3A_342, %get3A_343, %get3A_344] {strides = array<i32>} : memref<2x8x32x128xf32, #tpu.memory_space<vmem>>, vector<1x1x1x16xf32>,
        %get3A_346 = vector.shape_cast %get3A_345 : vector<1x1x1x16xf32> to vector<16xf32>
        %min3A_347 = arith.minimumf %min3A_338, %get3A_346 : vector<16xf32>
        %get3A_348 = arith.constant 1 : i32
        %get3A_349 = arith.constant 25 : i32
        %get3A_350 = arith.index_cast %get3A_348 : i32 to index
        %get3A_351 = arith.index_cast %scan3A_125 : i32 to index
        %get3A_352 = arith.index_cast %get3A_349 : i32 to index
        %get3A_353 = arith.constant 0 : index
        %get3A_354 = tpu.vector_load %arg4[%get3A_350, %get3A_351, %get3A_352, %get3A_353] {strides = array<i32>} : memref<2x8x32x128xf32, #tpu.memory_space<vmem>>, vector<1x1x1x16xf32>,
        %get3A_355 = vector.shape_cast %get3A_354 : vector<1x1x1x16xf32> to vector<16xf32>
        %min3A_356 = arith.minimumf %min3A_347, %get3A_355 : vector<16xf32>
        %get3A_357 = arith.constant 1 : i32
        %get3A_358 = arith.constant 26 : i32
        %get3A_359 = arith.index_cast %get3A_357 : i32 to index
        %get3A_360 = arith.index_cast %scan3A_125 : i32 to index
        %get3A_361 = arith.index_cast %get3A_358 : i32 to index
        %get3A_362 = arith.constant 0 : index
        %get3A_363 = tpu.vector_load %arg4[%get3A_359, %get3A_360, %get3A_361, %get3A_362] {strides = array<i32>} : memref<2x8x32x128xf32, #tpu.memory_space<vmem>>, vector<1x1x1x16xf32>,
        %get3A_364 = vector.shape_cast %get3A_363 : vector<1x1x1x16xf32> to vector<16xf32>
        %min3A_365 = arith.minimumf %min3A_356, %get3A_364 : vector<16xf32>
        %get3A_366 = arith.constant 1 : i32
        %get3A_367 = arith.constant 27 : i32
        %get3A_368 = arith.index_cast %get3A_366 : i32 to index
        %get3A_369 = arith.index_cast %scan3A_125 : i32 to index
        %get3A_370 = arith.index_cast %get3A_367 : i32 to index
        %get3A_371 = arith.constant 0 : index
        %get3A_372 = tpu.vector_load %arg4[%get3A_368, %get3A_369, %get3A_370, %get3A_371] {strides = array<i32>} : memref<2x8x32x128xf32, #tpu.memory_space<vmem>>, vector<1x1x1x16xf32>,
        %get3A_373 = vector.shape_cast %get3A_372 : vector<1x1x1x16xf32> to vector<16xf32>
        %min3A_374 = arith.minimumf %min3A_365, %get3A_373 : vector<16xf32>
        %get3A_375 = arith.constant 1 : i32
        %get3A_376 = arith.constant 28 : i32
        %get3A_377 = arith.index_cast %get3A_375 : i32 to index
        %get3A_378 = arith.index_cast %scan3A_125 : i32 to index
        %get3A_379 = arith.index_cast %get3A_376 : i32 to index
        %get3A_380 = arith.constant 0 : index
        %get3A_381 = tpu.vector_load %arg4[%get3A_377, %get3A_378, %get3A_379, %get3A_380] {strides = array<i32>} : memref<2x8x32x128xf32, #tpu.memory_space<vmem>>, vector<1x1x1x16xf32>,
        %get3A_382 = vector.shape_cast %get3A_381 : vector<1x1x1x16xf32> to vector<16xf32>
        %min3A_383 = arith.minimumf %min3A_374, %get3A_382 : vector<16xf32>
        %get3A_384 = arith.constant 1 : i32
        %get3A_385 = arith.constant 29 : i32
        %get3A_386 = arith.index_cast %get3A_384 : i32 to index
        %get3A_387 = arith.index_cast %scan3A_125 : i32 to index
        %get3A_388 = arith.index_cast %get3A_385 : i32 to index
        %get3A_389 = arith.constant 0 : index
        %get3A_390 = tpu.vector_load %arg4[%get3A_386, %get3A_387, %get3A_388, %get3A_389] {strides = array<i32>} : memref<2x8x32x128xf32, #tpu.memory_space<vmem>>, vector<1x1x1x16xf32>,
        %get3A_391 = vector.shape_cast %get3A_390 : vector<1x1x1x16xf32> to vector<16xf32>
        %min3A_392 = arith.minimumf %min3A_383, %get3A_391 : vector<16xf32>
        %get3A_393 = arith.constant 1 : i32
        %get3A_394 = arith.constant 30 : i32
        %get3A_395 = arith.index_cast %get3A_393 : i32 to index
        %get3A_396 = arith.index_cast %scan3A_125 : i32 to index
        %get3A_397 = arith.index_cast %get3A_394 : i32 to index
        %get3A_398 = arith.constant 0 : index
        %get3A_399 = tpu.vector_load %arg4[%get3A_395, %get3A_396, %get3A_397, %get3A_398] {strides = array<i32>} : memref<2x8x32x128xf32, #tpu.memory_space<vmem>>, vector<1x1x1x16xf32>,
        %get3A_400 = vector.shape_cast %get3A_399 : vector<1x1x1x16xf32> to vector<16xf32>
        %min3A_401 = arith.minimumf %min3A_392, %get3A_400 : vector<16xf32>
        %get3A_402 = arith.constant 1 : i32
        %get3A_403 = arith.constant 31 : i32
        %get3A_404 = arith.index_cast %get3A_402 : i32 to index
        %get3A_405 = arith.index_cast %scan3A_125 : i32 to index
        %get3A_406 = arith.index_cast %get3A_403 : i32 to index
        %get3A_407 = arith.constant 0 : index
        %get3A_408 = tpu.vector_load %arg4[%get3A_404, %get3A_405, %get3A_406, %get3A_407] {strides = array<i32>} : memref<2x8x32x128xf32, #tpu.memory_space<vmem>>, vector<1x1x1x16xf32>,
        %get3A_409 = vector.shape_cast %get3A_408 : vector<1x1x1x16xf32> to vector<16xf32>
        %min3A_410 = arith.minimumf %min3A_401, %get3A_409 : vector<16xf32>
        %swap3A = arith.constant 1 : i32
        %swap3A_411 = arith.index_cast %swap3A : i32 to index
        %swap3A_412 = arith.index_cast %scan3A_125 : i32 to index
        %swap3A_413 = arith.constant 0 : index
        %swap3A_414 = tpu.vector_load %arg5[%swap3A_411, %swap3A_412, %swap3A_413] {strides = array<i32>} : memref<2x8x128xf32, #tpu.memory_space<vmem>>, vector<1x1x16xf32>,
        %swap3A_415 = vector.shape_cast %swap3A_414 : vector<1x1x16xf32> to vector<16xf32>
        %swap3A_416 = vector.shape_cast %min3A_410 : vector<16xf32> to vector<1x1x16xf32>
        tpu.vector_store %arg5[%swap3A_411, %swap3A_412, %swap3A_413], %swap3A_416 {strides = array<i32>} : memref<2x8x128xf32, #tpu.memory_space<vmem>>, vector<1x1x16xf32>,
        %get3A_417 = arith.constant 1 : i32
        %get3A_418 = arith.constant 0 : i32
        %get3A_419 = arith.index_cast %get3A_417 : i32 to index
        %get3A_420 = arith.index_cast %scan3A_125 : i32 to index
        %get3A_421 = arith.index_cast %get3A_418 : i32 to index
        %get3A_422 = arith.constant 16 : index
        %get3A_423 = tpu.vector_load %arg4[%get3A_419, %get3A_420, %get3A_421, %get3A_422] {strides = array<i32>} : memref<2x8x32x128xf32, #tpu.memory_space<vmem>>, vector<1x1x1x16xf32>,
        %get3A_424 = vector.shape_cast %get3A_423 : vector<1x1x1x16xf32> to vector<16xf32>
        %get3A_425 = arith.constant 1 : i32
        %get3A_426 = arith.constant 1 : i32
        %get3A_427 = arith.index_cast %get3A_425 : i32 to index
        %get3A_428 = arith.index_cast %scan3A_125 : i32 to index
        %get3A_429 = arith.index_cast %get3A_426 : i32 to index
        %get3A_430 = arith.constant 16 : index
        %get3A_431 = tpu.vector_load %arg4[%get3A_427, %get3A_428, %get3A_429, %get3A_430] {strides = array<i32>} : memref<2x8x32x128xf32, #tpu.memory_space<vmem>>, vector<1x1x1x16xf32>,
        %get3A_432 = vector.shape_cast %get3A_431 : vector<1x1x1x16xf32> to vector<16xf32>
        %min3A_433 = arith.minimumf %get3A_424, %get3A_432 : vector<16xf32>
        %get3A_434 = arith.constant 1 : i32
        %get3A_435 = arith.constant 2 : i32
        %get3A_436 = arith.index_cast %get3A_434 : i32 to index
        %get3A_437 = arith.index_cast %scan3A_125 : i32 to index
        %get3A_438 = arith.index_cast %get3A_435 : i32 to index
        %get3A_439 = arith.constant 16 : index
        %get3A_440 = tpu.vector_load %arg4[%get3A_436, %get3A_437, %get3A_438, %get3A_439] {strides = array<i32>} : memref<2x8x32x128xf32, #tpu.memory_space<vmem>>, vector<1x1x1x16xf32>,
        %get3A_441 = vector.shape_cast %get3A_440 : vector<1x1x1x16xf32> to vector<16xf32>
        %min3A_442 = arith.minimumf %min3A_433, %get3A_441 : vector<16xf32>
        %get3A_443 = arith.constant 1 : i32
        %get3A_444 = arith.constant 3 : i32
        %get3A_445 = arith.index_cast %get3A_443 : i32 to index
        %get3A_446 = arith.index_cast %scan3A_125 : i32 to index
        %get3A_447 = arith.index_cast %get3A_444 : i32 to index
        %get3A_448 = arith.constant 16 : index
        %get3A_449 = tpu.vector_load %arg4[%get3A_445, %get3A_446, %get3A_447, %get3A_448] {strides = array<i32>} : memref<2x8x32x128xf32, #tpu.memory_space<vmem>>, vector<1x1x1x16xf32>,
        %get3A_450 = vector.shape_cast %get3A_449 : vector<1x1x1x16xf32> to vector<16xf32>
        %min3A_451 = arith.minimumf %min3A_442, %get3A_450 : vector<16xf32>
        %get3A_452 = arith.constant 1 : i32
        %get3A_453 = arith.constant 4 : i32
        %get3A_454 = arith.index_cast %get3A_452 : i32 to index
        %get3A_455 = arith.index_cast %scan3A_125 : i32 to index
        %get3A_456 = arith.index_cast %get3A_453 : i32 to index
        %get3A_457 = arith.constant 16 : index
        %get3A_458 = tpu.vector_load %arg4[%get3A_454, %get3A_455, %get3A_456, %get3A_457] {strides = array<i32>} : memref<2x8x32x128xf32, #tpu.memory_space<vmem>>, vector<1x1x1x16xf32>,
        %get3A_459 = vector.shape_cast %get3A_458 : vector<1x1x1x16xf32> to vector<16xf32>
        %min3A_460 = arith.minimumf %min3A_451, %get3A_459 : vector<16xf32>
        %get3A_461 = arith.constant 1 : i32
        %get3A_462 = arith.constant 5 : i32
        %get3A_463 = arith.index_cast %get3A_461 : i32 to index
        %get3A_464 = arith.index_cast %scan3A_125 : i32 to index
        %get3A_465 = arith.index_cast %get3A_462 : i32 to index
        %get3A_466 = arith.constant 16 : index
        %get3A_467 = tpu.vector_load %arg4[%get3A_463, %get3A_464, %get3A_465, %get3A_466] {strides = array<i32>} : memref<2x8x32x128xf32, #tpu.memory_space<vmem>>, vector<1x1x1x16xf32>,
        %get3A_468 = vector.shape_cast %get3A_467 : vector<1x1x1x16xf32> to vector<16xf32>
        %min3A_469 = arith.minimumf %min3A_460, %get3A_468 : vector<16xf32>
        %get3A_470 = arith.constant 1 : i32
        %get3A_471 = arith.constant 6 : i32
        %get3A_472 = arith.index_cast %get3A_470 : i32 to index
        %get3A_473 = arith.index_cast %scan3A_125 : i32 to index
        %get3A_474 = arith.index_cast %get3A_471 : i32 to index
        %get3A_475 = arith.constant 16 : index
        %get3A_476 = tpu.vector_load %arg4[%get3A_472, %get3A_473, %get3A_474, %get3A_475] {strides = array<i32>} : memref<2x8x32x128xf32, #tpu.memory_space<vmem>>, vector<1x1x1x16xf32>,
        %get3A_477 = vector.shape_cast %get3A_476 : vector<1x1x1x16xf32> to vector<16xf32>
        %min3A_478 = arith.minimumf %min3A_469, %get3A_477 : vector<16xf32>
        %get3A_479 = arith.constant 1 : i32
        %get3A_480 = arith.constant 7 : i32
        %get3A_481 = arith.index_cast %get3A_479 : i32 to index
        %get3A_482 = arith.index_cast %scan3A_125 : i32 to index
        %get3A_483 = arith.index_cast %get3A_480 : i32 to index
        %get3A_484 = arith.constant 16 : index
        %get3A_485 = tpu.vector_load %arg4[%get3A_481, %get3A_482, %get3A_483, %get3A_484] {strides = array<i32>} : memref<2x8x32x128xf32, #tpu.memory_space<vmem>>, vector<1x1x1x16xf32>,
        %get3A_486 = vector.shape_cast %get3A_485 : vector<1x1x1x16xf32> to vector<16xf32>
        %min3A_487 = arith.minimumf %min3A_478, %get3A_486 : vector<16xf32>
        %get3A_488 = arith.constant 1 : i32
        %get3A_489 = arith.constant 8 : i32
        %get3A_490 = arith.index_cast %get3A_488 : i32 to index
        %get3A_491 = arith.index_cast %scan3A_125 : i32 to index
        %get3A_492 = arith.index_cast %get3A_489 : i32 to index
        %get3A_493 = arith.constant 16 : index
        %get3A_494 = tpu.vector_load %arg4[%get3A_490, %get3A_491, %get3A_492, %get3A_493] {strides = array<i32>} : memref<2x8x32x128xf32, #tpu.memory_space<vmem>>, vector<1x1x1x16xf32>,
        %get3A_495 = vector.shape_cast %get3A_494 : vector<1x1x1x16xf32> to vector<16xf32>
        %min3A_496 = arith.minimumf %min3A_487, %get3A_495 : vector<16xf32>
        %get3A_497 = arith.constant 1 : i32
        %get3A_498 = arith.constant 9 : i32
        %get3A_499 = arith.index_cast %get3A_497 : i32 to index
        %get3A_500 = arith.index_cast %scan3A_125 : i32 to index
        %get3A_501 = arith.index_cast %get3A_498 : i32 to index
        %get3A_502 = arith.constant 16 : index
        %get3A_503 = tpu.vector_load %arg4[%get3A_499, %get3A_500, %get3A_501, %get3A_502] {strides = array<i32>} : memref<2x8x32x128xf32, #tpu.memory_space<vmem>>, vector<1x1x1x16xf32>,
        %get3A_504 = vector.shape_cast %get3A_503 : vector<1x1x1x16xf32> to vector<16xf32>
        %min3A_505 = arith.minimumf %min3A_496, %get3A_504 : vector<16xf32>
        %get3A_506 = arith.constant 1 : i32
        %get3A_507 = arith.constant 10 : i32
        %get3A_508 = arith.index_cast %get3A_506 : i32 to index
        %get3A_509 = arith.index_cast %scan3A_125 : i32 to index
        %get3A_510 = arith.index_cast %get3A_507 : i32 to index
        %get3A_511 = arith.constant 16 : index
        %get3A_512 = tpu.vector_load %arg4[%get3A_508, %get3A_509, %get3A_510, %get3A_511] {strides = array<i32>} : memref<2x8x32x128xf32, #tpu.memory_space<vmem>>, vector<1x1x1x16xf32>,
        %get3A_513 = vector.shape_cast %get3A_512 : vector<1x1x1x16xf32> to vector<16xf32>
        %min3A_514 = arith.minimumf %min3A_505, %get3A_513 : vector<16xf32>
        %get3A_515 = arith.constant 1 : i32
        %get3A_516 = arith.constant 11 : i32
        %get3A_517 = arith.index_cast %get3A_515 : i32 to index
        %get3A_518 = arith.index_cast %scan3A_125 : i32 to index
        %get3A_519 = arith.index_cast %get3A_516 : i32 to index
        %get3A_520 = arith.constant 16 : index
        %get3A_521 = tpu.vector_load %arg4[%get3A_517, %get3A_518, %get3A_519, %get3A_520] {strides = array<i32>} : memref<2x8x32x128xf32, #tpu.memory_space<vmem>>, vector<1x1x1x16xf32>,
        %get3A_522 = vector.shape_cast %get3A_521 : vector<1x1x1x16xf32> to vector<16xf32>
        %min3A_523 = arith.minimumf %min3A_514, %get3A_522 : vector<16xf32>
        %get3A_524 = arith.constant 1 : i32
        %get3A_525 = arith.constant 12 : i32
        %get3A_526 = arith.index_cast %get3A_524 : i32 to index
        %get3A_527 = arith.index_cast %scan3A_125 : i32 to index
        %get3A_528 = arith.index_cast %get3A_525 : i32 to index
        %get3A_529 = arith.constant 16 : index
        %get3A_530 = tpu.vector_load %arg4[%get3A_526, %get3A_527, %get3A_528, %get3A_529] {strides = array<i32>} : memref<2x8x32x128xf32, #tpu.memory_space<vmem>>, vector<1x1x1x16xf32>,
        %get3A_531 = vector.shape_cast %get3A_530 : vector<1x1x1x16xf32> to vector<16xf32>
        %min3A_532 = arith.minimumf %min3A_523, %get3A_531 : vector<16xf32>
        %get3A_533 = arith.constant 1 : i32
        %get3A_534 = arith.constant 13 : i32
        %get3A_535 = arith.index_cast %get3A_533 : i32 to index
        %get3A_536 = arith.index_cast %scan3A_125 : i32 to index
        %get3A_537 = arith.index_cast %get3A_534 : i32 to index
        %get3A_538 = arith.constant 16 : index
        %get3A_539 = tpu.vector_load %arg4[%get3A_535, %get3A_536, %get3A_537, %get3A_538] {strides = array<i32>} : memref<2x8x32x128xf32, #tpu.memory_space<vmem>>, vector<1x1x1x16xf32>,
        %get3A_540 = vector.shape_cast %get3A_539 : vector<1x1x1x16xf32> to vector<16xf32>
        %min3A_541 = arith.minimumf %min3A_532, %get3A_540 : vector<16xf32>
        %get3A_542 = arith.constant 1 : i32
        %get3A_543 = arith.constant 14 : i32
        %get3A_544 = arith.index_cast %get3A_542 : i32 to index
        %get3A_545 = arith.index_cast %scan3A_125 : i32 to index
        %get3A_546 = arith.index_cast %get3A_543 : i32 to index
        %get3A_547 = arith.constant 16 : index
        %get3A_548 = tpu.vector_load %arg4[%get3A_544, %get3A_545, %get3A_546, %get3A_547] {strides = array<i32>} : memref<2x8x32x128xf32, #tpu.memory_space<vmem>>, vector<1x1x1x16xf32>,
        %get3A_549 = vector.shape_cast %get3A_548 : vector<1x1x1x16xf32> to vector<16xf32>
        %min3A_550 = arith.minimumf %min3A_541, %get3A_549 : vector<16xf32>
        %get3A_551 = arith.constant 1 : i32
        %get3A_552 = arith.constant 15 : i32
        %get3A_553 = arith.index_cast %get3A_551 : i32 to index
        %get3A_554 = arith.index_cast %scan3A_125 : i32 to index
        %get3A_555 = arith.index_cast %get3A_552 : i32 to index
        %get3A_556 = arith.constant 16 : index
        %get3A_557 = tpu.vector_load %arg4[%get3A_553, %get3A_554, %get3A_555, %get3A_556] {strides = array<i32>} : memref<2x8x32x128xf32, #tpu.memory_space<vmem>>, vector<1x1x1x16xf32>,
        %get3A_558 = vector.shape_cast %get3A_557 : vector<1x1x1x16xf32> to vector<16xf32>
        %min3A_559 = arith.minimumf %min3A_550, %get3A_558 : vector<16xf32>
        %get3A_560 = arith.constant 1 : i32
        %get3A_561 = arith.constant 16 : i32
        %get3A_562 = arith.index_cast %get3A_560 : i32 to index
        %get3A_563 = arith.index_cast %scan3A_125 : i32 to index
        %get3A_564 = arith.index_cast %get3A_561 : i32 to index
        %get3A_565 = arith.constant 16 : index
        %get3A_566 = tpu.vector_load %arg4[%get3A_562, %get3A_563, %get3A_564, %get3A_565] {strides = array<i32>} : memref<2x8x32x128xf32, #tpu.memory_space<vmem>>, vector<1x1x1x16xf32>,
        %get3A_567 = vector.shape_cast %get3A_566 : vector<1x1x1x16xf32> to vector<16xf32>
        %min3A_568 = arith.minimumf %min3A_559, %get3A_567 : vector<16xf32>
        %get3A_569 = arith.constant 1 : i32
        %get3A_570 = arith.constant 17 : i32
        %get3A_571 = arith.index_cast %get3A_569 : i32 to index
        %get3A_572 = arith.index_cast %scan3A_125 : i32 to index
        %get3A_573 = arith.index_cast %get3A_570 : i32 to index
        %get3A_574 = arith.constant 16 : index
        %get3A_575 = tpu.vector_load %arg4[%get3A_571, %get3A_572, %get3A_573, %get3A_574] {strides = array<i32>} : memref<2x8x32x128xf32, #tpu.memory_space<vmem>>, vector<1x1x1x16xf32>,
        %get3A_576 = vector.shape_cast %get3A_575 : vector<1x1x1x16xf32> to vector<16xf32>
        %min3A_577 = arith.minimumf %min3A_568, %get3A_576 : vector<16xf32>
        %get3A_578 = arith.constant 1 : i32
        %get3A_579 = arith.constant 18 : i32
        %get3A_580 = arith.index_cast %get3A_578 : i32 to index
        %get3A_581 = arith.index_cast %scan3A_125 : i32 to index
        %get3A_582 = arith.index_cast %get3A_579 : i32 to index
        %get3A_583 = arith.constant 16 : index
        %get3A_584 = tpu.vector_load %arg4[%get3A_580, %get3A_581, %get3A_582, %get3A_583] {strides = array<i32>} : memref<2x8x32x128xf32, #tpu.memory_space<vmem>>, vector<1x1x1x16xf32>,
        %get3A_585 = vector.shape_cast %get3A_584 : vector<1x1x1x16xf32> to vector<16xf32>
        %min3A_586 = arith.minimumf %min3A_577, %get3A_585 : vector<16xf32>
        %get3A_587 = arith.constant 1 : i32
        %get3A_588 = arith.constant 19 : i32
        %get3A_589 = arith.index_cast %get3A_587 : i32 to index
        %get3A_590 = arith.index_cast %scan3A_125 : i32 to index
        %get3A_591 = arith.index_cast %get3A_588 : i32 to index
        %get3A_592 = arith.constant 16 : index
        %get3A_593 = tpu.vector_load %arg4[%get3A_589, %get3A_590, %get3A_591, %get3A_592] {strides = array<i32>} : memref<2x8x32x128xf32, #tpu.memory_space<vmem>>, vector<1x1x1x16xf32>,
        %get3A_594 = vector.shape_cast %get3A_593 : vector<1x1x1x16xf32> to vector<16xf32>
        %min3A_595 = arith.minimumf %min3A_586, %get3A_594 : vector<16xf32>
        %get3A_596 = arith.constant 1 : i32
        %get3A_597 = arith.constant 20 : i32
        %get3A_598 = arith.index_cast %get3A_596 : i32 to index
        %get3A_599 = arith.index_cast %scan3A_125 : i32 to index
        %get3A_600 = arith.index_cast %get3A_597 : i32 to index
        %get3A_601 = arith.constant 16 : index
        %get3A_602 = tpu.vector_load %arg4[%get3A_598, %get3A_599, %get3A_600, %get3A_601] {strides = array<i32>} : memref<2x8x32x128xf32, #tpu.memory_space<vmem>>, vector<1x1x1x16xf32>,
        %get3A_603 = vector.shape_cast %get3A_602 : vector<1x1x1x16xf32> to vector<16xf32>
        %min3A_604 = arith.minimumf %min3A_595, %get3A_603 : vector<16xf32>
        %get3A_605 = arith.constant 1 : i32
        %get3A_606 = arith.constant 21 : i32
        %get3A_607 = arith.index_cast %get3A_605 : i32 to index
        %get3A_608 = arith.index_cast %scan3A_125 : i32 to index
        %get3A_609 = arith.index_cast %get3A_606 : i32 to index
        %get3A_610 = arith.constant 16 : index
        %get3A_611 = tpu.vector_load %arg4[%get3A_607, %get3A_608, %get3A_609, %get3A_610] {strides = array<i32>} : memref<2x8x32x128xf32, #tpu.memory_space<vmem>>, vector<1x1x1x16xf32>,
        %get3A_612 = vector.shape_cast %get3A_611 : vector<1x1x1x16xf32> to vector<16xf32>
        %min3A_613 = arith.minimumf %min3A_604, %get3A_612 : vector<16xf32>
        %get3A_614 = arith.constant 1 : i32
        %get3A_615 = arith.constant 22 : i32
        %get3A_616 = arith.index_cast %get3A_614 : i32 to index
        %get3A_617 = arith.index_cast %scan3A_125 : i32 to index
        %get3A_618 = arith.index_cast %get3A_615 : i32 to index
        %get3A_619 = arith.constant 16 : index
        %get3A_620 = tpu.vector_load %arg4[%get3A_616, %get3A_617, %get3A_618, %get3A_619] {strides = array<i32>} : memref<2x8x32x128xf32, #tpu.memory_space<vmem>>, vector<1x1x1x16xf32>,
        %get3A_621 = vector.shape_cast %get3A_620 : vector<1x1x1x16xf32> to vector<16xf32>
        %min3A_622 = arith.minimumf %min3A_613, %get3A_621 : vector<16xf32>
        %get3A_623 = arith.constant 1 : i32
        %get3A_624 = arith.constant 23 : i32
        %get3A_625 = arith.index_cast %get3A_623 : i32 to index
        %get3A_626 = arith.index_cast %scan3A_125 : i32 to index
        %get3A_627 = arith.index_cast %get3A_624 : i32 to index
        %get3A_628 = arith.constant 16 : index
        %get3A_629 = tpu.vector_load %arg4[%get3A_625, %get3A_626, %get3A_627, %get3A_628] {strides = array<i32>} : memref<2x8x32x128xf32, #tpu.memory_space<vmem>>, vector<1x1x1x16xf32>,
        %get3A_630 = vector.shape_cast %get3A_629 : vector<1x1x1x16xf32> to vector<16xf32>
        %min3A_631 = arith.minimumf %min3A_622, %get3A_630 : vector<16xf32>
        %get3A_632 = arith.constant 1 : i32
        %get3A_633 = arith.constant 24 : i32
        %get3A_634 = arith.index_cast %get3A_632 : i32 to index
        %get3A_635 = arith.index_cast %scan3A_125 : i32 to index
        %get3A_636 = arith.index_cast %get3A_633 : i32 to index
        %get3A_637 = arith.constant 16 : index
        %get3A_638 = tpu.vector_load %arg4[%get3A_634, %get3A_635, %get3A_636, %get3A_637] {strides = array<i32>} : memref<2x8x32x128xf32, #tpu.memory_space<vmem>>, vector<1x1x1x16xf32>,
        %get3A_639 = vector.shape_cast %get3A_638 : vector<1x1x1x16xf32> to vector<16xf32>
        %min3A_640 = arith.minimumf %min3A_631, %get3A_639 : vector<16xf32>
        %get3A_641 = arith.constant 1 : i32
        %get3A_642 = arith.constant 25 : i32
        %get3A_643 = arith.index_cast %get3A_641 : i32 to index
        %get3A_644 = arith.index_cast %scan3A_125 : i32 to index
        %get3A_645 = arith.index_cast %get3A_642 : i32 to index
        %get3A_646 = arith.constant 16 : index
        %get3A_647 = tpu.vector_load %arg4[%get3A_643, %get3A_644, %get3A_645, %get3A_646] {strides = array<i32>} : memref<2x8x32x128xf32, #tpu.memory_space<vmem>>, vector<1x1x1x16xf32>,
        %get3A_648 = vector.shape_cast %get3A_647 : vector<1x1x1x16xf32> to vector<16xf32>
        %min3A_649 = arith.minimumf %min3A_640, %get3A_648 : vector<16xf32>
        %get3A_650 = arith.constant 1 : i32
        %get3A_651 = arith.constant 26 : i32
        %get3A_652 = arith.index_cast %get3A_650 : i32 to index
        %get3A_653 = arith.index_cast %scan3A_125 : i32 to index
        %get3A_654 = arith.index_cast %get3A_651 : i32 to index
        %get3A_655 = arith.constant 16 : index
        %get3A_656 = tpu.vector_load %arg4[%get3A_652, %get3A_653, %get3A_654, %get3A_655] {strides = array<i32>} : memref<2x8x32x128xf32, #tpu.memory_space<vmem>>, vector<1x1x1x16xf32>,
        %get3A_657 = vector.shape_cast %get3A_656 : vector<1x1x1x16xf32> to vector<16xf32>
        %min3A_658 = arith.minimumf %min3A_649, %get3A_657 : vector<16xf32>
        %get3A_659 = arith.constant 1 : i32
        %get3A_660 = arith.constant 27 : i32
        %get3A_661 = arith.index_cast %get3A_659 : i32 to index
        %get3A_662 = arith.index_cast %scan3A_125 : i32 to index
        %get3A_663 = arith.index_cast %get3A_660 : i32 to index
        %get3A_664 = arith.constant 16 : index
        %get3A_665 = tpu.vector_load %arg4[%get3A_661, %get3A_662, %get3A_663, %get3A_664] {strides = array<i32>} : memref<2x8x32x128xf32, #tpu.memory_space<vmem>>, vector<1x1x1x16xf32>,
        %get3A_666 = vector.shape_cast %get3A_665 : vector<1x1x1x16xf32> to vector<16xf32>
        %min3A_667 = arith.minimumf %min3A_658, %get3A_666 : vector<16xf32>
        %get3A_668 = arith.constant 1 : i32
        %get3A_669 = arith.constant 28 : i32
        %get3A_670 = arith.index_cast %get3A_668 : i32 to index
        %get3A_671 = arith.index_cast %scan3A_125 : i32 to index
        %get3A_672 = arith.index_cast %get3A_669 : i32 to index
        %get3A_673 = arith.constant 16 : index
        %get3A_674 = tpu.vector_load %arg4[%get3A_670, %get3A_671, %get3A_672, %get3A_673] {strides = array<i32>} : memref<2x8x32x128xf32, #tpu.memory_space<vmem>>, vector<1x1x1x16xf32>,
        %get3A_675 = vector.shape_cast %get3A_674 : vector<1x1x1x16xf32> to vector<16xf32>
        %min3A_676 = arith.minimumf %min3A_667, %get3A_675 : vector<16xf32>
        %get3A_677 = arith.constant 1 : i32
        %get3A_678 = arith.constant 29 : i32
        %get3A_679 = arith.index_cast %get3A_677 : i32 to index
        %get3A_680 = arith.index_cast %scan3A_125 : i32 to index
        %get3A_681 = arith.index_cast %get3A_678 : i32 to index
        %get3A_682 = arith.constant 16 : index
        %get3A_683 = tpu.vector_load %arg4[%get3A_679, %get3A_680, %get3A_681, %get3A_682] {strides = array<i32>} : memref<2x8x32x128xf32, #tpu.memory_space<vmem>>, vector<1x1x1x16xf32>,
        %get3A_684 = vector.shape_cast %get3A_683 : vector<1x1x1x16xf32> to vector<16xf32>
        %min3A_685 = arith.minimumf %min3A_676, %get3A_684 : vector<16xf32>
        %get3A_686 = arith.constant 1 : i32
        %get3A_687 = arith.constant 30 : i32
        %get3A_688 = arith.index_cast %get3A_686 : i32 to index
        %get3A_689 = arith.index_cast %scan3A_125 : i32 to index
        %get3A_690 = arith.index_cast %get3A_687 : i32 to index
        %get3A_691 = arith.constant 16 : index
        %get3A_692 = tpu.vector_load %arg4[%get3A_688, %get3A_689, %get3A_690, %get3A_691] {strides = array<i32>} : memref<2x8x32x128xf32, #tpu.memory_space<vmem>>, vector<1x1x1x16xf32>,
        %get3A_693 = vector.shape_cast %get3A_692 : vector<1x1x1x16xf32> to vector<16xf32>
        %min3A_694 = arith.minimumf %min3A_685, %get3A_693 : vector<16xf32>
        %get3A_695 = arith.constant 1 : i32
        %get3A_696 = arith.constant 31 : i32
        %get3A_697 = arith.index_cast %get3A_695 : i32 to index
        %get3A_698 = arith.index_cast %scan3A_125 : i32 to index
        %get3A_699 = arith.index_cast %get3A_696 : i32 to index
        %get3A_700 = arith.constant 16 : index
        %get3A_701 = tpu.vector_load %arg4[%get3A_697, %get3A_698, %get3A_699, %get3A_700] {strides = array<i32>} : memref<2x8x32x128xf32, #tpu.memory_space<vmem>>, vector<1x1x1x16xf32>,
        %get3A_702 = vector.shape_cast %get3A_701 : vector<1x1x1x16xf32> to vector<16xf32>
        %min3A_703 = arith.minimumf %min3A_694, %get3A_702 : vector<16xf32>
        %swap3A_704 = arith.constant 1 : i32
        %swap3A_705 = arith.index_cast %swap3A_704 : i32 to index
        %swap3A_706 = arith.index_cast %scan3A_125 : i32 to index
        %swap3A_707 = arith.constant 16 : index
        %swap3A_708 = tpu.vector_load %arg5[%swap3A_705, %swap3A_706, %swap3A_707] {strides = array<i32>} : memref<2x8x128xf32, #tpu.memory_space<vmem>>, vector<1x1x16xf32>,
        %swap3A_709 = vector.shape_cast %swap3A_708 : vector<1x1x16xf32> to vector<16xf32>
        %swap3A_710 = vector.shape_cast %min3A_703 : vector<16xf32> to vector<1x1x16xf32>
        tpu.vector_store %arg5[%swap3A_705, %swap3A_706, %swap3A_707], %swap3A_710 {strides = array<i32>} : memref<2x8x128xf32, #tpu.memory_space<vmem>>, vector<1x1x16xf32>,
        %get3A_711 = arith.constant 1 : i32
        %get3A_712 = arith.constant 0 : i32
        %get3A_713 = arith.index_cast %get3A_711 : i32 to index
        %get3A_714 = arith.index_cast %scan3A_125 : i32 to index
        %get3A_715 = arith.index_cast %get3A_712 : i32 to index
        %get3A_716 = arith.constant 32 : index
        %get3A_717 = tpu.vector_load %arg4[%get3A_713, %get3A_714, %get3A_715, %get3A_716] {strides = array<i32>} : memref<2x8x32x128xf32, #tpu.memory_space<vmem>>, vector<1x1x1x16xf32>,
        %get3A_718 = vector.shape_cast %get3A_717 : vector<1x1x1x16xf32> to vector<16xf32>
        %get3A_719 = arith.constant 1 : i32
        %get3A_720 = arith.constant 1 : i32
        %get3A_721 = arith.index_cast %get3A_719 : i32 to index
        %get3A_722 = arith.index_cast %scan3A_125 : i32 to index
        %get3A_723 = arith.index_cast %get3A_720 : i32 to index
        %get3A_724 = arith.constant 32 : index
        %get3A_725 = tpu.vector_load %arg4[%get3A_721, %get3A_722, %get3A_723, %get3A_724] {strides = array<i32>} : memref<2x8x32x128xf32, #tpu.memory_space<vmem>>, vector<1x1x1x16xf32>,
        %get3A_726 = vector.shape_cast %get3A_725 : vector<1x1x1x16xf32> to vector<16xf32>
        %min3A_727 = arith.minimumf %get3A_718, %get3A_726 : vector<16xf32>
        %get3A_728 = arith.constant 1 : i32
        %get3A_729 = arith.constant 2 : i32
        %get3A_730 = arith.index_cast %get3A_728 : i32 to index
        %get3A_731 = arith.index_cast %scan3A_125 : i32 to index
        %get3A_732 = arith.index_cast %get3A_729 : i32 to index
        %get3A_733 = arith.constant 32 : index
        %get3A_734 = tpu.vector_load %arg4[%get3A_730, %get3A_731, %get3A_732, %get3A_733] {strides = array<i32>} : memref<2x8x32x128xf32, #tpu.memory_space<vmem>>, vector<1x1x1x16xf32>,
        %get3A_735 = vector.shape_cast %get3A_734 : vector<1x1x1x16xf32> to vector<16xf32>
        %min3A_736 = arith.minimumf %min3A_727, %get3A_735 : vector<16xf32>
        %get3A_737 = arith.constant 1 : i32
        %get3A_738 = arith.constant 3 : i32
        %get3A_739 = arith.index_cast %get3A_737 : i32 to index
        %get3A_740 = arith.index_cast %scan3A_125 : i32 to index
        %get3A_741 = arith.index_cast %get3A_738 : i32 to index
        %get3A_742 = arith.constant 32 : index
        %get3A_743 = tpu.vector_load %arg4[%get3A_739, %get3A_740, %get3A_741, %get3A_742] {strides = array<i32>} : memref<2x8x32x128xf32, #tpu.memory_space<vmem>>, vector<1x1x1x16xf32>,
        %get3A_744 = vector.shape_cast %get3A_743 : vector<1x1x1x16xf32> to vector<16xf32>
        %min3A_745 = arith.minimumf %min3A_736, %get3A_744 : vector<16xf32>
        %get3A_746 = arith.constant 1 : i32
        %get3A_747 = arith.constant 4 : i32
        %get3A_748 = arith.index_cast %get3A_746 : i32 to index
        %get3A_749 = arith.index_cast %scan3A_125 : i32 to index
        %get3A_750 = arith.index_cast %get3A_747 : i32 to index
        %get3A_751 = arith.constant 32 : index
        %get3A_752 = tpu.vector_load %arg4[%get3A_748, %get3A_749, %get3A_750, %get3A_751] {strides = array<i32>} : memref<2x8x32x128xf32, #tpu.memory_space<vmem>>, vector<1x1x1x16xf32>,
        %get3A_753 = vector.shape_cast %get3A_752 : vector<1x1x1x16xf32> to vector<16xf32>
        %min3A_754 = arith.minimumf %min3A_745, %get3A_753 : vector<16xf32>
        %get3A_755 = arith.constant 1 : i32
        %get3A_756 = arith.constant 5 : i32
        %get3A_757 = arith.index_cast %get3A_755 : i32 to index
        %get3A_758 = arith.index_cast %scan3A_125 : i32 to index
        %get3A_759 = arith.index_cast %get3A_756 : i32 to index
        %get3A_760 = arith.constant 32 : index
        %get3A_761 = tpu.vector_load %arg4[%get3A_757, %get3A_758, %get3A_759, %get3A_760] {strides = array<i32>} : memref<2x8x32x128xf32, #tpu.memory_space<vmem>>, vector<1x1x1x16xf32>,
        %get3A_762 = vector.shape_cast %get3A_761 : vector<1x1x1x16xf32> to vector<16xf32>
        %min3A_763 = arith.minimumf %min3A_754, %get3A_762 : vector<16xf32>
        %get3A_764 = arith.constant 1 : i32
        %get3A_765 = arith.constant 6 : i32
        %get3A_766 = arith.index_cast %get3A_764 : i32 to index
        %get3A_767 = arith.index_cast %scan3A_125 : i32 to index
        %get3A_768 = arith.index_cast %get3A_765 : i32 to index
        %get3A_769 = arith.constant 32 : index
        %get3A_770 = tpu.vector_load %arg4[%get3A_766, %get3A_767, %get3A_768, %get3A_769] {strides = array<i32>} : memref<2x8x32x128xf32, #tpu.memory_space<vmem>>, vector<1x1x1x16xf32>,
        %get3A_771 = vector.shape_cast %get3A_770 : vector<1x1x1x16xf32> to vector<16xf32>
        %min3A_772 = arith.minimumf %min3A_763, %get3A_771 : vector<16xf32>
        %get3A_773 = arith.constant 1 : i32
        %get3A_774 = arith.constant 7 : i32
        %get3A_775 = arith.index_cast %get3A_773 : i32 to index
        %get3A_776 = arith.index_cast %scan3A_125 : i32 to index
        %get3A_777 = arith.index_cast %get3A_774 : i32 to index
        %get3A_778 = arith.constant 32 : index
        %get3A_779 = tpu.vector_load %arg4[%get3A_775, %get3A_776, %get3A_777, %get3A_778] {strides = array<i32>} : memref<2x8x32x128xf32, #tpu.memory_space<vmem>>, vector<1x1x1x16xf32>,
        %get3A_780 = vector.shape_cast %get3A_779 : vector<1x1x1x16xf32> to vector<16xf32>
        %min3A_781 = arith.minimumf %min3A_772, %get3A_780 : vector<16xf32>
        %get3A_782 = arith.constant 1 : i32
        %get3A_783 = arith.constant 8 : i32
        %get3A_784 = arith.index_cast %get3A_782 : i32 to index
        %get3A_785 = arith.index_cast %scan3A_125 : i32 to index
        %get3A_786 = arith.index_cast %get3A_783 : i32 to index
        %get3A_787 = arith.constant 32 : index
        %get3A_788 = tpu.vector_load %arg4[%get3A_784, %get3A_785, %get3A_786, %get3A_787] {strides = array<i32>} : memref<2x8x32x128xf32, #tpu.memory_space<vmem>>, vector<1x1x1x16xf32>,
        %get3A_789 = vector.shape_cast %get3A_788 : vector<1x1x1x16xf32> to vector<16xf32>
        %min3A_790 = arith.minimumf %min3A_781, %get3A_789 : vector<16xf32>
        %get3A_791 = arith.constant 1 : i32
        %get3A_792 = arith.constant 9 : i32
        %get3A_793 = arith.index_cast %get3A_791 : i32 to index
        %get3A_794 = arith.index_cast %scan3A_125 : i32 to index
        %get3A_795 = arith.index_cast %get3A_792 : i32 to index
        %get3A_796 = arith.constant 32 : index
        %get3A_797 = tpu.vector_load %arg4[%get3A_793, %get3A_794, %get3A_795, %get3A_796] {strides = array<i32>} : memref<2x8x32x128xf32, #tpu.memory_space<vmem>>, vector<1x1x1x16xf32>,
        %get3A_798 = vector.shape_cast %get3A_797 : vector<1x1x1x16xf32> to vector<16xf32>
        %min3A_799 = arith.minimumf %min3A_790, %get3A_798 : vector<16xf32>
        %get3A_800 = arith.constant 1 : i32
        %get3A_801 = arith.constant 10 : i32
        %get3A_802 = arith.index_cast %get3A_800 : i32 to index
        %get3A_803 = arith.index_cast %scan3A_125 : i32 to index
        %get3A_804 = arith.index_cast %get3A_801 : i32 to index
        %get3A_805 = arith.constant 32 : index
        %get3A_806 = tpu.vector_load %arg4[%get3A_802, %get3A_803, %get3A_804, %get3A_805] {strides = array<i32>} : memref<2x8x32x128xf32, #tpu.memory_space<vmem>>, vector<1x1x1x16xf32>,
        %get3A_807 = vector.shape_cast %get3A_806 : vector<1x1x1x16xf32> to vector<16xf32>
        %min3A_808 = arith.minimumf %min3A_799, %get3A_807 : vector<16xf32>
        %get3A_809 = arith.constant 1 : i32
        %get3A_810 = arith.constant 11 : i32
        %get3A_811 = arith.index_cast %get3A_809 : i32 to index
        %get3A_812 = arith.index_cast %scan3A_125 : i32 to index
        %get3A_813 = arith.index_cast %get3A_810 : i32 to index
        %get3A_814 = arith.constant 32 : index
        %get3A_815 = tpu.vector_load %arg4[%get3A_811, %get3A_812, %get3A_813, %get3A_814] {strides = array<i32>} : memref<2x8x32x128xf32, #tpu.memory_space<vmem>>, vector<1x1x1x16xf32>,
        %get3A_816 = vector.shape_cast %get3A_815 : vector<1x1x1x16xf32> to vector<16xf32>
        %min3A_817 = arith.minimumf %min3A_808, %get3A_816 : vector<16xf32>
        %get3A_818 = arith.constant 1 : i32
        %get3A_819 = arith.constant 12 : i32
        %get3A_820 = arith.index_cast %get3A_818 : i32 to index
        %get3A_821 = arith.index_cast %scan3A_125 : i32 to index
        %get3A_822 = arith.index_cast %get3A_819 : i32 to index
        %get3A_823 = arith.constant 32 : index
        %get3A_824 = tpu.vector_load %arg4[%get3A_820, %get3A_821, %get3A_822, %get3A_823] {strides = array<i32>} : memref<2x8x32x128xf32, #tpu.memory_space<vmem>>, vector<1x1x1x16xf32>,
        %get3A_825 = vector.shape_cast %get3A_824 : vector<1x1x1x16xf32> to vector<16xf32>
        %min3A_826 = arith.minimumf %min3A_817, %get3A_825 : vector<16xf32>
        %get3A_827 = arith.constant 1 : i32
        %get3A_828 = arith.constant 13 : i32
        %get3A_829 = arith.index_cast %get3A_827 : i32 to index
        %get3A_830 = arith.index_cast %scan3A_125 : i32 to index
        %get3A_831 = arith.index_cast %get3A_828 : i32 to index
        %get3A_832 = arith.constant 32 : index
        %get3A_833 = tpu.vector_load %arg4[%get3A_829, %get3A_830, %get3A_831, %get3A_832] {strides = array<i32>} : memref<2x8x32x128xf32, #tpu.memory_space<vmem>>, vector<1x1x1x16xf32>,
        %get3A_834 = vector.shape_cast %get3A_833 : vector<1x1x1x16xf32> to vector<16xf32>
        %min3A_835 = arith.minimumf %min3A_826, %get3A_834 : vector<16xf32>
        %get3A_836 = arith.constant 1 : i32
        %get3A_837 = arith.constant 14 : i32
        %get3A_838 = arith.index_cast %get3A_836 : i32 to index
        %get3A_839 = arith.index_cast %scan3A_125 : i32 to index
        %get3A_840 = arith.index_cast %get3A_837 : i32 to index
        %get3A_841 = arith.constant 32 : index
        %get3A_842 = tpu.vector_load %arg4[%get3A_838, %get3A_839, %get3A_840, %get3A_841] {strides = array<i32>} : memref<2x8x32x128xf32, #tpu.memory_space<vmem>>, vector<1x1x1x16xf32>,
        %get3A_843 = vector.shape_cast %get3A_842 : vector<1x1x1x16xf32> to vector<16xf32>
        %min3A_844 = arith.minimumf %min3A_835, %get3A_843 : vector<16xf32>
        %get3A_845 = arith.constant 1 : i32
        %get3A_846 = arith.constant 15 : i32
        %get3A_847 = arith.index_cast %get3A_845 : i32 to index
        %get3A_848 = arith.index_cast %scan3A_125 : i32 to index
        %get3A_849 = arith.index_cast %get3A_846 : i32 to index
        %get3A_850 = arith.constant 32 : index
        %get3A_851 = tpu.vector_load %arg4[%get3A_847, %get3A_848, %get3A_849, %get3A_850] {strides = array<i32>} : memref<2x8x32x128xf32, #tpu.memory_space<vmem>>, vector<1x1x1x16xf32>,
        %get3A_852 = vector.shape_cast %get3A_851 : vector<1x1x1x16xf32> to vector<16xf32>
        %min3A_853 = arith.minimumf %min3A_844, %get3A_852 : vector<16xf32>
        %get3A_854 = arith.constant 1 : i32
        %get3A_855 = arith.constant 16 : i32
        %get3A_856 = arith.index_cast %get3A_854 : i32 to index
        %get3A_857 = arith.index_cast %scan3A_125 : i32 to index
        %get3A_858 = arith.index_cast %get3A_855 : i32 to index
        %get3A_859 = arith.constant 32 : index
        %get3A_860 = tpu.vector_load %arg4[%get3A_856, %get3A_857, %get3A_858, %get3A_859] {strides = array<i32>} : memref<2x8x32x128xf32, #tpu.memory_space<vmem>>, vector<1x1x1x16xf32>,
        %get3A_861 = vector.shape_cast %get3A_860 : vector<1x1x1x16xf32> to vector<16xf32>
        %min3A_862 = arith.minimumf %min3A_853, %get3A_861 : vector<16xf32>
        %get3A_863 = arith.constant 1 : i32
        %get3A_864 = arith.constant 17 : i32
        %get3A_865 = arith.index_cast %get3A_863 : i32 to index
        %get3A_866 = arith.index_cast %scan3A_125 : i32 to index
        %get3A_867 = arith.index_cast %get3A_864 : i32 to index
        %get3A_868 = arith.constant 32 : index
        %get3A_869 = tpu.vector_load %arg4[%get3A_865, %get3A_866, %get3A_867, %get3A_868] {strides = array<i32>} : memref<2x8x32x128xf32, #tpu.memory_space<vmem>>, vector<1x1x1x16xf32>,
        %get3A_870 = vector.shape_cast %get3A_869 : vector<1x1x1x16xf32> to vector<16xf32>
        %min3A_871 = arith.minimumf %min3A_862, %get3A_870 : vector<16xf32>
        %get3A_872 = arith.constant 1 : i32
        %get3A_873 = arith.constant 18 : i32
        %get3A_874 = arith.index_cast %get3A_872 : i32 to index
        %get3A_875 = arith.index_cast %scan3A_125 : i32 to index
        %get3A_876 = arith.index_cast %get3A_873 : i32 to index
        %get3A_877 = arith.constant 32 : index
        %get3A_878 = tpu.vector_load %arg4[%get3A_874, %get3A_875, %get3A_876, %get3A_877] {strides = array<i32>} : memref<2x8x32x128xf32, #tpu.memory_space<vmem>>, vector<1x1x1x16xf32>,
        %get3A_879 = vector.shape_cast %get3A_878 : vector<1x1x1x16xf32> to vector<16xf32>
        %min3A_880 = arith.minimumf %min3A_871, %get3A_879 : vector<16xf32>
        %get3A_881 = arith.constant 1 : i32
        %get3A_882 = arith.constant 19 : i32
        %get3A_883 = arith.index_cast %get3A_881 : i32 to index
        %get3A_884 = arith.index_cast %scan3A_125 : i32 to index
        %get3A_885 = arith.index_cast %get3A_882 : i32 to index
        %get3A_886 = arith.constant 32 : index
        %get3A_887 = tpu.vector_load %arg4[%get3A_883, %get3A_884, %get3A_885, %get3A_886] {strides = array<i32>} : memref<2x8x32x128xf32, #tpu.memory_space<vmem>>, vector<1x1x1x16xf32>,
        %get3A_888 = vector.shape_cast %get3A_887 : vector<1x1x1x16xf32> to vector<16xf32>
        %min3A_889 = arith.minimumf %min3A_880, %get3A_888 : vector<16xf32>
        %get3A_890 = arith.constant 1 : i32
        %get3A_891 = arith.constant 20 : i32
        %get3A_892 = arith.index_cast %get3A_890 : i32 to index
        %get3A_893 = arith.index_cast %scan3A_125 : i32 to index
        %get3A_894 = arith.index_cast %get3A_891 : i32 to index
        %get3A_895 = arith.constant 32 : index
        %get3A_896 = tpu.vector_load %arg4[%get3A_892, %get3A_893, %get3A_894, %get3A_895] {strides = array<i32>} : memref<2x8x32x128xf32, #tpu.memory_space<vmem>>, vector<1x1x1x16xf32>,
        %get3A_897 = vector.shape_cast %get3A_896 : vector<1x1x1x16xf32> to vector<16xf32>
        %min3A_898 = arith.minimumf %min3A_889, %get3A_897 : vector<16xf32>
        %get3A_899 = arith.constant 1 : i32
        %get3A_900 = arith.constant 21 : i32
        %get3A_901 = arith.index_cast %get3A_899 : i32 to index
        %get3A_902 = arith.index_cast %scan3A_125 : i32 to index
        %get3A_903 = arith.index_cast %get3A_900 : i32 to index
        %get3A_904 = arith.constant 32 : index
        %get3A_905 = tpu.vector_load %arg4[%get3A_901, %get3A_902, %get3A_903, %get3A_904] {strides = array<i32>} : memref<2x8x32x128xf32, #tpu.memory_space<vmem>>, vector<1x1x1x16xf32>,
        %get3A_906 = vector.shape_cast %get3A_905 : vector<1x1x1x16xf32> to vector<16xf32>
        %min3A_907 = arith.minimumf %min3A_898, %get3A_906 : vector<16xf32>
        %get3A_908 = arith.constant 1 : i32
        %get3A_909 = arith.constant 22 : i32
        %get3A_910 = arith.index_cast %get3A_908 : i32 to index
        %get3A_911 = arith.index_cast %scan3A_125 : i32 to index
        %get3A_912 = arith.index_cast %get3A_909 : i32 to index
        %get3A_913 = arith.constant 32 : index
        %get3A_914 = tpu.vector_load %arg4[%get3A_910, %get3A_911, %get3A_912, %get3A_913] {strides = array<i32>} : memref<2x8x32x128xf32, #tpu.memory_space<vmem>>, vector<1x1x1x16xf32>,
        %get3A_915 = vector.shape_cast %get3A_914 : vector<1x1x1x16xf32> to vector<16xf32>
        %min3A_916 = arith.minimumf %min3A_907, %get3A_915 : vector<16xf32>
        %get3A_917 = arith.constant 1 : i32
        %get3A_918 = arith.constant 23 : i32
        %get3A_919 = arith.index_cast %get3A_917 : i32 to index
        %get3A_920 = arith.index_cast %scan3A_125 : i32 to index
        %get3A_921 = arith.index_cast %get3A_918 : i32 to index
        %get3A_922 = arith.constant 32 : index
        %get3A_923 = tpu.vector_load %arg4[%get3A_919, %get3A_920, %get3A_921, %get3A_922] {strides = array<i32>} : memref<2x8x32x128xf32, #tpu.memory_space<vmem>>, vector<1x1x1x16xf32>,
        %get3A_924 = vector.shape_cast %get3A_923 : vector<1x1x1x16xf32> to vector<16xf32>
        %min3A_925 = arith.minimumf %min3A_916, %get3A_924 : vector<16xf32>
        %get3A_926 = arith.constant 1 : i32
        %get3A_927 = arith.constant 24 : i32
        %get3A_928 = arith.index_cast %get3A_926 : i32 to index
        %get3A_929 = arith.index_cast %scan3A_125 : i32 to index
        %get3A_930 = arith.index_cast %get3A_927 : i32 to index
        %get3A_931 = arith.constant 32 : index
        %get3A_932 = tpu.vector_load %arg4[%get3A_928, %get3A_929, %get3A_930, %get3A_931] {strides = array<i32>} : memref<2x8x32x128xf32, #tpu.memory_space<vmem>>, vector<1x1x1x16xf32>,
        %get3A_933 = vector.shape_cast %get3A_932 : vector<1x1x1x16xf32> to vector<16xf32>
        %min3A_934 = arith.minimumf %min3A_925, %get3A_933 : vector<16xf32>
        %get3A_935 = arith.constant 1 : i32
        %get3A_936 = arith.constant 25 : i32
        %get3A_937 = arith.index_cast %get3A_935 : i32 to index
        %get3A_938 = arith.index_cast %scan3A_125 : i32 to index
        %get3A_939 = arith.index_cast %get3A_936 : i32 to index
        %get3A_940 = arith.constant 32 : index
        %get3A_941 = tpu.vector_load %arg4[%get3A_937, %get3A_938, %get3A_939, %get3A_940] {strides = array<i32>} : memref<2x8x32x128xf32, #tpu.memory_space<vmem>>, vector<1x1x1x16xf32>,
        %get3A_942 = vector.shape_cast %get3A_941 : vector<1x1x1x16xf32> to vector<16xf32>
        %min3A_943 = arith.minimumf %min3A_934, %get3A_942 : vector<16xf32>
        %get3A_944 = arith.constant 1 : i32
        %get3A_945 = arith.constant 26 : i32
        %get3A_946 = arith.index_cast %get3A_944 : i32 to index
        %get3A_947 = arith.index_cast %scan3A_125 : i32 to index
        %get3A_948 = arith.index_cast %get3A_945 : i32 to index
        %get3A_949 = arith.constant 32 : index
        %get3A_950 = tpu.vector_load %arg4[%get3A_946, %get3A_947, %get3A_948, %get3A_949] {strides = array<i32>} : memref<2x8x32x128xf32, #tpu.memory_space<vmem>>, vector<1x1x1x16xf32>,
        %get3A_951 = vector.shape_cast %get3A_950 : vector<1x1x1x16xf32> to vector<16xf32>
        %min3A_952 = arith.minimumf %min3A_943, %get3A_951 : vector<16xf32>
        %get3A_953 = arith.constant 1 : i32
        %get3A_954 = arith.constant 27 : i32
        %get3A_955 = arith.index_cast %get3A_953 : i32 to index
        %get3A_956 = arith.index_cast %scan3A_125 : i32 to index
        %get3A_957 = arith.index_cast %get3A_954 : i32 to index
        %get3A_958 = arith.constant 32 : index
        %get3A_959 = tpu.vector_load %arg4[%get3A_955, %get3A_956, %get3A_957, %get3A_958] {strides = array<i32>} : memref<2x8x32x128xf32, #tpu.memory_space<vmem>>, vector<1x1x1x16xf32>,
        %get3A_960 = vector.shape_cast %get3A_959 : vector<1x1x1x16xf32> to vector<16xf32>
        %min3A_961 = arith.minimumf %min3A_952, %get3A_960 : vector<16xf32>
        %get3A_962 = arith.constant 1 : i32
        %get3A_963 = arith.constant 28 : i32
        %get3A_964 = arith.index_cast %get3A_962 : i32 to index
        %get3A_965 = arith.index_cast %scan3A_125 : i32 to index
        %get3A_966 = arith.index_cast %get3A_963 : i32 to index
        %get3A_967 = arith.constant 32 : index
        %get3A_968 = tpu.vector_load %arg4[%get3A_964, %get3A_965, %get3A_966, %get3A_967] {strides = array<i32>} : memref<2x8x32x128xf32, #tpu.memory_space<vmem>>, vector<1x1x1x16xf32>,
        %get3A_969 = vector.shape_cast %get3A_968 : vector<1x1x1x16xf32> to vector<16xf32>
        %min3A_970 = arith.minimumf %min3A_961, %get3A_969 : vector<16xf32>
        %get3A_971 = arith.constant 1 : i32
        %get3A_972 = arith.constant 29 : i32
        %get3A_973 = arith.index_cast %get3A_971 : i32 to index
        %get3A_974 = arith.index_cast %scan3A_125 : i32 to index
        %get3A_975 = arith.index_cast %get3A_972 : i32 to index
        %get3A_976 = arith.constant 32 : index
        %get3A_977 = tpu.vector_load %arg4[%get3A_973, %get3A_974, %get3A_975, %get3A_976] {strides = array<i32>} : memref<2x8x32x128xf32, #tpu.memory_space<vmem>>, vector<1x1x1x16xf32>,
        %get3A_978 = vector.shape_cast %get3A_977 : vector<1x1x1x16xf32> to vector<16xf32>
        %min3A_979 = arith.minimumf %min3A_970, %get3A_978 : vector<16xf32>
        %get3A_980 = arith.constant 1 : i32
        %get3A_981 = arith.constant 30 : i32
        %get3A_982 = arith.index_cast %get3A_980 : i32 to index
        %get3A_983 = arith.index_cast %scan3A_125 : i32 to index
        %get3A_984 = arith.index_cast %get3A_981 : i32 to index
        %get3A_985 = arith.constant 32 : index
        %get3A_986 = tpu.vector_load %arg4[%get3A_982, %get3A_983, %get3A_984, %get3A_985] {strides = array<i32>} : memref<2x8x32x128xf32, #tpu.memory_space<vmem>>, vector<1x1x1x16xf32>,
        %get3A_987 = vector.shape_cast %get3A_986 : vector<1x1x1x16xf32> to vector<16xf32>
        %min3A_988 = arith.minimumf %min3A_979, %get3A_987 : vector<16xf32>
        %get3A_989 = arith.constant 1 : i32
        %get3A_990 = arith.constant 31 : i32
        %get3A_991 = arith.index_cast %get3A_989 : i32 to index
        %get3A_992 = arith.index_cast %scan3A_125 : i32 to index
        %get3A_993 = arith.index_cast %get3A_990 : i32 to index
        %get3A_994 = arith.constant 32 : index
        %get3A_995 = tpu.vector_load %arg4[%get3A_991, %get3A_992, %get3A_993, %get3A_994] {strides = array<i32>} : memref<2x8x32x128xf32, #tpu.memory_space<vmem>>, vector<1x1x1x16xf32>,
        %get3A_996 = vector.shape_cast %get3A_995 : vector<1x1x1x16xf32> to vector<16xf32>
        %min3A_997 = arith.minimumf %min3A_988, %get3A_996 : vector<16xf32>
        %swap3A_998 = arith.constant 1 : i32
        %swap3A_999 = arith.index_cast %swap3A_998 : i32 to index
        %swap3A_1000 = arith.index_cast %scan3A_125 : i32 to index
        %swap3A_1001 = arith.constant 32 : index
        %swap3A_1002 = tpu.vector_load %arg5[%swap3A_999, %swap3A_1000, %swap3A_1001] {strides = array<i32>} : memref<2x8x128xf32, #tpu.memory_space<vmem>>, vector<1x1x16xf32>,
        %swap3A_1003 = vector.shape_cast %swap3A_1002 : vector<1x1x16xf32> to vector<16xf32>
        %swap3A_1004 = vector.shape_cast %min3A_997 : vector<16xf32> to vector<1x1x16xf32>
        tpu.vector_store %arg5[%swap3A_999, %swap3A_1000, %swap3A_1001], %swap3A_1004 {strides = array<i32>} : memref<2x8x128xf32, #tpu.memory_space<vmem>>, vector<1x1x16xf32>,
        %get3A_1005 = arith.constant 1 : i32
        %get3A_1006 = arith.constant 0 : i32
        %get3A_1007 = arith.index_cast %get3A_1005 : i32 to index
        %get3A_1008 = arith.index_cast %scan3A_125 : i32 to index
        %get3A_1009 = arith.index_cast %get3A_1006 : i32 to index
        %get3A_1010 = arith.constant 48 : index
        %get3A_1011 = tpu.vector_load %arg4[%get3A_1007, %get3A_1008, %get3A_1009, %get3A_1010] {strides = array<i32>} : memref<2x8x32x128xf32, #tpu.memory_space<vmem>>, vector<1x1x1x16xf32>,
        %get3A_1012 = vector.shape_cast %get3A_1011 : vector<1x1x1x16xf32> to vector<16xf32>
        %get3A_1013 = arith.constant 1 : i32
        %get3A_1014 = arith.constant 1 : i32
        %get3A_1015 = arith.index_cast %get3A_1013 : i32 to index
        %get3A_1016 = arith.index_cast %scan3A_125 : i32 to index
        %get3A_1017 = arith.index_cast %get3A_1014 : i32 to index
        %get3A_1018 = arith.constant 48 : index
        %get3A_1019 = tpu.vector_load %arg4[%get3A_1015, %get3A_1016, %get3A_1017, %get3A_1018] {strides = array<i32>} : memref<2x8x32x128xf32, #tpu.memory_space<vmem>>, vector<1x1x1x16xf32>,
        %get3A_1020 = vector.shape_cast %get3A_1019 : vector<1x1x1x16xf32> to vector<16xf32>
        %min3A_1021 = arith.minimumf %get3A_1012, %get3A_1020 : vector<16xf32>
        %get3A_1022 = arith.constant 1 : i32
        %get3A_1023 = arith.constant 2 : i32
        %get3A_1024 = arith.index_cast %get3A_1022 : i32 to index
        %get3A_1025 = arith.index_cast %scan3A_125 : i32 to index
        %get3A_1026 = arith.index_cast %get3A_1023 : i32 to index
        %get3A_1027 = arith.constant 48 : index
        %get3A_1028 = tpu.vector_load %arg4[%get3A_1024, %get3A_1025, %get3A_1026, %get3A_1027] {strides = array<i32>} : memref<2x8x32x128xf32, #tpu.memory_space<vmem>>, vector<1x1x1x16xf32>,
        %get3A_1029 = vector.shape_cast %get3A_1028 : vector<1x1x1x16xf32> to vector<16xf32>
        %min3A_1030 = arith.minimumf %min3A_1021, %get3A_1029 : vector<16xf32>
        %get3A_1031 = arith.constant 1 : i32
        %get3A_1032 = arith.constant 3 : i32
        %get3A_1033 = arith.index_cast %get3A_1031 : i32 to index
        %get3A_1034 = arith.index_cast %scan3A_125 : i32 to index
        %get3A_1035 = arith.index_cast %get3A_1032 : i32 to index
        %get3A_1036 = arith.constant 48 : index
        %get3A_1037 = tpu.vector_load %arg4[%get3A_1033, %get3A_1034, %get3A_1035, %get3A_1036] {strides = array<i32>} : memref<2x8x32x128xf32, #tpu.memory_space<vmem>>, vector<1x1x1x16xf32>,
        %get3A_1038 = vector.shape_cast %get3A_1037 : vector<1x1x1x16xf32> to vector<16xf32>
        %min3A_1039 = arith.minimumf %min3A_1030, %get3A_1038 : vector<16xf32>
        %get3A_1040 = arith.constant 1 : i32
        %get3A_1041 = arith.constant 4 : i32
        %get3A_1042 = arith.index_cast %get3A_1040 : i32 to index
        %get3A_1043 = arith.index_cast %scan3A_125 : i32 to index
        %get3A_1044 = arith.index_cast %get3A_1041 : i32 to index
        %get3A_1045 = arith.constant 48 : index
        %get3A_1046 = tpu.vector_load %arg4[%get3A_1042, %get3A_1043, %get3A_1044, %get3A_1045] {strides = array<i32>} : memref<2x8x32x128xf32, #tpu.memory_space<vmem>>, vector<1x1x1x16xf32>,
        %get3A_1047 = vector.shape_cast %get3A_1046 : vector<1x1x1x16xf32> to vector<16xf32>
        %min3A_1048 = arith.minimumf %min3A_1039, %get3A_1047 : vector<16xf32>
        %get3A_1049 = arith.constant 1 : i32
        %get3A_1050 = arith.constant 5 : i32
        %get3A_1051 = arith.index_cast %get3A_1049 : i32 to index
        %get3A_1052 = arith.index_cast %scan3A_125 : i32 to index
        %get3A_1053 = arith.index_cast %get3A_1050 : i32 to index
        %get3A_1054 = arith.constant 48 : index
        %get3A_1055 = tpu.vector_load %arg4[%get3A_1051, %get3A_1052, %get3A_1053, %get3A_1054] {strides = array<i32>} : memref<2x8x32x128xf32, #tpu.memory_space<vmem>>, vector<1x1x1x16xf32>,
        %get3A_1056 = vector.shape_cast %get3A_1055 : vector<1x1x1x16xf32> to vector<16xf32>
        %min3A_1057 = arith.minimumf %min3A_1048, %get3A_1056 : vector<16xf32>
        %get3A_1058 = arith.constant 1 : i32
        %get3A_1059 = arith.constant 6 : i32
        %get3A_1060 = arith.index_cast %get3A_1058 : i32 to index
        %get3A_1061 = arith.index_cast %scan3A_125 : i32 to index
        %get3A_1062 = arith.index_cast %get3A_1059 : i32 to index
        %get3A_1063 = arith.constant 48 : index
        %get3A_1064 = tpu.vector_load %arg4[%get3A_1060, %get3A_1061, %get3A_1062, %get3A_1063] {strides = array<i32>} : memref<2x8x32x128xf32, #tpu.memory_space<vmem>>, vector<1x1x1x16xf32>,
        %get3A_1065 = vector.shape_cast %get3A_1064 : vector<1x1x1x16xf32> to vector<16xf32>
        %min3A_1066 = arith.minimumf %min3A_1057, %get3A_1065 : vector<16xf32>
        %get3A_1067 = arith.constant 1 : i32
        %get3A_1068 = arith.constant 7 : i32
        %get3A_1069 = arith.index_cast %get3A_1067 : i32 to index
        %get3A_1070 = arith.index_cast %scan3A_125 : i32 to index
        %get3A_1071 = arith.index_cast %get3A_1068 : i32 to index
        %get3A_1072 = arith.constant 48 : index
        %get3A_1073 = tpu.vector_load %arg4[%get3A_1069, %get3A_1070, %get3A_1071, %get3A_1072] {strides = array<i32>} : memref<2x8x32x128xf32, #tpu.memory_space<vmem>>, vector<1x1x1x16xf32>,
        %get3A_1074 = vector.shape_cast %get3A_1073 : vector<1x1x1x16xf32> to vector<16xf32>
        %min3A_1075 = arith.minimumf %min3A_1066, %get3A_1074 : vector<16xf32>
        %get3A_1076 = arith.constant 1 : i32
        %get3A_1077 = arith.constant 8 : i32
        %get3A_1078 = arith.index_cast %get3A_1076 : i32 to index
        %get3A_1079 = arith.index_cast %scan3A_125 : i32 to index
        %get3A_1080 = arith.index_cast %get3A_1077 : i32 to index
        %get3A_1081 = arith.constant 48 : index
        %get3A_1082 = tpu.vector_load %arg4[%get3A_1078, %get3A_1079, %get3A_1080, %get3A_1081] {strides = array<i32>} : memref<2x8x32x128xf32, #tpu.memory_space<vmem>>, vector<1x1x1x16xf32>,
        %get3A_1083 = vector.shape_cast %get3A_1082 : vector<1x1x1x16xf32> to vector<16xf32>
        %min3A_1084 = arith.minimumf %min3A_1075, %get3A_1083 : vector<16xf32>
        %get3A_1085 = arith.constant 1 : i32
        %get3A_1086 = arith.constant 9 : i32
        %get3A_1087 = arith.index_cast %get3A_1085 : i32 to index
        %get3A_1088 = arith.index_cast %scan3A_125 : i32 to index
        %get3A_1089 = arith.index_cast %get3A_1086 : i32 to index
        %get3A_1090 = arith.constant 48 : index
        %get3A_1091 = tpu.vector_load %arg4[%get3A_1087, %get3A_1088, %get3A_1089, %get3A_1090] {strides = array<i32>} : memref<2x8x32x128xf32, #tpu.memory_space<vmem>>, vector<1x1x1x16xf32>,
        %get3A_1092 = vector.shape_cast %get3A_1091 : vector<1x1x1x16xf32> to vector<16xf32>
        %min3A_1093 = arith.minimumf %min3A_1084, %get3A_1092 : vector<16xf32>
        %get3A_1094 = arith.constant 1 : i32
        %get3A_1095 = arith.constant 10 : i32
        %get3A_1096 = arith.index_cast %get3A_1094 : i32 to index
        %get3A_1097 = arith.index_cast %scan3A_125 : i32 to index
        %get3A_1098 = arith.index_cast %get3A_1095 : i32 to index
        %get3A_1099 = arith.constant 48 : index
        %get3A_1100 = tpu.vector_load %arg4[%get3A_1096, %get3A_1097, %get3A_1098, %get3A_1099] {strides = array<i32>} : memref<2x8x32x128xf32, #tpu.memory_space<vmem>>, vector<1x1x1x16xf32>,
        %get3A_1101 = vector.shape_cast %get3A_1100 : vector<1x1x1x16xf32> to vector<16xf32>
        %min3A_1102 = arith.minimumf %min3A_1093, %get3A_1101 : vector<16xf32>
        %get3A_1103 = arith.constant 1 : i32
        %get3A_1104 = arith.constant 11 : i32
        %get3A_1105 = arith.index_cast %get3A_1103 : i32 to index
        %get3A_1106 = arith.index_cast %scan3A_125 : i32 to index
        %get3A_1107 = arith.index_cast %get3A_1104 : i32 to index
        %get3A_1108 = arith.constant 48 : index
        %get3A_1109 = tpu.vector_load %arg4[%get3A_1105, %get3A_1106, %get3A_1107, %get3A_1108] {strides = array<i32>} : memref<2x8x32x128xf32, #tpu.memory_space<vmem>>, vector<1x1x1x16xf32>,
        %get3A_1110 = vector.shape_cast %get3A_1109 : vector<1x1x1x16xf32> to vector<16xf32>
        %min3A_1111 = arith.minimumf %min3A_1102, %get3A_1110 : vector<16xf32>
        %get3A_1112 = arith.constant 1 : i32
        %get3A_1113 = arith.constant 12 : i32
        %get3A_1114 = arith.index_cast %get3A_1112 : i32 to index
        %get3A_1115 = arith.index_cast %scan3A_125 : i32 to index
        %get3A_1116 = arith.index_cast %get3A_1113 : i32 to index
        %get3A_1117 = arith.constant 48 : index
        %get3A_1118 = tpu.vector_load %arg4[%get3A_1114, %get3A_1115, %get3A_1116, %get3A_1117] {strides = array<i32>} : memref<2x8x32x128xf32, #tpu.memory_space<vmem>>, vector<1x1x1x16xf32>,
        %get3A_1119 = vector.shape_cast %get3A_1118 : vector<1x1x1x16xf32> to vector<16xf32>
        %min3A_1120 = arith.minimumf %min3A_1111, %get3A_1119 : vector<16xf32>
        %get3A_1121 = arith.constant 1 : i32
        %get3A_1122 = arith.constant 13 : i32
        %get3A_1123 = arith.index_cast %get3A_1121 : i32 to index
        %get3A_1124 = arith.index_cast %scan3A_125 : i32 to index
        %get3A_1125 = arith.index_cast %get3A_1122 : i32 to index
        %get3A_1126 = arith.constant 48 : index
        %get3A_1127 = tpu.vector_load %arg4[%get3A_1123, %get3A_1124, %get3A_1125, %get3A_1126] {strides = array<i32>} : memref<2x8x32x128xf32, #tpu.memory_space<vmem>>, vector<1x1x1x16xf32>,
        %get3A_1128 = vector.shape_cast %get3A_1127 : vector<1x1x1x16xf32> to vector<16xf32>
        %min3A_1129 = arith.minimumf %min3A_1120, %get3A_1128 : vector<16xf32>
        %get3A_1130 = arith.constant 1 : i32
        %get3A_1131 = arith.constant 14 : i32
        %get3A_1132 = arith.index_cast %get3A_1130 : i32 to index
        %get3A_1133 = arith.index_cast %scan3A_125 : i32 to index
        %get3A_1134 = arith.index_cast %get3A_1131 : i32 to index
        %get3A_1135 = arith.constant 48 : index
        %get3A_1136 = tpu.vector_load %arg4[%get3A_1132, %get3A_1133, %get3A_1134, %get3A_1135] {strides = array<i32>} : memref<2x8x32x128xf32, #tpu.memory_space<vmem>>, vector<1x1x1x16xf32>,
        %get3A_1137 = vector.shape_cast %get3A_1136 : vector<1x1x1x16xf32> to vector<16xf32>
        %min3A_1138 = arith.minimumf %min3A_1129, %get3A_1137 : vector<16xf32>
        %get3A_1139 = arith.constant 1 : i32
        %get3A_1140 = arith.constant 15 : i32
        %get3A_1141 = arith.index_cast %get3A_1139 : i32 to index
        %get3A_1142 = arith.index_cast %scan3A_125 : i32 to index
        %get3A_1143 = arith.index_cast %get3A_1140 : i32 to index
        %get3A_1144 = arith.constant 48 : index
        %get3A_1145 = tpu.vector_load %arg4[%get3A_1141, %get3A_1142, %get3A_1143, %get3A_1144] {strides = array<i32>} : memref<2x8x32x128xf32, #tpu.memory_space<vmem>>, vector<1x1x1x16xf32>,
        %get3A_1146 = vector.shape_cast %get3A_1145 : vector<1x1x1x16xf32> to vector<16xf32>
        %min3A_1147 = arith.minimumf %min3A_1138, %get3A_1146 : vector<16xf32>
        %get3A_1148 = arith.constant 1 : i32
        %get3A_1149 = arith.constant 16 : i32
        %get3A_1150 = arith.index_cast %get3A_1148 : i32 to index
        %get3A_1151 = arith.index_cast %scan3A_125 : i32 to index
        %get3A_1152 = arith.index_cast %get3A_1149 : i32 to index
        %get3A_1153 = arith.constant 48 : index
        %get3A_1154 = tpu.vector_load %arg4[%get3A_1150, %get3A_1151, %get3A_1152, %get3A_1153] {strides = array<i32>} : memref<2x8x32x128xf32, #tpu.memory_space<vmem>>, vector<1x1x1x16xf32>,
        %get3A_1155 = vector.shape_cast %get3A_1154 : vector<1x1x1x16xf32> to vector<16xf32>
        %min3A_1156 = arith.minimumf %min3A_1147, %get3A_1155 : vector<16xf32>
        %get3A_1157 = arith.constant 1 : i32
        %get3A_1158 = arith.constant 17 : i32
        %get3A_1159 = arith.index_cast %get3A_1157 : i32 to index
        %get3A_1160 = arith.index_cast %scan3A_125 : i32 to index
        %get3A_1161 = arith.index_cast %get3A_1158 : i32 to index
        %get3A_1162 = arith.constant 48 : index
        %get3A_1163 = tpu.vector_load %arg4[%get3A_1159, %get3A_1160, %get3A_1161, %get3A_1162] {strides = array<i32>} : memref<2x8x32x128xf32, #tpu.memory_space<vmem>>, vector<1x1x1x16xf32>,
        %get3A_1164 = vector.shape_cast %get3A_1163 : vector<1x1x1x16xf32> to vector<16xf32>
        %min3A_1165 = arith.minimumf %min3A_1156, %get3A_1164 : vector<16xf32>
        %get3A_1166 = arith.constant 1 : i32
        %get3A_1167 = arith.constant 18 : i32
        %get3A_1168 = arith.index_cast %get3A_1166 : i32 to index
        %get3A_1169 = arith.index_cast %scan3A_125 : i32 to index
        %get3A_1170 = arith.index_cast %get3A_1167 : i32 to index
        %get3A_1171 = arith.constant 48 : index
        %get3A_1172 = tpu.vector_load %arg4[%get3A_1168, %get3A_1169, %get3A_1170, %get3A_1171] {strides = array<i32>} : memref<2x8x32x128xf32, #tpu.memory_space<vmem>>, vector<1x1x1x16xf32>,
        %get3A_1173 = vector.shape_cast %get3A_1172 : vector<1x1x1x16xf32> to vector<16xf32>
        %min3A_1174 = arith.minimumf %min3A_1165, %get3A_1173 : vector<16xf32>
        %get3A_1175 = arith.constant 1 : i32
        %get3A_1176 = arith.constant 19 : i32
        %get3A_1177 = arith.index_cast %get3A_1175 : i32 to index
        %get3A_1178 = arith.index_cast %scan3A_125 : i32 to index
        %get3A_1179 = arith.index_cast %get3A_1176 : i32 to index
        %get3A_1180 = arith.constant 48 : index
        %get3A_1181 = tpu.vector_load %arg4[%get3A_1177, %get3A_1178, %get3A_1179, %get3A_1180] {strides = array<i32>} : memref<2x8x32x128xf32, #tpu.memory_space<vmem>>, vector<1x1x1x16xf32>,
        %get3A_1182 = vector.shape_cast %get3A_1181 : vector<1x1x1x16xf32> to vector<16xf32>
        %min3A_1183 = arith.minimumf %min3A_1174, %get3A_1182 : vector<16xf32>
        %get3A_1184 = arith.constant 1 : i32
        %get3A_1185 = arith.constant 20 : i32
        %get3A_1186 = arith.index_cast %get3A_1184 : i32 to index
        %get3A_1187 = arith.index_cast %scan3A_125 : i32 to index
        %get3A_1188 = arith.index_cast %get3A_1185 : i32 to index
        %get3A_1189 = arith.constant 48 : index
        %get3A_1190 = tpu.vector_load %arg4[%get3A_1186, %get3A_1187, %get3A_1188, %get3A_1189] {strides = array<i32>} : memref<2x8x32x128xf32, #tpu.memory_space<vmem>>, vector<1x1x1x16xf32>,
        %get3A_1191 = vector.shape_cast %get3A_1190 : vector<1x1x1x16xf32> to vector<16xf32>
        %min3A_1192 = arith.minimumf %min3A_1183, %get3A_1191 : vector<16xf32>
        %get3A_1193 = arith.constant 1 : i32
        %get3A_1194 = arith.constant 21 : i32
        %get3A_1195 = arith.index_cast %get3A_1193 : i32 to index
        %get3A_1196 = arith.index_cast %scan3A_125 : i32 to index
        %get3A_1197 = arith.index_cast %get3A_1194 : i32 to index
        %get3A_1198 = arith.constant 48 : index
        %get3A_1199 = tpu.vector_load %arg4[%get3A_1195, %get3A_1196, %get3A_1197, %get3A_1198] {strides = array<i32>} : memref<2x8x32x128xf32, #tpu.memory_space<vmem>>, vector<1x1x1x16xf32>,
        %get3A_1200 = vector.shape_cast %get3A_1199 : vector<1x1x1x16xf32> to vector<16xf32>
        %min3A_1201 = arith.minimumf %min3A_1192, %get3A_1200 : vector<16xf32>
        %get3A_1202 = arith.constant 1 : i32
        %get3A_1203 = arith.constant 22 : i32
        %get3A_1204 = arith.index_cast %get3A_1202 : i32 to index
        %get3A_1205 = arith.index_cast %scan3A_125 : i32 to index
        %get3A_1206 = arith.index_cast %get3A_1203 : i32 to index
        %get3A_1207 = arith.constant 48 : index
        %get3A_1208 = tpu.vector_load %arg4[%get3A_1204, %get3A_1205, %get3A_1206, %get3A_1207] {strides = array<i32>} : memref<2x8x32x128xf32, #tpu.memory_space<vmem>>, vector<1x1x1x16xf32>,
        %get3A_1209 = vector.shape_cast %get3A_1208 : vector<1x1x1x16xf32> to vector<16xf32>
        %min3A_1210 = arith.minimumf %min3A_1201, %get3A_1209 : vector<16xf32>
        %get3A_1211 = arith.constant 1 : i32
        %get3A_1212 = arith.constant 23 : i32
        %get3A_1213 = arith.index_cast %get3A_1211 : i32 to index
        %get3A_1214 = arith.index_cast %scan3A_125 : i32 to index
        %get3A_1215 = arith.index_cast %get3A_1212 : i32 to index
        %get3A_1216 = arith.constant 48 : index
        %get3A_1217 = tpu.vector_load %arg4[%get3A_1213, %get3A_1214, %get3A_1215, %get3A_1216] {strides = array<i32>} : memref<2x8x32x128xf32, #tpu.memory_space<vmem>>, vector<1x1x1x16xf32>,
        %get3A_1218 = vector.shape_cast %get3A_1217 : vector<1x1x1x16xf32> to vector<16xf32>
        %min3A_1219 = arith.minimumf %min3A_1210, %get3A_1218 : vector<16xf32>
        %get3A_1220 = arith.constant 1 : i32
        %get3A_1221 = arith.constant 24 : i32
        %get3A_1222 = arith.index_cast %get3A_1220 : i32 to index
        %get3A_1223 = arith.index_cast %scan3A_125 : i32 to index
        %get3A_1224 = arith.index_cast %get3A_1221 : i32 to index
        %get3A_1225 = arith.constant 48 : index
        %get3A_1226 = tpu.vector_load %arg4[%get3A_1222, %get3A_1223, %get3A_1224, %get3A_1225] {strides = array<i32>} : memref<2x8x32x128xf32, #tpu.memory_space<vmem>>, vector<1x1x1x16xf32>,
        %get3A_1227 = vector.shape_cast %get3A_1226 : vector<1x1x1x16xf32> to vector<16xf32>
        %min3A_1228 = arith.minimumf %min3A_1219, %get3A_1227 : vector<16xf32>
        %get3A_1229 = arith.constant 1 : i32
        %get3A_1230 = arith.constant 25 : i32
        %get3A_1231 = arith.index_cast %get3A_1229 : i32 to index
        %get3A_1232 = arith.index_cast %scan3A_125 : i32 to index
        %get3A_1233 = arith.index_cast %get3A_1230 : i32 to index
        %get3A_1234 = arith.constant 48 : index
        %get3A_1235 = tpu.vector_load %arg4[%get3A_1231, %get3A_1232, %get3A_1233, %get3A_1234] {strides = array<i32>} : memref<2x8x32x128xf32, #tpu.memory_space<vmem>>, vector<1x1x1x16xf32>,
        %get3A_1236 = vector.shape_cast %get3A_1235 : vector<1x1x1x16xf32> to vector<16xf32>
        %min3A_1237 = arith.minimumf %min3A_1228, %get3A_1236 : vector<16xf32>
        %get3A_1238 = arith.constant 1 : i32
        %get3A_1239 = arith.constant 26 : i32
        %get3A_1240 = arith.index_cast %get3A_1238 : i32 to index
        %get3A_1241 = arith.index_cast %scan3A_125 : i32 to index
        %get3A_1242 = arith.index_cast %get3A_1239 : i32 to index
        %get3A_1243 = arith.constant 48 : index
        %get3A_1244 = tpu.vector_load %arg4[%get3A_1240, %get3A_1241, %get3A_1242, %get3A_1243] {strides = array<i32>} : memref<2x8x32x128xf32, #tpu.memory_space<vmem>>, vector<1x1x1x16xf32>,
        %get3A_1245 = vector.shape_cast %get3A_1244 : vector<1x1x1x16xf32> to vector<16xf32>
        %min3A_1246 = arith.minimumf %min3A_1237, %get3A_1245 : vector<16xf32>
        %get3A_1247 = arith.constant 1 : i32
        %get3A_1248 = arith.constant 27 : i32
        %get3A_1249 = arith.index_cast %get3A_1247 : i32 to index
        %get3A_1250 = arith.index_cast %scan3A_125 : i32 to index
        %get3A_1251 = arith.index_cast %get3A_1248 : i32 to index
        %get3A_1252 = arith.constant 48 : index
        %get3A_1253 = tpu.vector_load %arg4[%get3A_1249, %get3A_1250, %get3A_1251, %get3A_1252] {strides = array<i32>} : memref<2x8x32x128xf32, #tpu.memory_space<vmem>>, vector<1x1x1x16xf32>,
        %get3A_1254 = vector.shape_cast %get3A_1253 : vector<1x1x1x16xf32> to vector<16xf32>
        %min3A_1255 = arith.minimumf %min3A_1246, %get3A_1254 : vector<16xf32>
        %get3A_1256 = arith.constant 1 : i32
        %get3A_1257 = arith.constant 28 : i32
        %get3A_1258 = arith.index_cast %get3A_1256 : i32 to index
        %get3A_1259 = arith.index_cast %scan3A_125 : i32 to index
        %get3A_1260 = arith.index_cast %get3A_1257 : i32 to index
        %get3A_1261 = arith.constant 48 : index
        %get3A_1262 = tpu.vector_load %arg4[%get3A_1258, %get3A_1259, %get3A_1260, %get3A_1261] {strides = array<i32>} : memref<2x8x32x128xf32, #tpu.memory_space<vmem>>, vector<1x1x1x16xf32>,
        %get3A_1263 = vector.shape_cast %get3A_1262 : vector<1x1x1x16xf32> to vector<16xf32>
        %min3A_1264 = arith.minimumf %min3A_1255, %get3A_1263 : vector<16xf32>
        %get3A_1265 = arith.constant 1 : i32
        %get3A_1266 = arith.constant 29 : i32
        %get3A_1267 = arith.index_cast %get3A_1265 : i32 to index
        %get3A_1268 = arith.index_cast %scan3A_125 : i32 to index
        %get3A_1269 = arith.index_cast %get3A_1266 : i32 to index
        %get3A_1270 = arith.constant 48 : index
        %get3A_1271 = tpu.vector_load %arg4[%get3A_1267, %get3A_1268, %get3A_1269, %get3A_1270] {strides = array<i32>} : memref<2x8x32x128xf32, #tpu.memory_space<vmem>>, vector<1x1x1x16xf32>,
        %get3A_1272 = vector.shape_cast %get3A_1271 : vector<1x1x1x16xf32> to vector<16xf32>
        %min3A_1273 = arith.minimumf %min3A_1264, %get3A_1272 : vector<16xf32>
        %get3A_1274 = arith.constant 1 : i32
        %get3A_1275 = arith.constant 30 : i32
        %get3A_1276 = arith.index_cast %get3A_1274 : i32 to index
        %get3A_1277 = arith.index_cast %scan3A_125 : i32 to index
        %get3A_1278 = arith.index_cast %get3A_1275 : i32 to index
        %get3A_1279 = arith.constant 48 : index
        %get3A_1280 = tpu.vector_load %arg4[%get3A_1276, %get3A_1277, %get3A_1278, %get3A_1279] {strides = array<i32>} : memref<2x8x32x128xf32, #tpu.memory_space<vmem>>, vector<1x1x1x16xf32>,
        %get3A_1281 = vector.shape_cast %get3A_1280 : vector<1x1x1x16xf32> to vector<16xf32>
        %min3A_1282 = arith.minimumf %min3A_1273, %get3A_1281 : vector<16xf32>
        %get3A_1283 = arith.constant 1 : i32
        %get3A_1284 = arith.constant 31 : i32
        %get3A_1285 = arith.index_cast %get3A_1283 : i32 to index
        %get3A_1286 = arith.index_cast %scan3A_125 : i32 to index
        %get3A_1287 = arith.index_cast %get3A_1284 : i32 to index
        %get3A_1288 = arith.constant 48 : index
        %get3A_1289 = tpu.vector_load %arg4[%get3A_1285, %get3A_1286, %get3A_1287, %get3A_1288] {strides = array<i32>} : memref<2x8x32x128xf32, #tpu.memory_space<vmem>>, vector<1x1x1x16xf32>,
        %get3A_1290 = vector.shape_cast %get3A_1289 : vector<1x1x1x16xf32> to vector<16xf32>
        %min3A_1291 = arith.minimumf %min3A_1282, %get3A_1290 : vector<16xf32>
        %swap3A_1292 = arith.constant 1 : i32
        %swap3A_1293 = arith.index_cast %swap3A_1292 : i32 to index
        %swap3A_1294 = arith.index_cast %scan3A_125 : i32 to index
        %swap3A_1295 = arith.constant 48 : index
        %swap3A_1296 = tpu.vector_load %arg5[%swap3A_1293, %swap3A_1294, %swap3A_1295] {strides = array<i32>} : memref<2x8x128xf32, #tpu.memory_space<vmem>>, vector<1x1x16xf32>,
        %swap3A_1297 = vector.shape_cast %swap3A_1296 : vector<1x1x16xf32> to vector<16xf32>
        %swap3A_1298 = vector.shape_cast %min3A_1291 : vector<16xf32> to vector<1x1x16xf32>
        tpu.vector_store %arg5[%swap3A_1293, %swap3A_1294, %swap3A_1295], %swap3A_1298 {strides = array<i32>} : memref<2x8x128xf32, #tpu.memory_space<vmem>>, vector<1x1x16xf32>,
        %get3A_1299 = arith.constant 1 : i32
        %get3A_1300 = arith.constant 0 : i32
        %get3A_1301 = arith.index_cast %get3A_1299 : i32 to index
        %get3A_1302 = arith.index_cast %scan3A_125 : i32 to index
        %get3A_1303 = arith.index_cast %get3A_1300 : i32 to index
        %get3A_1304 = arith.constant 64 : index
        %get3A_1305 = tpu.vector_load %arg4[%get3A_1301, %get3A_1302, %get3A_1303, %get3A_1304] {strides = array<i32>} : memref<2x8x32x128xf32, #tpu.memory_space<vmem>>, vector<1x1x1x16xf32>,
        %get3A_1306 = vector.shape_cast %get3A_1305 : vector<1x1x1x16xf32> to vector<16xf32>
        %get3A_1307 = arith.constant 1 : i32
        %get3A_1308 = arith.constant 1 : i32
        %get3A_1309 = arith.index_cast %get3A_1307 : i32 to index
        %get3A_1310 = arith.index_cast %scan3A_125 : i32 to index
        %get3A_1311 = arith.index_cast %get3A_1308 : i32 to index
        %get3A_1312 = arith.constant 64 : index
        %get3A_1313 = tpu.vector_load %arg4[%get3A_1309, %get3A_1310, %get3A_1311, %get3A_1312] {strides = array<i32>} : memref<2x8x32x128xf32, #tpu.memory_space<vmem>>, vector<1x1x1x16xf32>,
        %get3A_1314 = vector.shape_cast %get3A_1313 : vector<1x1x1x16xf32> to vector<16xf32>
        %min3A_1315 = arith.minimumf %get3A_1306, %get3A_1314 : vector<16xf32>
        %get3A_1316 = arith.constant 1 : i32
        %get3A_1317 = arith.constant 2 : i32
        %get3A_1318 = arith.index_cast %get3A_1316 : i32 to index
        %get3A_1319 = arith.index_cast %scan3A_125 : i32 to index
        %get3A_1320 = arith.index_cast %get3A_1317 : i32 to index
        %get3A_1321 = arith.constant 64 : index
        %get3A_1322 = tpu.vector_load %arg4[%get3A_1318, %get3A_1319, %get3A_1320, %get3A_1321] {strides = array<i32>} : memref<2x8x32x128xf32, #tpu.memory_space<vmem>>, vector<1x1x1x16xf32>,
        %get3A_1323 = vector.shape_cast %get3A_1322 : vector<1x1x1x16xf32> to vector<16xf32>
        %min3A_1324 = arith.minimumf %min3A_1315, %get3A_1323 : vector<16xf32>
        %get3A_1325 = arith.constant 1 : i32
        %get3A_1326 = arith.constant 3 : i32
        %get3A_1327 = arith.index_cast %get3A_1325 : i32 to index
        %get3A_1328 = arith.index_cast %scan3A_125 : i32 to index
        %get3A_1329 = arith.index_cast %get3A_1326 : i32 to index
        %get3A_1330 = arith.constant 64 : index
        %get3A_1331 = tpu.vector_load %arg4[%get3A_1327, %get3A_1328, %get3A_1329, %get3A_1330] {strides = array<i32>} : memref<2x8x32x128xf32, #tpu.memory_space<vmem>>, vector<1x1x1x16xf32>,
        %get3A_1332 = vector.shape_cast %get3A_1331 : vector<1x1x1x16xf32> to vector<16xf32>
        %min3A_1333 = arith.minimumf %min3A_1324, %get3A_1332 : vector<16xf32>
        %get3A_1334 = arith.constant 1 : i32
        %get3A_1335 = arith.constant 4 : i32
        %get3A_1336 = arith.index_cast %get3A_1334 : i32 to index
        %get3A_1337 = arith.index_cast %scan3A_125 : i32 to index
        %get3A_1338 = arith.index_cast %get3A_1335 : i32 to index
        %get3A_1339 = arith.constant 64 : index
        %get3A_1340 = tpu.vector_load %arg4[%get3A_1336, %get3A_1337, %get3A_1338, %get3A_1339] {strides = array<i32>} : memref<2x8x32x128xf32, #tpu.memory_space<vmem>>, vector<1x1x1x16xf32>,
        %get3A_1341 = vector.shape_cast %get3A_1340 : vector<1x1x1x16xf32> to vector<16xf32>
        %min3A_1342 = arith.minimumf %min3A_1333, %get3A_1341 : vector<16xf32>
        %get3A_1343 = arith.constant 1 : i32
        %get3A_1344 = arith.constant 5 : i32
        %get3A_1345 = arith.index_cast %get3A_1343 : i32 to index
        %get3A_1346 = arith.index_cast %scan3A_125 : i32 to index
        %get3A_1347 = arith.index_cast %get3A_1344 : i32 to index
        %get3A_1348 = arith.constant 64 : index
        %get3A_1349 = tpu.vector_load %arg4[%get3A_1345, %get3A_1346, %get3A_1347, %get3A_1348] {strides = array<i32>} : memref<2x8x32x128xf32, #tpu.memory_space<vmem>>, vector<1x1x1x16xf32>,
        %get3A_1350 = vector.shape_cast %get3A_1349 : vector<1x1x1x16xf32> to vector<16xf32>
        %min3A_1351 = arith.minimumf %min3A_1342, %get3A_1350 : vector<16xf32>
        %get3A_1352 = arith.constant 1 : i32
        %get3A_1353 = arith.constant 6 : i32
        %get3A_1354 = arith.index_cast %get3A_1352 : i32 to index
        %get3A_1355 = arith.index_cast %scan3A_125 : i32 to index
        %get3A_1356 = arith.index_cast %get3A_1353 : i32 to index
        %get3A_1357 = arith.constant 64 : index
        %get3A_1358 = tpu.vector_load %arg4[%get3A_1354, %get3A_1355, %get3A_1356, %get3A_1357] {strides = array<i32>} : memref<2x8x32x128xf32, #tpu.memory_space<vmem>>, vector<1x1x1x16xf32>,
        %get3A_1359 = vector.shape_cast %get3A_1358 : vector<1x1x1x16xf32> to vector<16xf32>
        %min3A_1360 = arith.minimumf %min3A_1351, %get3A_1359 : vector<16xf32>
        %get3A_1361 = arith.constant 1 : i32
        %get3A_1362 = arith.constant 7 : i32
        %get3A_1363 = arith.index_cast %get3A_1361 : i32 to index
        %get3A_1364 = arith.index_cast %scan3A_125 : i32 to index
        %get3A_1365 = arith.index_cast %get3A_1362 : i32 to index
        %get3A_1366 = arith.constant 64 : index
        %get3A_1367 = tpu.vector_load %arg4[%get3A_1363, %get3A_1364, %get3A_1365, %get3A_1366] {strides = array<i32>} : memref<2x8x32x128xf32, #tpu.memory_space<vmem>>, vector<1x1x1x16xf32>,
        %get3A_1368 = vector.shape_cast %get3A_1367 : vector<1x1x1x16xf32> to vector<16xf32>
        %min3A_1369 = arith.minimumf %min3A_1360, %get3A_1368 : vector<16xf32>
        %get3A_1370 = arith.constant 1 : i32
        %get3A_1371 = arith.constant 8 : i32
        %get3A_1372 = arith.index_cast %get3A_1370 : i32 to index
        %get3A_1373 = arith.index_cast %scan3A_125 : i32 to index
        %get3A_1374 = arith.index_cast %get3A_1371 : i32 to index
        %get3A_1375 = arith.constant 64 : index
        %get3A_1376 = tpu.vector_load %arg4[%get3A_1372, %get3A_1373, %get3A_1374, %get3A_1375] {strides = array<i32>} : memref<2x8x32x128xf32, #tpu.memory_space<vmem>>, vector<1x1x1x16xf32>,
        %get3A_1377 = vector.shape_cast %get3A_1376 : vector<1x1x1x16xf32> to vector<16xf32>
        %min3A_1378 = arith.minimumf %min3A_1369, %get3A_1377 : vector<16xf32>
        %get3A_1379 = arith.constant 1 : i32
        %get3A_1380 = arith.constant 9 : i32
        %get3A_1381 = arith.index_cast %get3A_1379 : i32 to index
        %get3A_1382 = arith.index_cast %scan3A_125 : i32 to index
        %get3A_1383 = arith.index_cast %get3A_1380 : i32 to index
        %get3A_1384 = arith.constant 64 : index
        %get3A_1385 = tpu.vector_load %arg4[%get3A_1381, %get3A_1382, %get3A_1383, %get3A_1384] {strides = array<i32>} : memref<2x8x32x128xf32, #tpu.memory_space<vmem>>, vector<1x1x1x16xf32>,
        %get3A_1386 = vector.shape_cast %get3A_1385 : vector<1x1x1x16xf32> to vector<16xf32>
        %min3A_1387 = arith.minimumf %min3A_1378, %get3A_1386 : vector<16xf32>
        %get3A_1388 = arith.constant 1 : i32
        %get3A_1389 = arith.constant 10 : i32
        %get3A_1390 = arith.index_cast %get3A_1388 : i32 to index
        %get3A_1391 = arith.index_cast %scan3A_125 : i32 to index
        %get3A_1392 = arith.index_cast %get3A_1389 : i32 to index
        %get3A_1393 = arith.constant 64 : index
        %get3A_1394 = tpu.vector_load %arg4[%get3A_1390, %get3A_1391, %get3A_1392, %get3A_1393] {strides = array<i32>} : memref<2x8x32x128xf32, #tpu.memory_space<vmem>>, vector<1x1x1x16xf32>,
        %get3A_1395 = vector.shape_cast %get3A_1394 : vector<1x1x1x16xf32> to vector<16xf32>
        %min3A_1396 = arith.minimumf %min3A_1387, %get3A_1395 : vector<16xf32>
        %get3A_1397 = arith.constant 1 : i32
        %get3A_1398 = arith.constant 11 : i32
        %get3A_1399 = arith.index_cast %get3A_1397 : i32 to index
        %get3A_1400 = arith.index_cast %scan3A_125 : i32 to index
        %get3A_1401 = arith.index_cast %get3A_1398 : i32 to index
        %get3A_1402 = arith.constant 64 : index
        %get3A_1403 = tpu.vector_load %arg4[%get3A_1399, %get3A_1400, %get3A_1401, %get3A_1402] {strides = array<i32>} : memref<2x8x32x128xf32, #tpu.memory_space<vmem>>, vector<1x1x1x16xf32>,
        %get3A_1404 = vector.shape_cast %get3A_1403 : vector<1x1x1x16xf32> to vector<16xf32>
        %min3A_1405 = arith.minimumf %min3A_1396, %get3A_1404 : vector<16xf32>
        %get3A_1406 = arith.constant 1 : i32
        %get3A_1407 = arith.constant 12 : i32
        %get3A_1408 = arith.index_cast %get3A_1406 : i32 to index
        %get3A_1409 = arith.index_cast %scan3A_125 : i32 to index
        %get3A_1410 = arith.index_cast %get3A_1407 : i32 to index
        %get3A_1411 = arith.constant 64 : index
        %get3A_1412 = tpu.vector_load %arg4[%get3A_1408, %get3A_1409, %get3A_1410, %get3A_1411] {strides = array<i32>} : memref<2x8x32x128xf32, #tpu.memory_space<vmem>>, vector<1x1x1x16xf32>,
        %get3A_1413 = vector.shape_cast %get3A_1412 : vector<1x1x1x16xf32> to vector<16xf32>
        %min3A_1414 = arith.minimumf %min3A_1405, %get3A_1413 : vector<16xf32>
        %get3A_1415 = arith.constant 1 : i32
        %get3A_1416 = arith.constant 13 : i32
        %get3A_1417 = arith.index_cast %get3A_1415 : i32 to index
        %get3A_1418 = arith.index_cast %scan3A_125 : i32 to index
        %get3A_1419 = arith.index_cast %get3A_1416 : i32 to index
        %get3A_1420 = arith.constant 64 : index
        %get3A_1421 = tpu.vector_load %arg4[%get3A_1417, %get3A_1418, %get3A_1419, %get3A_1420] {strides = array<i32>} : memref<2x8x32x128xf32, #tpu.memory_space<vmem>>, vector<1x1x1x16xf32>,
        %get3A_1422 = vector.shape_cast %get3A_1421 : vector<1x1x1x16xf32> to vector<16xf32>
        %min3A_1423 = arith.minimumf %min3A_1414, %get3A_1422 : vector<16xf32>
        %get3A_1424 = arith.constant 1 : i32
        %get3A_1425 = arith.constant 14 : i32
        %get3A_1426 = arith.index_cast %get3A_1424 : i32 to index
        %get3A_1427 = arith.index_cast %scan3A_125 : i32 to index
        %get3A_1428 = arith.index_cast %get3A_1425 : i32 to index
        %get3A_1429 = arith.constant 64 : index
        %get3A_1430 = tpu.vector_load %arg4[%get3A_1426, %get3A_1427, %get3A_1428, %get3A_1429] {strides = array<i32>} : memref<2x8x32x128xf32, #tpu.memory_space<vmem>>, vector<1x1x1x16xf32>,
        %get3A_1431 = vector.shape_cast %get3A_1430 : vector<1x1x1x16xf32> to vector<16xf32>
        %min3A_1432 = arith.minimumf %min3A_1423, %get3A_1431 : vector<16xf32>
        %get3A_1433 = arith.constant 1 : i32
        %get3A_1434 = arith.constant 15 : i32
        %get3A_1435 = arith.index_cast %get3A_1433 : i32 to index
        %get3A_1436 = arith.index_cast %scan3A_125 : i32 to index
        %get3A_1437 = arith.index_cast %get3A_1434 : i32 to index
        %get3A_1438 = arith.constant 64 : index
        %get3A_1439 = tpu.vector_load %arg4[%get3A_1435, %get3A_1436, %get3A_1437, %get3A_1438] {strides = array<i32>} : memref<2x8x32x128xf32, #tpu.memory_space<vmem>>, vector<1x1x1x16xf32>,
        %get3A_1440 = vector.shape_cast %get3A_1439 : vector<1x1x1x16xf32> to vector<16xf32>
        %min3A_1441 = arith.minimumf %min3A_1432, %get3A_1440 : vector<16xf32>
        %get3A_1442 = arith.constant 1 : i32
        %get3A_1443 = arith.constant 16 : i32
        %get3A_1444 = arith.index_cast %get3A_1442 : i32 to index
        %get3A_1445 = arith.index_cast %scan3A_125 : i32 to index
        %get3A_1446 = arith.index_cast %get3A_1443 : i32 to index
        %get3A_1447 = arith.constant 64 : index
        %get3A_1448 = tpu.vector_load %arg4[%get3A_1444, %get3A_1445, %get3A_1446, %get3A_1447] {strides = array<i32>} : memref<2x8x32x128xf32, #tpu.memory_space<vmem>>, vector<1x1x1x16xf32>,
        %get3A_1449 = vector.shape_cast %get3A_1448 : vector<1x1x1x16xf32> to vector<16xf32>
        %min3A_1450 = arith.minimumf %min3A_1441, %get3A_1449 : vector<16xf32>
        %get3A_1451 = arith.constant 1 : i32
        %get3A_1452 = arith.constant 17 : i32
        %get3A_1453 = arith.index_cast %get3A_1451 : i32 to index
        %get3A_1454 = arith.index_cast %scan3A_125 : i32 to index
        %get3A_1455 = arith.index_cast %get3A_1452 : i32 to index
        %get3A_1456 = arith.constant 64 : index
        %get3A_1457 = tpu.vector_load %arg4[%get3A_1453, %get3A_1454, %get3A_1455, %get3A_1456] {strides = array<i32>} : memref<2x8x32x128xf32, #tpu.memory_space<vmem>>, vector<1x1x1x16xf32>,
        %get3A_1458 = vector.shape_cast %get3A_1457 : vector<1x1x1x16xf32> to vector<16xf32>
        %min3A_1459 = arith.minimumf %min3A_1450, %get3A_1458 : vector<16xf32>
        %get3A_1460 = arith.constant 1 : i32
        %get3A_1461 = arith.constant 18 : i32
        %get3A_1462 = arith.index_cast %get3A_1460 : i32 to index
        %get3A_1463 = arith.index_cast %scan3A_125 : i32 to index
        %get3A_1464 = arith.index_cast %get3A_1461 : i32 to index
        %get3A_1465 = arith.constant 64 : index
        %get3A_1466 = tpu.vector_load %arg4[%get3A_1462, %get3A_1463, %get3A_1464, %get3A_1465] {strides = array<i32>} : memref<2x8x32x128xf32, #tpu.memory_space<vmem>>, vector<1x1x1x16xf32>,
        %get3A_1467 = vector.shape_cast %get3A_1466 : vector<1x1x1x16xf32> to vector<16xf32>
        %min3A_1468 = arith.minimumf %min3A_1459, %get3A_1467 : vector<16xf32>
        %get3A_1469 = arith.constant 1 : i32
        %get3A_1470 = arith.constant 19 : i32
        %get3A_1471 = arith.index_cast %get3A_1469 : i32 to index
        %get3A_1472 = arith.index_cast %scan3A_125 : i32 to index
        %get3A_1473 = arith.index_cast %get3A_1470 : i32 to index
        %get3A_1474 = arith.constant 64 : index
        %get3A_1475 = tpu.vector_load %arg4[%get3A_1471, %get3A_1472, %get3A_1473, %get3A_1474] {strides = array<i32>} : memref<2x8x32x128xf32, #tpu.memory_space<vmem>>, vector<1x1x1x16xf32>,
        %get3A_1476 = vector.shape_cast %get3A_1475 : vector<1x1x1x16xf32> to vector<16xf32>
        %min3A_1477 = arith.minimumf %min3A_1468, %get3A_1476 : vector<16xf32>
        %get3A_1478 = arith.constant 1 : i32
        %get3A_1479 = arith.constant 20 : i32
        %get3A_1480 = arith.index_cast %get3A_1478 : i32 to index
        %get3A_1481 = arith.index_cast %scan3A_125 : i32 to index
        %get3A_1482 = arith.index_cast %get3A_1479 : i32 to index
        %get3A_1483 = arith.constant 64 : index
        %get3A_1484 = tpu.vector_load %arg4[%get3A_1480, %get3A_1481, %get3A_1482, %get3A_1483] {strides = array<i32>} : memref<2x8x32x128xf32, #tpu.memory_space<vmem>>, vector<1x1x1x16xf32>,
        %get3A_1485 = vector.shape_cast %get3A_1484 : vector<1x1x1x16xf32> to vector<16xf32>
        %min3A_1486 = arith.minimumf %min3A_1477, %get3A_1485 : vector<16xf32>
        %get3A_1487 = arith.constant 1 : i32
        %get3A_1488 = arith.constant 21 : i32
        %get3A_1489 = arith.index_cast %get3A_1487 : i32 to index
        %get3A_1490 = arith.index_cast %scan3A_125 : i32 to index
        %get3A_1491 = arith.index_cast %get3A_1488 : i32 to index
        %get3A_1492 = arith.constant 64 : index
        %get3A_1493 = tpu.vector_load %arg4[%get3A_1489, %get3A_1490, %get3A_1491, %get3A_1492] {strides = array<i32>} : memref<2x8x32x128xf32, #tpu.memory_space<vmem>>, vector<1x1x1x16xf32>,
        %get3A_1494 = vector.shape_cast %get3A_1493 : vector<1x1x1x16xf32> to vector<16xf32>
        %min3A_1495 = arith.minimumf %min3A_1486, %get3A_1494 : vector<16xf32>
        %get3A_1496 = arith.constant 1 : i32
        %get3A_1497 = arith.constant 22 : i32
        %get3A_1498 = arith.index_cast %get3A_1496 : i32 to index
        %get3A_1499 = arith.index_cast %scan3A_125 : i32 to index
        %get3A_1500 = arith.index_cast %get3A_1497 : i32 to index
        %get3A_1501 = arith.constant 64 : index
        %get3A_1502 = tpu.vector_load %arg4[%get3A_1498, %get3A_1499, %get3A_1500, %get3A_1501] {strides = array<i32>} : memref<2x8x32x128xf32, #tpu.memory_space<vmem>>, vector<1x1x1x16xf32>,
        %get3A_1503 = vector.shape_cast %get3A_1502 : vector<1x1x1x16xf32> to vector<16xf32>
        %min3A_1504 = arith.minimumf %min3A_1495, %get3A_1503 : vector<16xf32>
        %get3A_1505 = arith.constant 1 : i32
        %get3A_1506 = arith.constant 23 : i32
        %get3A_1507 = arith.index_cast %get3A_1505 : i32 to index
        %get3A_1508 = arith.index_cast %scan3A_125 : i32 to index
        %get3A_1509 = arith.index_cast %get3A_1506 : i32 to index
        %get3A_1510 = arith.constant 64 : index
        %get3A_1511 = tpu.vector_load %arg4[%get3A_1507, %get3A_1508, %get3A_1509, %get3A_1510] {strides = array<i32>} : memref<2x8x32x128xf32, #tpu.memory_space<vmem>>, vector<1x1x1x16xf32>,
        %get3A_1512 = vector.shape_cast %get3A_1511 : vector<1x1x1x16xf32> to vector<16xf32>
        %min3A_1513 = arith.minimumf %min3A_1504, %get3A_1512 : vector<16xf32>
        %get3A_1514 = arith.constant 1 : i32
        %get3A_1515 = arith.constant 24 : i32
        %get3A_1516 = arith.index_cast %get3A_1514 : i32 to index
        %get3A_1517 = arith.index_cast %scan3A_125 : i32 to index
        %get3A_1518 = arith.index_cast %get3A_1515 : i32 to index
        %get3A_1519 = arith.constant 64 : index
        %get3A_1520 = tpu.vector_load %arg4[%get3A_1516, %get3A_1517, %get3A_1518, %get3A_1519] {strides = array<i32>} : memref<2x8x32x128xf32, #tpu.memory_space<vmem>>, vector<1x1x1x16xf32>,
        %get3A_1521 = vector.shape_cast %get3A_1520 : vector<1x1x1x16xf32> to vector<16xf32>
        %min3A_1522 = arith.minimumf %min3A_1513, %get3A_1521 : vector<16xf32>
        %get3A_1523 = arith.constant 1 : i32
        %get3A_1524 = arith.constant 25 : i32
        %get3A_1525 = arith.index_cast %get3A_1523 : i32 to index
        %get3A_1526 = arith.index_cast %scan3A_125 : i32 to index
        %get3A_1527 = arith.index_cast %get3A_1524 : i32 to index
        %get3A_1528 = arith.constant 64 : index
        %get3A_1529 = tpu.vector_load %arg4[%get3A_1525, %get3A_1526, %get3A_1527, %get3A_1528] {strides = array<i32>} : memref<2x8x32x128xf32, #tpu.memory_space<vmem>>, vector<1x1x1x16xf32>,
        %get3A_1530 = vector.shape_cast %get3A_1529 : vector<1x1x1x16xf32> to vector<16xf32>
        %min3A_1531 = arith.minimumf %min3A_1522, %get3A_1530 : vector<16xf32>
        %get3A_1532 = arith.constant 1 : i32
        %get3A_1533 = arith.constant 26 : i32
        %get3A_1534 = arith.index_cast %get3A_1532 : i32 to index
        %get3A_1535 = arith.index_cast %scan3A_125 : i32 to index
        %get3A_1536 = arith.index_cast %get3A_1533 : i32 to index
        %get3A_1537 = arith.constant 64 : index
        %get3A_1538 = tpu.vector_load %arg4[%get3A_1534, %get3A_1535, %get3A_1536, %get3A_1537] {strides = array<i32>} : memref<2x8x32x128xf32, #tpu.memory_space<vmem>>, vector<1x1x1x16xf32>,
        %get3A_1539 = vector.shape_cast %get3A_1538 : vector<1x1x1x16xf32> to vector<16xf32>
        %min3A_1540 = arith.minimumf %min3A_1531, %get3A_1539 : vector<16xf32>
        %get3A_1541 = arith.constant 1 : i32
        %get3A_1542 = arith.constant 27 : i32
        %get3A_1543 = arith.index_cast %get3A_1541 : i32 to index
        %get3A_1544 = arith.index_cast %scan3A_125 : i32 to index
        %get3A_1545 = arith.index_cast %get3A_1542 : i32 to index
        %get3A_1546 = arith.constant 64 : index
        %get3A_1547 = tpu.vector_load %arg4[%get3A_1543, %get3A_1544, %get3A_1545, %get3A_1546] {strides = array<i32>} : memref<2x8x32x128xf32, #tpu.memory_space<vmem>>, vector<1x1x1x16xf32>,
        %get3A_1548 = vector.shape_cast %get3A_1547 : vector<1x1x1x16xf32> to vector<16xf32>
        %min3A_1549 = arith.minimumf %min3A_1540, %get3A_1548 : vector<16xf32>
        %get3A_1550 = arith.constant 1 : i32
        %get3A_1551 = arith.constant 28 : i32
        %get3A_1552 = arith.index_cast %get3A_1550 : i32 to index
        %get3A_1553 = arith.index_cast %scan3A_125 : i32 to index
        %get3A_1554 = arith.index_cast %get3A_1551 : i32 to index
        %get3A_1555 = arith.constant 64 : index
        %get3A_1556 = tpu.vector_load %arg4[%get3A_1552, %get3A_1553, %get3A_1554, %get3A_1555] {strides = array<i32>} : memref<2x8x32x128xf32, #tpu.memory_space<vmem>>, vector<1x1x1x16xf32>,
        %get3A_1557 = vector.shape_cast %get3A_1556 : vector<1x1x1x16xf32> to vector<16xf32>
        %min3A_1558 = arith.minimumf %min3A_1549, %get3A_1557 : vector<16xf32>
        %get3A_1559 = arith.constant 1 : i32
        %get3A_1560 = arith.constant 29 : i32
        %get3A_1561 = arith.index_cast %get3A_1559 : i32 to index
        %get3A_1562 = arith.index_cast %scan3A_125 : i32 to index
        %get3A_1563 = arith.index_cast %get3A_1560 : i32 to index
        %get3A_1564 = arith.constant 64 : index
        %get3A_1565 = tpu.vector_load %arg4[%get3A_1561, %get3A_1562, %get3A_1563, %get3A_1564] {strides = array<i32>} : memref<2x8x32x128xf32, #tpu.memory_space<vmem>>, vector<1x1x1x16xf32>,
        %get3A_1566 = vector.shape_cast %get3A_1565 : vector<1x1x1x16xf32> to vector<16xf32>
        %min3A_1567 = arith.minimumf %min3A_1558, %get3A_1566 : vector<16xf32>
        %get3A_1568 = arith.constant 1 : i32
        %get3A_1569 = arith.constant 30 : i32
        %get3A_1570 = arith.index_cast %get3A_1568 : i32 to index
        %get3A_1571 = arith.index_cast %scan3A_125 : i32 to index
        %get3A_1572 = arith.index_cast %get3A_1569 : i32 to index
        %get3A_1573 = arith.constant 64 : index
        %get3A_1574 = tpu.vector_load %arg4[%get3A_1570, %get3A_1571, %get3A_1572, %get3A_1573] {strides = array<i32>} : memref<2x8x32x128xf32, #tpu.memory_space<vmem>>, vector<1x1x1x16xf32>,
        %get3A_1575 = vector.shape_cast %get3A_1574 : vector<1x1x1x16xf32> to vector<16xf32>
        %min3A_1576 = arith.minimumf %min3A_1567, %get3A_1575 : vector<16xf32>
        %get3A_1577 = arith.constant 1 : i32
        %get3A_1578 = arith.constant 31 : i32
        %get3A_1579 = arith.index_cast %get3A_1577 : i32 to index
        %get3A_1580 = arith.index_cast %scan3A_125 : i32 to index
        %get3A_1581 = arith.index_cast %get3A_1578 : i32 to index
        %get3A_1582 = arith.constant 64 : index
        %get3A_1583 = tpu.vector_load %arg4[%get3A_1579, %get3A_1580, %get3A_1581, %get3A_1582] {strides = array<i32>} : memref<2x8x32x128xf32, #tpu.memory_space<vmem>>, vector<1x1x1x16xf32>,
        %get3A_1584 = vector.shape_cast %get3A_1583 : vector<1x1x1x16xf32> to vector<16xf32>
        %min3A_1585 = arith.minimumf %min3A_1576, %get3A_1584 : vector<16xf32>
        %swap3A_1586 = arith.constant 1 : i32
        %swap3A_1587 = arith.index_cast %swap3A_1586 : i32 to index
        %swap3A_1588 = arith.index_cast %scan3A_125 : i32 to index
        %swap3A_1589 = arith.constant 64 : index
        %swap3A_1590 = tpu.vector_load %arg5[%swap3A_1587, %swap3A_1588, %swap3A_1589] {strides = array<i32>} : memref<2x8x128xf32, #tpu.memory_space<vmem>>, vector<1x1x16xf32>,
        %swap3A_1591 = vector.shape_cast %swap3A_1590 : vector<1x1x16xf32> to vector<16xf32>
        %swap3A_1592 = vector.shape_cast %min3A_1585 : vector<16xf32> to vector<1x1x16xf32>
        tpu.vector_store %arg5[%swap3A_1587, %swap3A_1588, %swap3A_1589], %swap3A_1592 {strides = array<i32>} : memref<2x8x128xf32, #tpu.memory_space<vmem>>, vector<1x1x16xf32>,
        %get3A_1593 = arith.constant 1 : i32
        %get3A_1594 = arith.constant 0 : i32
        %get3A_1595 = arith.index_cast %get3A_1593 : i32 to index
        %get3A_1596 = arith.index_cast %scan3A_125 : i32 to index
        %get3A_1597 = arith.index_cast %get3A_1594 : i32 to index
        %get3A_1598 = arith.constant 80 : index
        %get3A_1599 = tpu.vector_load %arg4[%get3A_1595, %get3A_1596, %get3A_1597, %get3A_1598] {strides = array<i32>} : memref<2x8x32x128xf32, #tpu.memory_space<vmem>>, vector<1x1x1x16xf32>,
        %get3A_1600 = vector.shape_cast %get3A_1599 : vector<1x1x1x16xf32> to vector<16xf32>
        %get3A_1601 = arith.constant 1 : i32
        %get3A_1602 = arith.constant 1 : i32
        %get3A_1603 = arith.index_cast %get3A_1601 : i32 to index
        %get3A_1604 = arith.index_cast %scan3A_125 : i32 to index
        %get3A_1605 = arith.index_cast %get3A_1602 : i32 to index
        %get3A_1606 = arith.constant 80 : index
        %get3A_1607 = tpu.vector_load %arg4[%get3A_1603, %get3A_1604, %get3A_1605, %get3A_1606] {strides = array<i32>} : memref<2x8x32x128xf32, #tpu.memory_space<vmem>>, vector<1x1x1x16xf32>,
        %get3A_1608 = vector.shape_cast %get3A_1607 : vector<1x1x1x16xf32> to vector<16xf32>
        %min3A_1609 = arith.minimumf %get3A_1600, %get3A_1608 : vector<16xf32>
        %get3A_1610 = arith.constant 1 : i32
        %get3A_1611 = arith.constant 2 : i32
        %get3A_1612 = arith.index_cast %get3A_1610 : i32 to index
        %get3A_1613 = arith.index_cast %scan3A_125 : i32 to index
        %get3A_1614 = arith.index_cast %get3A_1611 : i32 to index
        %get3A_1615 = arith.constant 80 : index
        %get3A_1616 = tpu.vector_load %arg4[%get3A_1612, %get3A_1613, %get3A_1614, %get3A_1615] {strides = array<i32>} : memref<2x8x32x128xf32, #tpu.memory_space<vmem>>, vector<1x1x1x16xf32>,
        %get3A_1617 = vector.shape_cast %get3A_1616 : vector<1x1x1x16xf32> to vector<16xf32>
        %min3A_1618 = arith.minimumf %min3A_1609, %get3A_1617 : vector<16xf32>
        %get3A_1619 = arith.constant 1 : i32
        %get3A_1620 = arith.constant 3 : i32
        %get3A_1621 = arith.index_cast %get3A_1619 : i32 to index
        %get3A_1622 = arith.index_cast %scan3A_125 : i32 to index
        %get3A_1623 = arith.index_cast %get3A_1620 : i32 to index
        %get3A_1624 = arith.constant 80 : index
        %get3A_1625 = tpu.vector_load %arg4[%get3A_1621, %get3A_1622, %get3A_1623, %get3A_1624] {strides = array<i32>} : memref<2x8x32x128xf32, #tpu.memory_space<vmem>>, vector<1x1x1x16xf32>,
        %get3A_1626 = vector.shape_cast %get3A_1625 : vector<1x1x1x16xf32> to vector<16xf32>
        %min3A_1627 = arith.minimumf %min3A_1618, %get3A_1626 : vector<16xf32>
        %get3A_1628 = arith.constant 1 : i32
        %get3A_1629 = arith.constant 4 : i32
        %get3A_1630 = arith.index_cast %get3A_1628 : i32 to index
        %get3A_1631 = arith.index_cast %scan3A_125 : i32 to index
        %get3A_1632 = arith.index_cast %get3A_1629 : i32 to index
        %get3A_1633 = arith.constant 80 : index
        %get3A_1634 = tpu.vector_load %arg4[%get3A_1630, %get3A_1631, %get3A_1632, %get3A_1633] {strides = array<i32>} : memref<2x8x32x128xf32, #tpu.memory_space<vmem>>, vector<1x1x1x16xf32>,
        %get3A_1635 = vector.shape_cast %get3A_1634 : vector<1x1x1x16xf32> to vector<16xf32>
        %min3A_1636 = arith.minimumf %min3A_1627, %get3A_1635 : vector<16xf32>
        %get3A_1637 = arith.constant 1 : i32
        %get3A_1638 = arith.constant 5 : i32
        %get3A_1639 = arith.index_cast %get3A_1637 : i32 to index
        %get3A_1640 = arith.index_cast %scan3A_125 : i32 to index
        %get3A_1641 = arith.index_cast %get3A_1638 : i32 to index
        %get3A_1642 = arith.constant 80 : index
        %get3A_1643 = tpu.vector_load %arg4[%get3A_1639, %get3A_1640, %get3A_1641, %get3A_1642] {strides = array<i32>} : memref<2x8x32x128xf32, #tpu.memory_space<vmem>>, vector<1x1x1x16xf32>,
        %get3A_1644 = vector.shape_cast %get3A_1643 : vector<1x1x1x16xf32> to vector<16xf32>
        %min3A_1645 = arith.minimumf %min3A_1636, %get3A_1644 : vector<16xf32>
        %get3A_1646 = arith.constant 1 : i32
        %get3A_1647 = arith.constant 6 : i32
        %get3A_1648 = arith.index_cast %get3A_1646 : i32 to index
        %get3A_1649 = arith.index_cast %scan3A_125 : i32 to index
        %get3A_1650 = arith.index_cast %get3A_1647 : i32 to index
        %get3A_1651 = arith.constant 80 : index
        %get3A_1652 = tpu.vector_load %arg4[%get3A_1648, %get3A_1649, %get3A_1650, %get3A_1651] {strides = array<i32>} : memref<2x8x32x128xf32, #tpu.memory_space<vmem>>, vector<1x1x1x16xf32>,
        %get3A_1653 = vector.shape_cast %get3A_1652 : vector<1x1x1x16xf32> to vector<16xf32>
        %min3A_1654 = arith.minimumf %min3A_1645, %get3A_1653 : vector<16xf32>
        %get3A_1655 = arith.constant 1 : i32
        %get3A_1656 = arith.constant 7 : i32
        %get3A_1657 = arith.index_cast %get3A_1655 : i32 to index
        %get3A_1658 = arith.index_cast %scan3A_125 : i32 to index
        %get3A_1659 = arith.index_cast %get3A_1656 : i32 to index
        %get3A_1660 = arith.constant 80 : index
        %get3A_1661 = tpu.vector_load %arg4[%get3A_1657, %get3A_1658, %get3A_1659, %get3A_1660] {strides = array<i32>} : memref<2x8x32x128xf32, #tpu.memory_space<vmem>>, vector<1x1x1x16xf32>,
        %get3A_1662 = vector.shape_cast %get3A_1661 : vector<1x1x1x16xf32> to vector<16xf32>
        %min3A_1663 = arith.minimumf %min3A_1654, %get3A_1662 : vector<16xf32>
        %get3A_1664 = arith.constant 1 : i32
        %get3A_1665 = arith.constant 8 : i32
        %get3A_1666 = arith.index_cast %get3A_1664 : i32 to index
        %get3A_1667 = arith.index_cast %scan3A_125 : i32 to index
        %get3A_1668 = arith.index_cast %get3A_1665 : i32 to index
        %get3A_1669 = arith.constant 80 : index
        %get3A_1670 = tpu.vector_load %arg4[%get3A_1666, %get3A_1667, %get3A_1668, %get3A_1669] {strides = array<i32>} : memref<2x8x32x128xf32, #tpu.memory_space<vmem>>, vector<1x1x1x16xf32>,
        %get3A_1671 = vector.shape_cast %get3A_1670 : vector<1x1x1x16xf32> to vector<16xf32>
        %min3A_1672 = arith.minimumf %min3A_1663, %get3A_1671 : vector<16xf32>
        %get3A_1673 = arith.constant 1 : i32
        %get3A_1674 = arith.constant 9 : i32
        %get3A_1675 = arith.index_cast %get3A_1673 : i32 to index
        %get3A_1676 = arith.index_cast %scan3A_125 : i32 to index
        %get3A_1677 = arith.index_cast %get3A_1674 : i32 to index
        %get3A_1678 = arith.constant 80 : index
        %get3A_1679 = tpu.vector_load %arg4[%get3A_1675, %get3A_1676, %get3A_1677, %get3A_1678] {strides = array<i32>} : memref<2x8x32x128xf32, #tpu.memory_space<vmem>>, vector<1x1x1x16xf32>,
        %get3A_1680 = vector.shape_cast %get3A_1679 : vector<1x1x1x16xf32> to vector<16xf32>
        %min3A_1681 = arith.minimumf %min3A_1672, %get3A_1680 : vector<16xf32>
        %get3A_1682 = arith.constant 1 : i32
        %get3A_1683 = arith.constant 10 : i32
        %get3A_1684 = arith.index_cast %get3A_1682 : i32 to index
        %get3A_1685 = arith.index_cast %scan3A_125 : i32 to index
        %get3A_1686 = arith.index_cast %get3A_1683 : i32 to index
        %get3A_1687 = arith.constant 80 : index
        %get3A_1688 = tpu.vector_load %arg4[%get3A_1684, %get3A_1685, %get3A_1686, %get3A_1687] {strides = array<i32>} : memref<2x8x32x128xf32, #tpu.memory_space<vmem>>, vector<1x1x1x16xf32>,
        %get3A_1689 = vector.shape_cast %get3A_1688 : vector<1x1x1x16xf32> to vector<16xf32>
        %min3A_1690 = arith.minimumf %min3A_1681, %get3A_1689 : vector<16xf32>
        %get3A_1691 = arith.constant 1 : i32
        %get3A_1692 = arith.constant 11 : i32
        %get3A_1693 = arith.index_cast %get3A_1691 : i32 to index
        %get3A_1694 = arith.index_cast %scan3A_125 : i32 to index
        %get3A_1695 = arith.index_cast %get3A_1692 : i32 to index
        %get3A_1696 = arith.constant 80 : index
        %get3A_1697 = tpu.vector_load %arg4[%get3A_1693, %get3A_1694, %get3A_1695, %get3A_1696] {strides = array<i32>} : memref<2x8x32x128xf32, #tpu.memory_space<vmem>>, vector<1x1x1x16xf32>,
        %get3A_1698 = vector.shape_cast %get3A_1697 : vector<1x1x1x16xf32> to vector<16xf32>
        %min3A_1699 = arith.minimumf %min3A_1690, %get3A_1698 : vector<16xf32>
        %get3A_1700 = arith.constant 1 : i32
        %get3A_1701 = arith.constant 12 : i32
        %get3A_1702 = arith.index_cast %get3A_1700 : i32 to index
        %get3A_1703 = arith.index_cast %scan3A_125 : i32 to index
        %get3A_1704 = arith.index_cast %get3A_1701 : i32 to index
        %get3A_1705 = arith.constant 80 : index
        %get3A_1706 = tpu.vector_load %arg4[%get3A_1702, %get3A_1703, %get3A_1704, %get3A_1705] {strides = array<i32>} : memref<2x8x32x128xf32, #tpu.memory_space<vmem>>, vector<1x1x1x16xf32>,
        %get3A_1707 = vector.shape_cast %get3A_1706 : vector<1x1x1x16xf32> to vector<16xf32>
        %min3A_1708 = arith.minimumf %min3A_1699, %get3A_1707 : vector<16xf32>
        %get3A_1709 = arith.constant 1 : i32
        %get3A_1710 = arith.constant 13 : i32
        %get3A_1711 = arith.index_cast %get3A_1709 : i32 to index
        %get3A_1712 = arith.index_cast %scan3A_125 : i32 to index
        %get3A_1713 = arith.index_cast %get3A_1710 : i32 to index
        %get3A_1714 = arith.constant 80 : index
        %get3A_1715 = tpu.vector_load %arg4[%get3A_1711, %get3A_1712, %get3A_1713, %get3A_1714] {strides = array<i32>} : memref<2x8x32x128xf32, #tpu.memory_space<vmem>>, vector<1x1x1x16xf32>,
        %get3A_1716 = vector.shape_cast %get3A_1715 : vector<1x1x1x16xf32> to vector<16xf32>
        %min3A_1717 = arith.minimumf %min3A_1708, %get3A_1716 : vector<16xf32>
        %get3A_1718 = arith.constant 1 : i32
        %get3A_1719 = arith.constant 14 : i32
        %get3A_1720 = arith.index_cast %get3A_1718 : i32 to index
        %get3A_1721 = arith.index_cast %scan3A_125 : i32 to index
        %get3A_1722 = arith.index_cast %get3A_1719 : i32 to index
        %get3A_1723 = arith.constant 80 : index
        %get3A_1724 = tpu.vector_load %arg4[%get3A_1720, %get3A_1721, %get3A_1722, %get3A_1723] {strides = array<i32>} : memref<2x8x32x128xf32, #tpu.memory_space<vmem>>, vector<1x1x1x16xf32>,
        %get3A_1725 = vector.shape_cast %get3A_1724 : vector<1x1x1x16xf32> to vector<16xf32>
        %min3A_1726 = arith.minimumf %min3A_1717, %get3A_1725 : vector<16xf32>
        %get3A_1727 = arith.constant 1 : i32
        %get3A_1728 = arith.constant 15 : i32
        %get3A_1729 = arith.index_cast %get3A_1727 : i32 to index
        %get3A_1730 = arith.index_cast %scan3A_125 : i32 to index
        %get3A_1731 = arith.index_cast %get3A_1728 : i32 to index
        %get3A_1732 = arith.constant 80 : index
        %get3A_1733 = tpu.vector_load %arg4[%get3A_1729, %get3A_1730, %get3A_1731, %get3A_1732] {strides = array<i32>} : memref<2x8x32x128xf32, #tpu.memory_space<vmem>>, vector<1x1x1x16xf32>,
        %get3A_1734 = vector.shape_cast %get3A_1733 : vector<1x1x1x16xf32> to vector<16xf32>
        %min3A_1735 = arith.minimumf %min3A_1726, %get3A_1734 : vector<16xf32>
        %get3A_1736 = arith.constant 1 : i32
        %get3A_1737 = arith.constant 16 : i32
        %get3A_1738 = arith.index_cast %get3A_1736 : i32 to index
        %get3A_1739 = arith.index_cast %scan3A_125 : i32 to index
        %get3A_1740 = arith.index_cast %get3A_1737 : i32 to index
        %get3A_1741 = arith.constant 80 : index
        %get3A_1742 = tpu.vector_load %arg4[%get3A_1738, %get3A_1739, %get3A_1740, %get3A_1741] {strides = array<i32>} : memref<2x8x32x128xf32, #tpu.memory_space<vmem>>, vector<1x1x1x16xf32>,
        %get3A_1743 = vector.shape_cast %get3A_1742 : vector<1x1x1x16xf32> to vector<16xf32>
        %min3A_1744 = arith.minimumf %min3A_1735, %get3A_1743 : vector<16xf32>
        %get3A_1745 = arith.constant 1 : i32
        %get3A_1746 = arith.constant 17 : i32
        %get3A_1747 = arith.index_cast %get3A_1745 : i32 to index
        %get3A_1748 = arith.index_cast %scan3A_125 : i32 to index
        %get3A_1749 = arith.index_cast %get3A_1746 : i32 to index
        %get3A_1750 = arith.constant 80 : index
        %get3A_1751 = tpu.vector_load %arg4[%get3A_1747, %get3A_1748, %get3A_1749, %get3A_1750] {strides = array<i32>} : memref<2x8x32x128xf32, #tpu.memory_space<vmem>>, vector<1x1x1x16xf32>,
        %get3A_1752 = vector.shape_cast %get3A_1751 : vector<1x1x1x16xf32> to vector<16xf32>
        %min3A_1753 = arith.minimumf %min3A_1744, %get3A_1752 : vector<16xf32>
        %get3A_1754 = arith.constant 1 : i32
        %get3A_1755 = arith.constant 18 : i32
        %get3A_1756 = arith.index_cast %get3A_1754 : i32 to index
        %get3A_1757 = arith.index_cast %scan3A_125 : i32 to index
        %get3A_1758 = arith.index_cast %get3A_1755 : i32 to index
        %get3A_1759 = arith.constant 80 : index
        %get3A_1760 = tpu.vector_load %arg4[%get3A_1756, %get3A_1757, %get3A_1758, %get3A_1759] {strides = array<i32>} : memref<2x8x32x128xf32, #tpu.memory_space<vmem>>, vector<1x1x1x16xf32>,
        %get3A_1761 = vector.shape_cast %get3A_1760 : vector<1x1x1x16xf32> to vector<16xf32>
        %min3A_1762 = arith.minimumf %min3A_1753, %get3A_1761 : vector<16xf32>
        %get3A_1763 = arith.constant 1 : i32
        %get3A_1764 = arith.constant 19 : i32
        %get3A_1765 = arith.index_cast %get3A_1763 : i32 to index
        %get3A_1766 = arith.index_cast %scan3A_125 : i32 to index
        %get3A_1767 = arith.index_cast %get3A_1764 : i32 to index
        %get3A_1768 = arith.constant 80 : index
        %get3A_1769 = tpu.vector_load %arg4[%get3A_1765, %get3A_1766, %get3A_1767, %get3A_1768] {strides = array<i32>} : memref<2x8x32x128xf32, #tpu.memory_space<vmem>>, vector<1x1x1x16xf32>,
        %get3A_1770 = vector.shape_cast %get3A_1769 : vector<1x1x1x16xf32> to vector<16xf32>
        %min3A_1771 = arith.minimumf %min3A_1762, %get3A_1770 : vector<16xf32>
        %get3A_1772 = arith.constant 1 : i32
        %get3A_1773 = arith.constant 20 : i32
        %get3A_1774 = arith.index_cast %get3A_1772 : i32 to index
        %get3A_1775 = arith.index_cast %scan3A_125 : i32 to index
        %get3A_1776 = arith.index_cast %get3A_1773 : i32 to index
        %get3A_1777 = arith.constant 80 : index
        %get3A_1778 = tpu.vector_load %arg4[%get3A_1774, %get3A_1775, %get3A_1776, %get3A_1777] {strides = array<i32>} : memref<2x8x32x128xf32, #tpu.memory_space<vmem>>, vector<1x1x1x16xf32>,
        %get3A_1779 = vector.shape_cast %get3A_1778 : vector<1x1x1x16xf32> to vector<16xf32>
        %min3A_1780 = arith.minimumf %min3A_1771, %get3A_1779 : vector<16xf32>
        %get3A_1781 = arith.constant 1 : i32
        %get3A_1782 = arith.constant 21 : i32
        %get3A_1783 = arith.index_cast %get3A_1781 : i32 to index
        %get3A_1784 = arith.index_cast %scan3A_125 : i32 to index
        %get3A_1785 = arith.index_cast %get3A_1782 : i32 to index
        %get3A_1786 = arith.constant 80 : index
        %get3A_1787 = tpu.vector_load %arg4[%get3A_1783, %get3A_1784, %get3A_1785, %get3A_1786] {strides = array<i32>} : memref<2x8x32x128xf32, #tpu.memory_space<vmem>>, vector<1x1x1x16xf32>,
        %get3A_1788 = vector.shape_cast %get3A_1787 : vector<1x1x1x16xf32> to vector<16xf32>
        %min3A_1789 = arith.minimumf %min3A_1780, %get3A_1788 : vector<16xf32>
        %get3A_1790 = arith.constant 1 : i32
        %get3A_1791 = arith.constant 22 : i32
        %get3A_1792 = arith.index_cast %get3A_1790 : i32 to index
        %get3A_1793 = arith.index_cast %scan3A_125 : i32 to index
        %get3A_1794 = arith.index_cast %get3A_1791 : i32 to index
        %get3A_1795 = arith.constant 80 : index
        %get3A_1796 = tpu.vector_load %arg4[%get3A_1792, %get3A_1793, %get3A_1794, %get3A_1795] {strides = array<i32>} : memref<2x8x32x128xf32, #tpu.memory_space<vmem>>, vector<1x1x1x16xf32>,
        %get3A_1797 = vector.shape_cast %get3A_1796 : vector<1x1x1x16xf32> to vector<16xf32>
        %min3A_1798 = arith.minimumf %min3A_1789, %get3A_1797 : vector<16xf32>
        %get3A_1799 = arith.constant 1 : i32
        %get3A_1800 = arith.constant 23 : i32
        %get3A_1801 = arith.index_cast %get3A_1799 : i32 to index
        %get3A_1802 = arith.index_cast %scan3A_125 : i32 to index
        %get3A_1803 = arith.index_cast %get3A_1800 : i32 to index
        %get3A_1804 = arith.constant 80 : index
        %get3A_1805 = tpu.vector_load %arg4[%get3A_1801, %get3A_1802, %get3A_1803, %get3A_1804] {strides = array<i32>} : memref<2x8x32x128xf32, #tpu.memory_space<vmem>>, vector<1x1x1x16xf32>,
        %get3A_1806 = vector.shape_cast %get3A_1805 : vector<1x1x1x16xf32> to vector<16xf32>
        %min3A_1807 = arith.minimumf %min3A_1798, %get3A_1806 : vector<16xf32>
        %get3A_1808 = arith.constant 1 : i32
        %get3A_1809 = arith.constant 24 : i32
        %get3A_1810 = arith.index_cast %get3A_1808 : i32 to index
        %get3A_1811 = arith.index_cast %scan3A_125 : i32 to index
        %get3A_1812 = arith.index_cast %get3A_1809 : i32 to index
        %get3A_1813 = arith.constant 80 : index
        %get3A_1814 = tpu.vector_load %arg4[%get3A_1810, %get3A_1811, %get3A_1812, %get3A_1813] {strides = array<i32>} : memref<2x8x32x128xf32, #tpu.memory_space<vmem>>, vector<1x1x1x16xf32>,
        %get3A_1815 = vector.shape_cast %get3A_1814 : vector<1x1x1x16xf32> to vector<16xf32>
        %min3A_1816 = arith.minimumf %min3A_1807, %get3A_1815 : vector<16xf32>
        %get3A_1817 = arith.constant 1 : i32
        %get3A_1818 = arith.constant 25 : i32
        %get3A_1819 = arith.index_cast %get3A_1817 : i32 to index
        %get3A_1820 = arith.index_cast %scan3A_125 : i32 to index
        %get3A_1821 = arith.index_cast %get3A_1818 : i32 to index
        %get3A_1822 = arith.constant 80 : index
        %get3A_1823 = tpu.vector_load %arg4[%get3A_1819, %get3A_1820, %get3A_1821, %get3A_1822] {strides = array<i32>} : memref<2x8x32x128xf32, #tpu.memory_space<vmem>>, vector<1x1x1x16xf32>,
        %get3A_1824 = vector.shape_cast %get3A_1823 : vector<1x1x1x16xf32> to vector<16xf32>
        %min3A_1825 = arith.minimumf %min3A_1816, %get3A_1824 : vector<16xf32>
        %get3A_1826 = arith.constant 1 : i32
        %get3A_1827 = arith.constant 26 : i32
        %get3A_1828 = arith.index_cast %get3A_1826 : i32 to index
        %get3A_1829 = arith.index_cast %scan3A_125 : i32 to index
        %get3A_1830 = arith.index_cast %get3A_1827 : i32 to index
        %get3A_1831 = arith.constant 80 : index
        %get3A_1832 = tpu.vector_load %arg4[%get3A_1828, %get3A_1829, %get3A_1830, %get3A_1831] {strides = array<i32>} : memref<2x8x32x128xf32, #tpu.memory_space<vmem>>, vector<1x1x1x16xf32>,
        %get3A_1833 = vector.shape_cast %get3A_1832 : vector<1x1x1x16xf32> to vector<16xf32>
        %min3A_1834 = arith.minimumf %min3A_1825, %get3A_1833 : vector<16xf32>
        %get3A_1835 = arith.constant 1 : i32
        %get3A_1836 = arith.constant 27 : i32
        %get3A_1837 = arith.index_cast %get3A_1835 : i32 to index
        %get3A_1838 = arith.index_cast %scan3A_125 : i32 to index
        %get3A_1839 = arith.index_cast %get3A_1836 : i32 to index
        %get3A_1840 = arith.constant 80 : index
        %get3A_1841 = tpu.vector_load %arg4[%get3A_1837, %get3A_1838, %get3A_1839, %get3A_1840] {strides = array<i32>} : memref<2x8x32x128xf32, #tpu.memory_space<vmem>>, vector<1x1x1x16xf32>,
        %get3A_1842 = vector.shape_cast %get3A_1841 : vector<1x1x1x16xf32> to vector<16xf32>
        %min3A_1843 = arith.minimumf %min3A_1834, %get3A_1842 : vector<16xf32>
        %get3A_1844 = arith.constant 1 : i32
        %get3A_1845 = arith.constant 28 : i32
        %get3A_1846 = arith.index_cast %get3A_1844 : i32 to index
        %get3A_1847 = arith.index_cast %scan3A_125 : i32 to index
        %get3A_1848 = arith.index_cast %get3A_1845 : i32 to index
        %get3A_1849 = arith.constant 80 : index
        %get3A_1850 = tpu.vector_load %arg4[%get3A_1846, %get3A_1847, %get3A_1848, %get3A_1849] {strides = array<i32>} : memref<2x8x32x128xf32, #tpu.memory_space<vmem>>, vector<1x1x1x16xf32>,
        %get3A_1851 = vector.shape_cast %get3A_1850 : vector<1x1x1x16xf32> to vector<16xf32>
        %min3A_1852 = arith.minimumf %min3A_1843, %get3A_1851 : vector<16xf32>
        %get3A_1853 = arith.constant 1 : i32
        %get3A_1854 = arith.constant 29 : i32
        %get3A_1855 = arith.index_cast %get3A_1853 : i32 to index
        %get3A_1856 = arith.index_cast %scan3A_125 : i32 to index
        %get3A_1857 = arith.index_cast %get3A_1854 : i32 to index
        %get3A_1858 = arith.constant 80 : index
        %get3A_1859 = tpu.vector_load %arg4[%get3A_1855, %get3A_1856, %get3A_1857, %get3A_1858] {strides = array<i32>} : memref<2x8x32x128xf32, #tpu.memory_space<vmem>>, vector<1x1x1x16xf32>,
        %get3A_1860 = vector.shape_cast %get3A_1859 : vector<1x1x1x16xf32> to vector<16xf32>
        %min3A_1861 = arith.minimumf %min3A_1852, %get3A_1860 : vector<16xf32>
        %get3A_1862 = arith.constant 1 : i32
        %get3A_1863 = arith.constant 30 : i32
        %get3A_1864 = arith.index_cast %get3A_1862 : i32 to index
        %get3A_1865 = arith.index_cast %scan3A_125 : i32 to index
        %get3A_1866 = arith.index_cast %get3A_1863 : i32 to index
        %get3A_1867 = arith.constant 80 : index
        %get3A_1868 = tpu.vector_load %arg4[%get3A_1864, %get3A_1865, %get3A_1866, %get3A_1867] {strides = array<i32>} : memref<2x8x32x128xf32, #tpu.memory_space<vmem>>, vector<1x1x1x16xf32>,
        %get3A_1869 = vector.shape_cast %get3A_1868 : vector<1x1x1x16xf32> to vector<16xf32>
        %min3A_1870 = arith.minimumf %min3A_1861, %get3A_1869 : vector<16xf32>
        %get3A_1871 = arith.constant 1 : i32
        %get3A_1872 = arith.constant 31 : i32
        %get3A_1873 = arith.index_cast %get3A_1871 : i32 to index
        %get3A_1874 = arith.index_cast %scan3A_125 : i32 to index
        %get3A_1875 = arith.index_cast %get3A_1872 : i32 to index
        %get3A_1876 = arith.constant 80 : index
        %get3A_1877 = tpu.vector_load %arg4[%get3A_1873, %get3A_1874, %get3A_1875, %get3A_1876] {strides = array<i32>} : memref<2x8x32x128xf32, #tpu.memory_space<vmem>>, vector<1x1x1x16xf32>,
        %get3A_1878 = vector.shape_cast %get3A_1877 : vector<1x1x1x16xf32> to vector<16xf32>
        %min3A_1879 = arith.minimumf %min3A_1870, %get3A_1878 : vector<16xf32>
        %swap3A_1880 = arith.constant 1 : i32
        %swap3A_1881 = arith.index_cast %swap3A_1880 : i32 to index
        %swap3A_1882 = arith.index_cast %scan3A_125 : i32 to index
        %swap3A_1883 = arith.constant 80 : index
        %swap3A_1884 = tpu.vector_load %arg5[%swap3A_1881, %swap3A_1882, %swap3A_1883] {strides = array<i32>} : memref<2x8x128xf32, #tpu.memory_space<vmem>>, vector<1x1x16xf32>,
        %swap3A_1885 = vector.shape_cast %swap3A_1884 : vector<1x1x16xf32> to vector<16xf32>
        %swap3A_1886 = vector.shape_cast %min3A_1879 : vector<16xf32> to vector<1x1x16xf32>
        tpu.vector_store %arg5[%swap3A_1881, %swap3A_1882, %swap3A_1883], %swap3A_1886 {strides = array<i32>} : memref<2x8x128xf32, #tpu.memory_space<vmem>>, vector<1x1x16xf32>,
        %get3A_1887 = arith.constant 1 : i32
        %get3A_1888 = arith.constant 0 : i32
        %get3A_1889 = arith.index_cast %get3A_1887 : i32 to index
        %get3A_1890 = arith.index_cast %scan3A_125 : i32 to index
        %get3A_1891 = arith.index_cast %get3A_1888 : i32 to index
        %get3A_1892 = arith.constant 96 : index
        %get3A_1893 = tpu.vector_load %arg4[%get3A_1889, %get3A_1890, %get3A_1891, %get3A_1892] {strides = array<i32>} : memref<2x8x32x128xf32, #tpu.memory_space<vmem>>, vector<1x1x1x16xf32>,
        %get3A_1894 = vector.shape_cast %get3A_1893 : vector<1x1x1x16xf32> to vector<16xf32>
        %get3A_1895 = arith.constant 1 : i32
        %get3A_1896 = arith.constant 1 : i32
        %get3A_1897 = arith.index_cast %get3A_1895 : i32 to index
        %get3A_1898 = arith.index_cast %scan3A_125 : i32 to index
        %get3A_1899 = arith.index_cast %get3A_1896 : i32 to index
        %get3A_1900 = arith.constant 96 : index
        %get3A_1901 = tpu.vector_load %arg4[%get3A_1897, %get3A_1898, %get3A_1899, %get3A_1900] {strides = array<i32>} : memref<2x8x32x128xf32, #tpu.memory_space<vmem>>, vector<1x1x1x16xf32>,
        %get3A_1902 = vector.shape_cast %get3A_1901 : vector<1x1x1x16xf32> to vector<16xf32>
        %min3A_1903 = arith.minimumf %get3A_1894, %get3A_1902 : vector<16xf32>
        %get3A_1904 = arith.constant 1 : i32
        %get3A_1905 = arith.constant 2 : i32
        %get3A_1906 = arith.index_cast %get3A_1904 : i32 to index
        %get3A_1907 = arith.index_cast %scan3A_125 : i32 to index
        %get3A_1908 = arith.index_cast %get3A_1905 : i32 to index
        %get3A_1909 = arith.constant 96 : index
        %get3A_1910 = tpu.vector_load %arg4[%get3A_1906, %get3A_1907, %get3A_1908, %get3A_1909] {strides = array<i32>} : memref<2x8x32x128xf32, #tpu.memory_space<vmem>>, vector<1x1x1x16xf32>,
        %get3A_1911 = vector.shape_cast %get3A_1910 : vector<1x1x1x16xf32> to vector<16xf32>
        %min3A_1912 = arith.minimumf %min3A_1903, %get3A_1911 : vector<16xf32>
        %get3A_1913 = arith.constant 1 : i32
        %get3A_1914 = arith.constant 3 : i32
        %get3A_1915 = arith.index_cast %get3A_1913 : i32 to index
        %get3A_1916 = arith.index_cast %scan3A_125 : i32 to index
        %get3A_1917 = arith.index_cast %get3A_1914 : i32 to index
        %get3A_1918 = arith.constant 96 : index
        %get3A_1919 = tpu.vector_load %arg4[%get3A_1915, %get3A_1916, %get3A_1917, %get3A_1918] {strides = array<i32>} : memref<2x8x32x128xf32, #tpu.memory_space<vmem>>, vector<1x1x1x16xf32>,
        %get3A_1920 = vector.shape_cast %get3A_1919 : vector<1x1x1x16xf32> to vector<16xf32>
        %min3A_1921 = arith.minimumf %min3A_1912, %get3A_1920 : vector<16xf32>
        %get3A_1922 = arith.constant 1 : i32
        %get3A_1923 = arith.constant 4 : i32
        %get3A_1924 = arith.index_cast %get3A_1922 : i32 to index
        %get3A_1925 = arith.index_cast %scan3A_125 : i32 to index
        %get3A_1926 = arith.index_cast %get3A_1923 : i32 to index
        %get3A_1927 = arith.constant 96 : index
        %get3A_1928 = tpu.vector_load %arg4[%get3A_1924, %get3A_1925, %get3A_1926, %get3A_1927] {strides = array<i32>} : memref<2x8x32x128xf32, #tpu.memory_space<vmem>>, vector<1x1x1x16xf32>,
        %get3A_1929 = vector.shape_cast %get3A_1928 : vector<1x1x1x16xf32> to vector<16xf32>
        %min3A_1930 = arith.minimumf %min3A_1921, %get3A_1929 : vector<16xf32>
        %get3A_1931 = arith.constant 1 : i32
        %get3A_1932 = arith.constant 5 : i32
        %get3A_1933 = arith.index_cast %get3A_1931 : i32 to index
        %get3A_1934 = arith.index_cast %scan3A_125 : i32 to index
        %get3A_1935 = arith.index_cast %get3A_1932 : i32 to index
        %get3A_1936 = arith.constant 96 : index
        %get3A_1937 = tpu.vector_load %arg4[%get3A_1933, %get3A_1934, %get3A_1935, %get3A_1936] {strides = array<i32>} : memref<2x8x32x128xf32, #tpu.memory_space<vmem>>, vector<1x1x1x16xf32>,
        %get3A_1938 = vector.shape_cast %get3A_1937 : vector<1x1x1x16xf32> to vector<16xf32>
        %min3A_1939 = arith.minimumf %min3A_1930, %get3A_1938 : vector<16xf32>
        %get3A_1940 = arith.constant 1 : i32
        %get3A_1941 = arith.constant 6 : i32
        %get3A_1942 = arith.index_cast %get3A_1940 : i32 to index
        %get3A_1943 = arith.index_cast %scan3A_125 : i32 to index
        %get3A_1944 = arith.index_cast %get3A_1941 : i32 to index
        %get3A_1945 = arith.constant 96 : index
        %get3A_1946 = tpu.vector_load %arg4[%get3A_1942, %get3A_1943, %get3A_1944, %get3A_1945] {strides = array<i32>} : memref<2x8x32x128xf32, #tpu.memory_space<vmem>>, vector<1x1x1x16xf32>,
        %get3A_1947 = vector.shape_cast %get3A_1946 : vector<1x1x1x16xf32> to vector<16xf32>
        %min3A_1948 = arith.minimumf %min3A_1939, %get3A_1947 : vector<16xf32>
        %get3A_1949 = arith.constant 1 : i32
        %get3A_1950 = arith.constant 7 : i32
        %get3A_1951 = arith.index_cast %get3A_1949 : i32 to index
        %get3A_1952 = arith.index_cast %scan3A_125 : i32 to index
        %get3A_1953 = arith.index_cast %get3A_1950 : i32 to index
        %get3A_1954 = arith.constant 96 : index
        %get3A_1955 = tpu.vector_load %arg4[%get3A_1951, %get3A_1952, %get3A_1953, %get3A_1954] {strides = array<i32>} : memref<2x8x32x128xf32, #tpu.memory_space<vmem>>, vector<1x1x1x16xf32>,
        %get3A_1956 = vector.shape_cast %get3A_1955 : vector<1x1x1x16xf32> to vector<16xf32>
        %min3A_1957 = arith.minimumf %min3A_1948, %get3A_1956 : vector<16xf32>
        %get3A_1958 = arith.constant 1 : i32
        %get3A_1959 = arith.constant 8 : i32
        %get3A_1960 = arith.index_cast %get3A_1958 : i32 to index
        %get3A_1961 = arith.index_cast %scan3A_125 : i32 to index
        %get3A_1962 = arith.index_cast %get3A_1959 : i32 to index
        %get3A_1963 = arith.constant 96 : index
        %get3A_1964 = tpu.vector_load %arg4[%get3A_1960, %get3A_1961, %get3A_1962, %get3A_1963] {strides = array<i32>} : memref<2x8x32x128xf32, #tpu.memory_space<vmem>>, vector<1x1x1x16xf32>,
        %get3A_1965 = vector.shape_cast %get3A_1964 : vector<1x1x1x16xf32> to vector<16xf32>
        %min3A_1966 = arith.minimumf %min3A_1957, %get3A_1965 : vector<16xf32>
        %get3A_1967 = arith.constant 1 : i32
        %get3A_1968 = arith.constant 9 : i32
        %get3A_1969 = arith.index_cast %get3A_1967 : i32 to index
        %get3A_1970 = arith.index_cast %scan3A_125 : i32 to index
        %get3A_1971 = arith.index_cast %get3A_1968 : i32 to index
        %get3A_1972 = arith.constant 96 : index
        %get3A_1973 = tpu.vector_load %arg4[%get3A_1969, %get3A_1970, %get3A_1971, %get3A_1972] {strides = array<i32>} : memref<2x8x32x128xf32, #tpu.memory_space<vmem>>, vector<1x1x1x16xf32>,
        %get3A_1974 = vector.shape_cast %get3A_1973 : vector<1x1x1x16xf32> to vector<16xf32>
        %min3A_1975 = arith.minimumf %min3A_1966, %get3A_1974 : vector<16xf32>
        %get3A_1976 = arith.constant 1 : i32
        %get3A_1977 = arith.constant 10 : i32
        %get3A_1978 = arith.index_cast %get3A_1976 : i32 to index
        %get3A_1979 = arith.index_cast %scan3A_125 : i32 to index
        %get3A_1980 = arith.index_cast %get3A_1977 : i32 to index
        %get3A_1981 = arith.constant 96 : index
        %get3A_1982 = tpu.vector_load %arg4[%get3A_1978, %get3A_1979, %get3A_1980, %get3A_1981] {strides = array<i32>} : memref<2x8x32x128xf32, #tpu.memory_space<vmem>>, vector<1x1x1x16xf32>,
        %get3A_1983 = vector.shape_cast %get3A_1982 : vector<1x1x1x16xf32> to vector<16xf32>
        %min3A_1984 = arith.minimumf %min3A_1975, %get3A_1983 : vector<16xf32>
        %get3A_1985 = arith.constant 1 : i32
        %get3A_1986 = arith.constant 11 : i32
        %get3A_1987 = arith.index_cast %get3A_1985 : i32 to index
        %get3A_1988 = arith.index_cast %scan3A_125 : i32 to index
        %get3A_1989 = arith.index_cast %get3A_1986 : i32 to index
        %get3A_1990 = arith.constant 96 : index
        %get3A_1991 = tpu.vector_load %arg4[%get3A_1987, %get3A_1988, %get3A_1989, %get3A_1990] {strides = array<i32>} : memref<2x8x32x128xf32, #tpu.memory_space<vmem>>, vector<1x1x1x16xf32>,
        %get3A_1992 = vector.shape_cast %get3A_1991 : vector<1x1x1x16xf32> to vector<16xf32>
        %min3A_1993 = arith.minimumf %min3A_1984, %get3A_1992 : vector<16xf32>
        %get3A_1994 = arith.constant 1 : i32
        %get3A_1995 = arith.constant 12 : i32
        %get3A_1996 = arith.index_cast %get3A_1994 : i32 to index
        %get3A_1997 = arith.index_cast %scan3A_125 : i32 to index
        %get3A_1998 = arith.index_cast %get3A_1995 : i32 to index
        %get3A_1999 = arith.constant 96 : index
        %get3A_2000 = tpu.vector_load %arg4[%get3A_1996, %get3A_1997, %get3A_1998, %get3A_1999] {strides = array<i32>} : memref<2x8x32x128xf32, #tpu.memory_space<vmem>>, vector<1x1x1x16xf32>,
        %get3A_2001 = vector.shape_cast %get3A_2000 : vector<1x1x1x16xf32> to vector<16xf32>
        %min3A_2002 = arith.minimumf %min3A_1993, %get3A_2001 : vector<16xf32>
        %get3A_2003 = arith.constant 1 : i32
        %get3A_2004 = arith.constant 13 : i32
        %get3A_2005 = arith.index_cast %get3A_2003 : i32 to index
        %get3A_2006 = arith.index_cast %scan3A_125 : i32 to index
        %get3A_2007 = arith.index_cast %get3A_2004 : i32 to index
        %get3A_2008 = arith.constant 96 : index
        %get3A_2009 = tpu.vector_load %arg4[%get3A_2005, %get3A_2006, %get3A_2007, %get3A_2008] {strides = array<i32>} : memref<2x8x32x128xf32, #tpu.memory_space<vmem>>, vector<1x1x1x16xf32>,
        %get3A_2010 = vector.shape_cast %get3A_2009 : vector<1x1x1x16xf32> to vector<16xf32>
        %min3A_2011 = arith.minimumf %min3A_2002, %get3A_2010 : vector<16xf32>
        %get3A_2012 = arith.constant 1 : i32
        %get3A_2013 = arith.constant 14 : i32
        %get3A_2014 = arith.index_cast %get3A_2012 : i32 to index
        %get3A_2015 = arith.index_cast %scan3A_125 : i32 to index
        %get3A_2016 = arith.index_cast %get3A_2013 : i32 to index
        %get3A_2017 = arith.constant 96 : index
        %get3A_2018 = tpu.vector_load %arg4[%get3A_2014, %get3A_2015, %get3A_2016, %get3A_2017] {strides = array<i32>} : memref<2x8x32x128xf32, #tpu.memory_space<vmem>>, vector<1x1x1x16xf32>,
        %get3A_2019 = vector.shape_cast %get3A_2018 : vector<1x1x1x16xf32> to vector<16xf32>
        %min3A_2020 = arith.minimumf %min3A_2011, %get3A_2019 : vector<16xf32>
        %get3A_2021 = arith.constant 1 : i32
        %get3A_2022 = arith.constant 15 : i32
        %get3A_2023 = arith.index_cast %get3A_2021 : i32 to index
        %get3A_2024 = arith.index_cast %scan3A_125 : i32 to index
        %get3A_2025 = arith.index_cast %get3A_2022 : i32 to index
        %get3A_2026 = arith.constant 96 : index
        %get3A_2027 = tpu.vector_load %arg4[%get3A_2023, %get3A_2024, %get3A_2025, %get3A_2026] {strides = array<i32>} : memref<2x8x32x128xf32, #tpu.memory_space<vmem>>, vector<1x1x1x16xf32>,
        %get3A_2028 = vector.shape_cast %get3A_2027 : vector<1x1x1x16xf32> to vector<16xf32>
        %min3A_2029 = arith.minimumf %min3A_2020, %get3A_2028 : vector<16xf32>
        %get3A_2030 = arith.constant 1 : i32
        %get3A_2031 = arith.constant 16 : i32
        %get3A_2032 = arith.index_cast %get3A_2030 : i32 to index
        %get3A_2033 = arith.index_cast %scan3A_125 : i32 to index
        %get3A_2034 = arith.index_cast %get3A_2031 : i32 to index
        %get3A_2035 = arith.constant 96 : index
        %get3A_2036 = tpu.vector_load %arg4[%get3A_2032, %get3A_2033, %get3A_2034, %get3A_2035] {strides = array<i32>} : memref<2x8x32x128xf32, #tpu.memory_space<vmem>>, vector<1x1x1x16xf32>,
        %get3A_2037 = vector.shape_cast %get3A_2036 : vector<1x1x1x16xf32> to vector<16xf32>
        %min3A_2038 = arith.minimumf %min3A_2029, %get3A_2037 : vector<16xf32>
        %get3A_2039 = arith.constant 1 : i32
        %get3A_2040 = arith.constant 17 : i32
        %get3A_2041 = arith.index_cast %get3A_2039 : i32 to index
        %get3A_2042 = arith.index_cast %scan3A_125 : i32 to index
        %get3A_2043 = arith.index_cast %get3A_2040 : i32 to index
        %get3A_2044 = arith.constant 96 : index
        %get3A_2045 = tpu.vector_load %arg4[%get3A_2041, %get3A_2042, %get3A_2043, %get3A_2044] {strides = array<i32>} : memref<2x8x32x128xf32, #tpu.memory_space<vmem>>, vector<1x1x1x16xf32>,
        %get3A_2046 = vector.shape_cast %get3A_2045 : vector<1x1x1x16xf32> to vector<16xf32>
        %min3A_2047 = arith.minimumf %min3A_2038, %get3A_2046 : vector<16xf32>
        %get3A_2048 = arith.constant 1 : i32
        %get3A_2049 = arith.constant 18 : i32
        %get3A_2050 = arith.index_cast %get3A_2048 : i32 to index
        %get3A_2051 = arith.index_cast %scan3A_125 : i32 to index
        %get3A_2052 = arith.index_cast %get3A_2049 : i32 to index
        %get3A_2053 = arith.constant 96 : index
        %get3A_2054 = tpu.vector_load %arg4[%get3A_2050, %get3A_2051, %get3A_2052, %get3A_2053] {strides = array<i32>} : memref<2x8x32x128xf32, #tpu.memory_space<vmem>>, vector<1x1x1x16xf32>,
        %get3A_2055 = vector.shape_cast %get3A_2054 : vector<1x1x1x16xf32> to vector<16xf32>
        %min3A_2056 = arith.minimumf %min3A_2047, %get3A_2055 : vector<16xf32>
        %get3A_2057 = arith.constant 1 : i32
        %get3A_2058 = arith.constant 19 : i32
        %get3A_2059 = arith.index_cast %get3A_2057 : i32 to index
        %get3A_2060 = arith.index_cast %scan3A_125 : i32 to index
        %get3A_2061 = arith.index_cast %get3A_2058 : i32 to index
        %get3A_2062 = arith.constant 96 : index
        %get3A_2063 = tpu.vector_load %arg4[%get3A_2059, %get3A_2060, %get3A_2061, %get3A_2062] {strides = array<i32>} : memref<2x8x32x128xf32, #tpu.memory_space<vmem>>, vector<1x1x1x16xf32>,
        %get3A_2064 = vector.shape_cast %get3A_2063 : vector<1x1x1x16xf32> to vector<16xf32>
        %min3A_2065 = arith.minimumf %min3A_2056, %get3A_2064 : vector<16xf32>
        %get3A_2066 = arith.constant 1 : i32
        %get3A_2067 = arith.constant 20 : i32
        %get3A_2068 = arith.index_cast %get3A_2066 : i32 to index
        %get3A_2069 = arith.index_cast %scan3A_125 : i32 to index
        %get3A_2070 = arith.index_cast %get3A_2067 : i32 to index
        %get3A_2071 = arith.constant 96 : index
        %get3A_2072 = tpu.vector_load %arg4[%get3A_2068, %get3A_2069, %get3A_2070, %get3A_2071] {strides = array<i32>} : memref<2x8x32x128xf32, #tpu.memory_space<vmem>>, vector<1x1x1x16xf32>,
        %get3A_2073 = vector.shape_cast %get3A_2072 : vector<1x1x1x16xf32> to vector<16xf32>
        %min3A_2074 = arith.minimumf %min3A_2065, %get3A_2073 : vector<16xf32>
        %get3A_2075 = arith.constant 1 : i32
        %get3A_2076 = arith.constant 21 : i32
        %get3A_2077 = arith.index_cast %get3A_2075 : i32 to index
        %get3A_2078 = arith.index_cast %scan3A_125 : i32 to index
        %get3A_2079 = arith.index_cast %get3A_2076 : i32 to index
        %get3A_2080 = arith.constant 96 : index
        %get3A_2081 = tpu.vector_load %arg4[%get3A_2077, %get3A_2078, %get3A_2079, %get3A_2080] {strides = array<i32>} : memref<2x8x32x128xf32, #tpu.memory_space<vmem>>, vector<1x1x1x16xf32>,
        %get3A_2082 = vector.shape_cast %get3A_2081 : vector<1x1x1x16xf32> to vector<16xf32>
        %min3A_2083 = arith.minimumf %min3A_2074, %get3A_2082 : vector<16xf32>
        %get3A_2084 = arith.constant 1 : i32
        %get3A_2085 = arith.constant 22 : i32
        %get3A_2086 = arith.index_cast %get3A_2084 : i32 to index
        %get3A_2087 = arith.index_cast %scan3A_125 : i32 to index
        %get3A_2088 = arith.index_cast %get3A_2085 : i32 to index
        %get3A_2089 = arith.constant 96 : index
        %get3A_2090 = tpu.vector_load %arg4[%get3A_2086, %get3A_2087, %get3A_2088, %get3A_2089] {strides = array<i32>} : memref<2x8x32x128xf32, #tpu.memory_space<vmem>>, vector<1x1x1x16xf32>,
        %get3A_2091 = vector.shape_cast %get3A_2090 : vector<1x1x1x16xf32> to vector<16xf32>
        %min3A_2092 = arith.minimumf %min3A_2083, %get3A_2091 : vector<16xf32>
        %get3A_2093 = arith.constant 1 : i32
        %get3A_2094 = arith.constant 23 : i32
        %get3A_2095 = arith.index_cast %get3A_2093 : i32 to index
        %get3A_2096 = arith.index_cast %scan3A_125 : i32 to index
        %get3A_2097 = arith.index_cast %get3A_2094 : i32 to index
        %get3A_2098 = arith.constant 96 : index
        %get3A_2099 = tpu.vector_load %arg4[%get3A_2095, %get3A_2096, %get3A_2097, %get3A_2098] {strides = array<i32>} : memref<2x8x32x128xf32, #tpu.memory_space<vmem>>, vector<1x1x1x16xf32>,
        %get3A_2100 = vector.shape_cast %get3A_2099 : vector<1x1x1x16xf32> to vector<16xf32>
        %min3A_2101 = arith.minimumf %min3A_2092, %get3A_2100 : vector<16xf32>
        %get3A_2102 = arith.constant 1 : i32
        %get3A_2103 = arith.constant 24 : i32
        %get3A_2104 = arith.index_cast %get3A_2102 : i32 to index
        %get3A_2105 = arith.index_cast %scan3A_125 : i32 to index
        %get3A_2106 = arith.index_cast %get3A_2103 : i32 to index
        %get3A_2107 = arith.constant 96 : index
        %get3A_2108 = tpu.vector_load %arg4[%get3A_2104, %get3A_2105, %get3A_2106, %get3A_2107] {strides = array<i32>} : memref<2x8x32x128xf32, #tpu.memory_space<vmem>>, vector<1x1x1x16xf32>,
        %get3A_2109 = vector.shape_cast %get3A_2108 : vector<1x1x1x16xf32> to vector<16xf32>
        %min3A_2110 = arith.minimumf %min3A_2101, %get3A_2109 : vector<16xf32>
        %get3A_2111 = arith.constant 1 : i32
        %get3A_2112 = arith.constant 25 : i32
        %get3A_2113 = arith.index_cast %get3A_2111 : i32 to index
        %get3A_2114 = arith.index_cast %scan3A_125 : i32 to index
        %get3A_2115 = arith.index_cast %get3A_2112 : i32 to index
        %get3A_2116 = arith.constant 96 : index
        %get3A_2117 = tpu.vector_load %arg4[%get3A_2113, %get3A_2114, %get3A_2115, %get3A_2116] {strides = array<i32>} : memref<2x8x32x128xf32, #tpu.memory_space<vmem>>, vector<1x1x1x16xf32>,
        %get3A_2118 = vector.shape_cast %get3A_2117 : vector<1x1x1x16xf32> to vector<16xf32>
        %min3A_2119 = arith.minimumf %min3A_2110, %get3A_2118 : vector<16xf32>
        %get3A_2120 = arith.constant 1 : i32
        %get3A_2121 = arith.constant 26 : i32
        %get3A_2122 = arith.index_cast %get3A_2120 : i32 to index
        %get3A_2123 = arith.index_cast %scan3A_125 : i32 to index
        %get3A_2124 = arith.index_cast %get3A_2121 : i32 to index
        %get3A_2125 = arith.constant 96 : index
        %get3A_2126 = tpu.vector_load %arg4[%get3A_2122, %get3A_2123, %get3A_2124, %get3A_2125] {strides = array<i32>} : memref<2x8x32x128xf32, #tpu.memory_space<vmem>>, vector<1x1x1x16xf32>,
        %get3A_2127 = vector.shape_cast %get3A_2126 : vector<1x1x1x16xf32> to vector<16xf32>
        %min3A_2128 = arith.minimumf %min3A_2119, %get3A_2127 : vector<16xf32>
        %get3A_2129 = arith.constant 1 : i32
        %get3A_2130 = arith.constant 27 : i32
        %get3A_2131 = arith.index_cast %get3A_2129 : i32 to index
        %get3A_2132 = arith.index_cast %scan3A_125 : i32 to index
        %get3A_2133 = arith.index_cast %get3A_2130 : i32 to index
        %get3A_2134 = arith.constant 96 : index
        %get3A_2135 = tpu.vector_load %arg4[%get3A_2131, %get3A_2132, %get3A_2133, %get3A_2134] {strides = array<i32>} : memref<2x8x32x128xf32, #tpu.memory_space<vmem>>, vector<1x1x1x16xf32>,
        %get3A_2136 = vector.shape_cast %get3A_2135 : vector<1x1x1x16xf32> to vector<16xf32>
        %min3A_2137 = arith.minimumf %min3A_2128, %get3A_2136 : vector<16xf32>
        %get3A_2138 = arith.constant 1 : i32
        %get3A_2139 = arith.constant 28 : i32
        %get3A_2140 = arith.index_cast %get3A_2138 : i32 to index
        %get3A_2141 = arith.index_cast %scan3A_125 : i32 to index
        %get3A_2142 = arith.index_cast %get3A_2139 : i32 to index
        %get3A_2143 = arith.constant 96 : index
        %get3A_2144 = tpu.vector_load %arg4[%get3A_2140, %get3A_2141, %get3A_2142, %get3A_2143] {strides = array<i32>} : memref<2x8x32x128xf32, #tpu.memory_space<vmem>>, vector<1x1x1x16xf32>,
        %get3A_2145 = vector.shape_cast %get3A_2144 : vector<1x1x1x16xf32> to vector<16xf32>
        %min3A_2146 = arith.minimumf %min3A_2137, %get3A_2145 : vector<16xf32>
        %get3A_2147 = arith.constant 1 : i32
        %get3A_2148 = arith.constant 29 : i32
        %get3A_2149 = arith.index_cast %get3A_2147 : i32 to index
        %get3A_2150 = arith.index_cast %scan3A_125 : i32 to index
        %get3A_2151 = arith.index_cast %get3A_2148 : i32 to index
        %get3A_2152 = arith.constant 96 : index
        %get3A_2153 = tpu.vector_load %arg4[%get3A_2149, %get3A_2150, %get3A_2151, %get3A_2152] {strides = array<i32>} : memref<2x8x32x128xf32, #tpu.memory_space<vmem>>, vector<1x1x1x16xf32>,
        %get3A_2154 = vector.shape_cast %get3A_2153 : vector<1x1x1x16xf32> to vector<16xf32>
        %min3A_2155 = arith.minimumf %min3A_2146, %get3A_2154 : vector<16xf32>
        %get3A_2156 = arith.constant 1 : i32
        %get3A_2157 = arith.constant 30 : i32
        %get3A_2158 = arith.index_cast %get3A_2156 : i32 to index
        %get3A_2159 = arith.index_cast %scan3A_125 : i32 to index
        %get3A_2160 = arith.index_cast %get3A_2157 : i32 to index
        %get3A_2161 = arith.constant 96 : index
        %get3A_2162 = tpu.vector_load %arg4[%get3A_2158, %get3A_2159, %get3A_2160, %get3A_2161] {strides = array<i32>} : memref<2x8x32x128xf32, #tpu.memory_space<vmem>>, vector<1x1x1x16xf32>,
        %get3A_2163 = vector.shape_cast %get3A_2162 : vector<1x1x1x16xf32> to vector<16xf32>
        %min3A_2164 = arith.minimumf %min3A_2155, %get3A_2163 : vector<16xf32>
        %get3A_2165 = arith.constant 1 : i32
        %get3A_2166 = arith.constant 31 : i32
        %get3A_2167 = arith.index_cast %get3A_2165 : i32 to index
        %get3A_2168 = arith.index_cast %scan3A_125 : i32 to index
        %get3A_2169 = arith.index_cast %get3A_2166 : i32 to index
        %get3A_2170 = arith.constant 96 : index
        %get3A_2171 = tpu.vector_load %arg4[%get3A_2167, %get3A_2168, %get3A_2169, %get3A_2170] {strides = array<i32>} : memref<2x8x32x128xf32, #tpu.memory_space<vmem>>, vector<1x1x1x16xf32>,
        %get3A_2172 = vector.shape_cast %get3A_2171 : vector<1x1x1x16xf32> to vector<16xf32>
        %min3A_2173 = arith.minimumf %min3A_2164, %get3A_2172 : vector<16xf32>
        %swap3A_2174 = arith.constant 1 : i32
        %swap3A_2175 = arith.index_cast %swap3A_2174 : i32 to index
        %swap3A_2176 = arith.index_cast %scan3A_125 : i32 to index
        %swap3A_2177 = arith.constant 96 : index
        %swap3A_2178 = tpu.vector_load %arg5[%swap3A_2175, %swap3A_2176, %swap3A_2177] {strides = array<i32>} : memref<2x8x128xf32, #tpu.memory_space<vmem>>, vector<1x1x16xf32>,
        %swap3A_2179 = vector.shape_cast %swap3A_2178 : vector<1x1x16xf32> to vector<16xf32>
        %swap3A_2180 = vector.shape_cast %min3A_2173 : vector<16xf32> to vector<1x1x16xf32>
        tpu.vector_store %arg5[%swap3A_2175, %swap3A_2176, %swap3A_2177], %swap3A_2180 {strides = array<i32>} : memref<2x8x128xf32, #tpu.memory_space<vmem>>, vector<1x1x16xf32>,
        %get3A_2181 = arith.constant 1 : i32
        %get3A_2182 = arith.constant 0 : i32
        %get3A_2183 = arith.index_cast %get3A_2181 : i32 to index
        %get3A_2184 = arith.index_cast %scan3A_125 : i32 to index
        %get3A_2185 = arith.index_cast %get3A_2182 : i32 to index
        %get3A_2186 = arith.constant 112 : index
        %get3A_2187 = tpu.vector_load %arg4[%get3A_2183, %get3A_2184, %get3A_2185, %get3A_2186] {strides = array<i32>} : memref<2x8x32x128xf32, #tpu.memory_space<vmem>>, vector<1x1x1x16xf32>,
        %get3A_2188 = vector.shape_cast %get3A_2187 : vector<1x1x1x16xf32> to vector<16xf32>
        %get3A_2189 = arith.constant 1 : i32
        %get3A_2190 = arith.constant 1 : i32
        %get3A_2191 = arith.index_cast %get3A_2189 : i32 to index
        %get3A_2192 = arith.index_cast %scan3A_125 : i32 to index
        %get3A_2193 = arith.index_cast %get3A_2190 : i32 to index
        %get3A_2194 = arith.constant 112 : index
        %get3A_2195 = tpu.vector_load %arg4[%get3A_2191, %get3A_2192, %get3A_2193, %get3A_2194] {strides = array<i32>} : memref<2x8x32x128xf32, #tpu.memory_space<vmem>>, vector<1x1x1x16xf32>,
        %get3A_2196 = vector.shape_cast %get3A_2195 : vector<1x1x1x16xf32> to vector<16xf32>
        %min3A_2197 = arith.minimumf %get3A_2188, %get3A_2196 : vector<16xf32>
        %get3A_2198 = arith.constant 1 : i32
        %get3A_2199 = arith.constant 2 : i32
        %get3A_2200 = arith.index_cast %get3A_2198 : i32 to index
        %get3A_2201 = arith.index_cast %scan3A_125 : i32 to index
        %get3A_2202 = arith.index_cast %get3A_2199 : i32 to index
        %get3A_2203 = arith.constant 112 : index
        %get3A_2204 = tpu.vector_load %arg4[%get3A_2200, %get3A_2201, %get3A_2202, %get3A_2203] {strides = array<i32>} : memref<2x8x32x128xf32, #tpu.memory_space<vmem>>, vector<1x1x1x16xf32>,
        %get3A_2205 = vector.shape_cast %get3A_2204 : vector<1x1x1x16xf32> to vector<16xf32>
        %min3A_2206 = arith.minimumf %min3A_2197, %get3A_2205 : vector<16xf32>
        %get3A_2207 = arith.constant 1 : i32
        %get3A_2208 = arith.constant 3 : i32
        %get3A_2209 = arith.index_cast %get3A_2207 : i32 to index
        %get3A_2210 = arith.index_cast %scan3A_125 : i32 to index
        %get3A_2211 = arith.index_cast %get3A_2208 : i32 to index
        %get3A_2212 = arith.constant 112 : index
        %get3A_2213 = tpu.vector_load %arg4[%get3A_2209, %get3A_2210, %get3A_2211, %get3A_2212] {strides = array<i32>} : memref<2x8x32x128xf32, #tpu.memory_space<vmem>>, vector<1x1x1x16xf32>,
        %get3A_2214 = vector.shape_cast %get3A_2213 : vector<1x1x1x16xf32> to vector<16xf32>
        %min3A_2215 = arith.minimumf %min3A_2206, %get3A_2214 : vector<16xf32>
        %get3A_2216 = arith.constant 1 : i32
        %get3A_2217 = arith.constant 4 : i32
        %get3A_2218 = arith.index_cast %get3A_2216 : i32 to index
        %get3A_2219 = arith.index_cast %scan3A_125 : i32 to index
        %get3A_2220 = arith.index_cast %get3A_2217 : i32 to index
        %get3A_2221 = arith.constant 112 : index
        %get3A_2222 = tpu.vector_load %arg4[%get3A_2218, %get3A_2219, %get3A_2220, %get3A_2221] {strides = array<i32>} : memref<2x8x32x128xf32, #tpu.memory_space<vmem>>, vector<1x1x1x16xf32>,
        %get3A_2223 = vector.shape_cast %get3A_2222 : vector<1x1x1x16xf32> to vector<16xf32>
        %min3A_2224 = arith.minimumf %min3A_2215, %get3A_2223 : vector<16xf32>
        %get3A_2225 = arith.constant 1 : i32
        %get3A_2226 = arith.constant 5 : i32
        %get3A_2227 = arith.index_cast %get3A_2225 : i32 to index
        %get3A_2228 = arith.index_cast %scan3A_125 : i32 to index
        %get3A_2229 = arith.index_cast %get3A_2226 : i32 to index
        %get3A_2230 = arith.constant 112 : index
        %get3A_2231 = tpu.vector_load %arg4[%get3A_2227, %get3A_2228, %get3A_2229, %get3A_2230] {strides = array<i32>} : memref<2x8x32x128xf32, #tpu.memory_space<vmem>>, vector<1x1x1x16xf32>,
        %get3A_2232 = vector.shape_cast %get3A_2231 : vector<1x1x1x16xf32> to vector<16xf32>
        %min3A_2233 = arith.minimumf %min3A_2224, %get3A_2232 : vector<16xf32>
        %get3A_2234 = arith.constant 1 : i32
        %get3A_2235 = arith.constant 6 : i32
        %get3A_2236 = arith.index_cast %get3A_2234 : i32 to index
        %get3A_2237 = arith.index_cast %scan3A_125 : i32 to index
        %get3A_2238 = arith.index_cast %get3A_2235 : i32 to index
        %get3A_2239 = arith.constant 112 : index
        %get3A_2240 = tpu.vector_load %arg4[%get3A_2236, %get3A_2237, %get3A_2238, %get3A_2239] {strides = array<i32>} : memref<2x8x32x128xf32, #tpu.memory_space<vmem>>, vector<1x1x1x16xf32>,
        %get3A_2241 = vector.shape_cast %get3A_2240 : vector<1x1x1x16xf32> to vector<16xf32>
        %min3A_2242 = arith.minimumf %min3A_2233, %get3A_2241 : vector<16xf32>
        %get3A_2243 = arith.constant 1 : i32
        %get3A_2244 = arith.constant 7 : i32
        %get3A_2245 = arith.index_cast %get3A_2243 : i32 to index
        %get3A_2246 = arith.index_cast %scan3A_125 : i32 to index
        %get3A_2247 = arith.index_cast %get3A_2244 : i32 to index
        %get3A_2248 = arith.constant 112 : index
        %get3A_2249 = tpu.vector_load %arg4[%get3A_2245, %get3A_2246, %get3A_2247, %get3A_2248] {strides = array<i32>} : memref<2x8x32x128xf32, #tpu.memory_space<vmem>>, vector<1x1x1x16xf32>,
        %get3A_2250 = vector.shape_cast %get3A_2249 : vector<1x1x1x16xf32> to vector<16xf32>
        %min3A_2251 = arith.minimumf %min3A_2242, %get3A_2250 : vector<16xf32>
        %get3A_2252 = arith.constant 1 : i32
        %get3A_2253 = arith.constant 8 : i32
        %get3A_2254 = arith.index_cast %get3A_2252 : i32 to index
        %get3A_2255 = arith.index_cast %scan3A_125 : i32 to index
        %get3A_2256 = arith.index_cast %get3A_2253 : i32 to index
        %get3A_2257 = arith.constant 112 : index
        %get3A_2258 = tpu.vector_load %arg4[%get3A_2254, %get3A_2255, %get3A_2256, %get3A_2257] {strides = array<i32>} : memref<2x8x32x128xf32, #tpu.memory_space<vmem>>, vector<1x1x1x16xf32>,
        %get3A_2259 = vector.shape_cast %get3A_2258 : vector<1x1x1x16xf32> to vector<16xf32>
        %min3A_2260 = arith.minimumf %min3A_2251, %get3A_2259 : vector<16xf32>
        %get3A_2261 = arith.constant 1 : i32
        %get3A_2262 = arith.constant 9 : i32
        %get3A_2263 = arith.index_cast %get3A_2261 : i32 to index
        %get3A_2264 = arith.index_cast %scan3A_125 : i32 to index
        %get3A_2265 = arith.index_cast %get3A_2262 : i32 to index
        %get3A_2266 = arith.constant 112 : index
        %get3A_2267 = tpu.vector_load %arg4[%get3A_2263, %get3A_2264, %get3A_2265, %get3A_2266] {strides = array<i32>} : memref<2x8x32x128xf32, #tpu.memory_space<vmem>>, vector<1x1x1x16xf32>,
        %get3A_2268 = vector.shape_cast %get3A_2267 : vector<1x1x1x16xf32> to vector<16xf32>
        %min3A_2269 = arith.minimumf %min3A_2260, %get3A_2268 : vector<16xf32>
        %get3A_2270 = arith.constant 1 : i32
        %get3A_2271 = arith.constant 10 : i32
        %get3A_2272 = arith.index_cast %get3A_2270 : i32 to index
        %get3A_2273 = arith.index_cast %scan3A_125 : i32 to index
        %get3A_2274 = arith.index_cast %get3A_2271 : i32 to index
        %get3A_2275 = arith.constant 112 : index
        %get3A_2276 = tpu.vector_load %arg4[%get3A_2272, %get3A_2273, %get3A_2274, %get3A_2275] {strides = array<i32>} : memref<2x8x32x128xf32, #tpu.memory_space<vmem>>, vector<1x1x1x16xf32>,
        %get3A_2277 = vector.shape_cast %get3A_2276 : vector<1x1x1x16xf32> to vector<16xf32>
        %min3A_2278 = arith.minimumf %min3A_2269, %get3A_2277 : vector<16xf32>
        %get3A_2279 = arith.constant 1 : i32
        %get3A_2280 = arith.constant 11 : i32
        %get3A_2281 = arith.index_cast %get3A_2279 : i32 to index
        %get3A_2282 = arith.index_cast %scan3A_125 : i32 to index
        %get3A_2283 = arith.index_cast %get3A_2280 : i32 to index
        %get3A_2284 = arith.constant 112 : index
        %get3A_2285 = tpu.vector_load %arg4[%get3A_2281, %get3A_2282, %get3A_2283, %get3A_2284] {strides = array<i32>} : memref<2x8x32x128xf32, #tpu.memory_space<vmem>>, vector<1x1x1x16xf32>,
        %get3A_2286 = vector.shape_cast %get3A_2285 : vector<1x1x1x16xf32> to vector<16xf32>
        %min3A_2287 = arith.minimumf %min3A_2278, %get3A_2286 : vector<16xf32>
        %get3A_2288 = arith.constant 1 : i32
        %get3A_2289 = arith.constant 12 : i32
        %get3A_2290 = arith.index_cast %get3A_2288 : i32 to index
        %get3A_2291 = arith.index_cast %scan3A_125 : i32 to index
        %get3A_2292 = arith.index_cast %get3A_2289 : i32 to index
        %get3A_2293 = arith.constant 112 : index
        %get3A_2294 = tpu.vector_load %arg4[%get3A_2290, %get3A_2291, %get3A_2292, %get3A_2293] {strides = array<i32>} : memref<2x8x32x128xf32, #tpu.memory_space<vmem>>, vector<1x1x1x16xf32>,
        %get3A_2295 = vector.shape_cast %get3A_2294 : vector<1x1x1x16xf32> to vector<16xf32>
        %min3A_2296 = arith.minimumf %min3A_2287, %get3A_2295 : vector<16xf32>
        %get3A_2297 = arith.constant 1 : i32
        %get3A_2298 = arith.constant 13 : i32
        %get3A_2299 = arith.index_cast %get3A_2297 : i32 to index
        %get3A_2300 = arith.index_cast %scan3A_125 : i32 to index
        %get3A_2301 = arith.index_cast %get3A_2298 : i32 to index
        %get3A_2302 = arith.constant 112 : index
        %get3A_2303 = tpu.vector_load %arg4[%get3A_2299, %get3A_2300, %get3A_2301, %get3A_2302] {strides = array<i32>} : memref<2x8x32x128xf32, #tpu.memory_space<vmem>>, vector<1x1x1x16xf32>,
        %get3A_2304 = vector.shape_cast %get3A_2303 : vector<1x1x1x16xf32> to vector<16xf32>
        %min3A_2305 = arith.minimumf %min3A_2296, %get3A_2304 : vector<16xf32>
        %get3A_2306 = arith.constant 1 : i32
        %get3A_2307 = arith.constant 14 : i32
        %get3A_2308 = arith.index_cast %get3A_2306 : i32 to index
        %get3A_2309 = arith.index_cast %scan3A_125 : i32 to index
        %get3A_2310 = arith.index_cast %get3A_2307 : i32 to index
        %get3A_2311 = arith.constant 112 : index
        %get3A_2312 = tpu.vector_load %arg4[%get3A_2308, %get3A_2309, %get3A_2310, %get3A_2311] {strides = array<i32>} : memref<2x8x32x128xf32, #tpu.memory_space<vmem>>, vector<1x1x1x16xf32>,
        %get3A_2313 = vector.shape_cast %get3A_2312 : vector<1x1x1x16xf32> to vector<16xf32>
        %min3A_2314 = arith.minimumf %min3A_2305, %get3A_2313 : vector<16xf32>
        %get3A_2315 = arith.constant 1 : i32
        %get3A_2316 = arith.constant 15 : i32
        %get3A_2317 = arith.index_cast %get3A_2315 : i32 to index
        %get3A_2318 = arith.index_cast %scan3A_125 : i32 to index
        %get3A_2319 = arith.index_cast %get3A_2316 : i32 to index
        %get3A_2320 = arith.constant 112 : index
        %get3A_2321 = tpu.vector_load %arg4[%get3A_2317, %get3A_2318, %get3A_2319, %get3A_2320] {strides = array<i32>} : memref<2x8x32x128xf32, #tpu.memory_space<vmem>>, vector<1x1x1x16xf32>,
        %get3A_2322 = vector.shape_cast %get3A_2321 : vector<1x1x1x16xf32> to vector<16xf32>
        %min3A_2323 = arith.minimumf %min3A_2314, %get3A_2322 : vector<16xf32>
        %get3A_2324 = arith.constant 1 : i32
        %get3A_2325 = arith.constant 16 : i32
        %get3A_2326 = arith.index_cast %get3A_2324 : i32 to index
        %get3A_2327 = arith.index_cast %scan3A_125 : i32 to index
        %get3A_2328 = arith.index_cast %get3A_2325 : i32 to index
        %get3A_2329 = arith.constant 112 : index
        %get3A_2330 = tpu.vector_load %arg4[%get3A_2326, %get3A_2327, %get3A_2328, %get3A_2329] {strides = array<i32>} : memref<2x8x32x128xf32, #tpu.memory_space<vmem>>, vector<1x1x1x16xf32>,
        %get3A_2331 = vector.shape_cast %get3A_2330 : vector<1x1x1x16xf32> to vector<16xf32>
        %min3A_2332 = arith.minimumf %min3A_2323, %get3A_2331 : vector<16xf32>
        %get3A_2333 = arith.constant 1 : i32
        %get3A_2334 = arith.constant 17 : i32
        %get3A_2335 = arith.index_cast %get3A_2333 : i32 to index
        %get3A_2336 = arith.index_cast %scan3A_125 : i32 to index
        %get3A_2337 = arith.index_cast %get3A_2334 : i32 to index
        %get3A_2338 = arith.constant 112 : index
        %get3A_2339 = tpu.vector_load %arg4[%get3A_2335, %get3A_2336, %get3A_2337, %get3A_2338] {strides = array<i32>} : memref<2x8x32x128xf32, #tpu.memory_space<vmem>>, vector<1x1x1x16xf32>,
        %get3A_2340 = vector.shape_cast %get3A_2339 : vector<1x1x1x16xf32> to vector<16xf32>
        %min3A_2341 = arith.minimumf %min3A_2332, %get3A_2340 : vector<16xf32>
        %get3A_2342 = arith.constant 1 : i32
        %get3A_2343 = arith.constant 18 : i32
        %get3A_2344 = arith.index_cast %get3A_2342 : i32 to index
        %get3A_2345 = arith.index_cast %scan3A_125 : i32 to index
        %get3A_2346 = arith.index_cast %get3A_2343 : i32 to index
        %get3A_2347 = arith.constant 112 : index
        %get3A_2348 = tpu.vector_load %arg4[%get3A_2344, %get3A_2345, %get3A_2346, %get3A_2347] {strides = array<i32>} : memref<2x8x32x128xf32, #tpu.memory_space<vmem>>, vector<1x1x1x16xf32>,
        %get3A_2349 = vector.shape_cast %get3A_2348 : vector<1x1x1x16xf32> to vector<16xf32>
        %min3A_2350 = arith.minimumf %min3A_2341, %get3A_2349 : vector<16xf32>
        %get3A_2351 = arith.constant 1 : i32
        %get3A_2352 = arith.constant 19 : i32
        %get3A_2353 = arith.index_cast %get3A_2351 : i32 to index
        %get3A_2354 = arith.index_cast %scan3A_125 : i32 to index
        %get3A_2355 = arith.index_cast %get3A_2352 : i32 to index
        %get3A_2356 = arith.constant 112 : index
        %get3A_2357 = tpu.vector_load %arg4[%get3A_2353, %get3A_2354, %get3A_2355, %get3A_2356] {strides = array<i32>} : memref<2x8x32x128xf32, #tpu.memory_space<vmem>>, vector<1x1x1x16xf32>,
        %get3A_2358 = vector.shape_cast %get3A_2357 : vector<1x1x1x16xf32> to vector<16xf32>
        %min3A_2359 = arith.minimumf %min3A_2350, %get3A_2358 : vector<16xf32>
        %get3A_2360 = arith.constant 1 : i32
        %get3A_2361 = arith.constant 20 : i32
        %get3A_2362 = arith.index_cast %get3A_2360 : i32 to index
        %get3A_2363 = arith.index_cast %scan3A_125 : i32 to index
        %get3A_2364 = arith.index_cast %get3A_2361 : i32 to index
        %get3A_2365 = arith.constant 112 : index
        %get3A_2366 = tpu.vector_load %arg4[%get3A_2362, %get3A_2363, %get3A_2364, %get3A_2365] {strides = array<i32>} : memref<2x8x32x128xf32, #tpu.memory_space<vmem>>, vector<1x1x1x16xf32>,
        %get3A_2367 = vector.shape_cast %get3A_2366 : vector<1x1x1x16xf32> to vector<16xf32>
        %min3A_2368 = arith.minimumf %min3A_2359, %get3A_2367 : vector<16xf32>
        %get3A_2369 = arith.constant 1 : i32
        %get3A_2370 = arith.constant 21 : i32
        %get3A_2371 = arith.index_cast %get3A_2369 : i32 to index
        %get3A_2372 = arith.index_cast %scan3A_125 : i32 to index
        %get3A_2373 = arith.index_cast %get3A_2370 : i32 to index
        %get3A_2374 = arith.constant 112 : index
        %get3A_2375 = tpu.vector_load %arg4[%get3A_2371, %get3A_2372, %get3A_2373, %get3A_2374] {strides = array<i32>} : memref<2x8x32x128xf32, #tpu.memory_space<vmem>>, vector<1x1x1x16xf32>,
        %get3A_2376 = vector.shape_cast %get3A_2375 : vector<1x1x1x16xf32> to vector<16xf32>
        %min3A_2377 = arith.minimumf %min3A_2368, %get3A_2376 : vector<16xf32>
        %get3A_2378 = arith.constant 1 : i32
        %get3A_2379 = arith.constant 22 : i32
        %get3A_2380 = arith.index_cast %get3A_2378 : i32 to index
        %get3A_2381 = arith.index_cast %scan3A_125 : i32 to index
        %get3A_2382 = arith.index_cast %get3A_2379 : i32 to index
        %get3A_2383 = arith.constant 112 : index
        %get3A_2384 = tpu.vector_load %arg4[%get3A_2380, %get3A_2381, %get3A_2382, %get3A_2383] {strides = array<i32>} : memref<2x8x32x128xf32, #tpu.memory_space<vmem>>, vector<1x1x1x16xf32>,
        %get3A_2385 = vector.shape_cast %get3A_2384 : vector<1x1x1x16xf32> to vector<16xf32>
        %min3A_2386 = arith.minimumf %min3A_2377, %get3A_2385 : vector<16xf32>
        %get3A_2387 = arith.constant 1 : i32
        %get3A_2388 = arith.constant 23 : i32
        %get3A_2389 = arith.index_cast %get3A_2387 : i32 to index
        %get3A_2390 = arith.index_cast %scan3A_125 : i32 to index
        %get3A_2391 = arith.index_cast %get3A_2388 : i32 to index
        %get3A_2392 = arith.constant 112 : index
        %get3A_2393 = tpu.vector_load %arg4[%get3A_2389, %get3A_2390, %get3A_2391, %get3A_2392] {strides = array<i32>} : memref<2x8x32x128xf32, #tpu.memory_space<vmem>>, vector<1x1x1x16xf32>,
        %get3A_2394 = vector.shape_cast %get3A_2393 : vector<1x1x1x16xf32> to vector<16xf32>
        %min3A_2395 = arith.minimumf %min3A_2386, %get3A_2394 : vector<16xf32>
        %get3A_2396 = arith.constant 1 : i32
        %get3A_2397 = arith.constant 24 : i32
        %get3A_2398 = arith.index_cast %get3A_2396 : i32 to index
        %get3A_2399 = arith.index_cast %scan3A_125 : i32 to index
        %get3A_2400 = arith.index_cast %get3A_2397 : i32 to index
        %get3A_2401 = arith.constant 112 : index
        %get3A_2402 = tpu.vector_load %arg4[%get3A_2398, %get3A_2399, %get3A_2400, %get3A_2401] {strides = array<i32>} : memref<2x8x32x128xf32, #tpu.memory_space<vmem>>, vector<1x1x1x16xf32>,
        %get3A_2403 = vector.shape_cast %get3A_2402 : vector<1x1x1x16xf32> to vector<16xf32>
        %min3A_2404 = arith.minimumf %min3A_2395, %get3A_2403 : vector<16xf32>
        %get3A_2405 = arith.constant 1 : i32
        %get3A_2406 = arith.constant 25 : i32
        %get3A_2407 = arith.index_cast %get3A_2405 : i32 to index
        %get3A_2408 = arith.index_cast %scan3A_125 : i32 to index
        %get3A_2409 = arith.index_cast %get3A_2406 : i32 to index
        %get3A_2410 = arith.constant 112 : index
        %get3A_2411 = tpu.vector_load %arg4[%get3A_2407, %get3A_2408, %get3A_2409, %get3A_2410] {strides = array<i32>} : memref<2x8x32x128xf32, #tpu.memory_space<vmem>>, vector<1x1x1x16xf32>,
        %get3A_2412 = vector.shape_cast %get3A_2411 : vector<1x1x1x16xf32> to vector<16xf32>
        %min3A_2413 = arith.minimumf %min3A_2404, %get3A_2412 : vector<16xf32>
        %get3A_2414 = arith.constant 1 : i32
        %get3A_2415 = arith.constant 26 : i32
        %get3A_2416 = arith.index_cast %get3A_2414 : i32 to index
        %get3A_2417 = arith.index_cast %scan3A_125 : i32 to index
        %get3A_2418 = arith.index_cast %get3A_2415 : i32 to index
        %get3A_2419 = arith.constant 112 : index
        %get3A_2420 = tpu.vector_load %arg4[%get3A_2416, %get3A_2417, %get3A_2418, %get3A_2419] {strides = array<i32>} : memref<2x8x32x128xf32, #tpu.memory_space<vmem>>, vector<1x1x1x16xf32>,
        %get3A_2421 = vector.shape_cast %get3A_2420 : vector<1x1x1x16xf32> to vector<16xf32>
        %min3A_2422 = arith.minimumf %min3A_2413, %get3A_2421 : vector<16xf32>
        %get3A_2423 = arith.constant 1 : i32
        %get3A_2424 = arith.constant 27 : i32
        %get3A_2425 = arith.index_cast %get3A_2423 : i32 to index
        %get3A_2426 = arith.index_cast %scan3A_125 : i32 to index
        %get3A_2427 = arith.index_cast %get3A_2424 : i32 to index
        %get3A_2428 = arith.constant 112 : index
        %get3A_2429 = tpu.vector_load %arg4[%get3A_2425, %get3A_2426, %get3A_2427, %get3A_2428] {strides = array<i32>} : memref<2x8x32x128xf32, #tpu.memory_space<vmem>>, vector<1x1x1x16xf32>,
        %get3A_2430 = vector.shape_cast %get3A_2429 : vector<1x1x1x16xf32> to vector<16xf32>
        %min3A_2431 = arith.minimumf %min3A_2422, %get3A_2430 : vector<16xf32>
        %get3A_2432 = arith.constant 1 : i32
        %get3A_2433 = arith.constant 28 : i32
        %get3A_2434 = arith.index_cast %get3A_2432 : i32 to index
        %get3A_2435 = arith.index_cast %scan3A_125 : i32 to index
        %get3A_2436 = arith.index_cast %get3A_2433 : i32 to index
        %get3A_2437 = arith.constant 112 : index
        %get3A_2438 = tpu.vector_load %arg4[%get3A_2434, %get3A_2435, %get3A_2436, %get3A_2437] {strides = array<i32>} : memref<2x8x32x128xf32, #tpu.memory_space<vmem>>, vector<1x1x1x16xf32>,
        %get3A_2439 = vector.shape_cast %get3A_2438 : vector<1x1x1x16xf32> to vector<16xf32>
        %min3A_2440 = arith.minimumf %min3A_2431, %get3A_2439 : vector<16xf32>
        %get3A_2441 = arith.constant 1 : i32
        %get3A_2442 = arith.constant 29 : i32
        %get3A_2443 = arith.index_cast %get3A_2441 : i32 to index
        %get3A_2444 = arith.index_cast %scan3A_125 : i32 to index
        %get3A_2445 = arith.index_cast %get3A_2442 : i32 to index
        %get3A_2446 = arith.constant 112 : index
        %get3A_2447 = tpu.vector_load %arg4[%get3A_2443, %get3A_2444, %get3A_2445, %get3A_2446] {strides = array<i32>} : memref<2x8x32x128xf32, #tpu.memory_space<vmem>>, vector<1x1x1x16xf32>,
        %get3A_2448 = vector.shape_cast %get3A_2447 : vector<1x1x1x16xf32> to vector<16xf32>
        %min3A_2449 = arith.minimumf %min3A_2440, %get3A_2448 : vector<16xf32>
        %get3A_2450 = arith.constant 1 : i32
        %get3A_2451 = arith.constant 30 : i32
        %get3A_2452 = arith.index_cast %get3A_2450 : i32 to index
        %get3A_2453 = arith.index_cast %scan3A_125 : i32 to index
        %get3A_2454 = arith.index_cast %get3A_2451 : i32 to index
        %get3A_2455 = arith.constant 112 : index
        %get3A_2456 = tpu.vector_load %arg4[%get3A_2452, %get3A_2453, %get3A_2454, %get3A_2455] {strides = array<i32>} : memref<2x8x32x128xf32, #tpu.memory_space<vmem>>, vector<1x1x1x16xf32>,
        %get3A_2457 = vector.shape_cast %get3A_2456 : vector<1x1x1x16xf32> to vector<16xf32>
        %min3A_2458 = arith.minimumf %min3A_2449, %get3A_2457 : vector<16xf32>
        %get3A_2459 = arith.constant 1 : i32
        %get3A_2460 = arith.constant 31 : i32
        %get3A_2461 = arith.index_cast %get3A_2459 : i32 to index
        %get3A_2462 = arith.index_cast %scan3A_125 : i32 to index
        %get3A_2463 = arith.index_cast %get3A_2460 : i32 to index
        %get3A_2464 = arith.constant 112 : index
        %get3A_2465 = tpu.vector_load %arg4[%get3A_2461, %get3A_2462, %get3A_2463, %get3A_2464] {strides = array<i32>} : memref<2x8x32x128xf32, #tpu.memory_space<vmem>>, vector<1x1x1x16xf32>,
        %get3A_2466 = vector.shape_cast %get3A_2465 : vector<1x1x1x16xf32> to vector<16xf32>
        %min3A_2467 = arith.minimumf %min3A_2458, %get3A_2466 : vector<16xf32>
        %swap3A_2468 = arith.constant 1 : i32
        %swap3A_2469 = arith.index_cast %swap3A_2468 : i32 to index
        %swap3A_2470 = arith.index_cast %scan3A_125 : i32 to index
        %swap3A_2471 = arith.constant 112 : index
        %swap3A_2472 = tpu.vector_load %arg5[%swap3A_2469, %swap3A_2470, %swap3A_2471] {strides = array<i32>} : memref<2x8x128xf32, #tpu.memory_space<vmem>>, vector<1x1x16xf32>,
        %swap3A_2473 = vector.shape_cast %swap3A_2472 : vector<1x1x16xf32> to vector<16xf32>
        %swap3A_2474 = vector.shape_cast %min3A_2467 : vector<16xf32> to vector<1x1x16xf32>
        tpu.vector_store %arg5[%swap3A_2469, %swap3A_2470, %swap3A_2471], %swap3A_2474 {strides = array<i32>} : memref<2x8x128xf32, #tpu.memory_space<vmem>>, vector<1x1x16xf32>,
      }
      %scan3A_121 = arith.constant 8 : i32
      %mul3A_122 = arith.constant 8 : i32
      %mul3A_123 = arith.muli %select_n3A_86, %mul3A_122 : i32
      %run_scoped3A_124 = arith.constant 1 : i32
      "tpu.region"() ({
        %run_scoped3A_125 = tpu.sem_alloc : memref<!tpu.dma_semaphore, #tpu.memory_space<semaphore_mem>>
        %dma_start3A_126 = arith.constant 0 : i32
        %dma_start3A_127 = arith.constant 0 : i32
        %dma_start3A_128 = tpu.memref_slice %arg5[%run_scoped3A_124, %dma_start3A_126, %dma_start3A_127] : memref<2x8x128xf32, #tpu.memory_space<vmem>> -> memref<1x8x128xf32, #tpu.memory_space<vmem>>
        %dma_start3A_129 = tpu.memref_squeeze %dma_start3A_128 : memref<1x8x128xf32, #tpu.memory_space<vmem>> -> memref<8x128xf32, #tpu.memory_space<vmem>>
        %dma_start3A_130 = arith.constant 0 : i32
        %dma_start3A_131 = tpu.memref_slice %arg3[%mul3A_123, %dma_start3A_130] : memref<10000x128xf32, #tpu.memory_space<hbm>> -> memref<8x128xf32, #tpu.memory_space<hbm>>
        %dma_start3A_132 = arith.constant 0 : i32
        %dma_start3A_133 = tpu.memref_slice %arg3[%mul3A_123, %dma_start3A_132] : memref<10000x128xf32, #tpu.memory_space<hbm>> -> memref<8x128xf32, #tpu.memory_space<hbm>>
        %dma_start3A_134 = arith.constant 0 : i32
        %dma_start3A_135 = arith.constant 0 : i32
        %dma_start3A_136 = tpu.memref_slice %arg5[%run_scoped3A_124, %dma_start3A_134, %dma_start3A_135] : memref<2x8x128xf32, #tpu.memory_space<vmem>> -> memref<1x8x128xf32, #tpu.memory_space<vmem>>
        %dma_start3A_137 = tpu.memref_squeeze %dma_start3A_136 : memref<1x8x128xf32, #tpu.memory_space<vmem>> -> memref<8x128xf32, #tpu.memory_space<vmem>>
        tpu.enqueue_dma source(%dma_start3A_137 : memref<8x128xf32, #tpu.memory_space<vmem>>) target(%dma_start3A_133 : memref<8x128xf32, #tpu.memory_space<hbm>>) target_semaphore(%run_scoped3A_125 : memref<!tpu.dma_semaphore, #tpu.memory_space<semaphore_mem>>)
        %dma_wait3A_138 = arith.constant 0 : i32
        %dma_wait3A_139 = arith.constant 0 : i32
        %dma_wait3A_140 = tpu.memref_slice %arg5[%run_scoped3A_124, %dma_wait3A_138, %dma_wait3A_139] : memref<2x8x128xf32, #tpu.memory_space<vmem>> -> memref<1x8x128xf32, #tpu.memory_space<vmem>>
        %dma_wait3A_141 = tpu.memref_squeeze %dma_wait3A_140 : memref<1x8x128xf32, #tpu.memory_space<vmem>> -> memref<8x128xf32, #tpu.memory_space<vmem>>
        %dma_wait3A_142 = arith.constant 0 : i32
        %dma_wait3A_143 = tpu.memref_slice %arg3[%mul3A_123, %dma_wait3A_142] : memref<10000x128xf32, #tpu.memory_space<hbm>> -> memref<8x128xf32, #tpu.memory_space<hbm>>
        %dma_wait3A_144 = arith.constant 0 : i32
        %dma_wait3A_145 = tpu.memref_slice %arg3[%mul3A_123, %dma_wait3A_144] : memref<10000x128xf32, #tpu.memory_space<hbm>> -> memref<8x128xf32, #tpu.memory_space<hbm>>
        %dma_wait3A_146 = arith.constant 0 : i32
        %dma_wait3A_147 = arith.constant 0 : i32
        %dma_wait3A_148 = tpu.memref_slice %arg5[%run_scoped3A_124, %dma_wait3A_146, %dma_wait3A_147] : memref<2x8x128xf32, #tpu.memory_space<vmem>> -> memref<1x8x128xf32, #tpu.memory_space<vmem>>
        %dma_wait3A_149 = tpu.memref_squeeze %dma_wait3A_148 : memref<1x8x128xf32, #tpu.memory_space<vmem>> -> memref<8x128xf32, #tpu.memory_space<vmem>>
        tpu.wait_dma2 semaphore(%run_scoped3A_125 : memref<!tpu.dma_semaphore, #tpu.memory_space<semaphore_mem>>) src(%dma_wait3A_149 : memref<8x128xf32, #tpu.memory_space<vmem>>) dst(%dma_wait3A_145 : memref<8x128xf32, #tpu.memory_space<hbm>>)
        tpu.yield
      }) : () -> ()
    }
    %scan3A_32 = arith.constant 20 : i32
    return
  }
}

module attributes {stable_mosaic.version = 14 : i64} {
  func.func @_lin_body(%arg0: i32, %arg1: memref<2000x128xf32, #tpu.memory_space<vmem>>, %arg2: memref<2000x128xf32, #tpu.memory_space<vmem>>, %arg3: memref<128x128xf32, #tpu.memory_space<vmem>>, %arg4: memref<128x128xf32, #tpu.memory_space<vmem>>, %arg5: memref<1x128xf32, #tpu.memory_space<vmem>>, %arg6: memref<2000x128xf32, #tpu.memory_space<vmem>>) attributes {dimension_semantics = [#tpu.dimension_semantics<arbitrary>], iteration_bounds = array<i64: 5>, scalar_prefetch = 0 : i64, scratch_operands = 0 : i64, tpu.core_type = #tpu.core_type<tc>, window_params = [{transform_indices = @transform_0, window_bounds = array<i64: 2000, 128>}, {transform_indices = @transform_1, window_bounds = array<i64: 2000, 128>}, {pipeline_mode = #tpu.pipeline_mode<synchronous>, transform_indices = @transform_2, window_bounds = array<i64: 128, 128>}, {pipeline_mode = #tpu.pipeline_mode<synchronous>, transform_indices = @transform_3, window_bounds = array<i64: 128, 128>}, {pipeline_mode = #tpu.pipeline_mode<synchronous>, transform_indices = @transform_4, window_bounds = array<i64: 1, 128>}, {transform_indices = @transform_5, window_bounds = array<i64: 2000, 128>}]} {
    %get3A = arith.constant 0 : index
    %get3A_0 = arith.constant 0 : index
    %get3A_1 = vector.load %arg1[%get3A, %get3A_0] : memref<2000x128xf32, #tpu.memory_space<vmem>>, vector<2000x128xf32>
    %get3A_2 = arith.constant 0 : index
    %get3A_3 = arith.constant 0 : index
    %get3A_4 = vector.load %arg3[%get3A_2, %get3A_3] : memref<128x128xf32, #tpu.memory_space<vmem>>, vector<128x128xf32>
    %dot_general3A = arith.constant dense<0.000000e+00> : vector<2000x128xf32>
    %dot_general3A_5 = tpu.matmul %get3A_1, %get3A_4, %dot_general3A {dimension_numbers = #tpu.dot_dimension_numbers<[1], [0], [0], [1], [0, 0, 1, 1], [], []>, transpose_lhs_hint = false} : vector<2000x128xf32>, vector<128x128xf32>, vector<2000x128xf32> -> vector<2000x128xf32>
    %get3A_6 = arith.constant 0 : index
    %get3A_7 = arith.constant 0 : index
    %get3A_8 = vector.load %arg2[%get3A_6, %get3A_7] : memref<2000x128xf32, #tpu.memory_space<vmem>>, vector<2000x128xf32>
    %get3A_9 = arith.constant 0 : index
    %get3A_10 = arith.constant 0 : index
    %get3A_11 = vector.load %arg4[%get3A_9, %get3A_10] : memref<128x128xf32, #tpu.memory_space<vmem>>, vector<128x128xf32>
    %dot_general3A_12 = arith.constant dense<0.000000e+00> : vector<2000x128xf32>
    %dot_general3A_13 = tpu.matmul %get3A_8, %get3A_11, %dot_general3A_12 {dimension_numbers = #tpu.dot_dimension_numbers<[1], [0], [0], [1], [0, 0, 1, 1], [], []>, transpose_lhs_hint = false} : vector<2000x128xf32>, vector<128x128xf32>, vector<2000x128xf32> -> vector<2000x128xf32>
    %add3A = arith.addf %dot_general3A_5, %dot_general3A_13 : vector<2000x128xf32>
    %get3A_14 = arith.constant 0 : index
    %get3A_15 = arith.constant 0 : index
    %get3A_16 = vector.load %arg5[%get3A_14, %get3A_15] : memref<1x128xf32, #tpu.memory_space<vmem>>, vector<1x128xf32>
    %add3A_17 = vector.broadcast %get3A_16 : vector<1x128xf32> to vector<2000x128xf32>
    %add3A_18 = arith.addf %add3A, %add3A_17 : vector<2000x128xf32>
    %swap3A = arith.constant 0 : index
    %swap3A_19 = arith.constant 0 : index
    %swap3A_20 = vector.load %arg6[%swap3A, %swap3A_19] : memref<2000x128xf32, #tpu.memory_space<vmem>>, vector<2000x128xf32>
    tpu.vector_store %arg6[%swap3A, %swap3A_19], %add3A_18 {strides = array<i32>} : memref<2000x128xf32, #tpu.memory_space<vmem>>, vector<2000x128xf32>,
    return
  }
  func.func @transform_0(%arg0: i32) -> (i32, i32) {
    %c0_i32 = arith.constant 0 : i32
    %c0_i32_0 = arith.constant 0 : i32
    return %arg0, %c0_i32 : i32, i32
  }
  func.func @transform_1(%arg0: i32) -> (i32, i32) {
    %c0_i32 = arith.constant 0 : i32
    %c0_i32_0 = arith.constant 0 : i32
    return %arg0, %c0_i32 : i32, i32
  }
  func.func @transform_2(%arg0: i32) -> (i32, i32) {
    %c0_i32 = arith.constant 0 : i32
    %c0_i32_0 = arith.constant 0 : i32
    %c0_i32_1 = arith.constant 0 : i32
    return %c0_i32, %c0_i32_0 : i32, i32
  }
  func.func @transform_3(%arg0: i32) -> (i32, i32) {
    %c0_i32 = arith.constant 0 : i32
    %c0_i32_0 = arith.constant 0 : i32
    %c0_i32_1 = arith.constant 0 : i32
    return %c0_i32, %c0_i32_0 : i32, i32
  }
  func.func @transform_4(%arg0: i32) -> (i32, i32) {
    %c0_i32 = arith.constant 0 : i32
    %c0_i32_0 = arith.constant 0 : i32
    %c0_i32_1 = arith.constant 0 : i32
    return %c0_i32, %c0_i32_0 : i32, i32
  }
  func.func @transform_5(%arg0: i32) -> (i32, i32) {
    %c0_i32 = arith.constant 0 : i32
    %c0_i32_0 = arith.constant 0 : i32
    return %arg0, %c0_i32 : i32, i32
  }
}

</mosaic_0001>

<sc_bundles>
// kernel: kernel.4.cloned.1.call-start
scs
__scs_entry_jumppad:
0x0: {  	(pc) =	sbr.rel $0x88, $3  }
0x1: {  	(tag) =	ssettag $0x0;
	lr =	simm.s32 $0x1  }
0x2: {  	[smem:$0x3F9D] =	sst lr;
	_ =	strace $0xD0000000  }
0x3: {  	_ = 	snop  }
0x4: {  	_ = 	snop  }
0x5: {  	_ = 	snop  }
0x6: {  	_ = 	snop  }
0x7: {  	_ = 	snop  }
__scs_overlays_trampoline_lowered:
0x8: {  	[smem:$0x3FAC] =	sst s0  }
0x9: {  	[smem:$0x3FAD] =	sst s1  }
0xa: {  	[smem:$0x3FAE] =	sst s2  }
0xb: {  	[smem:$0x3FAF] =	sst s3  }
0xc: {  	[smem:$0x3FB0] =	sst s4  }
0xd: {  	[smem:$0x3FB1] =	sst s5  }
0xe: {  	[smem:$0x3FB2] =	sst s6  }
0xf: {  	[smem:$0x3FB3] =	sst s7  }
0x10: {  	[smem:$0x3FB4] =	sst s8  }
0x11: {  	[smem:$0x3FB5] =	sst s9;
	s0 =	simm.s32 @!p0 $0x0  }
0x12: {  	s1 =	sld [smem:$0x3F9B];
	s0 =	simm.s32 @p0 $0x1  }
0x13: {  	[smem:$0x3FB6] =	sst s0;
	s0 =	simm.s32 @!p1 $0x0  }
0x14: {  	s2 =	sld [smem:$0x3F9A];
	s0 =	simm.s32 @p1 $0x1  }
0x15: {  	[smem:$0x3FB7] =	sst s0;
	s0 =	simm.s32 @!p2 $0x0  }
0x16: {  	s3 =	sld [smem:$0x3FDB];
	s0 =	simm.s32 @p2 $0x1  }
0x17: {  	s4 =	simm.s32 $0x1BF5;
	[smem:$0x3FB9] =	sst s0  }
0x18: {  	s0 =	sld [smem:$0x3F9C];
	_ =	swait.ge [sflag:s4], $0x0  }
0x19: {  	s7 =	sld [smem:$0x3F9D]  }
0x1a: {  	s8 =	sadd.s32 $0xFFFFE003, lr  }
0x1b: {  	s9 =	sadd.s32 $0xFFFFFEF7, lr;
	s5 =	simm.s32 $0xFFFFFFFF;
	p2 =	slt.u32 s8, $0xFFFFF086  }
0x1c: {  	p1 =	slt.u32 s9, $0xF7A;
	s5 =	simm.s32 @!p2 $0x0  }
0x1d: {  	s5 =	simm.s32 @p1 $0x1;
	p0 =	seq.s32 s7, s2  }
0x1e: {  	s7 =	smul.u32 @!p0 $0xF7A, s2;
	p2 =	seq.s32 @!p0 s5, $0x0  }
0x1f: {  	s9 =	smul.u32 $0xF7A, s1;
	s8 =	simm.s32 @!p0 $0x1BF5;
	p2 =	por !p2, p0  }
0x20: {  	[sflag:s8] =	ssyncset.s32 @!p0 $0xFFFFF086;
	s6 =	sadd.s32 @!p0 s3, s7;
	s7 =	simm.s32 @!p0 $0x108  }
0x21: {  	s3 =	sadd.s32 s3, s9;
	s6 =	sadd.s32 @!p0 $0x88, s6;
	s7 =	simm.s32 @p2 $0x1082  }
0x22: {  	[simem:s7], [sflag:s8] =	dma.local @!p0 [hbm:s6], $0xF7A  }
0x23: {  	s9 =	sor.u32 $0xD0000000, s2;
	s6 =	simm.s32 $0x108;
	_ =	swait.ge @!p0 [sflag:s8], $0x0  }
0x24: {  	s3 =	sadd.s32 $0x88, s3;
	s6 =	simm.s32 @!p1 $0x1082;
	[sflag:s4] =	ssyncset.s32 $0xFFFFF086  }
0x25: {  	[simem:s6], [sflag:s4] =	dma.local [hbm:s3], $0xF7A  }
0x26: {  	[smem:$0x3F9D] =	sst s1;
	(tag) =	ssettag s2;
	_ =	strace s9  }
0x27: {  	s1 =	sld [smem:$0x3FAD]  }
0x28: {  	s2 =	sld [smem:$0x3FAE]  }
0x29: {  	s4 =	sld [smem:$0x3FB0]  }
0x2a: {  	p0 =	seq.s32 s5, $0x0;
	s5 =	sld [smem:$0x3FB1]  }
0x2b: {  	s6 =	sld [smem:$0x3FB2]  }
0x2c: {  	s7 =	sld [smem:$0x3FB3]  }
0x2d: {  	s3 =	simm.s32 $0x108;
	s8 =	sld [smem:$0x3FB4]  }
0x2e: {  	s3 =	simm.s32 @!p0 $0x1082;
	s9 =	sld [smem:$0x3FB5]  }
0x2f: {  	lr =	sadd.s32 s0, s3;
	s0 =	sld [smem:$0x3FAC]  }
0x30: {  	s3 =	sld [smem:$0x3FAF]  }
0x31: {  	[smem:$0x3FB8] =	sst s10  }
0x32: {  	s10 =	sld [smem:$0x3FB6];
	_ =	sdelay $0x3  }
0x33: {  	p0 =	seq.s32 s10, $0x1;
	s10 =	sld [smem:$0x3FB8];
	_ =	sdelay $0x3  }
0x34: {  	[smem:$0x3FB8] =	sst s10  }
0x35: {  	s10 =	sld [smem:$0x3FB7];
	_ =	sdelay $0x3  }
0x36: {  	p1 =	seq.s32 s10, $0x1;
	s10 =	sld [smem:$0x3FB8];
	_ =	sdelay $0x3  }
0x37: {  	[smem:$0x3FB8] =	sst s10  }
0x38: {  	s10 =	sld [smem:$0x3FB9]  }
0x39: {  	_ = 	snop;
	(pc) =	sbr.ind lr, $3  }
0x3a: {  	_ = 	snop  }
0x3b: {  	_ = 	snop  }
0x3c: {  	p2 =	seq.s32 s10, $0x1;
	s10 =	sld [smem:$0x3FB8]  }
0x3d: {  	_ =	shalt  }
0x3e: {  	_ =	shalt  }
0x3f: {  	_ =	shalt  }
0x40: {  	_ =	shalt  }
0x41: {  	_ =	shalt  }
0x42: {  	_ =	shalt  }
0x43: {  	_ =	shalt  }
0x44: {  	_ =	shalt  }
0x45: {  	_ =	shalt  }
0x46: {  	_ =	shalt  }
0x47: {  	_ =	shalt  }
0x48: {  	_ =	shalt  }
0x49: {  	_ =	shalt  }
0x4a: {  	_ =	shalt  }
0x4b: {  	_ =	shalt  }
0x4c: {  	_ =	shalt  }
0x4d: {  	_ =	shalt  }
0x4e: {  	_ =	shalt  }
0x4f: {  	_ =	shalt  }
0x50: {  	_ =	shalt  }
0x51: {  	_ =	shalt  }
0x52: {  	_ =	shalt  }
0x53: {  	_ =	shalt  }
0x54: {  	_ =	shalt  }
0x55: {  	_ =	shalt  }
0x56: {  	_ =	shalt  }
0x57: {  	_ =	shalt  }
0x58: {  	_ =	shalt  }
0x59: {  	_ =	shalt  }
0x5a: {  	_ =	shalt  }
0x5b: {  	_ =	shalt  }
0x5c: {  	_ =	shalt  }
0x5d: {  	_ =	shalt  }
0x5e: {  	_ =	shalt  }
0x5f: {  	_ =	shalt  }
0x60: {  	_ =	shalt  }
0x61: {  	_ =	shalt  }
0x62: {  	_ =	shalt  }
0x63: {  	_ =	shalt  }
0x64: {  	_ =	shalt  }
0x65: {  	_ =	shalt  }
0x66: {  	_ =	shalt  }
0x67: {  	_ =	shalt  }
0x68: {  	_ =	shalt  }
0x69: {  	_ =	shalt  }
0x6a: {  	_ =	shalt  }
0x6b: {  	_ =	shalt  }
0x6c: {  	_ =	shalt  }
0x6d: {  	_ =	shalt  }
0x6e: {  	_ =	shalt  }
0x6f: {  	_ =	shalt  }
0x70: {  	_ =	shalt  }
0x71: {  	_ =	shalt  }
0x72: {  	_ =	shalt  }
0x73: {  	_ =	shalt  }
0x74: {  	_ =	shalt  }
0x75: {  	_ =	shalt  }
0x76: {  	_ =	shalt  }
0x77: {  	_ =	shalt  }
0x78: {  	_ =	shalt  }
0x79: {  	_ =	shalt  }
0x7a: {  	_ =	shalt  }
0x7b: {  	_ =	shalt  }
0x7c: {  	_ =	shalt  }
0x7d: {  	_ =	shalt  }
0x7e: {  	_ =	shalt  }
0x7f: {  	_ =	shalt  }
0x80: {  	_ =	shalt  }
0x81: {  	_ =	shalt  }
0x82: {  	_ =	shalt  }
0x83: {  	_ =	shalt  }
0x84: {  	_ =	shalt  }
0x85: {  	_ =	shalt  }
0x86: {  	_ =	shalt  }
0x87: {  	_ =	shalt  }
.Lfunc_end0:
.L_simem_size_0:
called_computation_lowered:
.L_overlay_start_0:
0x88: {  	s2 =	sld [smem:$0x3FD9]  }
0x89: {  	s3 =	sld [smem:$0x3FFE];
	_ =	sdelay $0x1  }
0x8a: {  	s1 =	srdreg.scid  }
0x8b: {  	s0 =	sand.u32 $0x1, s1  }
0x8c: {  	s18 =	sshll.u32 s0, $0xA;
	s2 =	sadd.s32 s3, s2  }
0x8d: {  	s2 =	sadd.s32 s2, s18  }
0x8e: {  	[smem:$0x3FC4] =	sst s2  }
0x8f: {  	_ = 	snop  }
0x90: {  	s2 =	sld [smem:$0x3FC9]  }
0x91: {  	s19 =	sld [smem:$0x3FD0];
	(tm) =	ssettm $0x1  }
0x92: {  	s4 =	sld [smem:$0x3FFB];
	_ =	sdelay $0x3  }
0x93: {  	_ =	strace s4  }
0x94: {  	s4 =	sld [smem:$0x3FFC];
	_ =	sdelay $0x3  }
0x95: {  	_ =	strace s4  }
0x96: {  	s4 =	sld [smem:$0x3FFD];
	_ =	sdelay $0x3  }
0x97: {  	_ =	strace s4  }
0x98: {  	_ =	strace $0x8FFFFFFF  }
0x99: {  	s20 =	sld [smem:$0x3FDB];
	_ =	sdelay $0x1  }
0x9a: {  	s5 =	simm.s32 $_scs_section_size  }
0x9b: {  	s6 =	simm.s32 $_size__tile_overlayer_lowered;
	s7 =	simm.s32 $_tile_overlayer_lowered  }
0x9c: {  	s23 =	simm.s32 $0x1BFF;
	s22 =	sshll.u32 s7, $0x1;
	s4 =	sadd.s32 s5, s20  }
0x9d: {  	s8 =	simm.s32 $0x0;
	s21 =	sshll.u32 s6, $0x1;
	s6 =	sadd.s32 s22, s4  }
0x9e: {  	[timem:s8], [sflag:s23] =	dma.local [hbm:s6], s21  }
0x9f: {  	_ =	swait.ge [sflag:s23], s21  }
0xa0: {  	s5 =	ssub.s32 $0x0, s21;
	[sflag:s23] =	ssyncset.done $0x0  }
0xa1: {  	[sflag:s23] =	ssyncadd.s32 s5;
	_ =	sdelay $0x1  }
0xa2: {  	s24 =	simm.s32 $0x1B8B  }
0xa3: {  	_ =	swait.ge [sflag:s24], $0x1  }
0xa4: {  	[sflag:s24] =	ssyncset.done $0x0  }
0xa5: {  	s25 =	simm.s32 $0x1B8E;
	[sflag:s24] =	ssyncadd.s32 $0xFFFFFFFF  }
0xa6: {  	s26 =	simm.s32 $execute0_lowered;
	[smem:$0x3FD2] =	sst s25  }
0xa7: {  	s5 =	sshll.u32 s26, $0x1;
	_ =	strace $0x80000046;
	[dreg:$0x1] =	wrdreg $0xFFFFFFFF  }
0xa8: {  	s28 =	simm.s32 $_size_execute0_lowered;
	s4 =	sadd.s32 s4, s5;
	[dreg:$0x0] =	wrdreg $0x0  }
0xa9: {  	s5 =	sshll.u32 s28, $0x1;
	[dreg:$0x2] =	wrdreg s4  }
0xaa: {  	[dreg:$0x3] =	wrdreg s5  }
0xab: {  	[dreg:$0x4] =	wrdreg $0xC0  }
0xac: {  	_ =	task [dreg:s8], $0x5FFFF  }
0xad: {  	[dreg:$0x1] =	wrdreg $0xFFFFFFFF  }
0xae: {  	[dreg:$0x0] =	wrdreg $0x60  }
0xaf: {  	[dreg:$0x2] =	wrdreg s2  }
0xb0: {  	[dreg:$0x3] =	wrdreg s19  }
0xb1: {  	[dreg:$0x4] =	wrdreg $0x9  }
0xb2: {  	_ =	task.clear_ibuf [dreg:s8], $0x5FFFF;
	_ =	strace $0x90000046  }
0xb3: {  	s29 =	simm.s32 $0x9;
	_ =	strace $0x80000048  }
0xb4: {  	_ =	swait.ge [sflag:s29], $0x1  }
0xb5: {  	[sflag:s29] =	ssyncadd.s32 $0xFFFFFFFF  }
0xb6: {  	_ =	strace $0x90000048  }
0xb7: {  	_ =	sfence  }
0xb8: {  	s30 =	sld [smem:$0x0];
	_ =	sdelay $0x2  }
0xb9: {  	s31 =	sshll.u32 s1, $0xD;
	s1 =	sshrl.u32 s1, $0x2  }
0xba: {  	s3 =	sand.u32 $0x4000, s31;
	s1 =	sadd.s32 s1, s30  }
0xbb: {  	s0 =	sor.u32 s3, s0;
	s1 =	sshll.u32 s1, $0x11  }
0xbc: {  	s0 =	sor.u32 s1, s0  }
0xbd: {  	s0 =	sadd.s32 $0x8F2B, s0  }
0xbe: {  	[sflag:s0] =	ssyncadd.remote.s32 $0x1  }
0xbf: {  	_ =	sfence.sel $0xFFFF  }
0xc0: {  	[dreg:$0x0] =	wrdreg $0xFFFFFFFF;
	(pc) =	sbr.abs _section_cstart, $3  }
0xc1: {  	[dreg:$0x1] =	wrdreg $0xFFFFFFFF  }
0xc2: {  	_ =	task.clear_ibuf [dreg:s8], $0x2FFFF;
	_ =	strace $0x9FFFFFFF  }
0xc3: {  	(tm) =	ssettm $0x7FFFFFFF  }
tec
execute0_lowered:
.L_overlay_start_1:
0x0: {  	(tag) =	ssettag $0x1  }
0x1: {  	s1 =	rddreg [dreg:$0x0]  }
0x2: {  	s2 =	rddreg [dreg:$0x1];
	s3 =	srdreg.scid  }
0x3: {  	s0 =	rddreg [dreg:$0x2];
	s4 =	simm.s32 $0x0;
	s9 =	simm.s32 $0x1  }
0x4: {  	s10 =	simm.s32 $0x8000;
	s11 =	simm.s32 $0x10000;
	s12 =	simm.s32 $0x3  }
0x5: {  	s13 =	simm.s32 $0x2;
	s14 =	simm.s32 $0x10400;
	s15 =	simm.s32 $0x0  }
0x6: {  	s5 =	sand.u32 $0x1, s3;
	[smem:$0x7FF] =	sst s4;
	s3 =	stileid.u32  }
0x7: {  	s7 =	ssub.s32 $0x2, s5;
	_ =	strace $0x80000047;
	s6 =	sshll.u32 s3, $0x1  }
0x8: {  	p0 =	seq.s32 s3, $0x0;
	s8 =	sshrl.u32 s7, $0x1;
	s5 =	sor.u32 s5, s6  }
0x9: {  	s6 =	simm.s32 $0x28;
	s8 =	ssub.s32 s7, s8;
	s31 =	sshll.u32 s5, $0xC  }
0xa: {  	s6 =	simm.s32 @!p0 $0x27;
	s7 =	sadd.s32 s1, s31;
	s8 =	smax.u32 s8, $0x1  }
.LBB2_1:
0xb: {  	[tilespmem:s4], [sflag:$0x1] =	stream.linear.gather [hbm4b:s7+s4], $0x8000, $0x38;
	[tilespmem:$0x10800] =	vst v63  }
0xc: {  	s16 =	simm.s32 $0x0  }
.LBB2_2:
0xd: {  	s17 =	sshllo.u32 s16, $0x1  }
0xe: {  	p0 =	slt.u32 s17, s6;
	s17 =	sshll.u32 s17, $0x5  }
0xf: {  	s17 =	simm.s32 @!p0 $0x0  }
0x10: {  	s17 =	sor.u32 s5, s17  }
0x11: {  	_ =	swait.ge [sflag:s9], $0x8000;
	s18 =	sshll.u32 s17, $0xC  }
0x12: {  	s19 =	simm.s32 $0x0;
	[sflag:s9] =	ssyncset.done $0x0;
	s18 =	sand.u32 $0x1FFFF000, s18  }
0x13: {  	s30 =	simm.s32 $0x0;
	[sflag:s9] =	ssyncadd.s32 $0xFFFF8000;
	s18 =	sadd.s32 s1, s18  }
0x14: {  	[tilespmem:s10], [sflag:$0x2] =	stream.linear.gather [hbm4b:s18+s19], $0x8000, $0x38;
	[tilespmem:$0x10800] =	vst v63  }
0x15: {  	s18 =	sand.u32 $0x3FFFF000, s30  }
0x16: {  	v0 =	vld [tilespmem:s18+$0x0]  }
0x17: {  	v1 =	vld [tilespmem:s18+$0x80]  }
0x18: {  	v2 =	vld [tilespmem:s18+$0x100]  }
0x19: {  	v3 =	vld [tilespmem:s18+$0x180]  }
0x1a: {  	v4 =	vld [tilespmem:s18+$0x200]  }
0x1b: {  	v5 =	vld [tilespmem:s18+$0x280]  }
0x1c: {  	v0 =	vmin.f32 v0, v1;
	v1 =	vld [tilespmem:s18+$0x300]  }
0x1d: {  	v0 =	vmin.f32 v0, v2;
	v2 =	vld [tilespmem:s18+$0x380]  }
0x1e: {  	v0 =	vmin.f32 v0, v3;
	v3 =	vld [tilespmem:s18+$0x400]  }
0x1f: {  	v0 =	vmin.f32 v0, v4;
	v4 =	vld [tilespmem:s18+$0x480]  }
0x20: {  	v0 =	vmin.f32 v0, v5;
	v5 =	vld [tilespmem:s18+$0x500]  }
0x21: {  	v0 =	vmin.f32 v0, v1;
	v1 =	vld [tilespmem:s18+$0x580]  }
0x22: {  	v0 =	vmin.f32 v0, v2;
	v2 =	vld [tilespmem:s18+$0x600]  }
0x23: {  	v0 =	vmin.f32 v0, v3;
	v3 =	vld [tilespmem:s18+$0x680]  }
0x24: {  	v0 =	vmin.f32 v0, v4;
	v4 =	vld [tilespmem:s18+$0x700]  }
0x25: {  	v0 =	vmin.f32 v0, v5;
	v5 =	vld [tilespmem:s18+$0x780]  }
0x26: {  	v0 =	vmin.f32 v0, v1;
	v1 =	vld [tilespmem:s18+$0x800]  }
0x27: {  	v0 =	vmin.f32 v0, v2;
	v2 =	vld [tilespmem:s18+$0x880]  }
0x28: {  	v0 =	vmin.f32 v0, v3;
	v3 =	vld [tilespmem:s18+$0x900]  }
0x29: {  	v0 =	vmin.f32 v0, v4;
	v4 =	vld [tilespmem:s18+$0x980]  }
0x2a: {  	v0 =	vmin.f32 v0, v5;
	v5 =	vld [tilespmem:s18+$0xA00]  }
0x2b: {  	v0 =	vmin.f32 v0, v1;
	v1 =	vld [tilespmem:s18+$0xA80]  }
0x2c: {  	v0 =	vmin.f32 v0, v2;
	v2 =	vld [tilespmem:s18+$0xB00]  }
0x2d: {  	v0 =	vmin.f32 v0, v3;
	v3 =	vld [tilespmem:s18+$0xB80]  }
0x2e: {  	v0 =	vmin.f32 v0, v4;
	v4 =	vld [tilespmem:s18+$0xC00]  }
0x2f: {  	v0 =	vmin.f32 v0, v5;
	v5 =	vld [tilespmem:s18+$0xC80]  }
0x30: {  	v0 =	vmin.f32 v0, v1;
	v1 =	vld [tilespmem:s18+$0xD00]  }
0x31: {  	v0 =	vmin.f32 v0, v2;
	v2 =	vld [tilespmem:s18+$0xD80]  }
0x32: {  	v0 =	vmin.f32 v0, v3;
	v3 =	vld [tilespmem:s18+$0xE00]  }
0x33: {  	v0 =	vmin.f32 v0, v4;
	v4 =	vld [tilespmem:s18+$0xE80]  }
0x34: {  	v0 =	vmin.f32 v0, v5;
	v5 =	vld [tilespmem:s18+$0xF00]  }
0x35: {  	v0 =	vmin.f32 v0, v1;
	v1 =	vld [tilespmem:s18+$0xF80]  }
0x36: {  	v0 =	vmin.f32 v0, v2  }
0x37: {  	v0 =	vmin.f32 v0, v3  }
0x38: {  	v0 =	vmin.f32 v0, v4  }
0x39: {  	s31 =	simm.s32 $0x0;
	v0 =	vmin.f32 v0, v5  }
0x3a: {  	s19 =	sand.u32 $0x3FFFFF80, s31;
	v0 =	vmin.f32 v0, v1  }
0x3b: {  	[tilespmem:s19+$0x10000] =	vst v0  }
0x3c: {  	v0 =	vld [tilespmem:s18+$0x10]  }
0x3d: {  	v1 =	vld [tilespmem:s18+$0x90]  }
0x3e: {  	v2 =	vld [tilespmem:s18+$0x110]  }
0x3f: {  	v3 =	vld [tilespmem:s18+$0x190]  }
0x40: {  	v4 =	vld [tilespmem:s18+$0x210]  }
0x41: {  	v5 =	vld [tilespmem:s18+$0x290]  }
0x42: {  	v0 =	vmin.f32 v0, v1;
	v1 =	vld [tilespmem:s18+$0x310]  }
0x43: {  	v0 =	vmin.f32 v0, v2;
	v2 =	vld [tilespmem:s18+$0x390]  }
0x44: {  	v0 =	vmin.f32 v0, v3;
	v3 =	vld [tilespmem:s18+$0x410]  }
0x45: {  	v0 =	vmin.f32 v0, v4;
	v4 =	vld [tilespmem:s18+$0x490]  }
0x46: {  	v0 =	vmin.f32 v0, v5;
	v5 =	vld [tilespmem:s18+$0x510]  }
0x47: {  	v0 =	vmin.f32 v0, v1;
	v1 =	vld [tilespmem:s18+$0x590]  }
0x48: {  	v0 =	vmin.f32 v0, v2;
	v2 =	vld [tilespmem:s18+$0x610]  }
0x49: {  	v0 =	vmin.f32 v0, v3;
	v3 =	vld [tilespmem:s18+$0x690]  }
0x4a: {  	v0 =	vmin.f32 v0, v4;
	v4 =	vld [tilespmem:s18+$0x710]  }
0x4b: {  	v0 =	vmin.f32 v0, v5;
	v5 =	vld [tilespmem:s18+$0x790]  }
0x4c: {  	v0 =	vmin.f32 v0, v1;
	v1 =	vld [tilespmem:s18+$0x810]  }
0x4d: {  	v0 =	vmin.f32 v0, v2;
	v2 =	vld [tilespmem:s18+$0x890]  }
0x4e: {  	v0 =	vmin.f32 v0, v3;
	v3 =	vld [tilespmem:s18+$0x910]  }
0x4f: {  	v0 =	vmin.f32 v0, v4;
	v4 =	vld [tilespmem:s18+$0x990]  }
0x50: {  	v0 =	vmin.f32 v0, v5;
	v5 =	vld [tilespmem:s18+$0xA10]  }
0x51: {  	v0 =	vmin.f32 v0, v1;
	v1 =	vld [tilespmem:s18+$0xA90]  }
0x52: {  	v0 =	vmin.f32 v0, v2;
	v2 =	vld [tilespmem:s18+$0xB10]  }
0x53: {  	v0 =	vmin.f32 v0, v3;
	v3 =	vld [tilespmem:s18+$0xB90]  }
0x54: {  	v0 =	vmin.f32 v0, v4;
	v4 =	vld [tilespmem:s18+$0xC10]  }
0x55: {  	v0 =	vmin.f32 v0, v5;
	v5 =	vld [tilespmem:s18+$0xC90]  }
0x56: {  	v0 =	vmin.f32 v0, v1;
	v1 =	vld [tilespmem:s18+$0xD10]  }
0x57: {  	v0 =	vmin.f32 v0, v2;
	v2 =	vld [tilespmem:s18+$0xD90]  }
0x58: {  	v0 =	vmin.f32 v0, v3;
	v3 =	vld [tilespmem:s18+$0xE10]  }
0x59: {  	v0 =	vmin.f32 v0, v4;
	v4 =	vld [tilespmem:s18+$0xE90]  }
0x5a: {  	v0 =	vmin.f32 v0, v5;
	v5 =	vld [tilespmem:s18+$0xF10]  }
0x5b: {  	v0 =	vmin.f32 v0, v1;
	v1 =	vld [tilespmem:s18+$0xF90]  }
0x5c: {  	v0 =	vmin.f32 v0, v2  }
0x5d: {  	v0 =	vmin.f32 v0, v3  }
0x5e: {  	v0 =	vmin.f32 v0, v4  }
0x5f: {  	v0 =	vmin.f32 v0, v5  }
0x60: {  	v0 =	vmin.f32 v0, v1  }
0x61: {  	[tilespmem:s19+$0x10010] =	vst v0  }
0x62: {  	v0 =	vld [tilespmem:s18+$0x20]  }
0x63: {  	v1 =	vld [tilespmem:s18+$0xA0]  }
0x64: {  	v2 =	vld [tilespmem:s18+$0x120]  }
0x65: {  	v3 =	vld [tilespmem:s18+$0x1A0]  }
0x66: {  	v4 =	vld [tilespmem:s18+$0x220]  }
0x67: {  	v5 =	vld [tilespmem:s18+$0x2A0]  }
0x68: {  	v0 =	vmin.f32 v0, v1;
	v1 =	vld [tilespmem:s18+$0x320]  }
0x69: {  	v0 =	vmin.f32 v0, v2;
	v2 =	vld [tilespmem:s18+$0x3A0]  }
0x6a: {  	v0 =	vmin.f32 v0, v3;
	v3 =	vld [tilespmem:s18+$0x420]  }
0x6b: {  	v0 =	vmin.f32 v0, v4;
	v4 =	vld [tilespmem:s18+$0x4A0]  }
0x6c: {  	v0 =	vmin.f32 v0, v5;
	v5 =	vld [tilespmem:s18+$0x520]  }
0x6d: {  	v0 =	vmin.f32 v0, v1;
	v1 =	vld [tilespmem:s18+$0x5A0]  }
0x6e: {  	v0 =	vmin.f32 v0, v2;
	v2 =	vld [tilespmem:s18+$0x620]  }
0x6f: {  	v0 =	vmin.f32 v0, v3;
	v3 =	vld [tilespmem:s18+$0x6A0]  }
0x70: {  	v0 =	vmin.f32 v0, v4;
	v4 =	vld [tilespmem:s18+$0x720]  }
0x71: {  	v0 =	vmin.f32 v0, v5;
	v5 =	vld [tilespmem:s18+$0x7A0]  }
0x72: {  	v0 =	vmin.f32 v0, v1;
	v1 =	vld [tilespmem:s18+$0x820]  }
0x73: {  	v0 =	vmin.f32 v0, v2;
	v2 =	vld [tilespmem:s18+$0x8A0]  }
0x74: {  	v0 =	vmin.f32 v0, v3;
	v3 =	vld [tilespmem:s18+$0x920]  }
0x75: {  	v0 =	vmin.f32 v0, v4;
	v4 =	vld [tilespmem:s18+$0x9A0]  }
0x76: {  	v0 =	vmin.f32 v0, v5;
	v5 =	vld [tilespmem:s18+$0xA20]  }
0x77: {  	v0 =	vmin.f32 v0, v1;
	v1 =	vld [tilespmem:s18+$0xAA0]  }
0x78: {  	v0 =	vmin.f32 v0, v2;
	v2 =	vld [tilespmem:s18+$0xB20]  }
0x79: {  	v0 =	vmin.f32 v0, v3;
	v3 =	vld [tilespmem:s18+$0xBA0]  }
0x7a: {  	v0 =	vmin.f32 v0, v4;
	v4 =	vld [tilespmem:s18+$0xC20]  }
0x7b: {  	v0 =	vmin.f32 v0, v5;
	v5 =	vld [tilespmem:s18+$0xCA0]  }
0x7c: {  	v0 =	vmin.f32 v0, v1;
	v1 =	vld [tilespmem:s18+$0xD20]  }
0x7d: {  	v0 =	vmin.f32 v0, v2;
	v2 =	vld [tilespmem:s18+$0xDA0]  }
0x7e: {  	v0 =	vmin.f32 v0, v3;
	v3 =	vld [tilespmem:s18+$0xE20]  }
0x7f: {  	v0 =	vmin.f32 v0, v4;
	v4 =	vld [tilespmem:s18+$0xEA0]  }
0x80: {  	v0 =	vmin.f32 v0, v5;
	v5 =	vld [tilespmem:s18+$0xF20]  }
0x81: {  	v0 =	vmin.f32 v0, v1;
	v1 =	vld [tilespmem:s18+$0xFA0]  }
0x82: {  	v0 =	vmin.f32 v0, v2  }
0x83: {  	v0 =	vmin.f32 v0, v3  }
0x84: {  	v0 =	vmin.f32 v0, v4  }
0x85: {  	v0 =	vmin.f32 v0, v5  }
0x86: {  	v0 =	vmin.f32 v0, v1  }
0x87: {  	[tilespmem:s19+$0x10020] =	vst v0  }
0x88: {  	v0 =	vld [tilespmem:s18+$0x30]  }
0x89: {  	v1 =	vld [tilespmem:s18+$0xB0]  }
0x8a: {  	v2 =	vld [tilespmem:s18+$0x130]  }
0x8b: {  	v3 =	vld [tilespmem:s18+$0x1B0]  }
0x8c: {  	v4 =	vld [tilespmem:s18+$0x230]  }
0x8d: {  	v5 =	vld [tilespmem:s18+$0x2B0]  }
0x8e: {  	v0 =	vmin.f32 v0, v1;
	v1 =	vld [tilespmem:s18+$0x330]  }
0x8f: {  	v0 =	vmin.f32 v0, v2;
	v2 =	vld [tilespmem:s18+$0x3B0]  }
0x90: {  	v0 =	vmin.f32 v0, v3;
	v3 =	vld [tilespmem:s18+$0x430]  }
0x91: {  	v0 =	vmin.f32 v0, v4;
	v4 =	vld [tilespmem:s18+$0x4B0]  }
0x92: {  	v0 =	vmin.f32 v0, v5;
	v5 =	vld [tilespmem:s18+$0x530]  }
0x93: {  	v0 =	vmin.f32 v0, v1;
	v1 =	vld [tilespmem:s18+$0x5B0]  }
0x94: {  	v0 =	vmin.f32 v0, v2;
	v2 =	vld [tilespmem:s18+$0x630]  }
0x95: {  	v0 =	vmin.f32 v0, v3;
	v3 =	vld [tilespmem:s18+$0x6B0]  }
0x96: {  	v0 =	vmin.f32 v0, v4;
	v4 =	vld [tilespmem:s18+$0x730]  }
0x97: {  	v0 =	vmin.f32 v0, v5;
	v5 =	vld [tilespmem:s18+$0x7B0]  }
0x98: {  	v0 =	vmin.f32 v0, v1;
	v1 =	vld [tilespmem:s18+$0x830]  }
0x99: {  	v0 =	vmin.f32 v0, v2;
	v2 =	vld [tilespmem:s18+$0x8B0]  }
0x9a: {  	v0 =	vmin.f32 v0, v3;
	v3 =	vld [tilespmem:s18+$0x930]  }
0x9b: {  	v0 =	vmin.f32 v0, v4;
	v4 =	vld [tilespmem:s18+$0x9B0]  }
0x9c: {  	v0 =	vmin.f32 v0, v5;
	v5 =	vld [tilespmem:s18+$0xA30]  }
0x9d: {  	v0 =	vmin.f32 v0, v1;
	v1 =	vld [tilespmem:s18+$0xAB0]  }
0x9e: {  	v0 =	vmin.f32 v0, v2;
	v2 =	vld [tilespmem:s18+$0xB30]  }
0x9f: {  	v0 =	vmin.f32 v0, v3;
	v3 =	vld [tilespmem:s18+$0xBB0]  }
0xa0: {  	v0 =	vmin.f32 v0, v4;
	v4 =	vld [tilespmem:s18+$0xC30]  }
0xa1: {  	v0 =	vmin.f32 v0, v5;
	v5 =	vld [tilespmem:s18+$0xCB0]  }
0xa2: {  	v0 =	vmin.f32 v0, v1;
	v1 =	vld [tilespmem:s18+$0xD30]  }
0xa3: {  	v0 =	vmin.f32 v0, v2;
	v2 =	vld [tilespmem:s18+$0xDB0]  }
0xa4: {  	v0 =	vmin.f32 v0, v3;
	v3 =	vld [tilespmem:s18+$0xE30]  }
0xa5: {  	v0 =	vmin.f32 v0, v4;
	v4 =	vld [tilespmem:s18+$0xEB0]  }
0xa6: {  	v0 =	vmin.f32 v0, v5;
	v5 =	vld [tilespmem:s18+$0xF30]  }
0xa7: {  	v0 =	vmin.f32 v0, v1;
	v1 =	vld [tilespmem:s18+$0xFB0]  }
0xa8: {  	v0 =	vmin.f32 v0, v2  }
0xa9: {  	v0 =	vmin.f32 v0, v3  }
0xaa: {  	v0 =	vmin.f32 v0, v4  }
0xab: {  	v0 =	vmin.f32 v0, v5  }
0xac: {  	v0 =	vmin.f32 v0, v1  }
0xad: {  	[tilespmem:s19+$0x10030] =	vst v0  }
0xae: {  	v0 =	vld [tilespmem:s18+$0x40]  }
0xaf: {  	v1 =	vld [tilespmem:s18+$0xC0]  }
0xb0: {  	v2 =	vld [tilespmem:s18+$0x140]  }
0xb1: {  	v3 =	vld [tilespmem:s18+$0x1C0]  }
0xb2: {  	v4 =	vld [tilespmem:s18+$0x240]  }
0xb3: {  	v5 =	vld [tilespmem:s18+$0x2C0]  }
0xb4: {  	v0 =	vmin.f32 v0, v1;
	v1 =	vld [tilespmem:s18+$0x340]  }
0xb5: {  	v0 =	vmin.f32 v0, v2;
	v2 =	vld [tilespmem:s18+$0x3C0]  }
0xb6: {  	v0 =	vmin.f32 v0, v3;
	v3 =	vld [tilespmem:s18+$0x440]  }
0xb7: {  	v0 =	vmin.f32 v0, v4;
	v4 =	vld [tilespmem:s18+$0x4C0]  }
0xb8: {  	v0 =	vmin.f32 v0, v5;
	v5 =	vld [tilespmem:s18+$0x540]  }
0xb9: {  	v0 =	vmin.f32 v0, v1;
	v1 =	vld [tilespmem:s18+$0x5C0]  }
0xba: {  	v0 =	vmin.f32 v0, v2;
	v2 =	vld [tilespmem:s18+$0x640]  }
0xbb: {  	v0 =	vmin.f32 v0, v3;
	v3 =	vld [tilespmem:s18+$0x6C0]  }
0xbc: {  	v0 =	vmin.f32 v0, v4;
	v4 =	vld [tilespmem:s18+$0x740]  }
0xbd: {  	v0 =	vmin.f32 v0, v5;
	v5 =	vld [tilespmem:s18+$0x7C0]  }
0xbe: {  	v0 =	vmin.f32 v0, v1;
	v1 =	vld [tilespmem:s18+$0x840]  }
0xbf: {  	v0 =	vmin.f32 v0, v2;
	v2 =	vld [tilespmem:s18+$0x8C0]  }
0xc0: {  	v0 =	vmin.f32 v0, v3;
	v3 =	vld [tilespmem:s18+$0x940]  }
0xc1: {  	v0 =	vmin.f32 v0, v4;
	v4 =	vld [tilespmem:s18+$0x9C0]  }
0xc2: {  	v0 =	vmin.f32 v0, v5;
	v5 =	vld [tilespmem:s18+$0xA40]  }
0xc3: {  	v0 =	vmin.f32 v0, v1;
	v1 =	vld [tilespmem:s18+$0xAC0]  }
0xc4: {  	v0 =	vmin.f32 v0, v2;
	v2 =	vld [tilespmem:s18+$0xB40]  }
0xc5: {  	v0 =	vmin.f32 v0, v3;
	v3 =	vld [tilespmem:s18+$0xBC0]  }
0xc6: {  	v0 =	vmin.f32 v0, v4;
	v4 =	vld [tilespmem:s18+$0xC40]  }
0xc7: {  	v0 =	vmin.f32 v0, v5;
	v5 =	vld [tilespmem:s18+$0xCC0]  }
0xc8: {  	v0 =	vmin.f32 v0, v1;
	v1 =	vld [tilespmem:s18+$0xD40]  }
0xc9: {  	v0 =	vmin.f32 v0, v2;
	v2 =	vld [tilespmem:s18+$0xDC0]  }
0xca: {  	v0 =	vmin.f32 v0, v3;
	v3 =	vld [tilespmem:s18+$0xE40]  }
0xcb: {  	v0 =	vmin.f32 v0, v4;
	v4 =	vld [tilespmem:s18+$0xEC0]  }
0xcc: {  	v0 =	vmin.f32 v0, v5;
	v5 =	vld [tilespmem:s18+$0xF40]  }
0xcd: {  	v0 =	vmin.f32 v0, v1;
	v1 =	vld [tilespmem:s18+$0xFC0]  }
0xce: {  	v0 =	vmin.f32 v0, v2  }
0xcf: {  	v0 =	vmin.f32 v0, v3  }
0xd0: {  	v0 =	vmin.f32 v0, v4  }
0xd1: {  	v0 =	vmin.f32 v0, v5  }
0xd2: {  	v0 =	vmin.f32 v0, v1  }
0xd3: {  	[tilespmem:s19+$0x10040] =	vst v0  }
0xd4: {  	v0 =	vld [tilespmem:s18+$0x50]  }
0xd5: {  	v1 =	vld [tilespmem:s18+$0xD0]  }
0xd6: {  	v2 =	vld [tilespmem:s18+$0x150]  }
0xd7: {  	v3 =	vld [tilespmem:s18+$0x1D0]  }
0xd8: {  	v4 =	vld [tilespmem:s18+$0x250]  }
0xd9: {  	v5 =	vld [tilespmem:s18+$0x2D0]  }
0xda: {  	v0 =	vmin.f32 v0, v1;
	v1 =	vld [tilespmem:s18+$0x350]  }
0xdb: {  	v0 =	vmin.f32 v0, v2;
	v2 =	vld [tilespmem:s18+$0x3D0]  }
0xdc: {  	v0 =	vmin.f32 v0, v3;
	v3 =	vld [tilespmem:s18+$0x450]  }
0xdd: {  	v0 =	vmin.f32 v0, v4;
	v4 =	vld [tilespmem:s18+$0x4D0]  }
0xde: {  	v0 =	vmin.f32 v0, v5;
	v5 =	vld [tilespmem:s18+$0x550]  }
0xdf: {  	v0 =	vmin.f32 v0, v1;
	v1 =	vld [tilespmem:s18+$0x5D0]  }
0xe0: {  	v0 =	vmin.f32 v0, v2;
	v2 =	vld [tilespmem:s18+$0x650]  }
0xe1: {  	v0 =	vmin.f32 v0, v3;
	v3 =	vld [tilespmem:s18+$0x6D0]  }
0xe2: {  	v0 =	vmin.f32 v0, v4;
	v4 =	vld [tilespmem:s18+$0x750]  }
0xe3: {  	v0 =	vmin.f32 v0, v5;
	v5 =	vld [tilespmem:s18+$0x7D0]  }
0xe4: {  	v0 =	vmin.f32 v0, v1;
	v1 =	vld [tilespmem:s18+$0x850]  }
0xe5: {  	v0 =	vmin.f32 v0, v2;
	v2 =	vld [tilespmem:s18+$0x8D0]  }
0xe6: {  	v0 =	vmin.f32 v0, v3;
	v3 =	vld [tilespmem:s18+$0x950]  }
0xe7: {  	v0 =	vmin.f32 v0, v4;
	v4 =	vld [tilespmem:s18+$0x9D0]  }
0xe8: {  	v0 =	vmin.f32 v0, v5;
	v5 =	vld [tilespmem:s18+$0xA50]  }
0xe9: {  	v0 =	vmin.f32 v0, v1;
	v1 =	vld [tilespmem:s18+$0xAD0]  }
0xea: {  	v0 =	vmin.f32 v0, v2;
	v2 =	vld [tilespmem:s18+$0xB50]  }
0xeb: {  	v0 =	vmin.f32 v0, v3;
	v3 =	vld [tilespmem:s18+$0xBD0]  }
0xec: {  	v0 =	vmin.f32 v0, v4;
	v4 =	vld [tilespmem:s18+$0xC50]  }
0xed: {  	v0 =	vmin.f32 v0, v5;
	v5 =	vld [tilespmem:s18+$0xCD0]  }
0xee: {  	v0 =	vmin.f32 v0, v1;
	v1 =	vld [tilespmem:s18+$0xD50]  }
0xef: {  	v0 =	vmin.f32 v0, v2;
	v2 =	vld [tilespmem:s18+$0xDD0]  }
0xf0: {  	v0 =	vmin.f32 v0, v3;
	v3 =	vld [tilespmem:s18+$0xE50]  }
0xf1: {  	v0 =	vmin.f32 v0, v4;
	v4 =	vld [tilespmem:s18+$0xED0]  }
0xf2: {  	v0 =	vmin.f32 v0, v5;
	v5 =	vld [tilespmem:s18+$0xF50]  }
0xf3: {  	v0 =	vmin.f32 v0, v1;
	v1 =	vld [tilespmem:s18+$0xFD0]  }
0xf4: {  	v0 =	vmin.f32 v0, v2  }
0xf5: {  	v0 =	vmin.f32 v0, v3  }
0xf6: {  	v0 =	vmin.f32 v0, v4  }
0xf7: {  	v0 =	vmin.f32 v0, v5  }
0xf8: {  	v0 =	vmin.f32 v0, v1  }
0xf9: {  	[tilespmem:s19+$0x10050] =	vst v0  }
0xfa: {  	v0 =	vld [tilespmem:s18+$0x60]  }
0xfb: {  	v1 =	vld [tilespmem:s18+$0xE0]  }
0xfc: {  	v2 =	vld [tilespmem:s18+$0x160]  }
0xfd: {  	v3 =	vld [tilespmem:s18+$0x1E0]  }
0xfe: {  	v4 =	vld [tilespmem:s18+$0x260]  }
0xff: {  	v5 =	vld [tilespmem:s18+$0x2E0]  }
0x100: {  	v0 =	vmin.f32 v0, v1;
	v1 =	vld [tilespmem:s18+$0x360]  }
0x101: {  	v0 =	vmin.f32 v0, v2;
	v2 =	vld [tilespmem:s18+$0x3E0]  }
0x102: {  	v0 =	vmin.f32 v0, v3;
	v3 =	vld [tilespmem:s18+$0x460]  }
0x103: {  	v0 =	vmin.f32 v0, v4;
	v4 =	vld [tilespmem:s18+$0x4E0]  }
0x104: {  	v0 =	vmin.f32 v0, v5;
	v5 =	vld [tilespmem:s18+$0x560]  }
0x105: {  	v0 =	vmin.f32 v0, v1;
	v1 =	vld [tilespmem:s18+$0x5E0]  }
0x106: {  	v0 =	vmin.f32 v0, v2;
	v2 =	vld [tilespmem:s18+$0x660]  }
0x107: {  	v0 =	vmin.f32 v0, v3;
	v3 =	vld [tilespmem:s18+$0x6E0]  }
0x108: {  	v0 =	vmin.f32 v0, v4;
	v4 =	vld [tilespmem:s18+$0x760]  }
0x109: {  	v0 =	vmin.f32 v0, v5;
	v5 =	vld [tilespmem:s18+$0x7E0]  }
0x10a: {  	v0 =	vmin.f32 v0, v1;
	v1 =	vld [tilespmem:s18+$0x860]  }
0x10b: {  	v0 =	vmin.f32 v0, v2;
	v2 =	vld [tilespmem:s18+$0x8E0]  }
0x10c: {  	v0 =	vmin.f32 v0, v3;
	v3 =	vld [tilespmem:s18+$0x960]  }
0x10d: {  	v0 =	vmin.f32 v0, v4;
	v4 =	vld [tilespmem:s18+$0x9E0]  }
0x10e: {  	v0 =	vmin.f32 v0, v5;
	v5 =	vld [tilespmem:s18+$0xA60]  }
0x10f: {  	v0 =	vmin.f32 v0, v1;
	v1 =	vld [tilespmem:s18+$0xAE0]  }
0x110: {  	v0 =	vmin.f32 v0, v2;
	v2 =	vld [tilespmem:s18+$0xB60]  }
0x111: {  	v0 =	vmin.f32 v0, v3;
	v3 =	vld [tilespmem:s18+$0xBE0]  }
0x112: {  	v0 =	vmin.f32 v0, v4;
	v4 =	vld [tilespmem:s18+$0xC60]  }
0x113: {  	v0 =	vmin.f32 v0, v5;
	v5 =	vld [tilespmem:s18+$0xCE0]  }
0x114: {  	v0 =	vmin.f32 v0, v1;
	v1 =	vld [tilespmem:s18+$0xD60]  }
0x115: {  	v0 =	vmin.f32 v0, v2;
	v2 =	vld [tilespmem:s18+$0xDE0]  }
0x116: {  	v0 =	vmin.f32 v0, v3;
	v3 =	vld [tilespmem:s18+$0xE60]  }
0x117: {  	v0 =	vmin.f32 v0, v4;
	v4 =	vld [tilespmem:s18+$0xEE0]  }
0x118: {  	v0 =	vmin.f32 v0, v5;
	v5 =	vld [tilespmem:s18+$0xF60]  }
0x119: {  	v0 =	vmin.f32 v0, v1;
	v1 =	vld [tilespmem:s18+$0xFE0]  }
0x11a: {  	v0 =	vmin.f32 v0, v2  }
0x11b: {  	v0 =	vmin.f32 v0, v3  }
0x11c: {  	v0 =	vmin.f32 v0, v4  }
0x11d: {  	v0 =	vmin.f32 v0, v5  }
0x11e: {  	v0 =	vmin.f32 v0, v1  }
0x11f: {  	[tilespmem:s19+$0x10060] =	vst v0  }
0x120: {  	v0 =	vld [tilespmem:s18+$0x170]  }
0x121: {  	v1 =	vld [tilespmem:s18+$0x70]  }
0x122: {  	v2 =	vld [tilespmem:s18+$0xF0]  }
0x123: {  	v3 =	vld [tilespmem:s18+$0x1F0]  }
0x124: {  	v4 =	vld [tilespmem:s18+$0x270]  }
0x125: {  	v5 =	vld [tilespmem:s18+$0x2F0]  }
0x126: {  	v6 =	vld [tilespmem:s18+$0x370]  }
0x127: {  	v7 =	vld [tilespmem:s18+$0xA70];
	v1 =	vmin.f32 v1, v2  }
0x128: {  	v2 =	vld [tilespmem:s18+$0x3F0];
	v0 =	vmin.f32 v1, v0  }
0x129: {  	v1 =	vld [tilespmem:s18+$0x470];
	v0 =	vmin.f32 v0, v3  }
0x12a: {  	v3 =	vld [tilespmem:s18+$0x4F0];
	v0 =	vmin.f32 v0, v4  }
0x12b: {  	v4 =	vld [tilespmem:s18+$0x570];
	v0 =	vmin.f32 v0, v5  }
0x12c: {  	v5 =	vld [tilespmem:s18+$0x5F0];
	v0 =	vmin.f32 v0, v6  }
0x12d: {  	v6 =	vld [tilespmem:s18+$0x670];
	v0 =	vmin.f32 v0, v2  }
0x12e: {  	v2 =	vld [tilespmem:s18+$0x6F0];
	v0 =	vmin.f32 v0, v1  }
0x12f: {  	v1 =	vld [tilespmem:s18+$0x770];
	v0 =	vmin.f32 v0, v3  }
0x130: {  	v3 =	vld [tilespmem:s18+$0x7F0];
	v0 =	vmin.f32 v0, v4  }
0x131: {  	v4 =	vld [tilespmem:s18+$0x870];
	v0 =	vmin.f32 v0, v5  }
0x132: {  	v5 =	vld [tilespmem:s18+$0x8F0];
	v0 =	vmin.f32 v0, v6  }
0x133: {  	v6 =	vld [tilespmem:s18+$0x970];
	v0 =	vmin.f32 v0, v2  }
0x134: {  	v2 =	vld [tilespmem:s18+$0x9F0];
	v0 =	vmin.f32 v0, v1  }
0x135: {  	v8 =	vld [tilespmem:s18+$0xAF0];
	v0 =	vmin.f32 v0, v3  }
0x136: {  	v0 =	vmin.f32 v0, v4;
	v4 =	vld [tilespmem:s18+$0xB70]  }
0x137: {  	v1 =	vmin.f32 v0, v5;
	v0 =	vld [tilespmem:s18+$0xBF0]  }
0x138: {  	v3 =	vmin.f32 v1, v6;
	v1 =	vld [tilespmem:s18+$0xC70]  }
0x139: {  	v3 =	vmin.f32 v3, v2;
	v2 =	vld [tilespmem:s18+$0xCF0]  }
0x13a: {  	v5 =	vmin.f32 v3, v7;
	v3 =	vld [tilespmem:s18+$0xD70]  }
0x13b: {  	s20 =	sshll.u32 s16, $0x1;
	s21 =	simm.s32 $0x1;
	v6 =	vmin.f32 v5, v8;
	v5 =	vld [tilespmem:s18+$0xDF0]  }
.LBB2_3:
0x13c: {  	p0 =	sne.s32 s21, $0x7;
	v4 =	vmin.f32 v6, v4;
	v6 =	vld [tilespmem:s18+$0xE70];
	s22 =	smov.u32 s21;
	s21 =	sadd.s32 $0x1, s21  }
0x13d: {  	v0 =	vmin.f32 v4, v0;
	v4 =	vld [tilespmem:s18+$0xEF0]  }
0x13e: {  	v0 =	vmin.f32 v0, v1;
	v1 =	vld [tilespmem:s18+$0xF70]  }
0x13f: {  	v0 =	vmin.f32 v0, v2;
	v2 =	vld [tilespmem:s18+$0xFF0]  }
0x140: {  	v0 =	vmin.f32 v0, v3  }
0x141: {  	v0 =	vmin.f32 v0, v5  }
0x142: {  	v0 =	vmin.f32 v0, v6  }
0x143: {  	v0 =	vmin.f32 v0, v4  }
0x144: {  	s18 =	sshll.u32 s22, $0xC;
	v0 =	vmin.f32 v0, v1  }
0x145: {  	s18 =	sand.u32 $0x3FFFF000, s18;
	v0 =	vmin.f32 v0, v2  }
0x146: {  	[tilespmem:s19+$0x10070] =	vst v0  }
0x147: {  	v0 =	vld [tilespmem:s18+$0x0]  }
0x148: {  	v1 =	vld [tilespmem:s18+$0x80]  }
0x149: {  	v2 =	vld [tilespmem:s18+$0x100]  }
0x14a: {  	v3 =	vld [tilespmem:s18+$0x180]  }
0x14b: {  	v4 =	vld [tilespmem:s18+$0x200]  }
0x14c: {  	v5 =	vld [tilespmem:s18+$0x280]  }
0x14d: {  	v0 =	vmin.f32 v0, v1;
	v1 =	vld [tilespmem:s18+$0x300]  }
0x14e: {  	v0 =	vmin.f32 v0, v2;
	v2 =	vld [tilespmem:s18+$0x380]  }
0x14f: {  	v0 =	vmin.f32 v0, v3;
	v3 =	vld [tilespmem:s18+$0x400]  }
0x150: {  	v0 =	vmin.f32 v0, v4;
	v4 =	vld [tilespmem:s18+$0x480]  }
0x151: {  	v0 =	vmin.f32 v0, v5;
	v5 =	vld [tilespmem:s18+$0x500]  }
0x152: {  	v0 =	vmin.f32 v0, v1;
	v1 =	vld [tilespmem:s18+$0x580]  }
0x153: {  	v0 =	vmin.f32 v0, v2;
	v2 =	vld [tilespmem:s18+$0x600]  }
0x154: {  	v0 =	vmin.f32 v0, v3;
	v3 =	vld [tilespmem:s18+$0x680]  }
0x155: {  	v0 =	vmin.f32 v0, v4;
	v4 =	vld [tilespmem:s18+$0x700]  }
0x156: {  	v0 =	vmin.f32 v0, v5;
	v5 =	vld [tilespmem:s18+$0x780]  }
0x157: {  	v0 =	vmin.f32 v0, v1;
	v1 =	vld [tilespmem:s18+$0x800]  }
0x158: {  	v0 =	vmin.f32 v0, v2;
	v2 =	vld [tilespmem:s18+$0x880]  }
0x159: {  	v0 =	vmin.f32 v0, v3;
	v3 =	vld [tilespmem:s18+$0x900]  }
0x15a: {  	v0 =	vmin.f32 v0, v4;
	v4 =	vld [tilespmem:s18+$0x980]  }
0x15b: {  	v0 =	vmin.f32 v0, v5;
	v5 =	vld [tilespmem:s18+$0xA00]  }
0x15c: {  	v0 =	vmin.f32 v0, v1;
	v1 =	vld [tilespmem:s18+$0xA80]  }
0x15d: {  	v0 =	vmin.f32 v0, v2;
	v2 =	vld [tilespmem:s18+$0xB00]  }
0x15e: {  	v0 =	vmin.f32 v0, v3;
	v3 =	vld [tilespmem:s18+$0xB80]  }
0x15f: {  	v0 =	vmin.f32 v0, v4;
	v4 =	vld [tilespmem:s18+$0xC00]  }
0x160: {  	v0 =	vmin.f32 v0, v5;
	v5 =	vld [tilespmem:s18+$0xC80]  }
0x161: {  	v0 =	vmin.f32 v0, v1;
	v1 =	vld [tilespmem:s18+$0xD00]  }
0x162: {  	v0 =	vmin.f32 v0, v2;
	v2 =	vld [tilespmem:s18+$0xD80]  }
0x163: {  	v0 =	vmin.f32 v0, v3;
	v3 =	vld [tilespmem:s18+$0xE00]  }
0x164: {  	v0 =	vmin.f32 v0, v4;
	v4 =	vld [tilespmem:s18+$0xE80]  }
0x165: {  	v0 =	vmin.f32 v0, v5;
	v5 =	vld [tilespmem:s18+$0xF00]  }
0x166: {  	v0 =	vmin.f32 v0, v1;
	v1 =	vld [tilespmem:s18+$0xF80]  }
0x167: {  	v0 =	vmin.f32 v0, v2  }
0x168: {  	v0 =	vmin.f32 v0, v3  }
0x169: {  	v0 =	vmin.f32 v0, v4  }
0x16a: {  	s19 =	sshll.u32 s22, $0x7;
	v0 =	vmin.f32 v0, v5  }
0x16b: {  	s19 =	sand.u32 $0x3FFFFF80, s19;
	v0 =	vmin.f32 v0, v1  }
0x16c: {  	[tilespmem:s19+$0x10000] =	vst v0  }
0x16d: {  	v0 =	vld [tilespmem:s18+$0x10]  }
0x16e: {  	v1 =	vld [tilespmem:s18+$0x90]  }
0x16f: {  	v2 =	vld [tilespmem:s18+$0x110]  }
0x170: {  	v3 =	vld [tilespmem:s18+$0x190]  }
0x171: {  	v4 =	vld [tilespmem:s18+$0x210]  }
0x172: {  	v5 =	vld [tilespmem:s18+$0x290]  }
0x173: {  	v0 =	vmin.f32 v0, v1;
	v1 =	vld [tilespmem:s18+$0x310]  }
0x174: {  	v0 =	vmin.f32 v0, v2;
	v2 =	vld [tilespmem:s18+$0x390]  }
0x175: {  	v0 =	vmin.f32 v0, v3;
	v3 =	vld [tilespmem:s18+$0x410]  }
0x176: {  	v0 =	vmin.f32 v0, v4;
	v4 =	vld [tilespmem:s18+$0x490]  }
0x177: {  	v0 =	vmin.f32 v0, v5;
	v5 =	vld [tilespmem:s18+$0x510]  }
0x178: {  	v0 =	vmin.f32 v0, v1;
	v1 =	vld [tilespmem:s18+$0x590]  }
0x179: {  	v0 =	vmin.f32 v0, v2;
	v2 =	vld [tilespmem:s18+$0x610]  }
0x17a: {  	v0 =	vmin.f32 v0, v3;
	v3 =	vld [tilespmem:s18+$0x690]  }
0x17b: {  	v0 =	vmin.f32 v0, v4;
	v4 =	vld [tilespmem:s18+$0x710]  }
0x17c: {  	v0 =	vmin.f32 v0, v5;
	v5 =	vld [tilespmem:s18+$0x790]  }
0x17d: {  	v0 =	vmin.f32 v0, v1;
	v1 =	vld [tilespmem:s18+$0x810]  }
0x17e: {  	v0 =	vmin.f32 v0, v2;
	v2 =	vld [tilespmem:s18+$0x890]  }
0x17f: {  	v0 =	vmin.f32 v0, v3;
	v3 =	vld [tilespmem:s18+$0x910]  }
0x180: {  	v0 =	vmin.f32 v0, v4;
	v4 =	vld [tilespmem:s18+$0x990]  }
0x181: {  	v0 =	vmin.f32 v0, v5;
	v5 =	vld [tilespmem:s18+$0xA10]  }
0x182: {  	v0 =	vmin.f32 v0, v1;
	v1 =	vld [tilespmem:s18+$0xA90]  }
0x183: {  	v0 =	vmin.f32 v0, v2;
	v2 =	vld [tilespmem:s18+$0xB10]  }
0x184: {  	v0 =	vmin.f32 v0, v3;
	v3 =	vld [tilespmem:s18+$0xB90]  }
0x185: {  	v0 =	vmin.f32 v0, v4;
	v4 =	vld [tilespmem:s18+$0xC10]  }
0x186: {  	v0 =	vmin.f32 v0, v5;
	v5 =	vld [tilespmem:s18+$0xC90]  }
0x187: {  	v0 =	vmin.f32 v0, v1;
	v1 =	vld [tilespmem:s18+$0xD10]  }
0x188: {  	v0 =	vmin.f32 v0, v2;
	v2 =	vld [tilespmem:s18+$0xD90]  }
0x189: {  	v0 =	vmin.f32 v0, v3;
	v3 =	vld [tilespmem:s18+$0xE10]  }
0x18a: {  	v0 =	vmin.f32 v0, v4;
	v4 =	vld [tilespmem:s18+$0xE90]  }
0x18b: {  	v0 =	vmin.f32 v0, v5;
	v5 =	vld [tilespmem:s18+$0xF10]  }
0x18c: {  	v0 =	vmin.f32 v0, v1;
	v1 =	vld [tilespmem:s18+$0xF90]  }
0x18d: {  	v0 =	vmin.f32 v0, v2  }
0x18e: {  	v0 =	vmin.f32 v0, v3  }
0x18f: {  	v0 =	vmin.f32 v0, v4  }
0x190: {  	v0 =	vmin.f32 v0, v5  }
0x191: {  	v0 =	vmin.f32 v0, v1  }
0x192: {  	[tilespmem:s19+$0x10010] =	vst v0  }
0x193: {  	v0 =	vld [tilespmem:s18+$0x20]  }
0x194: {  	v1 =	vld [tilespmem:s18+$0xA0]  }
0x195: {  	v2 =	vld [tilespmem:s18+$0x120]  }
0x196: {  	v3 =	vld [tilespmem:s18+$0x1A0]  }
0x197: {  	v4 =	vld [tilespmem:s18+$0x220]  }
0x198: {  	v5 =	vld [tilespmem:s18+$0x2A0]  }
0x199: {  	v0 =	vmin.f32 v0, v1;
	v1 =	vld [tilespmem:s18+$0x320]  }
0x19a: {  	v0 =	vmin.f32 v0, v2;
	v2 =	vld [tilespmem:s18+$0x3A0]  }
0x19b: {  	v0 =	vmin.f32 v0, v3;
	v3 =	vld [tilespmem:s18+$0x420]  }
0x19c: {  	v0 =	vmin.f32 v0, v4;
	v4 =	vld [tilespmem:s18+$0x4A0]  }
0x19d: {  	v0 =	vmin.f32 v0, v5;
	v5 =	vld [tilespmem:s18+$0x520]  }
0x19e: {  	v0 =	vmin.f32 v0, v1;
	v1 =	vld [tilespmem:s18+$0x5A0]  }
0x19f: {  	v0 =	vmin.f32 v0, v2;
	v2 =	vld [tilespmem:s18+$0x620]  }
0x1a0: {  	v0 =	vmin.f32 v0, v3;
	v3 =	vld [tilespmem:s18+$0x6A0]  }
0x1a1: {  	v0 =	vmin.f32 v0, v4;
	v4 =	vld [tilespmem:s18+$0x720]  }
0x1a2: {  	v0 =	vmin.f32 v0, v5;
	v5 =	vld [tilespmem:s18+$0x7A0]  }
0x1a3: {  	v0 =	vmin.f32 v0, v1;
	v1 =	vld [tilespmem:s18+$0x820]  }
0x1a4: {  	v0 =	vmin.f32 v0, v2;
	v2 =	vld [tilespmem:s18+$0x8A0]  }
0x1a5: {  	v0 =	vmin.f32 v0, v3;
	v3 =	vld [tilespmem:s18+$0x920]  }
0x1a6: {  	v0 =	vmin.f32 v0, v4;
	v4 =	vld [tilespmem:s18+$0x9A0]  }
0x1a7: {  	v0 =	vmin.f32 v0, v5;
	v5 =	vld [tilespmem:s18+$0xA20]  }
0x1a8: {  	v0 =	vmin.f32 v0, v1;
	v1 =	vld [tilespmem:s18+$0xAA0]  }
0x1a9: {  	v0 =	vmin.f32 v0, v2;
	v2 =	vld [tilespmem:s18+$0xB20]  }
0x1aa: {  	v0 =	vmin.f32 v0, v3;
	v3 =	vld [tilespmem:s18+$0xBA0]  }
0x1ab: {  	v0 =	vmin.f32 v0, v4;
	v4 =	vld [tilespmem:s18+$0xC20]  }
0x1ac: {  	v0 =	vmin.f32 v0, v5;
	v5 =	vld [tilespmem:s18+$0xCA0]  }
0x1ad: {  	v0 =	vmin.f32 v0, v1;
	v1 =	vld [tilespmem:s18+$0xD20]  }
0x1ae: {  	v0 =	vmin.f32 v0, v2;
	v2 =	vld [tilespmem:s18+$0xDA0]  }
0x1af: {  	v0 =	vmin.f32 v0, v3;
	v3 =	vld [tilespmem:s18+$0xE20]  }
0x1b0: {  	v0 =	vmin.f32 v0, v4;
	v4 =	vld [tilespmem:s18+$0xEA0]  }
0x1b1: {  	v0 =	vmin.f32 v0, v5;
	v5 =	vld [tilespmem:s18+$0xF20]  }
0x1b2: {  	v0 =	vmin.f32 v0, v1;
	v1 =	vld [tilespmem:s18+$0xFA0]  }
0x1b3: {  	v0 =	vmin.f32 v0, v2  }
0x1b4: {  	v0 =	vmin.f32 v0, v3  }
0x1b5: {  	v0 =	vmin.f32 v0, v4  }
0x1b6: {  	v0 =	vmin.f32 v0, v5  }
0x1b7: {  	v0 =	vmin.f32 v0, v1  }
0x1b8: {  	[tilespmem:s19+$0x10020] =	vst v0  }
0x1b9: {  	v0 =	vld [tilespmem:s18+$0x30]  }
0x1ba: {  	v1 =	vld [tilespmem:s18+$0xB0]  }
0x1bb: {  	v2 =	vld [tilespmem:s18+$0x130]  }
0x1bc: {  	v3 =	vld [tilespmem:s18+$0x1B0]  }
0x1bd: {  	v4 =	vld [tilespmem:s18+$0x230]  }
0x1be: {  	v5 =	vld [tilespmem:s18+$0x2B0]  }
0x1bf: {  	v0 =	vmin.f32 v0, v1;
	v1 =	vld [tilespmem:s18+$0x330]  }
0x1c0: {  	v0 =	vmin.f32 v0, v2;
	v2 =	vld [tilespmem:s18+$0x3B0]  }
0x1c1: {  	v0 =	vmin.f32 v0, v3;
	v3 =	vld [tilespmem:s18+$0x430]  }
0x1c2: {  	v0 =	vmin.f32 v0, v4;
	v4 =	vld [tilespmem:s18+$0x4B0]  }
0x1c3: {  	v0 =	vmin.f32 v0, v5;
	v5 =	vld [tilespmem:s18+$0x530]  }
0x1c4: {  	v0 =	vmin.f32 v0, v1;
	v1 =	vld [tilespmem:s18+$0x5B0]  }
0x1c5: {  	v0 =	vmin.f32 v0, v2;
	v2 =	vld [tilespmem:s18+$0x630]  }
0x1c6: {  	v0 =	vmin.f32 v0, v3;
	v3 =	vld [tilespmem:s18+$0x6B0]  }
0x1c7: {  	v0 =	vmin.f32 v0, v4;
	v4 =	vld [tilespmem:s18+$0x730]  }
0x1c8: {  	v0 =	vmin.f32 v0, v5;
	v5 =	vld [tilespmem:s18+$0x7B0]  }
0x1c9: {  	v0 =	vmin.f32 v0, v1;
	v1 =	vld [tilespmem:s18+$0x830]  }
0x1ca: {  	v0 =	vmin.f32 v0, v2;
	v2 =	vld [tilespmem:s18+$0x8B0]  }
0x1cb: {  	v0 =	vmin.f32 v0, v3;
	v3 =	vld [tilespmem:s18+$0x930]  }
0x1cc: {  	v0 =	vmin.f32 v0, v4;
	v4 =	vld [tilespmem:s18+$0x9B0]  }
0x1cd: {  	v0 =	vmin.f32 v0, v5;
	v5 =	vld [tilespmem:s18+$0xA30]  }
0x1ce: {  	v0 =	vmin.f32 v0, v1;
	v1 =	vld [tilespmem:s18+$0xAB0]  }
0x1cf: {  	v0 =	vmin.f32 v0, v2;
	v2 =	vld [tilespmem:s18+$0xB30]  }
0x1d0: {  	v0 =	vmin.f32 v0, v3;
	v3 =	vld [tilespmem:s18+$0xBB0]  }
0x1d1: {  	v0 =	vmin.f32 v0, v4;
	v4 =	vld [tilespmem:s18+$0xC30]  }
0x1d2: {  	v0 =	vmin.f32 v0, v5;
	v5 =	vld [tilespmem:s18+$0xCB0]  }
0x1d3: {  	v0 =	vmin.f32 v0, v1;
	v1 =	vld [tilespmem:s18+$0xD30]  }
0x1d4: {  	v0 =	vmin.f32 v0, v2;
	v2 =	vld [tilespmem:s18+$0xDB0]  }
0x1d5: {  	v0 =	vmin.f32 v0, v3;
	v3 =	vld [tilespmem:s18+$0xE30]  }
0x1d6: {  	v0 =	vmin.f32 v0, v4;
	v4 =	vld [tilespmem:s18+$0xEB0]  }
0x1d7: {  	v0 =	vmin.f32 v0, v5;
	v5 =	vld [tilespmem:s18+$0xF30]  }
0x1d8: {  	v0 =	vmin.f32 v0, v1;
	v1 =	vld [tilespmem:s18+$0xFB0]  }
0x1d9: {  	v0 =	vmin.f32 v0, v2  }
0x1da: {  	v0 =	vmin.f32 v0, v3  }
0x1db: {  	v0 =	vmin.f32 v0, v4  }
0x1dc: {  	v0 =	vmin.f32 v0, v5  }
0x1dd: {  	v0 =	vmin.f32 v0, v1  }
0x1de: {  	[tilespmem:s19+$0x10030] =	vst v0  }
0x1df: {  	v0 =	vld [tilespmem:s18+$0x40]  }
0x1e0: {  	v1 =	vld [tilespmem:s18+$0xC0]  }
0x1e1: {  	v2 =	vld [tilespmem:s18+$0x140]  }
0x1e2: {  	v3 =	vld [tilespmem:s18+$0x1C0]  }
0x1e3: {  	v4 =	vld [tilespmem:s18+$0x240]  }
0x1e4: {  	v5 =	vld [tilespmem:s18+$0x2C0]  }
0x1e5: {  	v0 =	vmin.f32 v0, v1;
	v1 =	vld [tilespmem:s18+$0x340]  }
0x1e6: {  	v0 =	vmin.f32 v0, v2;
	v2 =	vld [tilespmem:s18+$0x3C0]  }
0x1e7: {  	v0 =	vmin.f32 v0, v3;
	v3 =	vld [tilespmem:s18+$0x440]  }
0x1e8: {  	v0 =	vmin.f32 v0, v4;
	v4 =	vld [tilespmem:s18+$0x4C0]  }
0x1e9: {  	v0 =	vmin.f32 v0, v5;
	v5 =	vld [tilespmem:s18+$0x540]  }
0x1ea: {  	v0 =	vmin.f32 v0, v1;
	v1 =	vld [tilespmem:s18+$0x5C0]  }
0x1eb: {  	v0 =	vmin.f32 v0, v2;
	v2 =	vld [tilespmem:s18+$0x640]  }
0x1ec: {  	v0 =	vmin.f32 v0, v3;
	v3 =	vld [tilespmem:s18+$0x6C0]  }
0x1ed: {  	v0 =	vmin.f32 v0, v4;
	v4 =	vld [tilespmem:s18+$0x740]  }
0x1ee: {  	v0 =	vmin.f32 v0, v5;
	v5 =	vld [tilespmem:s18+$0x7C0]  }
0x1ef: {  	v0 =	vmin.f32 v0, v1;
	v1 =	vld [tilespmem:s18+$0x840]  }
0x1f0: {  	v0 =	vmin.f32 v0, v2;
	v2 =	vld [tilespmem:s18+$0x8C0]  }
0x1f1: {  	v0 =	vmin.f32 v0, v3;
	v3 =	vld [tilespmem:s18+$0x940]  }
0x1f2: {  	v0 =	vmin.f32 v0, v4;
	v4 =	vld [tilespmem:s18+$0x9C0]  }
0x1f3: {  	v0 =	vmin.f32 v0, v5;
	v5 =	vld [tilespmem:s18+$0xA40]  }
0x1f4: {  	v0 =	vmin.f32 v0, v1;
	v1 =	vld [tilespmem:s18+$0xAC0]  }
0x1f5: {  	v0 =	vmin.f32 v0, v2;
	v2 =	vld [tilespmem:s18+$0xB40]  }
0x1f6: {  	v0 =	vmin.f32 v0, v3;
	v3 =	vld [tilespmem:s18+$0xBC0]  }
0x1f7: {  	v0 =	vmin.f32 v0, v4;
	v4 =	vld [tilespmem:s18+$0xC40]  }
0x1f8: {  	v0 =	vmin.f32 v0, v5;
	v5 =	vld [tilespmem:s18+$0xCC0]  }
0x1f9: {  	v0 =	vmin.f32 v0, v1;
	v1 =	vld [tilespmem:s18+$0xD40]  }
0x1fa: {  	v0 =	vmin.f32 v0, v2;
	v2 =	vld [tilespmem:s18+$0xDC0]  }
0x1fb: {  	v0 =	vmin.f32 v0, v3;
	v3 =	vld [tilespmem:s18+$0xE40]  }
0x1fc: {  	v0 =	vmin.f32 v0, v4;
	v4 =	vld [tilespmem:s18+$0xEC0]  }
0x1fd: {  	v0 =	vmin.f32 v0, v5;
	v5 =	vld [tilespmem:s18+$0xF40]  }
0x1fe: {  	v0 =	vmin.f32 v0, v1;
	v1 =	vld [tilespmem:s18+$0xFC0]  }
0x1ff: {  	v0 =	vmin.f32 v0, v2  }
0x200: {  	v0 =	vmin.f32 v0, v3  }
0x201: {  	v0 =	vmin.f32 v0, v4  }
0x202: {  	v0 =	vmin.f32 v0, v5  }
0x203: {  	v0 =	vmin.f32 v0, v1  }
0x204: {  	[tilespmem:s19+$0x10040] =	vst v0  }
0x205: {  	v0 =	vld [tilespmem:s18+$0x50]  }
0x206: {  	v1 =	vld [tilespmem:s18+$0xD0]  }
0x207: {  	v2 =	vld [tilespmem:s18+$0x150]  }
0x208: {  	v3 =	vld [tilespmem:s18+$0x1D0]  }
0x209: {  	v4 =	vld [tilespmem:s18+$0x250]  }
0x20a: {  	v5 =	vld [tilespmem:s18+$0x2D0]  }
0x20b: {  	v0 =	vmin.f32 v0, v1;
	v1 =	vld [tilespmem:s18+$0x350]  }
0x20c: {  	v0 =	vmin.f32 v0, v2;
	v2 =	vld [tilespmem:s18+$0x3D0]  }
0x20d: {  	v0 =	vmin.f32 v0, v3;
	v3 =	vld [tilespmem:s18+$0x450]  }
0x20e: {  	v0 =	vmin.f32 v0, v4;
	v4 =	vld [tilespmem:s18+$0x4D0]  }
0x20f: {  	v0 =	vmin.f32 v0, v5;
	v5 =	vld [tilespmem:s18+$0x550]  }
0x210: {  	v0 =	vmin.f32 v0, v1;
	v1 =	vld [tilespmem:s18+$0x5D0]  }
0x211: {  	v0 =	vmin.f32 v0, v2;
	v2 =	vld [tilespmem:s18+$0x650]  }
0x212: {  	v0 =	vmin.f32 v0, v3;
	v3 =	vld [tilespmem:s18+$0x6D0]  }
0x213: {  	v0 =	vmin.f32 v0, v4;
	v4 =	vld [tilespmem:s18+$0x750]  }
0x214: {  	v0 =	vmin.f32 v0, v5;
	v5 =	vld [tilespmem:s18+$0x7D0]  }
0x215: {  	v0 =	vmin.f32 v0, v1;
	v1 =	vld [tilespmem:s18+$0x850]  }
0x216: {  	v0 =	vmin.f32 v0, v2;
	v2 =	vld [tilespmem:s18+$0x8D0]  }
0x217: {  	v0 =	vmin.f32 v0, v3;
	v3 =	vld [tilespmem:s18+$0x950]  }
0x218: {  	v0 =	vmin.f32 v0, v4;
	v4 =	vld [tilespmem:s18+$0x9D0]  }
0x219: {  	v0 =	vmin.f32 v0, v5;
	v5 =	vld [tilespmem:s18+$0xA50]  }
0x21a: {  	v0 =	vmin.f32 v0, v1;
	v1 =	vld [tilespmem:s18+$0xAD0]  }
0x21b: {  	v0 =	vmin.f32 v0, v2;
	v2 =	vld [tilespmem:s18+$0xB50]  }
0x21c: {  	v0 =	vmin.f32 v0, v3;
	v3 =	vld [tilespmem:s18+$0xBD0]  }
0x21d: {  	v0 =	vmin.f32 v0, v4;
	v4 =	vld [tilespmem:s18+$0xC50]  }
0x21e: {  	v0 =	vmin.f32 v0, v5;
	v5 =	vld [tilespmem:s18+$0xCD0]  }
0x21f: {  	v0 =	vmin.f32 v0, v1;
	v1 =	vld [tilespmem:s18+$0xD50]  }
0x220: {  	v0 =	vmin.f32 v0, v2;
	v2 =	vld [tilespmem:s18+$0xDD0]  }
0x221: {  	v0 =	vmin.f32 v0, v3;
	v3 =	vld [tilespmem:s18+$0xE50]  }
0x222: {  	v0 =	vmin.f32 v0, v4;
	v4 =	vld [tilespmem:s18+$0xED0]  }
0x223: {  	v0 =	vmin.f32 v0, v5;
	v5 =	vld [tilespmem:s18+$0xF50]  }
0x224: {  	v0 =	vmin.f32 v0, v1;
	v1 =	vld [tilespmem:s18+$0xFD0]  }
0x225: {  	v0 =	vmin.f32 v0, v2  }
0x226: {  	v0 =	vmin.f32 v0, v3  }
0x227: {  	v0 =	vmin.f32 v0, v4  }
0x228: {  	v0 =	vmin.f32 v0, v5  }
0x229: {  	v0 =	vmin.f32 v0, v1  }
0x22a: {  	[tilespmem:s19+$0x10050] =	vst v0  }
0x22b: {  	v0 =	vld [tilespmem:s18+$0x60]  }
0x22c: {  	v1 =	vld [tilespmem:s18+$0xE0]  }
0x22d: {  	v2 =	vld [tilespmem:s18+$0x160]  }
0x22e: {  	v3 =	vld [tilespmem:s18+$0x1E0]  }
0x22f: {  	v4 =	vld [tilespmem:s18+$0x260]  }
0x230: {  	v5 =	vld [tilespmem:s18+$0x2E0]  }
0x231: {  	v0 =	vmin.f32 v0, v1;
	v1 =	vld [tilespmem:s18+$0x360]  }
0x232: {  	v0 =	vmin.f32 v0, v2;
	v2 =	vld [tilespmem:s18+$0x3E0]  }
0x233: {  	v0 =	vmin.f32 v0, v3;
	v3 =	vld [tilespmem:s18+$0x460]  }
0x234: {  	v0 =	vmin.f32 v0, v4;
	v4 =	vld [tilespmem:s18+$0x4E0]  }
0x235: {  	v0 =	vmin.f32 v0, v5;
	v5 =	vld [tilespmem:s18+$0x560]  }
0x236: {  	v0 =	vmin.f32 v0, v1;
	v1 =	vld [tilespmem:s18+$0x5E0]  }
0x237: {  	v0 =	vmin.f32 v0, v2;
	v2 =	vld [tilespmem:s18+$0x660]  }
0x238: {  	v0 =	vmin.f32 v0, v3;
	v3 =	vld [tilespmem:s18+$0x6E0]  }
0x239: {  	v0 =	vmin.f32 v0, v4;
	v4 =	vld [tilespmem:s18+$0x760]  }
0x23a: {  	v0 =	vmin.f32 v0, v5;
	v5 =	vld [tilespmem:s18+$0x7E0]  }
0x23b: {  	v0 =	vmin.f32 v0, v1;
	v1 =	vld [tilespmem:s18+$0x860]  }
0x23c: {  	v0 =	vmin.f32 v0, v2;
	v2 =	vld [tilespmem:s18+$0x8E0]  }
0x23d: {  	v0 =	vmin.f32 v0, v3;
	v3 =	vld [tilespmem:s18+$0x960]  }
0x23e: {  	v0 =	vmin.f32 v0, v4;
	v4 =	vld [tilespmem:s18+$0x9E0]  }
0x23f: {  	v0 =	vmin.f32 v0, v5;
	v5 =	vld [tilespmem:s18+$0xA60]  }
0x240: {  	v0 =	vmin.f32 v0, v1;
	v1 =	vld [tilespmem:s18+$0xAE0]  }
0x241: {  	v0 =	vmin.f32 v0, v2;
	v2 =	vld [tilespmem:s18+$0xB60]  }
0x242: {  	v0 =	vmin.f32 v0, v3;
	v3 =	vld [tilespmem:s18+$0xBE0]  }
0x243: {  	v0 =	vmin.f32 v0, v4;
	v4 =	vld [tilespmem:s18+$0xC60]  }
0x244: {  	v0 =	vmin.f32 v0, v5;
	v5 =	vld [tilespmem:s18+$0xCE0]  }
0x245: {  	v0 =	vmin.f32 v0, v1;
	v1 =	vld [tilespmem:s18+$0xD60]  }
0x246: {  	v0 =	vmin.f32 v0, v2;
	v2 =	vld [tilespmem:s18+$0xDE0]  }
0x247: {  	v0 =	vmin.f32 v0, v3;
	v3 =	vld [tilespmem:s18+$0xE60]  }
0x248: {  	v0 =	vmin.f32 v0, v4;
	v4 =	vld [tilespmem:s18+$0xEE0]  }
0x249: {  	v0 =	vmin.f32 v0, v5;
	v5 =	vld [tilespmem:s18+$0xF60]  }
0x24a: {  	v0 =	vmin.f32 v0, v1;
	v1 =	vld [tilespmem:s18+$0xFE0]  }
0x24b: {  	v0 =	vmin.f32 v0, v2  }
0x24c: {  	v0 =	vmin.f32 v0, v3  }
0x24d: {  	v0 =	vmin.f32 v0, v4  }
0x24e: {  	v0 =	vmin.f32 v0, v5  }
0x24f: {  	v0 =	vmin.f32 v0, v1  }
0x250: {  	[tilespmem:s19+$0x10060] =	vst v0  }
0x251: {  	v0 =	vld [tilespmem:s18+$0x170]  }
0x252: {  	v1 =	vld [tilespmem:s18+$0x70]  }
0x253: {  	v2 =	vld [tilespmem:s18+$0xF0]  }
0x254: {  	v3 =	vld [tilespmem:s18+$0x1F0]  }
0x255: {  	v4 =	vld [tilespmem:s18+$0x270]  }
0x256: {  	v5 =	vld [tilespmem:s18+$0x2F0]  }
0x257: {  	v6 =	vld [tilespmem:s18+$0x370]  }
0x258: {  	v1 =	vmin.f32 v1, v2;
	v2 =	vld [tilespmem:s18+$0x3F0]  }
0x259: {  	v0 =	vmin.f32 v1, v0;
	v1 =	vld [tilespmem:s18+$0x470]  }
0x25a: {  	v0 =	vmin.f32 v0, v3;
	v3 =	vld [tilespmem:s18+$0x4F0]  }
0x25b: {  	v0 =	vmin.f32 v0, v4;
	v4 =	vld [tilespmem:s18+$0x570]  }
0x25c: {  	v0 =	vmin.f32 v0, v5;
	v5 =	vld [tilespmem:s18+$0x5F0]  }
0x25d: {  	v0 =	vmin.f32 v0, v6;
	v6 =	vld [tilespmem:s18+$0x670]  }
0x25e: {  	v0 =	vmin.f32 v0, v2;
	v2 =	vld [tilespmem:s18+$0x6F0]  }
0x25f: {  	v0 =	vmin.f32 v0, v1;
	v1 =	vld [tilespmem:s18+$0x770]  }
0x260: {  	v0 =	vmin.f32 v0, v3;
	v3 =	vld [tilespmem:s18+$0x7F0]  }
0x261: {  	v0 =	vmin.f32 v0, v4;
	v4 =	vld [tilespmem:s18+$0x870]  }
0x262: {  	v0 =	vmin.f32 v0, v5;
	v5 =	vld [tilespmem:s18+$0x8F0]  }
0x263: {  	v0 =	vmin.f32 v0, v6;
	v6 =	vld [tilespmem:s18+$0x970]  }
0x264: {  	v0 =	vmin.f32 v0, v2;
	v2 =	vld [tilespmem:s18+$0x9F0]  }
0x265: {  	v0 =	vmin.f32 v0, v1;
	v7 =	vld [tilespmem:s18+$0xA70]  }
0x266: {  	v0 =	vmin.f32 v0, v3;
	v8 =	vld [tilespmem:s18+$0xAF0]  }
0x267: {  	v0 =	vmin.f32 v0, v4;
	v4 =	vld [tilespmem:s18+$0xB70]  }
.Ltmp0:
0x268: {  	v1 =	vmin.f32 v0, v5;
	v0 =	vld [tilespmem:s18+$0xBF0];
	(pc) =	sbr.rel @p0 .LBB2_3-.Ltmp0, $4  }
0x269: {  	v3 =	vmin.f32 v1, v6;
	v1 =	vld [tilespmem:s18+$0xC70]  }
0x26a: {  	v3 =	vmin.f32 v3, v2;
	v2 =	vld [tilespmem:s18+$0xCF0]  }
0x26b: {  	v5 =	vmin.f32 v3, v7;
	v3 =	vld [tilespmem:s18+$0xD70]  }
0x26c: {  	v6 =	vmin.f32 v5, v8;
	v5 =	vld [tilespmem:s18+$0xDF0]  }
0x26d: {  	v4 =	vmin.f32 v6, v4  }
0x26e: {  	v6 =	vld [tilespmem:s18+$0xE70];
	v0 =	vmin.f32 v4, v0  }
0x26f: {  	v4 =	vld [tilespmem:s18+$0xEF0];
	v0 =	vmin.f32 v0, v1  }
0x270: {  	v1 =	vld [tilespmem:s18+$0xF70];
	v0 =	vmin.f32 v0, v2  }
0x271: {  	v2 =	vld [tilespmem:s18+$0xFF0];
	v0 =	vmin.f32 v0, v3  }
0x272: {  	v0 =	vmin.f32 v0, v5  }
0x273: {  	p0 =	slt.u32 s20, s6;
	s18 =	sshll.u32 s16, $0x6;
	v0 =	vmin.f32 v0, v6  }
0x274: {  	s18 =	simm.s32 @!p0 $0x0;
	v0 =	vmin.f32 v0, v4  }
0x275: {  	s18 =	sor.u32 s5, s18;
	v0 =	vmin.f32 v0, v1  }
0x276: {  	s18 =	sshll.u32 s18, $0x7;
	v0 =	vmin.f32 v0, v2  }
0x277: {  	p0 =	seq.s32 s16, $0x13;
	s18 =	sadd.s32 s2, s18;
	[tilespmem:s19+$0x10070] =	vst v0  }
0x278: {  	[hbm4b:s18+s4] =	stream.linear.scatter [tilespmem:s11], [sflag:$0x3], $0x400, $0x38;
	[tilespmem:$0x10800] =	vst v63  }
0x279: {  	s18 =	sadd.s32 @!p0 $0x2, s20  }
0x27a: {  	p1 =	slt.u32 @!p0 s18, s6  }
0x27b: {  	_ =	swait.ge [sflag:s12], $0x400;
	s18 =	sshll.u32 @!p0 s18, $0x5;
	p1 =	por !p1, p0  }
0x27c: {  	[sflag:s12] =	ssyncset.done $0x0;
	s18 =	simm.s32 @p1 $0x0  }
0x27d: {  	[sflag:s12] =	ssyncadd.s32 $0xFFFFFC00;
	s18 =	sor.u32 @!p0 s5, s18  }
0x27e: {  	_ =	swait.ge [sflag:s13], $0x8000;
	s18 =	sshll.u32 @!p0 s18, $0xC  }
0x27f: {  	s30 =	simm.s32 $0x0;
	[sflag:s13] =	ssyncset.done $0x0;
	s18 =	sand.u32 @!p0 $0x1FFFF000, s18  }
0x280: {  	s19 =	simm.s32 @!p0 $0x0;
	[sflag:s13] =	ssyncadd.s32 $0xFFFF8000;
	s18 =	sadd.s32 @!p0 s1, s18  }
0x281: {  	[tilespmem:s19], [sflag:$0x1] =	stream.linear.gather @!p0 [hbm4b:s18+s19], $0x8000, $0x38;
	[tilespmem:$0x10800] =	vst v63  }
0x282: {  	s18 =	sand.u32 $0x3FFFF000, s30  }
0x283: {  	v0 =	vld [tilespmem:s18+$0x8000]  }
0x284: {  	v1 =	vld [tilespmem:s18+$0x8080]  }
0x285: {  	v2 =	vld [tilespmem:s18+$0x8100]  }
0x286: {  	v3 =	vld [tilespmem:s18+$0x8180]  }
0x287: {  	v4 =	vld [tilespmem:s18+$0x8200]  }
0x288: {  	v5 =	vld [tilespmem:s18+$0x8280]  }
0x289: {  	v0 =	vmin.f32 v0, v1;
	v1 =	vld [tilespmem:s18+$0x8300]  }
0x28a: {  	v0 =	vmin.f32 v0, v2;
	v2 =	vld [tilespmem:s18+$0x8380]  }
0x28b: {  	v0 =	vmin.f32 v0, v3;
	v3 =	vld [tilespmem:s18+$0x8400]  }
0x28c: {  	v0 =	vmin.f32 v0, v4;
	v4 =	vld [tilespmem:s18+$0x8480]  }
0x28d: {  	v0 =	vmin.f32 v0, v5;
	v5 =	vld [tilespmem:s18+$0x8500]  }
0x28e: {  	v0 =	vmin.f32 v0, v1;
	v1 =	vld [tilespmem:s18+$0x8580]  }
0x28f: {  	v0 =	vmin.f32 v0, v2;
	v2 =	vld [tilespmem:s18+$0x8600]  }
0x290: {  	v0 =	vmin.f32 v0, v3;
	v3 =	vld [tilespmem:s18+$0x8680]  }
0x291: {  	v0 =	vmin.f32 v0, v4;
	v4 =	vld [tilespmem:s18+$0x8700]  }
0x292: {  	v0 =	vmin.f32 v0, v5;
	v5 =	vld [tilespmem:s18+$0x8780]  }
0x293: {  	v0 =	vmin.f32 v0, v1;
	v1 =	vld [tilespmem:s18+$0x8800]  }
0x294: {  	v0 =	vmin.f32 v0, v2;
	v2 =	vld [tilespmem:s18+$0x8880]  }
0x295: {  	v0 =	vmin.f32 v0, v3;
	v3 =	vld [tilespmem:s18+$0x8900]  }
0x296: {  	v0 =	vmin.f32 v0, v4;
	v4 =	vld [tilespmem:s18+$0x8980]  }
0x297: {  	v0 =	vmin.f32 v0, v5;
	v5 =	vld [tilespmem:s18+$0x8A00]  }
0x298: {  	v0 =	vmin.f32 v0, v1;
	v1 =	vld [tilespmem:s18+$0x8A80]  }
0x299: {  	v0 =	vmin.f32 v0, v2;
	v2 =	vld [tilespmem:s18+$0x8B00]  }
0x29a: {  	v0 =	vmin.f32 v0, v3;
	v3 =	vld [tilespmem:s18+$0x8B80]  }
0x29b: {  	v0 =	vmin.f32 v0, v4;
	v4 =	vld [tilespmem:s18+$0x8C00]  }
0x29c: {  	v0 =	vmin.f32 v0, v5;
	v5 =	vld [tilespmem:s18+$0x8C80]  }
0x29d: {  	v0 =	vmin.f32 v0, v1;
	v1 =	vld [tilespmem:s18+$0x8D00]  }
0x29e: {  	v0 =	vmin.f32 v0, v2;
	v2 =	vld [tilespmem:s18+$0x8D80]  }
0x29f: {  	v0 =	vmin.f32 v0, v3;
	v3 =	vld [tilespmem:s18+$0x8E00]  }
0x2a0: {  	v0 =	vmin.f32 v0, v4;
	v4 =	vld [tilespmem:s18+$0x8E80]  }
0x2a1: {  	v0 =	vmin.f32 v0, v5;
	v5 =	vld [tilespmem:s18+$0x8F00]  }
0x2a2: {  	v0 =	vmin.f32 v0, v1;
	v1 =	vld [tilespmem:s18+$0x8F80]  }
0x2a3: {  	v0 =	vmin.f32 v0, v2  }
0x2a4: {  	v0 =	vmin.f32 v0, v3  }
0x2a5: {  	v0 =	vmin.f32 v0, v4  }
0x2a6: {  	s31 =	simm.s32 $0x0;
	v0 =	vmin.f32 v0, v5  }
0x2a7: {  	s19 =	sand.u32 $0x3FFFFF80, s31;
	v0 =	vmin.f32 v0, v1  }
0x2a8: {  	[tilespmem:s19+$0x10400] =	vst v0  }
0x2a9: {  	v0 =	vld [tilespmem:s18+$0x8010]  }
0x2aa: {  	v1 =	vld [tilespmem:s18+$0x8090]  }
0x2ab: {  	v2 =	vld [tilespmem:s18+$0x8110]  }
0x2ac: {  	v3 =	vld [tilespmem:s18+$0x8190]  }
0x2ad: {  	v4 =	vld [tilespmem:s18+$0x8210]  }
0x2ae: {  	v5 =	vld [tilespmem:s18+$0x8290]  }
0x2af: {  	v0 =	vmin.f32 v0, v1;
	v1 =	vld [tilespmem:s18+$0x8310]  }
0x2b0: {  	v0 =	vmin.f32 v0, v2;
	v2 =	vld [tilespmem:s18+$0x8390]  }
0x2b1: {  	v0 =	vmin.f32 v0, v3;
	v3 =	vld [tilespmem:s18+$0x8410]  }
0x2b2: {  	v0 =	vmin.f32 v0, v4;
	v4 =	vld [tilespmem:s18+$0x8490]  }
0x2b3: {  	v0 =	vmin.f32 v0, v5;
	v5 =	vld [tilespmem:s18+$0x8510]  }
0x2b4: {  	v0 =	vmin.f32 v0, v1;
	v1 =	vld [tilespmem:s18+$0x8590]  }
0x2b5: {  	v0 =	vmin.f32 v0, v2;
	v2 =	vld [tilespmem:s18+$0x8610]  }
0x2b6: {  	v0 =	vmin.f32 v0, v3;
	v3 =	vld [tilespmem:s18+$0x8690]  }
0x2b7: {  	v0 =	vmin.f32 v0, v4;
	v4 =	vld [tilespmem:s18+$0x8710]  }
0x2b8: {  	v0 =	vmin.f32 v0, v5;
	v5 =	vld [tilespmem:s18+$0x8790]  }
0x2b9: {  	v0 =	vmin.f32 v0, v1;
	v1 =	vld [tilespmem:s18+$0x8810]  }
0x2ba: {  	v0 =	vmin.f32 v0, v2;
	v2 =	vld [tilespmem:s18+$0x8890]  }
0x2bb: {  	v0 =	vmin.f32 v0, v3;
	v3 =	vld [tilespmem:s18+$0x8910]  }
0x2bc: {  	v0 =	vmin.f32 v0, v4;
	v4 =	vld [tilespmem:s18+$0x8990]  }
0x2bd: {  	v0 =	vmin.f32 v0, v5;
	v5 =	vld [tilespmem:s18+$0x8A10]  }
0x2be: {  	v0 =	vmin.f32 v0, v1;
	v1 =	vld [tilespmem:s18+$0x8A90]  }
0x2bf: {  	v0 =	vmin.f32 v0, v2;
	v2 =	vld [tilespmem:s18+$0x8B10]  }
0x2c0: {  	v0 =	vmin.f32 v0, v3;
	v3 =	vld [tilespmem:s18+$0x8B90]  }
0x2c1: {  	v0 =	vmin.f32 v0, v4;
	v4 =	vld [tilespmem:s18+$0x8C10]  }
0x2c2: {  	v0 =	vmin.f32 v0, v5;
	v5 =	vld [tilespmem:s18+$0x8C90]  }
0x2c3: {  	v0 =	vmin.f32 v0, v1;
	v1 =	vld [tilespmem:s18+$0x8D10]  }
0x2c4: {  	v0 =	vmin.f32 v0, v2;
	v2 =	vld [tilespmem:s18+$0x8D90]  }
0x2c5: {  	v0 =	vmin.f32 v0, v3;
	v3 =	vld [tilespmem:s18+$0x8E10]  }
0x2c6: {  	v0 =	vmin.f32 v0, v4;
	v4 =	vld [tilespmem:s18+$0x8E90]  }
0x2c7: {  	v0 =	vmin.f32 v0, v5;
	v5 =	vld [tilespmem:s18+$0x8F10]  }
0x2c8: {  	v0 =	vmin.f32 v0, v1;
	v1 =	vld [tilespmem:s18+$0x8F90]  }
0x2c9: {  	v0 =	vmin.f32 v0, v2  }
0x2ca: {  	v0 =	vmin.f32 v0, v3  }
0x2cb: {  	v0 =	vmin.f32 v0, v4  }
0x2cc: {  	v0 =	vmin.f32 v0, v5  }
0x2cd: {  	v0 =	vmin.f32 v0, v1  }
0x2ce: {  	[tilespmem:s19+$0x10410] =	vst v0  }
0x2cf: {  	v0 =	vld [tilespmem:s18+$0x8020]  }
0x2d0: {  	v1 =	vld [tilespmem:s18+$0x80A0]  }
0x2d1: {  	v2 =	vld [tilespmem:s18+$0x8120]  }
0x2d2: {  	v3 =	vld [tilespmem:s18+$0x81A0]  }
0x2d3: {  	v4 =	vld [tilespmem:s18+$0x8220]  }
0x2d4: {  	v5 =	vld [tilespmem:s18+$0x82A0]  }
0x2d5: {  	v0 =	vmin.f32 v0, v1;
	v1 =	vld [tilespmem:s18+$0x8320]  }
0x2d6: {  	v0 =	vmin.f32 v0, v2;
	v2 =	vld [tilespmem:s18+$0x83A0]  }
0x2d7: {  	v0 =	vmin.f32 v0, v3;
	v3 =	vld [tilespmem:s18+$0x8420]  }
0x2d8: {  	v0 =	vmin.f32 v0, v4;
	v4 =	vld [tilespmem:s18+$0x84A0]  }
0x2d9: {  	v0 =	vmin.f32 v0, v5;
	v5 =	vld [tilespmem:s18+$0x8520]  }
0x2da: {  	v0 =	vmin.f32 v0, v1;
	v1 =	vld [tilespmem:s18+$0x85A0]  }
0x2db: {  	v0 =	vmin.f32 v0, v2;
	v2 =	vld [tilespmem:s18+$0x8620]  }
0x2dc: {  	v0 =	vmin.f32 v0, v3;
	v3 =	vld [tilespmem:s18+$0x86A0]  }
0x2dd: {  	v0 =	vmin.f32 v0, v4;
	v4 =	vld [tilespmem:s18+$0x8720]  }
0x2de: {  	v0 =	vmin.f32 v0, v5;
	v5 =	vld [tilespmem:s18+$0x87A0]  }
0x2df: {  	v0 =	vmin.f32 v0, v1;
	v1 =	vld [tilespmem:s18+$0x8820]  }
0x2e0: {  	v0 =	vmin.f32 v0, v2;
	v2 =	vld [tilespmem:s18+$0x88A0]  }
0x2e1: {  	v0 =	vmin.f32 v0, v3;
	v3 =	vld [tilespmem:s18+$0x8920]  }
0x2e2: {  	v0 =	vmin.f32 v0, v4;
	v4 =	vld [tilespmem:s18+$0x89A0]  }
0x2e3: {  	v0 =	vmin.f32 v0, v5;
	v5 =	vld [tilespmem:s18+$0x8A20]  }
0x2e4: {  	v0 =	vmin.f32 v0, v1;
	v1 =	vld [tilespmem:s18+$0x8AA0]  }
0x2e5: {  	v0 =	vmin.f32 v0, v2;
	v2 =	vld [tilespmem:s18+$0x8B20]  }
0x2e6: {  	v0 =	vmin.f32 v0, v3;
	v3 =	vld [tilespmem:s18+$0x8BA0]  }
0x2e7: {  	v0 =	vmin.f32 v0, v4;
	v4 =	vld [tilespmem:s18+$0x8C20]  }
0x2e8: {  	v0 =	vmin.f32 v0, v5;
	v5 =	vld [tilespmem:s18+$0x8CA0]  }
0x2e9: {  	v0 =	vmin.f32 v0, v1;
	v1 =	vld [tilespmem:s18+$0x8D20]  }
0x2ea: {  	v0 =	vmin.f32 v0, v2;
	v2 =	vld [tilespmem:s18+$0x8DA0]  }
0x2eb: {  	v0 =	vmin.f32 v0, v3;
	v3 =	vld [tilespmem:s18+$0x8E20]  }
0x2ec: {  	v0 =	vmin.f32 v0, v4;
	v4 =	vld [tilespmem:s18+$0x8EA0]  }
0x2ed: {  	v0 =	vmin.f32 v0, v5;
	v5 =	vld [tilespmem:s18+$0x8F20]  }
0x2ee: {  	v0 =	vmin.f32 v0, v1;
	v1 =	vld [tilespmem:s18+$0x8FA0]  }
0x2ef: {  	v0 =	vmin.f32 v0, v2  }
0x2f0: {  	v0 =	vmin.f32 v0, v3  }
0x2f1: {  	v0 =	vmin.f32 v0, v4  }
0x2f2: {  	v0 =	vmin.f32 v0, v5  }
0x2f3: {  	v0 =	vmin.f32 v0, v1  }
0x2f4: {  	[tilespmem:s19+$0x10420] =	vst v0  }
0x2f5: {  	v0 =	vld [tilespmem:s18+$0x8030]  }
0x2f6: {  	v1 =	vld [tilespmem:s18+$0x80B0]  }
0x2f7: {  	v2 =	vld [tilespmem:s18+$0x8130]  }
0x2f8: {  	v3 =	vld [tilespmem:s18+$0x81B0]  }
0x2f9: {  	v4 =	vld [tilespmem:s18+$0x8230]  }
0x2fa: {  	v5 =	vld [tilespmem:s18+$0x82B0]  }
0x2fb: {  	v0 =	vmin.f32 v0, v1;
	v1 =	vld [tilespmem:s18+$0x8330]  }
0x2fc: {  	v0 =	vmin.f32 v0, v2;
	v2 =	vld [tilespmem:s18+$0x83B0]  }
0x2fd: {  	v0 =	vmin.f32 v0, v3;
	v3 =	vld [tilespmem:s18+$0x8430]  }
0x2fe: {  	v0 =	vmin.f32 v0, v4;
	v4 =	vld [tilespmem:s18+$0x84B0]  }
0x2ff: {  	v0 =	vmin.f32 v0, v5;
	v5 =	vld [tilespmem:s18+$0x8530]  }
0x300: {  	v0 =	vmin.f32 v0, v1;
	v1 =	vld [tilespmem:s18+$0x85B0]  }
0x301: {  	v0 =	vmin.f32 v0, v2;
	v2 =	vld [tilespmem:s18+$0x8630]  }
0x302: {  	v0 =	vmin.f32 v0, v3;
	v3 =	vld [tilespmem:s18+$0x86B0]  }
0x303: {  	v0 =	vmin.f32 v0, v4;
	v4 =	vld [tilespmem:s18+$0x8730]  }
0x304: {  	v0 =	vmin.f32 v0, v5;
	v5 =	vld [tilespmem:s18+$0x87B0]  }
0x305: {  	v0 =	vmin.f32 v0, v1;
	v1 =	vld [tilespmem:s18+$0x8830]  }
0x306: {  	v0 =	vmin.f32 v0, v2;
	v2 =	vld [tilespmem:s18+$0x88B0]  }
0x307: {  	v0 =	vmin.f32 v0, v3;
	v3 =	vld [tilespmem:s18+$0x8930]  }
0x308: {  	v0 =	vmin.f32 v0, v4;
	v4 =	vld [tilespmem:s18+$0x89B0]  }
0x309: {  	v0 =	vmin.f32 v0, v5;
	v5 =	vld [tilespmem:s18+$0x8A30]  }
0x30a: {  	v0 =	vmin.f32 v0, v1;
	v1 =	vld [tilespmem:s18+$0x8AB0]  }
0x30b: {  	v0 =	vmin.f32 v0, v2;
	v2 =	vld [tilespmem:s18+$0x8B30]  }
0x30c: {  	v0 =	vmin.f32 v0, v3;
	v3 =	vld [tilespmem:s18+$0x8BB0]  }
0x30d: {  	v0 =	vmin.f32 v0, v4;
	v4 =	vld [tilespmem:s18+$0x8C30]  }
0x30e: {  	v0 =	vmin.f32 v0, v5;
	v5 =	vld [tilespmem:s18+$0x8CB0]  }
0x30f: {  	v0 =	vmin.f32 v0, v1;
	v1 =	vld [tilespmem:s18+$0x8D30]  }
0x310: {  	v0 =	vmin.f32 v0, v2;
	v2 =	vld [tilespmem:s18+$0x8DB0]  }
0x311: {  	v0 =	vmin.f32 v0, v3;
	v3 =	vld [tilespmem:s18+$0x8E30]  }
0x312: {  	v0 =	vmin.f32 v0, v4;
	v4 =	vld [tilespmem:s18+$0x8EB0]  }
0x313: {  	v0 =	vmin.f32 v0, v5;
	v5 =	vld [tilespmem:s18+$0x8F30]  }
0x314: {  	v0 =	vmin.f32 v0, v1;
	v1 =	vld [tilespmem:s18+$0x8FB0]  }
0x315: {  	v0 =	vmin.f32 v0, v2  }
0x316: {  	v0 =	vmin.f32 v0, v3  }
0x317: {  	v0 =	vmin.f32 v0, v4  }
0x318: {  	v0 =	vmin.f32 v0, v5  }
0x319: {  	v0 =	vmin.f32 v0, v1  }
0x31a: {  	[tilespmem:s19+$0x10430] =	vst v0  }
0x31b: {  	v0 =	vld [tilespmem:s18+$0x8040]  }
0x31c: {  	v1 =	vld [tilespmem:s18+$0x80C0]  }
0x31d: {  	v2 =	vld [tilespmem:s18+$0x8140]  }
0x31e: {  	v3 =	vld [tilespmem:s18+$0x81C0]  }
0x31f: {  	v4 =	vld [tilespmem:s18+$0x8240]  }
0x320: {  	v5 =	vld [tilespmem:s18+$0x82C0]  }
0x321: {  	v0 =	vmin.f32 v0, v1;
	v1 =	vld [tilespmem:s18+$0x8340]  }
0x322: {  	v0 =	vmin.f32 v0, v2;
	v2 =	vld [tilespmem:s18+$0x83C0]  }
0x323: {  	v0 =	vmin.f32 v0, v3;
	v3 =	vld [tilespmem:s18+$0x8440]  }
0x324: {  	v0 =	vmin.f32 v0, v4;
	v4 =	vld [tilespmem:s18+$0x84C0]  }
0x325: {  	v0 =	vmin.f32 v0, v5;
	v5 =	vld [tilespmem:s18+$0x8540]  }
0x326: {  	v0 =	vmin.f32 v0, v1;
	v1 =	vld [tilespmem:s18+$0x85C0]  }
0x327: {  	v0 =	vmin.f32 v0, v2;
	v2 =	vld [tilespmem:s18+$0x8640]  }
0x328: {  	v0 =	vmin.f32 v0, v3;
	v3 =	vld [tilespmem:s18+$0x86C0]  }
0x329: {  	v0 =	vmin.f32 v0, v4;
	v4 =	vld [tilespmem:s18+$0x8740]  }
0x32a: {  	v0 =	vmin.f32 v0, v5;
	v5 =	vld [tilespmem:s18+$0x87C0]  }
0x32b: {  	v0 =	vmin.f32 v0, v1;
	v1 =	vld [tilespmem:s18+$0x8840]  }
0x32c: {  	v0 =	vmin.f32 v0, v2;
	v2 =	vld [tilespmem:s18+$0x88C0]  }
0x32d: {  	v0 =	vmin.f32 v0, v3;
	v3 =	vld [tilespmem:s18+$0x8940]  }
0x32e: {  	v0 =	vmin.f32 v0, v4;
	v4 =	vld [tilespmem:s18+$0x89C0]  }
0x32f: {  	v0 =	vmin.f32 v0, v5;
	v5 =	vld [tilespmem:s18+$0x8A40]  }
0x330: {  	v0 =	vmin.f32 v0, v1;
	v1 =	vld [tilespmem:s18+$0x8AC0]  }
0x331: {  	v0 =	vmin.f32 v0, v2;
	v2 =	vld [tilespmem:s18+$0x8B40]  }
0x332: {  	v0 =	vmin.f32 v0, v3;
	v3 =	vld [tilespmem:s18+$0x8BC0]  }
0x333: {  	v0 =	vmin.f32 v0, v4;
	v4 =	vld [tilespmem:s18+$0x8C40]  }
0x334: {  	v0 =	vmin.f32 v0, v5;
	v5 =	vld [tilespmem:s18+$0x8CC0]  }
0x335: {  	v0 =	vmin.f32 v0, v1;
	v1 =	vld [tilespmem:s18+$0x8D40]  }
0x336: {  	v0 =	vmin.f32 v0, v2;
	v2 =	vld [tilespmem:s18+$0x8DC0]  }
0x337: {  	v0 =	vmin.f32 v0, v3;
	v3 =	vld [tilespmem:s18+$0x8E40]  }
0x338: {  	v0 =	vmin.f32 v0, v4;
	v4 =	vld [tilespmem:s18+$0x8EC0]  }
0x339: {  	v0 =	vmin.f32 v0, v5;
	v5 =	vld [tilespmem:s18+$0x8F40]  }
0x33a: {  	v0 =	vmin.f32 v0, v1;
	v1 =	vld [tilespmem:s18+$0x8FC0]  }
0x33b: {  	v0 =	vmin.f32 v0, v2  }
0x33c: {  	v0 =	vmin.f32 v0, v3  }
0x33d: {  	v0 =	vmin.f32 v0, v4  }
0x33e: {  	v0 =	vmin.f32 v0, v5  }
0x33f: {  	v0 =	vmin.f32 v0, v1  }
0x340: {  	[tilespmem:s19+$0x10440] =	vst v0  }
0x341: {  	v0 =	vld [tilespmem:s18+$0x8050]  }
0x342: {  	v1 =	vld [tilespmem:s18+$0x80D0]  }
0x343: {  	v2 =	vld [tilespmem:s18+$0x8150]  }
0x344: {  	v3 =	vld [tilespmem:s18+$0x81D0]  }
0x345: {  	v4 =	vld [tilespmem:s18+$0x8250]  }
0x346: {  	v5 =	vld [tilespmem:s18+$0x82D0]  }
0x347: {  	v0 =	vmin.f32 v0, v1;
	v1 =	vld [tilespmem:s18+$0x8350]  }
0x348: {  	v0 =	vmin.f32 v0, v2;
	v2 =	vld [tilespmem:s18+$0x83D0]  }
0x349: {  	v0 =	vmin.f32 v0, v3;
	v3 =	vld [tilespmem:s18+$0x8450]  }
0x34a: {  	v0 =	vmin.f32 v0, v4;
	v4 =	vld [tilespmem:s18+$0x84D0]  }
0x34b: {  	v0 =	vmin.f32 v0, v5;
	v5 =	vld [tilespmem:s18+$0x8550]  }
0x34c: {  	v0 =	vmin.f32 v0, v1;
	v1 =	vld [tilespmem:s18+$0x85D0]  }
0x34d: {  	v0 =	vmin.f32 v0, v2;
	v2 =	vld [tilespmem:s18+$0x8650]  }
0x34e: {  	v0 =	vmin.f32 v0, v3;
	v3 =	vld [tilespmem:s18+$0x86D0]  }
0x34f: {  	v0 =	vmin.f32 v0, v4;
	v4 =	vld [tilespmem:s18+$0x8750]  }
0x350: {  	v0 =	vmin.f32 v0, v5;
	v5 =	vld [tilespmem:s18+$0x87D0]  }
0x351: {  	v0 =	vmin.f32 v0, v1;
	v1 =	vld [tilespmem:s18+$0x8850]  }
0x352: {  	v0 =	vmin.f32 v0, v2;
	v2 =	vld [tilespmem:s18+$0x88D0]  }
0x353: {  	v0 =	vmin.f32 v0, v3;
	v3 =	vld [tilespmem:s18+$0x8950]  }
0x354: {  	v0 =	vmin.f32 v0, v4;
	v4 =	vld [tilespmem:s18+$0x89D0]  }
0x355: {  	v0 =	vmin.f32 v0, v5;
	v5 =	vld [tilespmem:s18+$0x8A50]  }
0x356: {  	v0 =	vmin.f32 v0, v1;
	v1 =	vld [tilespmem:s18+$0x8AD0]  }
0x357: {  	v0 =	vmin.f32 v0, v2;
	v2 =	vld [tilespmem:s18+$0x8B50]  }
0x358: {  	v0 =	vmin.f32 v0, v3;
	v3 =	vld [tilespmem:s18+$0x8BD0]  }
0x359: {  	v0 =	vmin.f32 v0, v4;
	v4 =	vld [tilespmem:s18+$0x8C50]  }
0x35a: {  	v0 =	vmin.f32 v0, v5;
	v5 =	vld [tilespmem:s18+$0x8CD0]  }
0x35b: {  	v0 =	vmin.f32 v0, v1;
	v1 =	vld [tilespmem:s18+$0x8D50]  }
0x35c: {  	v0 =	vmin.f32 v0, v2;
	v2 =	vld [tilespmem:s18+$0x8DD0]  }
0x35d: {  	v0 =	vmin.f32 v0, v3;
	v3 =	vld [tilespmem:s18+$0x8E50]  }
0x35e: {  	v0 =	vmin.f32 v0, v4;
	v4 =	vld [tilespmem:s18+$0x8ED0]  }
0x35f: {  	v0 =	vmin.f32 v0, v5;
	v5 =	vld [tilespmem:s18+$0x8F50]  }
0x360: {  	v0 =	vmin.f32 v0, v1;
	v1 =	vld [tilespmem:s18+$0x8FD0]  }
0x361: {  	v0 =	vmin.f32 v0, v2  }
0x362: {  	v0 =	vmin.f32 v0, v3  }
0x363: {  	v0 =	vmin.f32 v0, v4  }
0x364: {  	v0 =	vmin.f32 v0, v5  }
0x365: {  	v0 =	vmin.f32 v0, v1  }
0x366: {  	[tilespmem:s19+$0x10450] =	vst v0  }
0x367: {  	v0 =	vld [tilespmem:s18+$0x8060]  }
0x368: {  	v1 =	vld [tilespmem:s18+$0x80E0]  }
0x369: {  	v2 =	vld [tilespmem:s18+$0x8160]  }
0x36a: {  	v3 =	vld [tilespmem:s18+$0x81E0]  }
0x36b: {  	v4 =	vld [tilespmem:s18+$0x8260]  }
0x36c: {  	v5 =	vld [tilespmem:s18+$0x82E0]  }
0x36d: {  	v0 =	vmin.f32 v0, v1;
	v1 =	vld [tilespmem:s18+$0x8360]  }
0x36e: {  	v0 =	vmin.f32 v0, v2;
	v2 =	vld [tilespmem:s18+$0x83E0]  }
0x36f: {  	v0 =	vmin.f32 v0, v3;
	v3 =	vld [tilespmem:s18+$0x8460]  }
0x370: {  	v0 =	vmin.f32 v0, v4;
	v4 =	vld [tilespmem:s18+$0x84E0]  }
0x371: {  	v0 =	vmin.f32 v0, v5;
	v5 =	vld [tilespmem:s18+$0x8560]  }
0x372: {  	v0 =	vmin.f32 v0, v1;
	v1 =	vld [tilespmem:s18+$0x85E0]  }
0x373: {  	v0 =	vmin.f32 v0, v2;
	v2 =	vld [tilespmem:s18+$0x8660]  }
0x374: {  	v0 =	vmin.f32 v0, v3;
	v3 =	vld [tilespmem:s18+$0x86E0]  }
0x375: {  	v0 =	vmin.f32 v0, v4;
	v4 =	vld [tilespmem:s18+$0x8760]  }
0x376: {  	v0 =	vmin.f32 v0, v5;
	v5 =	vld [tilespmem:s18+$0x87E0]  }
0x377: {  	v0 =	vmin.f32 v0, v1;
	v1 =	vld [tilespmem:s18+$0x8860]  }
0x378: {  	v0 =	vmin.f32 v0, v2;
	v2 =	vld [tilespmem:s18+$0x88E0]  }
0x379: {  	v0 =	vmin.f32 v0, v3;
	v3 =	vld [tilespmem:s18+$0x8960]  }
0x37a: {  	v0 =	vmin.f32 v0, v4;
	v4 =	vld [tilespmem:s18+$0x89E0]  }
0x37b: {  	v0 =	vmin.f32 v0, v5;
	v5 =	vld [tilespmem:s18+$0x8A60]  }
0x37c: {  	v0 =	vmin.f32 v0, v1;
	v1 =	vld [tilespmem:s18+$0x8AE0]  }
0x37d: {  	v0 =	vmin.f32 v0, v2;
	v2 =	vld [tilespmem:s18+$0x8B60]  }
0x37e: {  	v0 =	vmin.f32 v0, v3;
	v3 =	vld [tilespmem:s18+$0x8BE0]  }
0x37f: {  	v0 =	vmin.f32 v0, v4;
	v4 =	vld [tilespmem:s18+$0x8C60]  }
0x380: {  	v0 =	vmin.f32 v0, v5;
	v5 =	vld [tilespmem:s18+$0x8CE0]  }
0x381: {  	v0 =	vmin.f32 v0, v1;
	v1 =	vld [tilespmem:s18+$0x8D60]  }
0x382: {  	v0 =	vmin.f32 v0, v2;
	v2 =	vld [tilespmem:s18+$0x8DE0]  }
0x383: {  	v0 =	vmin.f32 v0, v3;
	v3 =	vld [tilespmem:s18+$0x8E60]  }
0x384: {  	v0 =	vmin.f32 v0, v4;
	v4 =	vld [tilespmem:s18+$0x8EE0]  }
0x385: {  	v0 =	vmin.f32 v0, v5;
	v5 =	vld [tilespmem:s18+$0x8F60]  }
0x386: {  	v0 =	vmin.f32 v0, v1;
	v1 =	vld [tilespmem:s18+$0x8FE0]  }
0x387: {  	v0 =	vmin.f32 v0, v2  }
0x388: {  	v0 =	vmin.f32 v0, v3  }
0x389: {  	v0 =	vmin.f32 v0, v4  }
0x38a: {  	v0 =	vmin.f32 v0, v5  }
0x38b: {  	v0 =	vmin.f32 v0, v1  }
0x38c: {  	[tilespmem:s19+$0x10460] =	vst v0  }
0x38d: {  	v0 =	vld [tilespmem:s18+$0x8170]  }
0x38e: {  	v1 =	vld [tilespmem:s18+$0x8070]  }
0x38f: {  	v2 =	vld [tilespmem:s18+$0x80F0]  }
0x390: {  	v3 =	vld [tilespmem:s18+$0x81F0]  }
0x391: {  	v4 =	vld [tilespmem:s18+$0x8270]  }
0x392: {  	v5 =	vld [tilespmem:s18+$0x82F0]  }
0x393: {  	v6 =	vld [tilespmem:s18+$0x8370]  }
0x394: {  	v7 =	vld [tilespmem:s18+$0x8A70];
	v1 =	vmin.f32 v1, v2  }
0x395: {  	v2 =	vld [tilespmem:s18+$0x83F0];
	v0 =	vmin.f32 v1, v0  }
0x396: {  	v1 =	vld [tilespmem:s18+$0x8470];
	v0 =	vmin.f32 v0, v3  }
0x397: {  	v3 =	vld [tilespmem:s18+$0x84F0];
	v0 =	vmin.f32 v0, v4  }
0x398: {  	v4 =	vld [tilespmem:s18+$0x8570];
	v0 =	vmin.f32 v0, v5  }
0x399: {  	v5 =	vld [tilespmem:s18+$0x85F0];
	v0 =	vmin.f32 v0, v6  }
0x39a: {  	v6 =	vld [tilespmem:s18+$0x8670];
	v0 =	vmin.f32 v0, v2  }
0x39b: {  	v2 =	vld [tilespmem:s18+$0x86F0];
	v0 =	vmin.f32 v0, v1  }
0x39c: {  	v1 =	vld [tilespmem:s18+$0x8770];
	v0 =	vmin.f32 v0, v3  }
0x39d: {  	v3 =	vld [tilespmem:s18+$0x87F0];
	v0 =	vmin.f32 v0, v4  }
0x39e: {  	v4 =	vld [tilespmem:s18+$0x8870];
	v0 =	vmin.f32 v0, v5  }
0x39f: {  	v5 =	vld [tilespmem:s18+$0x88F0];
	v0 =	vmin.f32 v0, v6  }
0x3a0: {  	v6 =	vld [tilespmem:s18+$0x8970];
	v0 =	vmin.f32 v0, v2  }
0x3a1: {  	v2 =	vld [tilespmem:s18+$0x89F0];
	v0 =	vmin.f32 v0, v1  }
0x3a2: {  	v8 =	vld [tilespmem:s18+$0x8AF0];
	v0 =	vmin.f32 v0, v3  }
0x3a3: {  	v0 =	vmin.f32 v0, v4;
	v4 =	vld [tilespmem:s18+$0x8B70]  }
0x3a4: {  	v1 =	vmin.f32 v0, v5;
	v0 =	vld [tilespmem:s18+$0x8BF0]  }
0x3a5: {  	v3 =	vmin.f32 v1, v6;
	v1 =	vld [tilespmem:s18+$0x8C70]  }
0x3a6: {  	v3 =	vmin.f32 v3, v2;
	v2 =	vld [tilespmem:s18+$0x8CF0]  }
0x3a7: {  	v5 =	vmin.f32 v3, v7;
	v3 =	vld [tilespmem:s18+$0x8D70]  }
0x3a8: {  	s20 =	simm.s32 $0x1;
	v6 =	vmin.f32 v5, v8;
	v5 =	vld [tilespmem:s18+$0x8DF0]  }
.LBB2_5:
0x3a9: {  	p0 =	sne.s32 s20, $0x7;
	v4 =	vmin.f32 v6, v4;
	v6 =	vld [tilespmem:s18+$0x8E70];
	s21 =	smov.u32 s20;
	s20 =	sadd.s32 $0x1, s20  }
0x3aa: {  	v0 =	vmin.f32 v4, v0;
	v4 =	vld [tilespmem:s18+$0x8EF0]  }
0x3ab: {  	v0 =	vmin.f32 v0, v1;
	v1 =	vld [tilespmem:s18+$0x8F70]  }
0x3ac: {  	v0 =	vmin.f32 v0, v2;
	v2 =	vld [tilespmem:s18+$0x8FF0]  }
0x3ad: {  	v0 =	vmin.f32 v0, v3  }
0x3ae: {  	v0 =	vmin.f32 v0, v5  }
0x3af: {  	v0 =	vmin.f32 v0, v6  }
0x3b0: {  	v0 =	vmin.f32 v0, v4  }
0x3b1: {  	s18 =	sshll.u32 s21, $0xC;
	v0 =	vmin.f32 v0, v1  }
0x3b2: {  	s18 =	sand.u32 $0x3FFFF000, s18;
	v0 =	vmin.f32 v0, v2  }
0x3b3: {  	[tilespmem:s19+$0x10470] =	vst v0  }
0x3b4: {  	v0 =	vld [tilespmem:s18+$0x8000]  }
0x3b5: {  	v1 =	vld [tilespmem:s18+$0x8080]  }
0x3b6: {  	v2 =	vld [tilespmem:s18+$0x8100]  }
0x3b7: {  	v3 =	vld [tilespmem:s18+$0x8180]  }
0x3b8: {  	v4 =	vld [tilespmem:s18+$0x8200]  }
0x3b9: {  	v5 =	vld [tilespmem:s18+$0x8280]  }
0x3ba: {  	v0 =	vmin.f32 v0, v1;
	v1 =	vld [tilespmem:s18+$0x8300]  }
0x3bb: {  	v0 =	vmin.f32 v0, v2;
	v2 =	vld [tilespmem:s18+$0x8380]  }
0x3bc: {  	v0 =	vmin.f32 v0, v3;
	v3 =	vld [tilespmem:s18+$0x8400]  }
0x3bd: {  	v0 =	vmin.f32 v0, v4;
	v4 =	vld [tilespmem:s18+$0x8480]  }
0x3be: {  	v0 =	vmin.f32 v0, v5;
	v5 =	vld [tilespmem:s18+$0x8500]  }
0x3bf: {  	v0 =	vmin.f32 v0, v1;
	v1 =	vld [tilespmem:s18+$0x8580]  }
0x3c0: {  	v0 =	vmin.f32 v0, v2;
	v2 =	vld [tilespmem:s18+$0x8600]  }
0x3c1: {  	v0 =	vmin.f32 v0, v3;
	v3 =	vld [tilespmem:s18+$0x8680]  }
0x3c2: {  	v0 =	vmin.f32 v0, v4;
	v4 =	vld [tilespmem:s18+$0x8700]  }
0x3c3: {  	v0 =	vmin.f32 v0, v5;
	v5 =	vld [tilespmem:s18+$0x8780]  }
0x3c4: {  	v0 =	vmin.f32 v0, v1;
	v1 =	vld [tilespmem:s18+$0x8800]  }
0x3c5: {  	v0 =	vmin.f32 v0, v2;
	v2 =	vld [tilespmem:s18+$0x8880]  }
0x3c6: {  	v0 =	vmin.f32 v0, v3;
	v3 =	vld [tilespmem:s18+$0x8900]  }
0x3c7: {  	v0 =	vmin.f32 v0, v4;
	v4 =	vld [tilespmem:s18+$0x8980]  }
0x3c8: {  	v0 =	vmin.f32 v0, v5;
	v5 =	vld [tilespmem:s18+$0x8A00]  }
0x3c9: {  	v0 =	vmin.f32 v0, v1;
	v1 =	vld [tilespmem:s18+$0x8A80]  }
0x3ca: {  	v0 =	vmin.f32 v0, v2;
	v2 =	vld [tilespmem:s18+$0x8B00]  }
0x3cb: {  	v0 =	vmin.f32 v0, v3;
	v3 =	vld [tilespmem:s18+$0x8B80]  }
0x3cc: {  	v0 =	vmin.f32 v0, v4;
	v4 =	vld [tilespmem:s18+$0x8C00]  }
0x3cd: {  	v0 =	vmin.f32 v0, v5;
	v5 =	vld [tilespmem:s18+$0x8C80]  }
0x3ce: {  	v0 =	vmin.f32 v0, v1;
	v1 =	vld [tilespmem:s18+$0x8D00]  }
0x3cf: {  	v0 =	vmin.f32 v0, v2;
	v2 =	vld [tilespmem:s18+$0x8D80]  }
0x3d0: {  	v0 =	vmin.f32 v0, v3;
	v3 =	vld [tilespmem:s18+$0x8E00]  }
0x3d1: {  	v0 =	vmin.f32 v0, v4;
	v4 =	vld [tilespmem:s18+$0x8E80]  }
0x3d2: {  	v0 =	vmin.f32 v0, v5;
	v5 =	vld [tilespmem:s18+$0x8F00]  }
0x3d3: {  	v0 =	vmin.f32 v0, v1;
	v1 =	vld [tilespmem:s18+$0x8F80]  }
0x3d4: {  	v0 =	vmin.f32 v0, v2  }
0x3d5: {  	v0 =	vmin.f32 v0, v3  }
0x3d6: {  	v0 =	vmin.f32 v0, v4  }
0x3d7: {  	s19 =	sshll.u32 s21, $0x7;
	v0 =	vmin.f32 v0, v5  }
0x3d8: {  	s19 =	sand.u32 $0x3FFFFF80, s19;
	v0 =	vmin.f32 v0, v1  }
0x3d9: {  	[tilespmem:s19+$0x10400] =	vst v0  }
0x3da: {  	v0 =	vld [tilespmem:s18+$0x8010]  }
0x3db: {  	v1 =	vld [tilespmem:s18+$0x8090]  }
0x3dc: {  	v2 =	vld [tilespmem:s18+$0x8110]  }
0x3dd: {  	v3 =	vld [tilespmem:s18+$0x8190]  }
0x3de: {  	v4 =	vld [tilespmem:s18+$0x8210]  }
0x3df: {  	v5 =	vld [tilespmem:s18+$0x8290]  }
0x3e0: {  	v0 =	vmin.f32 v0, v1;
	v1 =	vld [tilespmem:s18+$0x8310]  }
0x3e1: {  	v0 =	vmin.f32 v0, v2;
	v2 =	vld [tilespmem:s18+$0x8390]  }
0x3e2: {  	v0 =	vmin.f32 v0, v3;
	v3 =	vld [tilespmem:s18+$0x8410]  }
0x3e3: {  	v0 =	vmin.f32 v0, v4;
	v4 =	vld [tilespmem:s18+$0x8490]  }
0x3e4: {  	v0 =	vmin.f32 v0, v5;
	v5 =	vld [tilespmem:s18+$0x8510]  }
0x3e5: {  	v0 =	vmin.f32 v0, v1;
	v1 =	vld [tilespmem:s18+$0x8590]  }
0x3e6: {  	v0 =	vmin.f32 v0, v2;
	v2 =	vld [tilespmem:s18+$0x8610]  }
0x3e7: {  	v0 =	vmin.f32 v0, v3;
	v3 =	vld [tilespmem:s18+$0x8690]  }
0x3e8: {  	v0 =	vmin.f32 v0, v4;
	v4 =	vld [tilespmem:s18+$0x8710]  }
0x3e9: {  	v0 =	vmin.f32 v0, v5;
	v5 =	vld [tilespmem:s18+$0x8790]  }
0x3ea: {  	v0 =	vmin.f32 v0, v1;
	v1 =	vld [tilespmem:s18+$0x8810]  }
0x3eb: {  	v0 =	vmin.f32 v0, v2;
	v2 =	vld [tilespmem:s18+$0x8890]  }
0x3ec: {  	v0 =	vmin.f32 v0, v3;
	v3 =	vld [tilespmem:s18+$0x8910]  }
0x3ed: {  	v0 =	vmin.f32 v0, v4;
	v4 =	vld [tilespmem:s18+$0x8990]  }
0x3ee: {  	v0 =	vmin.f32 v0, v5;
	v5 =	vld [tilespmem:s18+$0x8A10]  }
0x3ef: {  	v0 =	vmin.f32 v0, v1;
	v1 =	vld [tilespmem:s18+$0x8A90]  }
0x3f0: {  	v0 =	vmin.f32 v0, v2;
	v2 =	vld [tilespmem:s18+$0x8B10]  }
0x3f1: {  	v0 =	vmin.f32 v0, v3;
	v3 =	vld [tilespmem:s18+$0x8B90]  }
0x3f2: {  	v0 =	vmin.f32 v0, v4;
	v4 =	vld [tilespmem:s18+$0x8C10]  }
0x3f3: {  	v0 =	vmin.f32 v0, v5;
	v5 =	vld [tilespmem:s18+$0x8C90]  }
0x3f4: {  	v0 =	vmin.f32 v0, v1;
	v1 =	vld [tilespmem:s18+$0x8D10]  }
0x3f5: {  	v0 =	vmin.f32 v0, v2;
	v2 =	vld [tilespmem:s18+$0x8D90]  }
0x3f6: {  	v0 =	vmin.f32 v0, v3;
	v3 =	vld [tilespmem:s18+$0x8E10]  }
0x3f7: {  	v0 =	vmin.f32 v0, v4;
	v4 =	vld [tilespmem:s18+$0x8E90]  }
0x3f8: {  	v0 =	vmin.f32 v0, v5;
	v5 =	vld [tilespmem:s18+$0x8F10]  }
0x3f9: {  	v0 =	vmin.f32 v0, v1;
	v1 =	vld [tilespmem:s18+$0x8F90]  }
0x3fa: {  	v0 =	vmin.f32 v0, v2  }
0x3fb: {  	v0 =	vmin.f32 v0, v3  }
0x3fc: {  	v0 =	vmin.f32 v0, v4  }
0x3fd: {  	v0 =	vmin.f32 v0, v5  }
0x3fe: {  	v0 =	vmin.f32 v0, v1  }
0x3ff: {  	[tilespmem:s19+$0x10410] =	vst v0  }
0x400: {  	v0 =	vld [tilespmem:s18+$0x8020]  }
0x401: {  	v1 =	vld [tilespmem:s18+$0x80A0]  }
0x402: {  	v2 =	vld [tilespmem:s18+$0x8120]  }
0x403: {  	v3 =	vld [tilespmem:s18+$0x81A0]  }
0x404: {  	v4 =	vld [tilespmem:s18+$0x8220]  }
0x405: {  	v5 =	vld [tilespmem:s18+$0x82A0]  }
0x406: {  	v0 =	vmin.f32 v0, v1;
	v1 =	vld [tilespmem:s18+$0x8320]  }
0x407: {  	v0 =	vmin.f32 v0, v2;
	v2 =	vld [tilespmem:s18+$0x83A0]  }
0x408: {  	v0 =	vmin.f32 v0, v3;
	v3 =	vld [tilespmem:s18+$0x8420]  }
0x409: {  	v0 =	vmin.f32 v0, v4;
	v4 =	vld [tilespmem:s18+$0x84A0]  }
0x40a: {  	v0 =	vmin.f32 v0, v5;
	v5 =	vld [tilespmem:s18+$0x8520]  }
0x40b: {  	v0 =	vmin.f32 v0, v1;
	v1 =	vld [tilespmem:s18+$0x85A0]  }
0x40c: {  	v0 =	vmin.f32 v0, v2;
	v2 =	vld [tilespmem:s18+$0x8620]  }
0x40d: {  	v0 =	vmin.f32 v0, v3;
	v3 =	vld [tilespmem:s18+$0x86A0]  }
0x40e: {  	v0 =	vmin.f32 v0, v4;
	v4 =	vld [tilespmem:s18+$0x8720]  }
0x40f: {  	v0 =	vmin.f32 v0, v5;
	v5 =	vld [tilespmem:s18+$0x87A0]  }
0x410: {  	v0 =	vmin.f32 v0, v1;
	v1 =	vld [tilespmem:s18+$0x8820]  }
0x411: {  	v0 =	vmin.f32 v0, v2;
	v2 =	vld [tilespmem:s18+$0x88A0]  }
0x412: {  	v0 =	vmin.f32 v0, v3;
	v3 =	vld [tilespmem:s18+$0x8920]  }
0x413: {  	v0 =	vmin.f32 v0, v4;
	v4 =	vld [tilespmem:s18+$0x89A0]  }
0x414: {  	v0 =	vmin.f32 v0, v5;
	v5 =	vld [tilespmem:s18+$0x8A20]  }
0x415: {  	v0 =	vmin.f32 v0, v1;
	v1 =	vld [tilespmem:s18+$0x8AA0]  }
0x416: {  	v0 =	vmin.f32 v0, v2;
	v2 =	vld [tilespmem:s18+$0x8B20]  }
0x417: {  	v0 =	vmin.f32 v0, v3;
	v3 =	vld [tilespmem:s18+$0x8BA0]  }
0x418: {  	v0 =	vmin.f32 v0, v4;
	v4 =	vld [tilespmem:s18+$0x8C20]  }
0x419: {  	v0 =	vmin.f32 v0, v5;
	v5 =	vld [tilespmem:s18+$0x8CA0]  }
0x41a: {  	v0 =	vmin.f32 v0, v1;
	v1 =	vld [tilespmem:s18+$0x8D20]  }
0x41b: {  	v0 =	vmin.f32 v0, v2;
	v2 =	vld [tilespmem:s18+$0x8DA0]  }
0x41c: {  	v0 =	vmin.f32 v0, v3;
	v3 =	vld [tilespmem:s18+$0x8E20]  }
0x41d: {  	v0 =	vmin.f32 v0, v4;
	v4 =	vld [tilespmem:s18+$0x8EA0]  }
0x41e: {  	v0 =	vmin.f32 v0, v5;
	v5 =	vld [tilespmem:s18+$0x8F20]  }
0x41f: {  	v0 =	vmin.f32 v0, v1;
	v1 =	vld [tilespmem:s18+$0x8FA0]  }
0x420: {  	v0 =	vmin.f32 v0, v2  }
0x421: {  	v0 =	vmin.f32 v0, v3  }
0x422: {  	v0 =	vmin.f32 v0, v4  }
0x423: {  	v0 =	vmin.f32 v0, v5  }
0x424: {  	v0 =	vmin.f32 v0, v1  }
0x425: {  	[tilespmem:s19+$0x10420] =	vst v0  }
0x426: {  	v0 =	vld [tilespmem:s18+$0x8030]  }
0x427: {  	v1 =	vld [tilespmem:s18+$0x80B0]  }
0x428: {  	v2 =	vld [tilespmem:s18+$0x8130]  }
0x429: {  	v3 =	vld [tilespmem:s18+$0x81B0]  }
0x42a: {  	v4 =	vld [tilespmem:s18+$0x8230]  }
0x42b: {  	v5 =	vld [tilespmem:s18+$0x82B0]  }
0x42c: {  	v0 =	vmin.f32 v0, v1;
	v1 =	vld [tilespmem:s18+$0x8330]  }
0x42d: {  	v0 =	vmin.f32 v0, v2;
	v2 =	vld [tilespmem:s18+$0x83B0]  }
0x42e: {  	v0 =	vmin.f32 v0, v3;
	v3 =	vld [tilespmem:s18+$0x8430]  }
0x42f: {  	v0 =	vmin.f32 v0, v4;
	v4 =	vld [tilespmem:s18+$0x84B0]  }
0x430: {  	v0 =	vmin.f32 v0, v5;
	v5 =	vld [tilespmem:s18+$0x8530]  }
0x431: {  	v0 =	vmin.f32 v0, v1;
	v1 =	vld [tilespmem:s18+$0x85B0]  }
0x432: {  	v0 =	vmin.f32 v0, v2;
	v2 =	vld [tilespmem:s18+$0x8630]  }
0x433: {  	v0 =	vmin.f32 v0, v3;
	v3 =	vld [tilespmem:s18+$0x86B0]  }
0x434: {  	v0 =	vmin.f32 v0, v4;
	v4 =	vld [tilespmem:s18+$0x8730]  }
0x435: {  	v0 =	vmin.f32 v0, v5;
	v5 =	vld [tilespmem:s18+$0x87B0]  }
0x436: {  	v0 =	vmin.f32 v0, v1;
	v1 =	vld [tilespmem:s18+$0x8830]  }
0x437: {  	v0 =	vmin.f32 v0, v2;
	v2 =	vld [tilespmem:s18+$0x88B0]  }
0x438: {  	v0 =	vmin.f32 v0, v3;
	v3 =	vld [tilespmem:s18+$0x8930]  }
0x439: {  	v0 =	vmin.f32 v0, v4;
	v4 =	vld [tilespmem:s18+$0x89B0]  }
0x43a: {  	v0 =	vmin.f32 v0, v5;
	v5 =	vld [tilespmem:s18+$0x8A30]  }
0x43b: {  	v0 =	vmin.f32 v0, v1;
	v1 =	vld [tilespmem:s18+$0x8AB0]  }
0x43c: {  	v0 =	vmin.f32 v0, v2;
	v2 =	vld [tilespmem:s18+$0x8B30]  }
0x43d: {  	v0 =	vmin.f32 v0, v3;
	v3 =	vld [tilespmem:s18+$0x8BB0]  }
0x43e: {  	v0 =	vmin.f32 v0, v4;
	v4 =	vld [tilespmem:s18+$0x8C30]  }
0x43f: {  	v0 =	vmin.f32 v0, v5;
	v5 =	vld [tilespmem:s18+$0x8CB0]  }
0x440: {  	v0 =	vmin.f32 v0, v1;
	v1 =	vld [tilespmem:s18+$0x8D30]  }
0x441: {  	v0 =	vmin.f32 v0, v2;
	v2 =	vld [tilespmem:s18+$0x8DB0]  }
0x442: {  	v0 =	vmin.f32 v0, v3;
	v3 =	vld [tilespmem:s18+$0x8E30]  }
0x443: {  	v0 =	vmin.f32 v0, v4;
	v4 =	vld [tilespmem:s18+$0x8EB0]  }
0x444: {  	v0 =	vmin.f32 v0, v5;
	v5 =	vld [tilespmem:s18+$0x8F30]  }
0x445: {  	v0 =	vmin.f32 v0, v1;
	v1 =	vld [tilespmem:s18+$0x8FB0]  }
0x446: {  	v0 =	vmin.f32 v0, v2  }
0x447: {  	v0 =	vmin.f32 v0, v3  }
0x448: {  	v0 =	vmin.f32 v0, v4  }
0x449: {  	v0 =	vmin.f32 v0, v5  }
0x44a: {  	v0 =	vmin.f32 v0, v1  }
0x44b: {  	[tilespmem:s19+$0x10430] =	vst v0  }
0x44c: {  	v0 =	vld [tilespmem:s18+$0x8040]  }
0x44d: {  	v1 =	vld [tilespmem:s18+$0x80C0]  }
0x44e: {  	v2 =	vld [tilespmem:s18+$0x8140]  }
0x44f: {  	v3 =	vld [tilespmem:s18+$0x81C0]  }
0x450: {  	v4 =	vld [tilespmem:s18+$0x8240]  }
0x451: {  	v5 =	vld [tilespmem:s18+$0x82C0]  }
0x452: {  	v0 =	vmin.f32 v0, v1;
	v1 =	vld [tilespmem:s18+$0x8340]  }
0x453: {  	v0 =	vmin.f32 v0, v2;
	v2 =	vld [tilespmem:s18+$0x83C0]  }
0x454: {  	v0 =	vmin.f32 v0, v3;
	v3 =	vld [tilespmem:s18+$0x8440]  }
0x455: {  	v0 =	vmin.f32 v0, v4;
	v4 =	vld [tilespmem:s18+$0x84C0]  }
0x456: {  	v0 =	vmin.f32 v0, v5;
	v5 =	vld [tilespmem:s18+$0x8540]  }
0x457: {  	v0 =	vmin.f32 v0, v1;
	v1 =	vld [tilespmem:s18+$0x85C0]  }
0x458: {  	v0 =	vmin.f32 v0, v2;
	v2 =	vld [tilespmem:s18+$0x8640]  }
0x459: {  	v0 =	vmin.f32 v0, v3;
	v3 =	vld [tilespmem:s18+$0x86C0]  }
0x45a: {  	v0 =	vmin.f32 v0, v4;
	v4 =	vld [tilespmem:s18+$0x8740]  }
0x45b: {  	v0 =	vmin.f32 v0, v5;
	v5 =	vld [tilespmem:s18+$0x87C0]  }
0x45c: {  	v0 =	vmin.f32 v0, v1;
	v1 =	vld [tilespmem:s18+$0x8840]  }
0x45d: {  	v0 =	vmin.f32 v0, v2;
	v2 =	vld [tilespmem:s18+$0x88C0]  }
0x45e: {  	v0 =	vmin.f32 v0, v3;
	v3 =	vld [tilespmem:s18+$0x8940]  }
0x45f: {  	v0 =	vmin.f32 v0, v4;
	v4 =	vld [tilespmem:s18+$0x89C0]  }
0x460: {  	v0 =	vmin.f32 v0, v5;
	v5 =	vld [tilespmem:s18+$0x8A40]  }
0x461: {  	v0 =	vmin.f32 v0, v1;
	v1 =	vld [tilespmem:s18+$0x8AC0]  }
0x462: {  	v0 =	vmin.f32 v0, v2;
	v2 =	vld [tilespmem:s18+$0x8B40]  }
0x463: {  	v0 =	vmin.f32 v0, v3;
	v3 =	vld [tilespmem:s18+$0x8BC0]  }
0x464: {  	v0 =	vmin.f32 v0, v4;
	v4 =	vld [tilespmem:s18+$0x8C40]  }
0x465: {  	v0 =	vmin.f32 v0, v5;
	v5 =	vld [tilespmem:s18+$0x8CC0]  }
0x466: {  	v0 =	vmin.f32 v0, v1;
	v1 =	vld [tilespmem:s18+$0x8D40]  }
0x467: {  	v0 =	vmin.f32 v0, v2;
	v2 =	vld [tilespmem:s18+$0x8DC0]  }
0x468: {  	v0 =	vmin.f32 v0, v3;
	v3 =	vld [tilespmem:s18+$0x8E40]  }
0x469: {  	v0 =	vmin.f32 v0, v4;
	v4 =	vld [tilespmem:s18+$0x8EC0]  }
0x46a: {  	v0 =	vmin.f32 v0, v5;
	v5 =	vld [tilespmem:s18+$0x8F40]  }
0x46b: {  	v0 =	vmin.f32 v0, v1;
	v1 =	vld [tilespmem:s18+$0x8FC0]  }
0x46c: {  	v0 =	vmin.f32 v0, v2  }
0x46d: {  	v0 =	vmin.f32 v0, v3  }
0x46e: {  	v0 =	vmin.f32 v0, v4  }
0x46f: {  	v0 =	vmin.f32 v0, v5  }
0x470: {  	v0 =	vmin.f32 v0, v1  }
0x471: {  	[tilespmem:s19+$0x10440] =	vst v0  }
0x472: {  	v0 =	vld [tilespmem:s18+$0x8050]  }
0x473: {  	v1 =	vld [tilespmem:s18+$0x80D0]  }
0x474: {  	v2 =	vld [tilespmem:s18+$0x8150]  }
0x475: {  	v3 =	vld [tilespmem:s18+$0x81D0]  }
0x476: {  	v4 =	vld [tilespmem:s18+$0x8250]  }
0x477: {  	v5 =	vld [tilespmem:s18+$0x82D0]  }
0x478: {  	v0 =	vmin.f32 v0, v1;
	v1 =	vld [tilespmem:s18+$0x8350]  }
0x479: {  	v0 =	vmin.f32 v0, v2;
	v2 =	vld [tilespmem:s18+$0x83D0]  }
0x47a: {  	v0 =	vmin.f32 v0, v3;
	v3 =	vld [tilespmem:s18+$0x8450]  }
0x47b: {  	v0 =	vmin.f32 v0, v4;
	v4 =	vld [tilespmem:s18+$0x84D0]  }
0x47c: {  	v0 =	vmin.f32 v0, v5;
	v5 =	vld [tilespmem:s18+$0x8550]  }
0x47d: {  	v0 =	vmin.f32 v0, v1;
	v1 =	vld [tilespmem:s18+$0x85D0]  }
0x47e: {  	v0 =	vmin.f32 v0, v2;
	v2 =	vld [tilespmem:s18+$0x8650]  }
0x47f: {  	v0 =	vmin.f32 v0, v3;
	v3 =	vld [tilespmem:s18+$0x86D0]  }
0x480: {  	v0 =	vmin.f32 v0, v4;
	v4 =	vld [tilespmem:s18+$0x8750]  }
0x481: {  	v0 =	vmin.f32 v0, v5;
	v5 =	vld [tilespmem:s18+$0x87D0]  }
0x482: {  	v0 =	vmin.f32 v0, v1;
	v1 =	vld [tilespmem:s18+$0x8850]  }
0x483: {  	v0 =	vmin.f32 v0, v2;
	v2 =	vld [tilespmem:s18+$0x88D0]  }
0x484: {  	v0 =	vmin.f32 v0, v3;
	v3 =	vld [tilespmem:s18+$0x8950]  }
0x485: {  	v0 =	vmin.f32 v0, v4;
	v4 =	vld [tilespmem:s18+$0x89D0]  }
0x486: {  	v0 =	vmin.f32 v0, v5;
	v5 =	vld [tilespmem:s18+$0x8A50]  }
0x487: {  	v0 =	vmin.f32 v0, v1;
	v1 =	vld [tilespmem:s18+$0x8AD0]  }
0x488: {  	v0 =	vmin.f32 v0, v2;
	v2 =	vld [tilespmem:s18+$0x8B50]  }
0x489: {  	v0 =	vmin.f32 v0, v3;
	v3 =	vld [tilespmem:s18+$0x8BD0]  }
0x48a: {  	v0 =	vmin.f32 v0, v4;
	v4 =	vld [tilespmem:s18+$0x8C50]  }
0x48b: {  	v0 =	vmin.f32 v0, v5;
	v5 =	vld [tilespmem:s18+$0x8CD0]  }
0x48c: {  	v0 =	vmin.f32 v0, v1;
	v1 =	vld [tilespmem:s18+$0x8D50]  }
0x48d: {  	v0 =	vmin.f32 v0, v2;
	v2 =	vld [tilespmem:s18+$0x8DD0]  }
0x48e: {  	v0 =	vmin.f32 v0, v3;
	v3 =	vld [tilespmem:s18+$0x8E50]  }
0x48f: {  	v0 =	vmin.f32 v0, v4;
	v4 =	vld [tilespmem:s18+$0x8ED0]  }
0x490: {  	v0 =	vmin.f32 v0, v5;
	v5 =	vld [tilespmem:s18+$0x8F50]  }
0x491: {  	v0 =	vmin.f32 v0, v1;
	v1 =	vld [tilespmem:s18+$0x8FD0]  }
0x492: {  	v0 =	vmin.f32 v0, v2  }
0x493: {  	v0 =	vmin.f32 v0, v3  }
0x494: {  	v0 =	vmin.f32 v0, v4  }
0x495: {  	v0 =	vmin.f32 v0, v5  }
0x496: {  	v0 =	vmin.f32 v0, v1  }
0x497: {  	[tilespmem:s19+$0x10450] =	vst v0  }
0x498: {  	v0 =	vld [tilespmem:s18+$0x8060]  }
0x499: {  	v1 =	vld [tilespmem:s18+$0x80E0]  }
0x49a: {  	v2 =	vld [tilespmem:s18+$0x8160]  }
0x49b: {  	v3 =	vld [tilespmem:s18+$0x81E0]  }
0x49c: {  	v4 =	vld [tilespmem:s18+$0x8260]  }
0x49d: {  	v5 =	vld [tilespmem:s18+$0x82E0]  }
0x49e: {  	v0 =	vmin.f32 v0, v1;
	v1 =	vld [tilespmem:s18+$0x8360]  }
0x49f: {  	v0 =	vmin.f32 v0, v2;
	v2 =	vld [tilespmem:s18+$0x83E0]  }
0x4a0: {  	v0 =	vmin.f32 v0, v3;
	v3 =	vld [tilespmem:s18+$0x8460]  }
0x4a1: {  	v0 =	vmin.f32 v0, v4;
	v4 =	vld [tilespmem:s18+$0x84E0]  }
0x4a2: {  	v0 =	vmin.f32 v0, v5;
	v5 =	vld [tilespmem:s18+$0x8560]  }
0x4a3: {  	v0 =	vmin.f32 v0, v1;
	v1 =	vld [tilespmem:s18+$0x85E0]  }
0x4a4: {  	v0 =	vmin.f32 v0, v2;
	v2 =	vld [tilespmem:s18+$0x8660]  }
0x4a5: {  	v0 =	vmin.f32 v0, v3;
	v3 =	vld [tilespmem:s18+$0x86E0]  }
0x4a6: {  	v0 =	vmin.f32 v0, v4;
	v4 =	vld [tilespmem:s18+$0x8760]  }
0x4a7: {  	v0 =	vmin.f32 v0, v5;
	v5 =	vld [tilespmem:s18+$0x87E0]  }
0x4a8: {  	v0 =	vmin.f32 v0, v1;
	v1 =	vld [tilespmem:s18+$0x8860]  }
0x4a9: {  	v0 =	vmin.f32 v0, v2;
	v2 =	vld [tilespmem:s18+$0x88E0]  }
0x4aa: {  	v0 =	vmin.f32 v0, v3;
	v3 =	vld [tilespmem:s18+$0x8960]  }
0x4ab: {  	v0 =	vmin.f32 v0, v4;
	v4 =	vld [tilespmem:s18+$0x89E0]  }
0x4ac: {  	v0 =	vmin.f32 v0, v5;
	v5 =	vld [tilespmem:s18+$0x8A60]  }
0x4ad: {  	v0 =	vmin.f32 v0, v1;
	v1 =	vld [tilespmem:s18+$0x8AE0]  }
0x4ae: {  	v0 =	vmin.f32 v0, v2;
	v2 =	vld [tilespmem:s18+$0x8B60]  }
0x4af: {  	v0 =	vmin.f32 v0, v3;
	v3 =	vld [tilespmem:s18+$0x8BE0]  }
0x4b0: {  	v0 =	vmin.f32 v0, v4;
	v4 =	vld [tilespmem:s18+$0x8C60]  }
0x4b1: {  	v0 =	vmin.f32 v0, v5;
	v5 =	vld [tilespmem:s18+$0x8CE0]  }
0x4b2: {  	v0 =	vmin.f32 v0, v1;
	v1 =	vld [tilespmem:s18+$0x8D60]  }
0x4b3: {  	v0 =	vmin.f32 v0, v2;
	v2 =	vld [tilespmem:s18+$0x8DE0]  }
0x4b4: {  	v0 =	vmin.f32 v0, v3;
	v3 =	vld [tilespmem:s18+$0x8E60]  }
0x4b5: {  	v0 =	vmin.f32 v0, v4;
	v4 =	vld [tilespmem:s18+$0x8EE0]  }
0x4b6: {  	v0 =	vmin.f32 v0, v5;
	v5 =	vld [tilespmem:s18+$0x8F60]  }
0x4b7: {  	v0 =	vmin.f32 v0, v1;
	v1 =	vld [tilespmem:s18+$0x8FE0]  }
0x4b8: {  	v0 =	vmin.f32 v0, v2  }
0x4b9: {  	v0 =	vmin.f32 v0, v3  }
0x4ba: {  	v0 =	vmin.f32 v0, v4  }
0x4bb: {  	v0 =	vmin.f32 v0, v5  }
0x4bc: {  	v0 =	vmin.f32 v0, v1  }
0x4bd: {  	[tilespmem:s19+$0x10460] =	vst v0  }
0x4be: {  	v0 =	vld [tilespmem:s18+$0x8170]  }
0x4bf: {  	v1 =	vld [tilespmem:s18+$0x8070]  }
0x4c0: {  	v2 =	vld [tilespmem:s18+$0x80F0]  }
0x4c1: {  	v3 =	vld [tilespmem:s18+$0x81F0]  }
0x4c2: {  	v4 =	vld [tilespmem:s18+$0x8270]  }
0x4c3: {  	v5 =	vld [tilespmem:s18+$0x82F0]  }
0x4c4: {  	v6 =	vld [tilespmem:s18+$0x8370]  }
0x4c5: {  	v1 =	vmin.f32 v1, v2;
	v2 =	vld [tilespmem:s18+$0x83F0]  }
0x4c6: {  	v0 =	vmin.f32 v1, v0;
	v1 =	vld [tilespmem:s18+$0x8470]  }
0x4c7: {  	v0 =	vmin.f32 v0, v3;
	v3 =	vld [tilespmem:s18+$0x84F0]  }
0x4c8: {  	v0 =	vmin.f32 v0, v4;
	v4 =	vld [tilespmem:s18+$0x8570]  }
0x4c9: {  	v0 =	vmin.f32 v0, v5;
	v5 =	vld [tilespmem:s18+$0x85F0]  }
0x4ca: {  	v0 =	vmin.f32 v0, v6;
	v6 =	vld [tilespmem:s18+$0x8670]  }
0x4cb: {  	v0 =	vmin.f32 v0, v2;
	v2 =	vld [tilespmem:s18+$0x86F0]  }
0x4cc: {  	v0 =	vmin.f32 v0, v1;
	v1 =	vld [tilespmem:s18+$0x8770]  }
0x4cd: {  	v0 =	vmin.f32 v0, v3;
	v3 =	vld [tilespmem:s18+$0x87F0]  }
0x4ce: {  	v0 =	vmin.f32 v0, v4;
	v4 =	vld [tilespmem:s18+$0x8870]  }
0x4cf: {  	v0 =	vmin.f32 v0, v5;
	v5 =	vld [tilespmem:s18+$0x88F0]  }
0x4d0: {  	v0 =	vmin.f32 v0, v6;
	v6 =	vld [tilespmem:s18+$0x8970]  }
0x4d1: {  	v0 =	vmin.f32 v0, v2;
	v2 =	vld [tilespmem:s18+$0x89F0]  }
0x4d2: {  	v0 =	vmin.f32 v0, v1;
	v7 =	vld [tilespmem:s18+$0x8A70]  }
0x4d3: {  	v0 =	vmin.f32 v0, v3;
	v8 =	vld [tilespmem:s18+$0x8AF0]  }
0x4d4: {  	v0 =	vmin.f32 v0, v4;
	v4 =	vld [tilespmem:s18+$0x8B70]  }
.Ltmp1:
0x4d5: {  	v1 =	vmin.f32 v0, v5;
	v0 =	vld [tilespmem:s18+$0x8BF0];
	(pc) =	sbr.rel @p0 .LBB2_5-.Ltmp1, $4  }
0x4d6: {  	v3 =	vmin.f32 v1, v6;
	v1 =	vld [tilespmem:s18+$0x8C70]  }
0x4d7: {  	v3 =	vmin.f32 v3, v2;
	v2 =	vld [tilespmem:s18+$0x8CF0]  }
0x4d8: {  	v5 =	vmin.f32 v3, v7;
	v3 =	vld [tilespmem:s18+$0x8D70]  }
0x4d9: {  	v6 =	vmin.f32 v5, v8;
	v5 =	vld [tilespmem:s18+$0x8DF0]  }
0x4da: {  	v4 =	vmin.f32 v6, v4  }
0x4db: {  	v60 =	vld [tilespmem:s18+$0x8E70];
	v0 =	vmin.f32 v4, v0  }
0x4dc: {  	v61 =	vld [tilespmem:s18+$0x8EF0];
	v0 =	vmin.f32 v0, v1  }
0x4dd: {  	v62 =	vld [tilespmem:s18+$0x8F70];
	v0 =	vmin.f32 v0, v2  }
0x4de: {  	v63 =	vld [tilespmem:s18+$0x8FF0];
	v0 =	vmin.f32 v0, v3  }
0x4df: {  	v0 =	vmin.f32 v0, v5  }
0x4e0: {  	v0 =	vmin.f32 v0, v60  }
0x4e1: {  	v0 =	vmin.f32 v0, v61  }
0x4e2: {  	s17 =	sshll.u32 s17, $0x7;
	s16 =	sadd.s32 $0x1, s16;
	v0 =	vmin.f32 v0, v62  }
0x4e3: {  	s17 =	sand.u32 $0x1FFFFF80, s17;
	p0 =	sne.s32 s16, $0x14;
	v0 =	vmin.f32 v0, v63  }
.Ltmp2:
0x4e4: {  	s17 =	sadd.s32 s2, s17;
	[tilespmem:s19+$0x10470] =	vst v0;
	(pc) =	sbr.rel @p0 .LBB2_2-.Ltmp2, $4  }
0x4e5: {  	[hbm4b:s17+s4] =	stream.linear.scatter [tilespmem:s14], [sflag:$0x3], $0x400, $0x38;
	[tilespmem:$0x10800] =	vst v63  }
0x4e6: {  	_ =	swait.ge [sflag:s12], $0x400  }
0x4e7: {  	[sflag:s12] =	ssyncset.done $0x0  }
0x4e8: {  	[sflag:s12] =	ssyncadd.s32 $0xFFFFFC00  }
0x4e9: {  	s15 =	sadd.s32 $0x1, s15  }
0x4ea: {  	p0 =	sne.s32 s15, s8  }
.Ltmp3:
0x4eb: {  	_ = 	snop;
	(pc) =	sbr.rel @p0 .LBB2_1-.Ltmp3, $1  }
0x4ec: {  	_ =	sdelay $0x3  }
0x4ed: {  	_ =	sfence.sel $0x180000  }
0x4ee: {  	[bflag:$0x0] =	sbarrier.arrive $0xFFFF  }
0x4ef: {  	p0 =	sne.s32 s3, $0x0;
	_ =	strace $0x90000047  }
0x4f0: {  	s0 =	sadd.s32 @!p0 $0x100000, s0;
	[bflag:$0x2] =	sbarrier.arrive $0xFFFF  }
0x4f1: {  	[sflag:s0] =	ssyncadd.tile.s32 @!p0 $0x1;
	_ =	shalt  }
.Lfunc_end2:
_tile_overlayer_lowered:
.L_overlay_start_2:
0x4f2: {  	(tag) =	ssettag $0x2  }
0x4f3: {  	s0 =	rddreg [dreg:$0x0];
	s2 =	stileid.u32  }
0x4f4: {  	s1 =	rddreg [dreg:$0x1];
	p0 =	sne.s32 s2, $0x0  }
0x4f5: {  	s3 =	rddreg [dreg:$0x2];
	[bflag:$0x3] =	sbarrier.arrive $0xFFFF;
	s2 =	simm.s32 @!p0 $0x1C03  }
0x4f6: {  	[timem:s3], [sflag:s2] =	dma.local @!p0 [hbm:s0], s1  }
0x4f7: {  	s0 =	simm.s32 @!p0 $0x3  }
0x4f8: {  	_ =	swait.ge @!p0 [sflag:s0], s1  }
0x4f9: {  	s1 =	ssub.s32 @!p0 $0x0, s1;
	[sflag:s0] =	ssyncset.done @!p0 $0x0  }
0x4fa: {  	[sflag:s0] =	ssyncadd.s32 @!p0 s1  }
0x4fb: {  	[bflag:$0x3] =	sbarrier.arrive $0xFFFF  }
0x4fc: {  	_ =	shalt  }

</sc_bundles>
